<compile_context>
chip_gen: v7x
topology: tpu7x:2x2x1
jax: 0.10.2.dev20260603
libtpu: 0.0.44.dev20260713+nightly
codegen_flags: <defaults>
</compile_context>

<pallas_src>
import functools

import numpy as np
import jax
import jax.numpy as jnp
from jax import lax
from jax.experimental import pallas as pl
from jax.experimental.pallas import tpu as pltpu
from jax.experimental.pallas import tpu_sc as plsc

N = 100000
E = 3200000
S_IN = 128
V_IN = 16
S_OUT = 128
V_OUT = 16
HID = 16
EPS = 1e-8

_NW = 32
_SB = 128
_KB = 16
_CHUNK = _SB * _KB
_NCH = 49
_NCH_LAST = 43
_KB_TAIL = 8
_RPS = 6256
_N_PAD = 16 * _RPS

_SC_PARAMS = pltpu.CompilerParams(use_tc_tiling_on_sc=False)
_MESH = dict(core_axis_name="c", subcore_axis_name="s")


_PP = np.zeros((128, 128), np.float32)
for _c in range(8):
    for _k in range(16):
        _PP[_c * 16 + _k, _c + 8 * _k] = 1.0

_RR = 200
_ROWS_P = E // 128
_STEPS = _ROWS_P // _RR


def _tc_repack_body(*refs):
    plane_refs = refs[:8]
    pp_ref, out_ref = refs[8], refs[9]
    pp = pp_ref[...]
    accs = []
    for w in range(8):
        xw = jnp.concatenate(
            [plane_refs[c][:, 16 * w:16 * w + 16] for c in range(8)], axis=1)
        accs.append(jnp.dot(xw, pp, preferred_element_type=jnp.float32))
    stacked = jnp.stack(accs, axis=1)
    out_ref[...] = stacked.reshape(_RR * 8, 128)


def _tc_repack(planes8, pp):
    return pl.pallas_call(
        _tc_repack_body,
        grid=(_STEPS,),
        in_specs=[pl.BlockSpec((_RR, 128), lambda i: (i, 0))
                  for _ in range(8)]
        + [pl.BlockSpec((128, 128), lambda i: (0, 0))],
        out_specs=pl.BlockSpec((_RR * 8, 128), lambda i: (i, 0)),
        out_shape=jax.ShapeDtypeStruct((E // 16, 128), jnp.float32),
    )(*(list(planes8) + [pp]))


def _sc_segment_sum(row2d, val8_2d, plane8, zeros8, zeros1):
    mesh = plsc.VectorSubcoreMesh(**_MESH)

    @functools.partial(
        pl.kernel,
        out_type=[
            jax.ShapeDtypeStruct((2, _N_PAD, 8), jnp.float32),
            jax.ShapeDtypeStruct((2, _N_PAD), jnp.float32),
            jax.ShapeDtypeStruct((2, _N_PAD), jnp.float32),
        ],
        mesh=mesh,
        scratch_types=[
            pltpu.VMEM((2, _KB, _SB), jnp.int32),
            pltpu.VMEM((2, _CHUNK, 8), jnp.float32),
            pltpu.VMEM((2, _CHUNK,), jnp.float32),
            pltpu.VMEM((_SB,), jnp.float32),
            pltpu.VMEM_SHARED((_N_PAD, 8), jnp.float32),
            pltpu.VMEM_SHARED((_N_PAD,), jnp.float32),
            pltpu.VMEM_SHARED((_N_PAD,), jnp.float32),
            pltpu.SemaphoreType.DMA,
            pltpu.SemaphoreType.DMA,
        ],
        compiler_params=_SC_PARAMS,
    )
    def k(row_hbm, val8_hbm, col8_hbm, zeros8_hbm, zeros1_hbm,
          out8, outc8, outcnt, idx_v, val8_v, col8_v, ones_v,
          t8, tc8, tcnt, sem_in, sem_sc):
        cid = lax.axis_index("c")
        sid = lax.axis_index("s")
        w = cid * 16 + sid

        r0 = sid * _RPS
        pltpu.sync_copy(zeros8_hbm.at[pl.ds(r0, _RPS)], t8.at[pl.ds(r0, _RPS)])
        pltpu.sync_copy(zeros1_hbm.at[pl.ds(r0, _RPS)], tc8.at[pl.ds(r0, _RPS)])
        pltpu.sync_copy(zeros1_hbm.at[pl.ds(r0, _RPS)], tcnt.at[pl.ds(r0, _RPS)])

        def fill(i, carry):
            ones_v[pl.ds(i * 16, 16)] = jnp.full((16,), 1.0, jnp.float32)
            return carry

        lax.fori_loop(0, _SB // 16, fill, 0)
        plsc.subcore_barrier()

        def fire_loads(base, p):
            pltpu.async_copy(row_hbm.at[pl.ds(base * _KB, _KB)],
                             idx_v.at[p], sem_in)
            pltpu.async_copy(val8_hbm.at[pl.ds(base * _CHUNK, _CHUNK)],
                             val8_v.at[p], sem_in)
            pltpu.async_copy(col8_hbm.at[pl.ds(base * _CHUNK, _CHUNK)],
                             col8_v.at[p], sem_in)

        def wait_loads(p):
            pltpu.make_async_copy(row_hbm.at[pl.ds(0, _KB)],
                                  idx_v.at[p], sem_in).wait()
            pltpu.make_async_copy(val8_hbm.at[pl.ds(0, _CHUNK)],
                                  val8_v.at[p], sem_in).wait()
            pltpu.make_async_copy(col8_hbm.at[pl.ds(0, _CHUNK)],
                                  col8_v.at[p], sem_in).wait()

        def scatter_chunk(p, kb):
            scats = []
            for j in range(kb):
                scats.append(pltpu.async_copy(
                    val8_v.at[p, pl.ds(j * _SB, _SB)],
                    t8.at[idx_v.at[p, j]], sem_sc, add=True))
                scats.append(pltpu.async_copy(
                    col8_v.at[p, pl.ds(j * _SB, _SB)],
                    tc8.at[idx_v.at[p, j]], sem_sc, add=True))
                scats.append(pltpu.async_copy(
                    ones_v, tcnt.at[idx_v.at[p, j]], sem_sc, add=True))
            for d in scats:
                d.wait()

        nch = jnp.where(w < _NW - 1, _NCH, _NCH_LAST)
        fire_loads(w * _NCH, 0)

        def chunk_body(c, carry):
            p = lax.rem(c, 2)
            wait_loads(p)

            @pl.when(c + 1 < nch)
            def _prefetch():
                fire_loads(w * _NCH + c + 1, 1 - p)

            scatter_chunk(p, _KB)
            return carry

        lax.fori_loop(0, nch, chunk_body, 0)

        @pl.when(w == _NW - 1)
        def _tail():
            base = (_NW - 1) * _NCH + _NCH_LAST
            n = _KB_TAIL * _SB
            pltpu.sync_copy(row_hbm.at[pl.ds(base * _KB, _KB_TAIL)],
                            idx_v.at[0, pl.ds(0, _KB_TAIL)])
            pltpu.sync_copy(val8_hbm.at[pl.ds(base * _CHUNK, n)],
                            val8_v.at[0, pl.ds(0, n)])
            pltpu.sync_copy(col8_hbm.at[pl.ds(base * _CHUNK, n)],
                            col8_v.at[0, pl.ds(0, n)])
            scatter_chunk(0, _KB_TAIL)

        plsc.subcore_barrier()

        pltpu.sync_copy(t8.at[pl.ds(r0, _RPS)], out8.at[cid, pl.ds(r0, _RPS)])
        pltpu.sync_copy(tc8.at[pl.ds(r0, _RPS)], outc8.at[cid, pl.ds(r0, _RPS)])
        pltpu.sync_copy(tcnt.at[pl.ds(r0, _RPS)], outcnt.at[cid, pl.ds(r0, _RPS)])

    return k(row2d, val8_2d, plane8, zeros8, zeros1)


_A8 = np.zeros((8, 27), np.float32)
_A1 = np.zeros((1, 27), np.float32)
_B9 = np.zeros((9, 27), np.float32)
_C27 = np.zeros((27, 9), np.float32)
for _i in range(3):
    for _j in range(3):
        for _c in range(3):
            _e = _i * 9 + _j * 3 + _c
            _a = _j * 3 + _c
            if _a < 8:
                _A8[_a, _e] = 1.0
            else:
                _A1[0, _e] = 1.0
            _B9[_i * 3 + _c, _e] = 1.0
            _C27[_e, _i * 3 + _j] = 1.0

_BLK = 1000


def _tc_body(sc_ref, x_ref, t80_ref, t81_ref, c80_ref, c81_ref, cn0_ref,
             cn1_ref, wvd_ref, g16_ref, wvdf_ref, a8_ref, a1_ref, sos_ref,
             sov_ref, sou_ref, bso_ref, wvos_ref, bvos_ref, wvu_ref, k48_ref,
             sout_ref, vout_ref):
    x = x_ref[...]
    vh = jnp.dot(x, wvd_ref[...], preferred_element_type=jnp.float32)
    vnsq = jnp.dot(vh * vh, g16_ref[...], preferred_element_type=jnp.float32)
    vn = jnp.sqrt(vnsq + EPS)
    vdf27 = jnp.dot(x, wvdf_ref[...], preferred_element_type=jnp.float32)
    t8 = t80_ref[...] + t81_ref[...]
    c8 = c80_ref[...] + c81_ref[...]
    cnt = cn0_ref[...] + cn1_ref[...]
    inv = 1.0 / jnp.maximum(cnt, 1.0)
    mean27 = (jnp.dot(t8, a8_ref[...], preferred_element_type=jnp.float32)
              + jnp.dot(c8, a1_ref[...], preferred_element_type=jnp.float32)
              ) * inv
    u = mean27 * vdf27
    s = (jnp.dot(sc_ref[...], sos_ref[...], preferred_element_type=jnp.float32)
         + jnp.dot(vn, sov_ref[...], preferred_element_type=jnp.float32)
         + jnp.dot(u, sou_ref[...], preferred_element_type=jnp.float32)
         + bso_ref[...])
    sil = s * jax.nn.sigmoid(s)
    gate = jnp.dot(sil, wvos_ref[...],
                   preferred_element_type=jnp.float32) + bvos_ref[...]
    g48 = jnp.dot(jax.nn.sigmoid(gate), k48_ref[...],
                  preferred_element_type=jnp.float32)
    vout = jnp.dot(vh, wvu_ref[...], preferred_element_type=jnp.float32) * g48
    sout_ref[...] = sil
    vout_ref[...] = vout


def _tc_node(scalar_rep, x48, t80, t81, c80, c81, cn0, cn1, wvd48, g16,
             wvdf27, a8, a1, sos, sov, sou, bso, wvos_t, bvos, wvu48, k48):
    grid = (N // _BLK,)

    def blk(shape):
        return pl.BlockSpec((_BLK,) + shape[1:], lambda i: (i,) + (0,) * (len(shape) - 1))

    def full(shape):
        return pl.BlockSpec(shape, lambda i: (0,) * len(shape))

    return pl.pallas_call(
        _tc_body,
        grid=grid,
        in_specs=[
            blk((N, S_IN)), blk((N, 48)),
            blk((_N_PAD, 8)), blk((_N_PAD, 8)),
            blk((_N_PAD, 1)), blk((_N_PAD, 1)),
            blk((_N_PAD, 1)), blk((_N_PAD, 1)),
            full((48, 48)), full((48, 16)), full((48, 27)),
            full((8, 27)), full((1, 27)),
            full((S_IN, S_OUT)), full((16, S_OUT)), full((27, S_OUT)),
            full((1, S_OUT)), full((S_OUT, V_OUT)), full((1, V_OUT)),
            full((48, 48)), full((16, 48)),
        ],
        out_specs=[blk((N, S_OUT)), blk((N, 48))],
        out_shape=[
            jax.ShapeDtypeStruct((N, S_OUT), jnp.float32),
            jax.ShapeDtypeStruct((N, 48), jnp.float32),
        ],
    )(scalar_rep, x48, t80, t81, c80, c81, cn0, cn1, wvd48, g16, wvdf27,
      a8, a1, sos, sov, sou, bso, wvos_t, bvos, wvu48, k48)


def kernel(scalar_rep, vector_rep, edge_index, frames,
           W_vd, W_vdf, W_so, b_so, W_vu, W_vos, b_vos):
    row2d = edge_index[0].reshape(E // _SB, _SB)
    planes = [frames[:, j, k] for j in range(3) for k in range(3)]
    val8_2d = _tc_repack([p.reshape(E // 128, 128) for p in planes[:8]],
                         jnp.asarray(_PP)).reshape(E, 8)
    zeros8 = jnp.zeros((_N_PAD, 8), jnp.float32)
    zeros1 = jnp.zeros((_N_PAD,), jnp.float32)
    out8, outc8, outcnt = _sc_segment_sum(
        row2d, val8_2d, planes[8], zeros8, zeros1)

    i3 = jnp.eye(3, dtype=jnp.float32)
    i16 = jnp.eye(16, dtype=jnp.float32)
    wvd48 = jnp.kron(W_vd.T, i3)
    g16 = jnp.kron(i16, jnp.ones((3, 1), jnp.float32))
    wvdf27 = jnp.kron(W_vdf.T, i3) @ jnp.asarray(_B9)
    so_t = W_so.T
    sos = so_t[:S_IN]
    sov = so_t[S_IN:S_IN + HID]
    sou = jnp.asarray(_C27) @ so_t[S_IN + HID:]
    bso = b_so[None, :]
    wvos_t = W_vos.T
    bvos = b_vos[None, :]
    wvu48 = jnp.kron(W_vu.T, i3)
    k48 = jnp.kron(i16, jnp.ones((1, 3), jnp.float32))

    sout, vout48 = _tc_node(
        scalar_rep, vector_rep.reshape(N, 48),
        out8[0], out8[1],
        outc8[0].reshape(_N_PAD, 1), outc8[1].reshape(_N_PAD, 1),
        outcnt[0].reshape(_N_PAD, 1), outcnt[1].reshape(_N_PAD, 1),
        wvd48, g16, wvdf27, jnp.asarray(_A8), jnp.asarray(_A1),
        sos, sov, sou, bso, wvos_t, bvos, wvu48, k48)
    return sout, vout48.reshape(N, V_OUT, 3)

# --- scband reference (transcript-rebuilt; emitter-appended) ---
"""Pipeline reference for scband-gcpnet-model-80229989089898 (READ-ONLY COPY).

The authoritative reference and input builder live on the scoring server;
editing this copy changes nothing except your own understanding.
"""

import jax, jax.numpy as jnp
import numpy as np

N = 100000
E = 3200000
S_IN = 128
V_IN = 16
S_OUT = 128
V_OUT = 16
HID = 16  # bottleneck=1 -> max(V_IN, V_OUT)
SVF = 3   # scalarization_vectorization_output_dim
EPS = 1e-8


def setup_inputs(seed: int = 0) -> dict:
    key = jax.random.key(seed)
    ks = jax.random.split(key, 12)
    scalar_rep = jax.random.normal(ks[0], (N, S_IN), dtype=jnp.float32)
    vector_rep = jax.random.normal(ks[1], (N, V_IN, 3), dtype=jnp.float32)
    edge_index = jax.random.randint(ks[2], (2, E), 0, N, dtype=jnp.int64 if jax.config.jax_enable_x64 else jnp.int32).astype(jnp.int32)
    frames = jax.random.normal(ks[3], (E, 3, 3), dtype=jnp.float32)
    # learned parameters (torch Linear convention: W is [out, in])
    W_vd = jax.random.normal(ks[4], (HID, V_IN), dtype=jnp.float32) * 0.1      # vector_down, no bias
    W_vdf = jax.random.normal(ks[5], (SVF, V_IN), dtype=jnp.float32) * 0.1     # vector_down_frames, no bias
    in_so = HID + S_IN + SVF * 3
    W_so = jax.random.normal(ks[6], (S_OUT, in_so), dtype=jnp.float32) * 0.05  # scalar_out
    b_so = jax.random.normal(ks[7], (S_OUT,), dtype=jnp.float32) * 0.05
    W_vu = jax.random.normal(ks[8], (V_OUT, HID), dtype=jnp.float32) * 0.1     # vector_up, no bias
    W_vos = jax.random.normal(ks[9], (V_OUT, S_OUT), dtype=jnp.float32) * 0.05 # vector_out_scale
    b_vos = jax.random.normal(ks[10], (V_OUT,), dtype=jnp.float32) * 0.05
    return {
        'scalar_rep': scalar_rep, 'vector_rep': vector_rep,
        'edge_index': edge_index, 'frames': frames,
        'W_vd': W_vd, 'W_vdf': W_vdf, 'W_so': W_so, 'b_so': b_so,
        'W_vu': W_vu, 'W_vos': W_vos, 'b_vos': b_vos,
    }


def _safe_norm(v, axis):
    return jnp.sqrt(jnp.sum(v * v, axis=axis) + EPS)


def reference(scalar_rep, vector_rep, edge_index, frames,
              W_vd, W_vdf, W_so, b_so, W_vu, W_vos, b_vos):
    # GCP.forward with node_inputs=True, vector_gate=True, no e3 equivariance
    v_pre = jnp.swapaxes(vector_rep, -1, -2)            # [N, 3, V_IN]
    vector_hidden_rep = v_pre @ W_vd.T                  # [N, 3, HID]
    vector_norm = _safe_norm(vector_hidden_rep, axis=-2)  # [N, HID]
    merged = jnp.concatenate([scalar_rep, vector_norm], axis=-1)
    vdf = v_pre @ W_vdf.T                               # [N, 3, 3]
    vdf_t = jnp.swapaxes(vdf, -1, -2)                   # [N, 3, 3] (svf, coords)
    # scalarize (node_inputs=True): gather per edge source, project into frames, scatter-mean back
    row = edge_index[0]
    vri = vdf_t[row]                                    # [E, 3, 3]
    vri = jnp.swapaxes(vri, -1, -2)                     # [E, 3(coords), 3(svf)]
    mm = frames @ vri                                   # [E, 3, 3]
    local = jnp.swapaxes(mm, -1, -2).reshape(E, 9)      # [E, 9]
    sums = jax.ops.segment_sum(local, row, num_segments=N)
    counts = jax.ops.segment_sum(jnp.ones((E,), dtype=local.dtype), row, num_segments=N)
    scalar_hidden_rep = sums / jnp.clip(counts, 1.0, None)[:, None]  # scatter-mean
    merged = jnp.concatenate([merged, scalar_hidden_rep], axis=-1)   # [N, HID+S_IN+9]
    s = merged @ W_so.T + b_so                          # [N, S_OUT]
    # vectorize with vector gate
    vup = vector_hidden_rep @ W_vu.T                    # [N, 3, V_OUT]
    vout = jnp.swapaxes(vup, -1, -2)                    # [N, V_OUT, 3]
    gate = jax.nn.silu(s) @ W_vos.T + b_vos             # [N, V_OUT]
    vout = vout * jax.nn.sigmoid(gate)[..., None]
    s_out = jax.nn.silu(s)
    return (s_out, vout)

if __name__ == "__main__":
    import jax
    _d = setup_inputs()
    print(jax.jit(kernel)(*tuple(_d.values())))

</pallas_src>

<mosaic_0001>
#map = affine_map<(d0, d1) -> (0, 0)>
#map1 = affine_map<(d0, d1) -> (0)>
#map2 = affine_map<(d0, d1) -> (0, 0, 0)>
module attributes {stable_mosaic.version = 14 : i64} {
  func.func @k(%arg0: i32, %arg1: i32, %arg2: memref<25000x128xi32, #tpu.memory_space<hbm>>, %arg3: memref<3200000x8xf32, #tpu.memory_space<hbm>>, %arg4: memref<3200000xf32, #tpu.memory_space<hbm>>, %arg5: memref<100096x8xf32, #tpu.memory_space<hbm>>, %arg6: memref<100096xf32, #tpu.memory_space<hbm>>, %arg7: memref<2x100096x8xf32, #tpu.memory_space<hbm>>, %arg8: memref<2x100096xf32, #tpu.memory_space<hbm>>, %arg9: memref<2x100096xf32, #tpu.memory_space<hbm>>, %arg10: memref<2x16x128xi32, #tpu.memory_space<vmem>>, %arg11: memref<2x2048x8xf32, #tpu.memory_space<vmem>>, %arg12: memref<2x2048xf32, #tpu.memory_space<vmem>>, %arg13: memref<128xf32, #tpu.memory_space<vmem>>, %arg14: memref<100096x8xf32, #tpu.memory_space<vmem_shared>>, %arg15: memref<100096xf32, #tpu.memory_space<vmem_shared>>, %arg16: memref<100096xf32, #tpu.memory_space<vmem_shared>>, %arg17: memref<!tpu.dma_semaphore, #tpu.memory_space<semaphore_mem>>, %arg18: memref<!tpu.dma_semaphore, #tpu.memory_space<semaphore_mem>>) attributes {dimension_semantics = [#tpu.dimension_semantics<core_parallel>, #tpu.dimension_semantics<subcore_parallel>], iteration_bounds = array<i64: 2, 16>, scalar_prefetch = 0 : i64, scratch_operands = 9 : i64, tpu.core_type = #tpu.core_type<sc_vector_subcore>, window_params = [{transform_indices = #map}, {transform_indices = #map}, {transform_indices = #map1}, {transform_indices = #map}, {transform_indices = #map1}, {transform_indices = #map2}, {transform_indices = #map}, {transform_indices = #map}]} {
    %mul3A = arith.constant 16 : i32
    %mul3A_0 = arith.muli %arg0, %mul3A : i32
    %add3A = arith.addi %mul3A_0, %arg1 : i32
    %mul3A_1 = arith.constant 6256 : i32
    %mul3A_2 = arith.muli %arg1, %mul3A_1 : i32
    "tpu.region"() ({
      %run_scoped3A = tpu.sem_alloc : memref<!tpu.dma_semaphore, #tpu.memory_space<semaphore_mem>>
      %dma_start3A_64 = arith.constant 0 : i32
      %dma_start3A_65 = tpu.memref_slice %arg14[%mul3A_2, %dma_start3A_64] : memref<100096x8xf32, #tpu.memory_space<vmem_shared>> -> memref<6256x8xf32, #tpu.memory_space<vmem_shared>>
      %dma_start3A_66 = arith.constant 0 : i32
      %dma_start3A_67 = tpu.memref_slice %arg5[%mul3A_2, %dma_start3A_66] : memref<100096x8xf32, #tpu.memory_space<hbm>> -> memref<6256x8xf32, #tpu.memory_space<hbm>>
      tpu.enqueue_dma source(%dma_start3A_67 : memref<6256x8xf32, #tpu.memory_space<hbm>>) target(%dma_start3A_65 : memref<6256x8xf32, #tpu.memory_space<vmem_shared>>) target_semaphore(%run_scoped3A : memref<!tpu.dma_semaphore, #tpu.memory_space<semaphore_mem>>)
      %dma_wait3A = arith.constant 0 : i32
      %dma_wait3A_68 = tpu.memref_slice %arg14[%mul3A_2, %dma_wait3A] : memref<100096x8xf32, #tpu.memory_space<vmem_shared>> -> memref<6256x8xf32, #tpu.memory_space<vmem_shared>>
      %dma_wait3A_69 = arith.constant 0 : i32
      %dma_wait3A_70 = tpu.memref_slice %arg5[%mul3A_2, %dma_wait3A_69] : memref<100096x8xf32, #tpu.memory_space<hbm>> -> memref<6256x8xf32, #tpu.memory_space<hbm>>
      tpu.wait_dma2 semaphore(%run_scoped3A : memref<!tpu.dma_semaphore, #tpu.memory_space<semaphore_mem>>) src(%dma_wait3A_70 : memref<6256x8xf32, #tpu.memory_space<hbm>>) dst(%dma_wait3A_68 : memref<6256x8xf32, #tpu.memory_space<vmem_shared>>)
      tpu.yield
    }) : () -> ()
    "tpu.region"() ({
      %run_scoped3A = tpu.sem_alloc : memref<!tpu.dma_semaphore, #tpu.memory_space<semaphore_mem>>
      %dma_start3A_64 = tpu.memref_slice %arg15[%mul3A_2] : memref<100096xf32, #tpu.memory_space<vmem_shared>> -> memref<6256xf32, #tpu.memory_space<vmem_shared>>
      %dma_start3A_65 = tpu.memref_slice %arg6[%mul3A_2] : memref<100096xf32, #tpu.memory_space<hbm>> -> memref<6256xf32, #tpu.memory_space<hbm>>
      tpu.enqueue_dma source(%dma_start3A_65 : memref<6256xf32, #tpu.memory_space<hbm>>) target(%dma_start3A_64 : memref<6256xf32, #tpu.memory_space<vmem_shared>>) target_semaphore(%run_scoped3A : memref<!tpu.dma_semaphore, #tpu.memory_space<semaphore_mem>>)
      %dma_wait3A = tpu.memref_slice %arg15[%mul3A_2] : memref<100096xf32, #tpu.memory_space<vmem_shared>> -> memref<6256xf32, #tpu.memory_space<vmem_shared>>
      %dma_wait3A_66 = tpu.memref_slice %arg6[%mul3A_2] : memref<100096xf32, #tpu.memory_space<hbm>> -> memref<6256xf32, #tpu.memory_space<hbm>>
      tpu.wait_dma2 semaphore(%run_scoped3A : memref<!tpu.dma_semaphore, #tpu.memory_space<semaphore_mem>>) src(%dma_wait3A_66 : memref<6256xf32, #tpu.memory_space<hbm>>) dst(%dma_wait3A : memref<6256xf32, #tpu.memory_space<vmem_shared>>)
      tpu.yield
    }) : () -> ()
    "tpu.region"() ({
      %run_scoped3A = tpu.sem_alloc : memref<!tpu.dma_semaphore, #tpu.memory_space<semaphore_mem>>
      %dma_start3A_64 = tpu.memref_slice %arg16[%mul3A_2] : memref<100096xf32, #tpu.memory_space<vmem_shared>> -> memref<6256xf32, #tpu.memory_space<vmem_shared>>
      %dma_start3A_65 = tpu.memref_slice %arg6[%mul3A_2] : memref<100096xf32, #tpu.memory_space<hbm>> -> memref<6256xf32, #tpu.memory_space<hbm>>
      tpu.enqueue_dma source(%dma_start3A_65 : memref<6256xf32, #tpu.memory_space<hbm>>) target(%dma_start3A_64 : memref<6256xf32, #tpu.memory_space<vmem_shared>>) target_semaphore(%run_scoped3A : memref<!tpu.dma_semaphore, #tpu.memory_space<semaphore_mem>>)
      %dma_wait3A = tpu.memref_slice %arg16[%mul3A_2] : memref<100096xf32, #tpu.memory_space<vmem_shared>> -> memref<6256xf32, #tpu.memory_space<vmem_shared>>
      %dma_wait3A_66 = tpu.memref_slice %arg6[%mul3A_2] : memref<100096xf32, #tpu.memory_space<hbm>> -> memref<6256xf32, #tpu.memory_space<hbm>>
      tpu.wait_dma2 semaphore(%run_scoped3A : memref<!tpu.dma_semaphore, #tpu.memory_space<semaphore_mem>>) src(%dma_wait3A_66 : memref<6256xf32, #tpu.memory_space<hbm>>) dst(%dma_wait3A : memref<6256xf32, #tpu.memory_space<vmem_shared>>)
      tpu.yield
    }) : () -> ()
    %scan3A = arith.constant 0 : i32
    %scan3A_3 = arith.constant 0 : i32
    %scan3A_4 = arith.constant 8 : i32
    %scan3A_5 = arith.addi %scan3A_3, %scan3A_4 : i32
    %scan3A_6 = arith.constant 1 : i32
    scf.for %scan3A_64 = %scan3A_3 to %scan3A_5 step %scan3A_6  : i32 {
      %broadcast_in_dim3A = arith.constant 1.000000e+00 : f32
      %broadcast_in_dim3A_65 = vector.broadcast %broadcast_in_dim3A : f32 to vector<16xf32>
      %mul3A_66 = arith.constant 16 : i32
      %mul3A_67 = arith.muli %scan3A_64, %mul3A_66 : i32
      %swap3A = arith.index_cast %mul3A_67 : i32 to index
      %swap3A_68 = tpu.vector_load %arg13[%swap3A] {strides = array<i32>} : memref<128xf32, #tpu.memory_space<vmem>>, vector<16xf32>,
      %swap3A_69 = vector.shape_cast %swap3A_68 : vector<16xf32> to vector<16xf32>
      %swap3A_70 = vector.shape_cast %broadcast_in_dim3A_65 : vector<16xf32> to vector<16xf32>
      tpu.vector_store %arg13[%swap3A], %swap3A_70 {strides = array<i32>} : memref<128xf32, #tpu.memory_space<vmem>>, vector<16xf32>,
    }
    %scan3A_7 = arith.constant 8 : i32
    %barrier3A = arith.constant 0 : index
    tpu.barrier barrier_id(%barrier3A)
    %lt3A = arith.constant 31 : i32
    %lt3A_8 = arith.cmpi slt, %add3A, %lt3A : i32
    %jit3A = arith.constant 49 : i32
    %jit3A_9 = arith.constant 43 : i32
    %select_n3A = arith.select %lt3A_8, %jit3A, %jit3A_9 : i32
    %mul3A_10 = arith.constant 49 : i32
    %mul3A_11 = arith.muli %add3A, %mul3A_10 : i32
    %mul3A_12 = arith.constant 16 : i32
    %mul3A_13 = arith.muli %mul3A_11, %mul3A_12 : i32
    %dma_start3A = arith.constant 0 : i32
    %dma_start3A_14 = arith.constant 0 : i32
    %dma_start3A_15 = arith.constant 0 : i32
    %dma_start3A_16 = tpu.memref_slice %arg10[%dma_start3A, %dma_start3A_14, %dma_start3A_15] : memref<2x16x128xi32, #tpu.memory_space<vmem>> -> memref<1x16x128xi32, #tpu.memory_space<vmem>>
    %dma_start3A_17 = tpu.memref_squeeze %dma_start3A_16 : memref<1x16x128xi32, #tpu.memory_space<vmem>> -> memref<16x128xi32, #tpu.memory_space<vmem>>
    %dma_start3A_18 = arith.constant 0 : i32
    %dma_start3A_19 = tpu.memref_slice %arg2[%mul3A_13, %dma_start3A_18] : memref<25000x128xi32, #tpu.memory_space<hbm>> -> memref<16x128xi32, #tpu.memory_space<hbm>>
    %dma_start3A_20 = arith.constant 0 : i32
    %dma_start3A_21 = arith.constant 0 : i32
    %dma_start3A_22 = tpu.memref_slice %arg10[%dma_start3A, %dma_start3A_20, %dma_start3A_21] : memref<2x16x128xi32, #tpu.memory_space<vmem>> -> memref<1x16x128xi32, #tpu.memory_space<vmem>>
    %dma_start3A_23 = tpu.memref_squeeze %dma_start3A_22 : memref<1x16x128xi32, #tpu.memory_space<vmem>> -> memref<16x128xi32, #tpu.memory_space<vmem>>
    %dma_start3A_24 = arith.constant 0 : i32
    %dma_start3A_25 = tpu.memref_slice %arg2[%mul3A_13, %dma_start3A_24] : memref<25000x128xi32, #tpu.memory_space<hbm>> -> memref<16x128xi32, #tpu.memory_space<hbm>>
    tpu.enqueue_dma source(%dma_start3A_25 : memref<16x128xi32, #tpu.memory_space<hbm>>) target(%dma_start3A_23 : memref<16x128xi32, #tpu.memory_space<vmem>>) target_semaphore(%arg17 : memref<!tpu.dma_semaphore, #tpu.memory_space<semaphore_mem>>)
    %mul3A_26 = arith.constant 2048 : i32
    %mul3A_27 = arith.muli %mul3A_11, %mul3A_26 : i32
    %dma_start3A_28 = arith.constant 0 : i32
    %dma_start3A_29 = arith.constant 0 : i32
    %dma_start3A_30 = arith.constant 0 : i32
    %dma_start3A_31 = tpu.memref_slice %arg11[%dma_start3A_28, %dma_start3A_29, %dma_start3A_30] : memref<2x2048x8xf32, #tpu.memory_space<vmem>> -> memref<1x2048x8xf32, #tpu.memory_space<vmem>>
    %dma_start3A_32 = tpu.memref_squeeze %dma_start3A_31 : memref<1x2048x8xf32, #tpu.memory_space<vmem>> -> memref<2048x8xf32, #tpu.memory_space<vmem>>
    %dma_start3A_33 = arith.constant 0 : i32
    %dma_start3A_34 = tpu.memref_slice %arg3[%mul3A_27, %dma_start3A_33] : memref<3200000x8xf32, #tpu.memory_space<hbm>> -> memref<2048x8xf32, #tpu.memory_space<hbm>>
    %dma_start3A_35 = arith.constant 0 : i32
    %dma_start3A_36 = arith.constant 0 : i32
    %dma_start3A_37 = tpu.memref_slice %arg11[%dma_start3A_28, %dma_start3A_35, %dma_start3A_36] : memref<2x2048x8xf32, #tpu.memory_space<vmem>> -> memref<1x2048x8xf32, #tpu.memory_space<vmem>>
    %dma_start3A_38 = tpu.memref_squeeze %dma_start3A_37 : memref<1x2048x8xf32, #tpu.memory_space<vmem>> -> memref<2048x8xf32, #tpu.memory_space<vmem>>
    %dma_start3A_39 = arith.constant 0 : i32
    %dma_start3A_40 = tpu.memref_slice %arg3[%mul3A_27, %dma_start3A_39] : memref<3200000x8xf32, #tpu.memory_space<hbm>> -> memref<2048x8xf32, #tpu.memory_space<hbm>>
    tpu.enqueue_dma source(%dma_start3A_40 : memref<2048x8xf32, #tpu.memory_space<hbm>>) target(%dma_start3A_38 : memref<2048x8xf32, #tpu.memory_space<vmem>>) target_semaphore(%arg17 : memref<!tpu.dma_semaphore, #tpu.memory_space<semaphore_mem>>)
    %mul3A_41 = arith.constant 2048 : i32
    %mul3A_42 = arith.muli %mul3A_11, %mul3A_41 : i32
    %dma_start3A_43 = arith.constant 0 : i32
    %dma_start3A_44 = arith.constant 0 : i32
    %dma_start3A_45 = tpu.memref_slice %arg12[%dma_start3A_43, %dma_start3A_44] : memref<2x2048xf32, #tpu.memory_space<vmem>> -> memref<1x2048xf32, #tpu.memory_space<vmem>>
    %dma_start3A_46 = tpu.memref_squeeze %dma_start3A_45 : memref<1x2048xf32, #tpu.memory_space<vmem>> -> memref<2048xf32, #tpu.memory_space<vmem>>
    %dma_start3A_47 = tpu.memref_slice %arg4[%mul3A_42] : memref<3200000xf32, #tpu.memory_space<hbm>> -> memref<2048xf32, #tpu.memory_space<hbm>>
    %dma_start3A_48 = arith.constant 0 : i32
    %dma_start3A_49 = tpu.memref_slice %arg12[%dma_start3A_43, %dma_start3A_48] : memref<2x2048xf32, #tpu.memory_space<vmem>> -> memref<1x2048xf32, #tpu.memory_space<vmem>>
    %dma_start3A_50 = tpu.memref_squeeze %dma_start3A_49 : memref<1x2048xf32, #tpu.memory_space<vmem>> -> memref<2048xf32, #tpu.memory_space<vmem>>
    %dma_start3A_51 = tpu.memref_slice %arg4[%mul3A_42] : memref<3200000xf32, #tpu.memory_space<hbm>> -> memref<2048xf32, #tpu.memory_space<hbm>>
    tpu.enqueue_dma source(%dma_start3A_51 : memref<2048xf32, #tpu.memory_space<hbm>>) target(%dma_start3A_50 : memref<2048xf32, #tpu.memory_space<vmem>>) target_semaphore(%arg17 : memref<!tpu.dma_semaphore, #tpu.memory_space<semaphore_mem>>)
    %while3A = arith.constant 0 : i32
    %while3A_52 = arith.constant 0 : i32
    %while3A_53 = arith.subi %select_n3A, %while3A_52 : i32
    %while3A_54 = arith.addi %while3A_52, %while3A_53 : i32
    %while3A_55 = arith.constant 1 : i32
    %while3A_56 = arith.divsi %while3A_53, %while3A_55 : i32
    %while3A_57 = arith.muli %while3A_56, %while3A_55 : i32
    %while3A_58 = arith.addi %while3A_52, %while3A_57 : i32
    %while3A_59 = arith.constant 1 : i32
    scf.for %while3A_64 = %while3A_52 to %while3A_58 step %while3A_59  : i32 {
      %rem3A = arith.constant 2 : i32
      %rem3A_65 = arith.remsi %while3A_64, %rem3A : i32
      %dma_wait3A = arith.constant 0 : i32
      %dma_wait3A_66 = arith.constant 0 : i32
      %dma_wait3A_67 = tpu.memref_slice %arg10[%rem3A_65, %dma_wait3A, %dma_wait3A_66] : memref<2x16x128xi32, #tpu.memory_space<vmem>> -> memref<1x16x128xi32, #tpu.memory_space<vmem>>
      %dma_wait3A_68 = tpu.memref_squeeze %dma_wait3A_67 : memref<1x16x128xi32, #tpu.memory_space<vmem>> -> memref<16x128xi32, #tpu.memory_space<vmem>>
      %dma_wait3A_69 = arith.constant 0 : i32
      %dma_wait3A_70 = arith.constant 0 : i32
      %dma_wait3A_71 = tpu.memref_slice %arg2[%dma_wait3A_69, %dma_wait3A_70] : memref<25000x128xi32, #tpu.memory_space<hbm>> -> memref<16x128xi32, #tpu.memory_space<hbm>>
      %dma_wait3A_72 = arith.constant 0 : i32
      %dma_wait3A_73 = arith.constant 0 : i32
      %dma_wait3A_74 = tpu.memref_slice %arg10[%rem3A_65, %dma_wait3A_72, %dma_wait3A_73] : memref<2x16x128xi32, #tpu.memory_space<vmem>> -> memref<1x16x128xi32, #tpu.memory_space<vmem>>
      %dma_wait3A_75 = tpu.memref_squeeze %dma_wait3A_74 : memref<1x16x128xi32, #tpu.memory_space<vmem>> -> memref<16x128xi32, #tpu.memory_space<vmem>>
      %dma_wait3A_76 = arith.constant 0 : i32
      %dma_wait3A_77 = arith.constant 0 : i32
      %dma_wait3A_78 = tpu.memref_slice %arg2[%dma_wait3A_76, %dma_wait3A_77] : memref<25000x128xi32, #tpu.memory_space<hbm>> -> memref<16x128xi32, #tpu.memory_space<hbm>>
      tpu.wait_dma2 semaphore(%arg17 : memref<!tpu.dma_semaphore, #tpu.memory_space<semaphore_mem>>) src(%dma_wait3A_78 : memref<16x128xi32, #tpu.memory_space<hbm>>) dst(%dma_wait3A_75 : memref<16x128xi32, #tpu.memory_space<vmem>>)
      %dma_wait3A_79 = arith.constant 0 : i32
      %dma_wait3A_80 = arith.constant 0 : i32
      %dma_wait3A_81 = tpu.memref_slice %arg11[%rem3A_65, %dma_wait3A_79, %dma_wait3A_80] : memref<2x2048x8xf32, #tpu.memory_space<vmem>> -> memref<1x2048x8xf32, #tpu.memory_space<vmem>>
      %dma_wait3A_82 = tpu.memref_squeeze %dma_wait3A_81 : memref<1x2048x8xf32, #tpu.memory_space<vmem>> -> memref<2048x8xf32, #tpu.memory_space<vmem>>
      %dma_wait3A_83 = arith.constant 0 : i32
      %dma_wait3A_84 = arith.constant 0 : i32
      %dma_wait3A_85 = tpu.memref_slice %arg3[%dma_wait3A_83, %dma_wait3A_84] : memref<3200000x8xf32, #tpu.memory_space<hbm>> -> memref<2048x8xf32, #tpu.memory_space<hbm>>
      %dma_wait3A_86 = arith.constant 0 : i32
      %dma_wait3A_87 = arith.constant 0 : i32
      %dma_wait3A_88 = tpu.memref_slice %arg11[%rem3A_65, %dma_wait3A_86, %dma_wait3A_87] : memref<2x2048x8xf32, #tpu.memory_space<vmem>> -> memref<1x2048x8xf32, #tpu.memory_space<vmem>>
      %dma_wait3A_89 = tpu.memref_squeeze %dma_wait3A_88 : memref<1x2048x8xf32, #tpu.memory_space<vmem>> -> memref<2048x8xf32, #tpu.memory_space<vmem>>
      %dma_wait3A_90 = arith.constant 0 : i32
      %dma_wait3A_91 = arith.constant 0 : i32
      %dma_wait3A_92 = tpu.memref_slice %arg3[%dma_wait3A_90, %dma_wait3A_91] : memref<3200000x8xf32, #tpu.memory_space<hbm>> -> memref<2048x8xf32, #tpu.memory_space<hbm>>
      tpu.wait_dma2 semaphore(%arg17 : memref<!tpu.dma_semaphore, #tpu.memory_space<semaphore_mem>>) src(%dma_wait3A_92 : memref<2048x8xf32, #tpu.memory_space<hbm>>) dst(%dma_wait3A_89 : memref<2048x8xf32, #tpu.memory_space<vmem>>)
      %dma_wait3A_93 = arith.constant 0 : i32
      %dma_wait3A_94 = tpu.memref_slice %arg12[%rem3A_65, %dma_wait3A_93] : memref<2x2048xf32, #tpu.memory_space<vmem>> -> memref<1x2048xf32, #tpu.memory_space<vmem>>
      %dma_wait3A_95 = tpu.memref_squeeze %dma_wait3A_94 : memref<1x2048xf32, #tpu.memory_space<vmem>> -> memref<2048xf32, #tpu.memory_space<vmem>>
      %dma_wait3A_96 = arith.constant 0 : i32
      %dma_wait3A_97 = tpu.memref_slice %arg4[%dma_wait3A_96] : memref<3200000xf32, #tpu.memory_space<hbm>> -> memref<2048xf32, #tpu.memory_space<hbm>>
      %dma_wait3A_98 = arith.constant 0 : i32
      %dma_wait3A_99 = tpu.memref_slice %arg12[%rem3A_65, %dma_wait3A_98] : memref<2x2048xf32, #tpu.memory_space<vmem>> -> memref<1x2048xf32, #tpu.memory_space<vmem>>
      %dma_wait3A_100 = tpu.memref_squeeze %dma_wait3A_99 : memref<1x2048xf32, #tpu.memory_space<vmem>> -> memref<2048xf32, #tpu.memory_space<vmem>>
      %dma_wait3A_101 = arith.constant 0 : i32
      %dma_wait3A_102 = tpu.memref_slice %arg4[%dma_wait3A_101] : memref<3200000xf32, #tpu.memory_space<hbm>> -> memref<2048xf32, #tpu.memory_space<hbm>>
      tpu.wait_dma2 semaphore(%arg17 : memref<!tpu.dma_semaphore, #tpu.memory_space<semaphore_mem>>) src(%dma_wait3A_102 : memref<2048xf32, #tpu.memory_space<hbm>>) dst(%dma_wait3A_100 : memref<2048xf32, #tpu.memory_space<vmem>>)
      %add3A_103 = arith.constant 1 : i32
      %add3A_104 = arith.addi %while3A_64, %add3A_103 : i32
      %lt3A_105 = arith.cmpi slt, %add3A_104, %select_n3A : i32
      %convert_element_type3A_106 = arith.extui %lt3A_105 : i1 to i32
      %cond3A_107 = arith.constant 0 : i32
      %cond3A_108 = arith.cmpi ne, %convert_element_type3A_106, %cond3A_107 : i32
      scf.if %cond3A_108 {
        %mul3A_941 = arith.constant 49 : i32
        %mul3A_942 = arith.muli %add3A, %mul3A_941 : i32
        %add3A_943 = arith.addi %mul3A_942, %while3A_64 : i32
        %add3A_944 = arith.constant 1 : i32
        %add3A_945 = arith.addi %add3A_943, %add3A_944 : i32
        %sub3A = arith.constant 1 : i32
        %sub3A_946 = arith.subi %sub3A, %rem3A_65 : i32
        %mul3A_947 = arith.constant 16 : i32
        %mul3A_948 = arith.muli %add3A_945, %mul3A_947 : i32
        %dma_start3A_949 = arith.constant 0 : i32
        %dma_start3A_950 = arith.constant 0 : i32
        %dma_start3A_951 = tpu.memref_slice %arg10[%sub3A_946, %dma_start3A_949, %dma_start3A_950] : memref<2x16x128xi32, #tpu.memory_space<vmem>> -> memref<1x16x128xi32, #tpu.memory_space<vmem>>
        %dma_start3A_952 = tpu.memref_squeeze %dma_start3A_951 : memref<1x16x128xi32, #tpu.memory_space<vmem>> -> memref<16x128xi32, #tpu.memory_space<vmem>>
        %dma_start3A_953 = arith.constant 0 : i32
        %dma_start3A_954 = tpu.memref_slice %arg2[%mul3A_948, %dma_start3A_953] : memref<25000x128xi32, #tpu.memory_space<hbm>> -> memref<16x128xi32, #tpu.memory_space<hbm>>
        %dma_start3A_955 = arith.constant 0 : i32
        %dma_start3A_956 = arith.constant 0 : i32
        %dma_start3A_957 = tpu.memref_slice %arg10[%sub3A_946, %dma_start3A_955, %dma_start3A_956] : memref<2x16x128xi32, #tpu.memory_space<vmem>> -> memref<1x16x128xi32, #tpu.memory_space<vmem>>
        %dma_start3A_958 = tpu.memref_squeeze %dma_start3A_957 : memref<1x16x128xi32, #tpu.memory_space<vmem>> -> memref<16x128xi32, #tpu.memory_space<vmem>>
        %dma_start3A_959 = arith.constant 0 : i32
        %dma_start3A_960 = tpu.memref_slice %arg2[%mul3A_948, %dma_start3A_959] : memref<25000x128xi32, #tpu.memory_space<hbm>> -> memref<16x128xi32, #tpu.memory_space<hbm>>
        tpu.enqueue_dma source(%dma_start3A_960 : memref<16x128xi32, #tpu.memory_space<hbm>>) target(%dma_start3A_958 : memref<16x128xi32, #tpu.memory_space<vmem>>) target_semaphore(%arg17 : memref<!tpu.dma_semaphore, #tpu.memory_space<semaphore_mem>>)
        %mul3A_961 = arith.constant 2048 : i32
        %mul3A_962 = arith.muli %add3A_945, %mul3A_961 : i32
        %dma_start3A_963 = arith.constant 0 : i32
        %dma_start3A_964 = arith.constant 0 : i32
        %dma_start3A_965 = tpu.memref_slice %arg11[%sub3A_946, %dma_start3A_963, %dma_start3A_964] : memref<2x2048x8xf32, #tpu.memory_space<vmem>> -> memref<1x2048x8xf32, #tpu.memory_space<vmem>>
        %dma_start3A_966 = tpu.memref_squeeze %dma_start3A_965 : memref<1x2048x8xf32, #tpu.memory_space<vmem>> -> memref<2048x8xf32, #tpu.memory_space<vmem>>
        %dma_start3A_967 = arith.constant 0 : i32
        %dma_start3A_968 = tpu.memref_slice %arg3[%mul3A_962, %dma_start3A_967] : memref<3200000x8xf32, #tpu.memory_space<hbm>> -> memref<2048x8xf32, #tpu.memory_space<hbm>>
        %dma_start3A_969 = arith.constant 0 : i32
        %dma_start3A_970 = arith.constant 0 : i32
        %dma_start3A_971 = tpu.memref_slice %arg11[%sub3A_946, %dma_start3A_969, %dma_start3A_970] : memref<2x2048x8xf32, #tpu.memory_space<vmem>> -> memref<1x2048x8xf32, #tpu.memory_space<vmem>>
        %dma_start3A_972 = tpu.memref_squeeze %dma_start3A_971 : memref<1x2048x8xf32, #tpu.memory_space<vmem>> -> memref<2048x8xf32, #tpu.memory_space<vmem>>
        %dma_start3A_973 = arith.constant 0 : i32
        %dma_start3A_974 = tpu.memref_slice %arg3[%mul3A_962, %dma_start3A_973] : memref<3200000x8xf32, #tpu.memory_space<hbm>> -> memref<2048x8xf32, #tpu.memory_space<hbm>>
        tpu.enqueue_dma source(%dma_start3A_974 : memref<2048x8xf32, #tpu.memory_space<hbm>>) target(%dma_start3A_972 : memref<2048x8xf32, #tpu.memory_space<vmem>>) target_semaphore(%arg17 : memref<!tpu.dma_semaphore, #tpu.memory_space<semaphore_mem>>)
        %mul3A_975 = arith.constant 2048 : i32
        %mul3A_976 = arith.muli %add3A_945, %mul3A_975 : i32
        %dma_start3A_977 = arith.constant 0 : i32
        %dma_start3A_978 = tpu.memref_slice %arg12[%sub3A_946, %dma_start3A_977] : memref<2x2048xf32, #tpu.memory_space<vmem>> -> memref<1x2048xf32, #tpu.memory_space<vmem>>
        %dma_start3A_979 = tpu.memref_squeeze %dma_start3A_978 : memref<1x2048xf32, #tpu.memory_space<vmem>> -> memref<2048xf32, #tpu.memory_space<vmem>>
        %dma_start3A_980 = tpu.memref_slice %arg4[%mul3A_976] : memref<3200000xf32, #tpu.memory_space<hbm>> -> memref<2048xf32, #tpu.memory_space<hbm>>
        %dma_start3A_981 = arith.constant 0 : i32
        %dma_start3A_982 = tpu.memref_slice %arg12[%sub3A_946, %dma_start3A_981] : memref<2x2048xf32, #tpu.memory_space<vmem>> -> memref<1x2048xf32, #tpu.memory_space<vmem>>
        %dma_start3A_983 = tpu.memref_squeeze %dma_start3A_982 : memref<1x2048xf32, #tpu.memory_space<vmem>> -> memref<2048xf32, #tpu.memory_space<vmem>>
        %dma_start3A_984 = tpu.memref_slice %arg4[%mul3A_976] : memref<3200000xf32, #tpu.memory_space<hbm>> -> memref<2048xf32, #tpu.memory_space<hbm>>
        tpu.enqueue_dma source(%dma_start3A_984 : memref<2048xf32, #tpu.memory_space<hbm>>) target(%dma_start3A_983 : memref<2048xf32, #tpu.memory_space<vmem>>) target_semaphore(%arg17 : memref<!tpu.dma_semaphore, #tpu.memory_space<semaphore_mem>>)
      } else {
      }
      %dma_start3A_109 = arith.constant 0 : i32
      %dma_start3A_110 = arith.constant 0 : i32
      %dma_start3A_111 = arith.constant 0 : i32
      %dma_start3A_112 = tpu.memref_slice %arg11[%rem3A_65, %dma_start3A_110, %dma_start3A_111] : memref<2x2048x8xf32, #tpu.memory_space<vmem>> -> memref<1x128x8xf32, #tpu.memory_space<vmem>>
      %dma_start3A_113 = tpu.memref_squeeze %dma_start3A_112 : memref<1x128x8xf32, #tpu.memory_space<vmem>> -> memref<128x8xf32, #tpu.memory_space<vmem>>
      %dma_start3A_114 = arith.constant 0 : i32
      %dma_start3A_115 = tpu.memref_slice %arg10[%rem3A_65, %dma_start3A_109, %dma_start3A_114] : memref<2x16x128xi32, #tpu.memory_space<vmem>> -> memref<1x1x128xi32, #tpu.memory_space<vmem>>
      %dma_start3A_116 = tpu.memref_squeeze %dma_start3A_115 : memref<1x1x128xi32, #tpu.memory_space<vmem>> -> memref<128xi32, #tpu.memory_space<vmem>>
      %dma_start3A_117 = arith.constant 0 : i32
      %dma_start3A_118 = arith.constant 0 : i32
      %dma_start3A_119 = tpu.memref_slice %arg14[%dma_start3A_117, %dma_start3A_118] : memref<100096x8xf32, #tpu.memory_space<vmem_shared>> -> memref<100096x8xf32, #tpu.memory_space<vmem_shared>>
      tpu.enqueue_indirect_dma source(%dma_start3A_113 : memref<128x8xf32, #tpu.memory_space<vmem>>) target(%dma_start3A_119 : memref<100096x8xf32, #tpu.memory_space<vmem_shared>>) offsets(%dma_start3A_116 : memref<128xi32, #tpu.memory_space<vmem>>) semaphore(%arg18 : memref<!tpu.dma_semaphore, #tpu.memory_space<semaphore_mem>>) {add = true}
      %dma_start3A_120 = arith.constant 0 : i32
      %dma_start3A_121 = arith.constant 0 : i32
      %dma_start3A_122 = tpu.memref_slice %arg12[%rem3A_65, %dma_start3A_121] : memref<2x2048xf32, #tpu.memory_space<vmem>> -> memref<1x128xf32, #tpu.memory_space<vmem>>
      %dma_start3A_123 = tpu.memref_squeeze %dma_start3A_122 : memref<1x128xf32, #tpu.memory_space<vmem>> -> memref<128xf32, #tpu.memory_space<vmem>>
      %dma_start3A_124 = arith.constant 0 : i32
      %dma_start3A_125 = tpu.memref_slice %arg10[%rem3A_65, %dma_start3A_120, %dma_start3A_124] : memref<2x16x128xi32, #tpu.memory_space<vmem>> -> memref<1x1x128xi32, #tpu.memory_space<vmem>>
      %dma_start3A_126 = tpu.memref_squeeze %dma_start3A_125 : memref<1x1x128xi32, #tpu.memory_space<vmem>> -> memref<128xi32, #tpu.memory_space<vmem>>
      %dma_start3A_127 = arith.constant 0 : i32
      %dma_start3A_128 = tpu.memref_slice %arg15[%dma_start3A_127] : memref<100096xf32, #tpu.memory_space<vmem_shared>> -> memref<100096xf32, #tpu.memory_space<vmem_shared>>
      tpu.enqueue_indirect_dma source(%dma_start3A_123 : memref<128xf32, #tpu.memory_space<vmem>>) target(%dma_start3A_128 : memref<100096xf32, #tpu.memory_space<vmem_shared>>) offsets(%dma_start3A_126 : memref<128xi32, #tpu.memory_space<vmem>>) semaphore(%arg18 : memref<!tpu.dma_semaphore, #tpu.memory_space<semaphore_mem>>) {add = true}
      %dma_start3A_129 = arith.constant 0 : i32
      %dma_start3A_130 = arith.constant 0 : i32
      %dma_start3A_131 = tpu.memref_slice %arg10[%rem3A_65, %dma_start3A_129, %dma_start3A_130] : memref<2x16x128xi32, #tpu.memory_space<vmem>> -> memref<1x1x128xi32, #tpu.memory_space<vmem>>
      %dma_start3A_132 = tpu.memref_squeeze %dma_start3A_131 : memref<1x1x128xi32, #tpu.memory_space<vmem>> -> memref<128xi32, #tpu.memory_space<vmem>>
      %dma_start3A_133 = arith.constant 0 : i32
      %dma_start3A_134 = tpu.memref_slice %arg16[%dma_start3A_133] : memref<100096xf32, #tpu.memory_space<vmem_shared>> -> memref<100096xf32, #tpu.memory_space<vmem_shared>>
      tpu.enqueue_indirect_dma source(%arg13 : memref<128xf32, #tpu.memory_space<vmem>>) target(%dma_start3A_134 : memref<100096xf32, #tpu.memory_space<vmem_shared>>) offsets(%dma_start3A_132 : memref<128xi32, #tpu.memory_space<vmem>>) semaphore(%arg18 : memref<!tpu.dma_semaphore, #tpu.memory_space<semaphore_mem>>) {add = true}
      %dma_start3A_135 = arith.constant 1 : i32
      %dma_start3A_136 = arith.constant 128 : i32
      %dma_start3A_137 = arith.constant 0 : i32
      %dma_start3A_138 = tpu.memref_slice %arg11[%rem3A_65, %dma_start3A_136, %dma_start3A_137] : memref<2x2048x8xf32, #tpu.memory_space<vmem>> -> memref<1x128x8xf32, #tpu.memory_space<vmem>>
      %dma_start3A_139 = tpu.memref_squeeze %dma_start3A_138 : memref<1x128x8xf32, #tpu.memory_space<vmem>> -> memref<128x8xf32, #tpu.memory_space<vmem>>
      %dma_start3A_140 = arith.constant 0 : i32
      %dma_start3A_141 = tpu.memref_slice %arg10[%rem3A_65, %dma_start3A_135, %dma_start3A_140] : memref<2x16x128xi32, #tpu.memory_space<vmem>> -> memref<1x1x128xi32, #tpu.memory_space<vmem>>
      %dma_start3A_142 = tpu.memref_squeeze %dma_start3A_141 : memref<1x1x128xi32, #tpu.memory_space<vmem>> -> memref<128xi32, #tpu.memory_space<vmem>>
      %dma_start3A_143 = arith.constant 0 : i32
      %dma_start3A_144 = arith.constant 0 : i32
      %dma_start3A_145 = tpu.memref_slice %arg14[%dma_start3A_143, %dma_start3A_144] : memref<100096x8xf32, #tpu.memory_space<vmem_shared>> -> memref<100096x8xf32, #tpu.memory_space<vmem_shared>>
      tpu.enqueue_indirect_dma source(%dma_start3A_139 : memref<128x8xf32, #tpu.memory_space<vmem>>) target(%dma_start3A_145 : memref<100096x8xf32, #tpu.memory_space<vmem_shared>>) offsets(%dma_start3A_142 : memref<128xi32, #tpu.memory_space<vmem>>) semaphore(%arg18 : memref<!tpu.dma_semaphore, #tpu.memory_space<semaphore_mem>>) {add = true}
      %dma_start3A_146 = arith.constant 1 : i32
      %dma_start3A_147 = arith.constant 128 : i32
      %dma_start3A_148 = tpu.memref_slice %arg12[%rem3A_65, %dma_start3A_147] : memref<2x2048xf32, #tpu.memory_space<vmem>> -> memref<1x128xf32, #tpu.memory_space<vmem>>
      %dma_start3A_149 = tpu.memref_squeeze %dma_start3A_148 : memref<1x128xf32, #tpu.memory_space<vmem>> -> memref<128xf32, #tpu.memory_space<vmem>>
      %dma_start3A_150 = arith.constant 0 : i32
      %dma_start3A_151 = tpu.memref_slice %arg10[%rem3A_65, %dma_start3A_146, %dma_start3A_150] : memref<2x16x128xi32, #tpu.memory_space<vmem>> -> memref<1x1x128xi32, #tpu.memory_space<vmem>>
      %dma_start3A_152 = tpu.memref_squeeze %dma_start3A_151 : memref<1x1x128xi32, #tpu.memory_space<vmem>> -> memref<128xi32, #tpu.memory_space<vmem>>
      %dma_start3A_153 = arith.constant 0 : i32
      %dma_start3A_154 = tpu.memref_slice %arg15[%dma_start3A_153] : memref<100096xf32, #tpu.memory_space<vmem_shared>> -> memref<100096xf32, #tpu.memory_space<vmem_shared>>
      tpu.enqueue_indirect_dma source(%dma_start3A_149 : memref<128xf32, #tpu.memory_space<vmem>>) target(%dma_start3A_154 : memref<100096xf32, #tpu.memory_space<vmem_shared>>) offsets(%dma_start3A_152 : memref<128xi32, #tpu.memory_space<vmem>>) semaphore(%arg18 : memref<!tpu.dma_semaphore, #tpu.memory_space<semaphore_mem>>) {add = true}
      %dma_start3A_155 = arith.constant 1 : i32
      %dma_start3A_156 = arith.constant 0 : i32
      %dma_start3A_157 = tpu.memref_slice %arg10[%rem3A_65, %dma_start3A_155, %dma_start3A_156] : memref<2x16x128xi32, #tpu.memory_space<vmem>> -> memref<1x1x128xi32, #tpu.memory_space<vmem>>
      %dma_start3A_158 = tpu.memref_squeeze %dma_start3A_157 : memref<1x1x128xi32, #tpu.memory_space<vmem>> -> memref<128xi32, #tpu.memory_space<vmem>>
      %dma_start3A_159 = arith.constant 0 : i32
      %dma_start3A_160 = tpu.memref_slice %arg16[%dma_start3A_159] : memref<100096xf32, #tpu.memory_space<vmem_shared>> -> memref<100096xf32, #tpu.memory_space<vmem_shared>>
      tpu.enqueue_indirect_dma source(%arg13 : memref<128xf32, #tpu.memory_space<vmem>>) target(%dma_start3A_160 : memref<100096xf32, #tpu.memory_space<vmem_shared>>) offsets(%dma_start3A_158 : memref<128xi32, #tpu.memory_space<vmem>>) semaphore(%arg18 : memref<!tpu.dma_semaphore, #tpu.memory_space<semaphore_mem>>) {add = true}
      %dma_start3A_161 = arith.constant 2 : i32
      %dma_start3A_162 = arith.constant 256 : i32
      %dma_start3A_163 = arith.constant 0 : i32
      %dma_start3A_164 = tpu.memref_slice %arg11[%rem3A_65, %dma_start3A_162, %dma_start3A_163] : memref<2x2048x8xf32, #tpu.memory_space<vmem>> -> memref<1x128x8xf32, #tpu.memory_space<vmem>>
      %dma_start3A_165 = tpu.memref_squeeze %dma_start3A_164 : memref<1x128x8xf32, #tpu.memory_space<vmem>> -> memref<128x8xf32, #tpu.memory_space<vmem>>
      %dma_start3A_166 = arith.constant 0 : i32
      %dma_start3A_167 = tpu.memref_slice %arg10[%rem3A_65, %dma_start3A_161, %dma_start3A_166] : memref<2x16x128xi32, #tpu.memory_space<vmem>> -> memref<1x1x128xi32, #tpu.memory_space<vmem>>
      %dma_start3A_168 = tpu.memref_squeeze %dma_start3A_167 : memref<1x1x128xi32, #tpu.memory_space<vmem>> -> memref<128xi32, #tpu.memory_space<vmem>>
      %dma_start3A_169 = arith.constant 0 : i32
      %dma_start3A_170 = arith.constant 0 : i32
      %dma_start3A_171 = tpu.memref_slice %arg14[%dma_start3A_169, %dma_start3A_170] : memref<100096x8xf32, #tpu.memory_space<vmem_shared>> -> memref<100096x8xf32, #tpu.memory_space<vmem_shared>>
      tpu.enqueue_indirect_dma source(%dma_start3A_165 : memref<128x8xf32, #tpu.memory_space<vmem>>) target(%dma_start3A_171 : memref<100096x8xf32, #tpu.memory_space<vmem_shared>>) offsets(%dma_start3A_168 : memref<128xi32, #tpu.memory_space<vmem>>) semaphore(%arg18 : memref<!tpu.dma_semaphore, #tpu.memory_space<semaphore_mem>>) {add = true}
      %dma_start3A_172 = arith.constant 2 : i32
      %dma_start3A_173 = arith.constant 256 : i32
      %dma_start3A_174 = tpu.memref_slice %arg12[%rem3A_65, %dma_start3A_173] : memref<2x2048xf32, #tpu.memory_space<vmem>> -> memref<1x128xf32, #tpu.memory_space<vmem>>
      %dma_start3A_175 = tpu.memref_squeeze %dma_start3A_174 : memref<1x128xf32, #tpu.memory_space<vmem>> -> memref<128xf32, #tpu.memory_space<vmem>>
      %dma_start3A_176 = arith.constant 0 : i32
      %dma_start3A_177 = tpu.memref_slice %arg10[%rem3A_65, %dma_start3A_172, %dma_start3A_176] : memref<2x16x128xi32, #tpu.memory_space<vmem>> -> memref<1x1x128xi32, #tpu.memory_space<vmem>>
      %dma_start3A_178 = tpu.memref_squeeze %dma_start3A_177 : memref<1x1x128xi32, #tpu.memory_space<vmem>> -> memref<128xi32, #tpu.memory_space<vmem>>
      %dma_start3A_179 = arith.constant 0 : i32
      %dma_start3A_180 = tpu.memref_slice %arg15[%dma_start3A_179] : memref<100096xf32, #tpu.memory_space<vmem_shared>> -> memref<100096xf32, #tpu.memory_space<vmem_shared>>
      tpu.enqueue_indirect_dma source(%dma_start3A_175 : memref<128xf32, #tpu.memory_space<vmem>>) target(%dma_start3A_180 : memref<100096xf32, #tpu.memory_space<vmem_shared>>) offsets(%dma_start3A_178 : memref<128xi32, #tpu.memory_space<vmem>>) semaphore(%arg18 : memref<!tpu.dma_semaphore, #tpu.memory_space<semaphore_mem>>) {add = true}
      %dma_start3A_181 = arith.constant 2 : i32
      %dma_start3A_182 = arith.constant 0 : i32
      %dma_start3A_183 = tpu.memref_slice %arg10[%rem3A_65, %dma_start3A_181, %dma_start3A_182] : memref<2x16x128xi32, #tpu.memory_space<vmem>> -> memref<1x1x128xi32, #tpu.memory_space<vmem>>
      %dma_start3A_184 = tpu.memref_squeeze %dma_start3A_183 : memref<1x1x128xi32, #tpu.memory_space<vmem>> -> memref<128xi32, #tpu.memory_space<vmem>>
      %dma_start3A_185 = arith.constant 0 : i32
      %dma_start3A_186 = tpu.memref_slice %arg16[%dma_start3A_185] : memref<100096xf32, #tpu.memory_space<vmem_shared>> -> memref<100096xf32, #tpu.memory_space<vmem_shared>>
      tpu.enqueue_indirect_dma source(%arg13 : memref<128xf32, #tpu.memory_space<vmem>>) target(%dma_start3A_186 : memref<100096xf32, #tpu.memory_space<vmem_shared>>) offsets(%dma_start3A_184 : memref<128xi32, #tpu.memory_space<vmem>>) semaphore(%arg18 : memref<!tpu.dma_semaphore, #tpu.memory_space<semaphore_mem>>) {add = true}
      %dma_start3A_187 = arith.constant 3 : i32
      %dma_start3A_188 = arith.constant 384 : i32
      %dma_start3A_189 = arith.constant 0 : i32
      %dma_start3A_190 = tpu.memref_slice %arg11[%rem3A_65, %dma_start3A_188, %dma_start3A_189] : memref<2x2048x8xf32, #tpu.memory_space<vmem>> -> memref<1x128x8xf32, #tpu.memory_space<vmem>>
      %dma_start3A_191 = tpu.memref_squeeze %dma_start3A_190 : memref<1x128x8xf32, #tpu.memory_space<vmem>> -> memref<128x8xf32, #tpu.memory_space<vmem>>
      %dma_start3A_192 = arith.constant 0 : i32
      %dma_start3A_193 = tpu.memref_slice %arg10[%rem3A_65, %dma_start3A_187, %dma_start3A_192] : memref<2x16x128xi32, #tpu.memory_space<vmem>> -> memref<1x1x128xi32, #tpu.memory_space<vmem>>
      %dma_start3A_194 = tpu.memref_squeeze %dma_start3A_193 : memref<1x1x128xi32, #tpu.memory_space<vmem>> -> memref<128xi32, #tpu.memory_space<vmem>>
      %dma_start3A_195 = arith.constant 0 : i32
      %dma_start3A_196 = arith.constant 0 : i32
      %dma_start3A_197 = tpu.memref_slice %arg14[%dma_start3A_195, %dma_start3A_196] : memref<100096x8xf32, #tpu.memory_space<vmem_shared>> -> memref<100096x8xf32, #tpu.memory_space<vmem_shared>>
      tpu.enqueue_indirect_dma source(%dma_start3A_191 : memref<128x8xf32, #tpu.memory_space<vmem>>) target(%dma_start3A_197 : memref<100096x8xf32, #tpu.memory_space<vmem_shared>>) offsets(%dma_start3A_194 : memref<128xi32, #tpu.memory_space<vmem>>) semaphore(%arg18 : memref<!tpu.dma_semaphore, #tpu.memory_space<semaphore_mem>>) {add = true}
      %dma_start3A_198 = arith.constant 3 : i32
      %dma_start3A_199 = arith.constant 384 : i32
      %dma_start3A_200 = tpu.memref_slice %arg12[%rem3A_65, %dma_start3A_199] : memref<2x2048xf32, #tpu.memory_space<vmem>> -> memref<1x128xf32, #tpu.memory_space<vmem>>
      %dma_start3A_201 = tpu.memref_squeeze %dma_start3A_200 : memref<1x128xf32, #tpu.memory_space<vmem>> -> memref<128xf32, #tpu.memory_space<vmem>>
      %dma_start3A_202 = arith.constant 0 : i32
      %dma_start3A_203 = tpu.memref_slice %arg10[%rem3A_65, %dma_start3A_198, %dma_start3A_202] : memref<2x16x128xi32, #tpu.memory_space<vmem>> -> memref<1x1x128xi32, #tpu.memory_space<vmem>>
      %dma_start3A_204 = tpu.memref_squeeze %dma_start3A_203 : memref<1x1x128xi32, #tpu.memory_space<vmem>> -> memref<128xi32, #tpu.memory_space<vmem>>
      %dma_start3A_205 = arith.constant 0 : i32
      %dma_start3A_206 = tpu.memref_slice %arg15[%dma_start3A_205] : memref<100096xf32, #tpu.memory_space<vmem_shared>> -> memref<100096xf32, #tpu.memory_space<vmem_shared>>
      tpu.enqueue_indirect_dma source(%dma_start3A_201 : memref<128xf32, #tpu.memory_space<vmem>>) target(%dma_start3A_206 : memref<100096xf32, #tpu.memory_space<vmem_shared>>) offsets(%dma_start3A_204 : memref<128xi32, #tpu.memory_space<vmem>>) semaphore(%arg18 : memref<!tpu.dma_semaphore, #tpu.memory_space<semaphore_mem>>) {add = true}
      %dma_start3A_207 = arith.constant 3 : i32
      %dma_start3A_208 = arith.constant 0 : i32
      %dma_start3A_209 = tpu.memref_slice %arg10[%rem3A_65, %dma_start3A_207, %dma_start3A_208] : memref<2x16x128xi32, #tpu.memory_space<vmem>> -> memref<1x1x128xi32, #tpu.memory_space<vmem>>
      %dma_start3A_210 = tpu.memref_squeeze %dma_start3A_209 : memref<1x1x128xi32, #tpu.memory_space<vmem>> -> memref<128xi32, #tpu.memory_space<vmem>>
      %dma_start3A_211 = arith.constant 0 : i32
      %dma_start3A_212 = tpu.memref_slice %arg16[%dma_start3A_211] : memref<100096xf32, #tpu.memory_space<vmem_shared>> -> memref<100096xf32, #tpu.memory_space<vmem_shared>>
      tpu.enqueue_indirect_dma source(%arg13 : memref<128xf32, #tpu.memory_space<vmem>>) target(%dma_start3A_212 : memref<100096xf32, #tpu.memory_space<vmem_shared>>) offsets(%dma_start3A_210 : memref<128xi32, #tpu.memory_space<vmem>>) semaphore(%arg18 : memref<!tpu.dma_semaphore, #tpu.memory_space<semaphore_mem>>) {add = true}
      %dma_start3A_213 = arith.constant 4 : i32
      %dma_start3A_214 = arith.constant 512 : i32
      %dma_start3A_215 = arith.constant 0 : i32
      %dma_start3A_216 = tpu.memref_slice %arg11[%rem3A_65, %dma_start3A_214, %dma_start3A_215] : memref<2x2048x8xf32, #tpu.memory_space<vmem>> -> memref<1x128x8xf32, #tpu.memory_space<vmem>>
      %dma_start3A_217 = tpu.memref_squeeze %dma_start3A_216 : memref<1x128x8xf32, #tpu.memory_space<vmem>> -> memref<128x8xf32, #tpu.memory_space<vmem>>
      %dma_start3A_218 = arith.constant 0 : i32
      %dma_start3A_219 = tpu.memref_slice %arg10[%rem3A_65, %dma_start3A_213, %dma_start3A_218] : memref<2x16x128xi32, #tpu.memory_space<vmem>> -> memref<1x1x128xi32, #tpu.memory_space<vmem>>
      %dma_start3A_220 = tpu.memref_squeeze %dma_start3A_219 : memref<1x1x128xi32, #tpu.memory_space<vmem>> -> memref<128xi32, #tpu.memory_space<vmem>>
      %dma_start3A_221 = arith.constant 0 : i32
      %dma_start3A_222 = arith.constant 0 : i32
      %dma_start3A_223 = tpu.memref_slice %arg14[%dma_start3A_221, %dma_start3A_222] : memref<100096x8xf32, #tpu.memory_space<vmem_shared>> -> memref<100096x8xf32, #tpu.memory_space<vmem_shared>>
      tpu.enqueue_indirect_dma source(%dma_start3A_217 : memref<128x8xf32, #tpu.memory_space<vmem>>) target(%dma_start3A_223 : memref<100096x8xf32, #tpu.memory_space<vmem_shared>>) offsets(%dma_start3A_220 : memref<128xi32, #tpu.memory_space<vmem>>) semaphore(%arg18 : memref<!tpu.dma_semaphore, #tpu.memory_space<semaphore_mem>>) {add = true}
      %dma_start3A_224 = arith.constant 4 : i32
      %dma_start3A_225 = arith.constant 512 : i32
      %dma_start3A_226 = tpu.memref_slice %arg12[%rem3A_65, %dma_start3A_225] : memref<2x2048xf32, #tpu.memory_space<vmem>> -> memref<1x128xf32, #tpu.memory_space<vmem>>
      %dma_start3A_227 = tpu.memref_squeeze %dma_start3A_226 : memref<1x128xf32, #tpu.memory_space<vmem>> -> memref<128xf32, #tpu.memory_space<vmem>>
      %dma_start3A_228 = arith.constant 0 : i32
      %dma_start3A_229 = tpu.memref_slice %arg10[%rem3A_65, %dma_start3A_224, %dma_start3A_228] : memref<2x16x128xi32, #tpu.memory_space<vmem>> -> memref<1x1x128xi32, #tpu.memory_space<vmem>>
      %dma_start3A_230 = tpu.memref_squeeze %dma_start3A_229 : memref<1x1x128xi32, #tpu.memory_space<vmem>> -> memref<128xi32, #tpu.memory_space<vmem>>
      %dma_start3A_231 = arith.constant 0 : i32
      %dma_start3A_232 = tpu.memref_slice %arg15[%dma_start3A_231] : memref<100096xf32, #tpu.memory_space<vmem_shared>> -> memref<100096xf32, #tpu.memory_space<vmem_shared>>
      tpu.enqueue_indirect_dma source(%dma_start3A_227 : memref<128xf32, #tpu.memory_space<vmem>>) target(%dma_start3A_232 : memref<100096xf32, #tpu.memory_space<vmem_shared>>) offsets(%dma_start3A_230 : memref<128xi32, #tpu.memory_space<vmem>>) semaphore(%arg18 : memref<!tpu.dma_semaphore, #tpu.memory_space<semaphore_mem>>) {add = true}
      %dma_start3A_233 = arith.constant 4 : i32
      %dma_start3A_234 = arith.constant 0 : i32
      %dma_start3A_235 = tpu.memref_slice %arg10[%rem3A_65, %dma_start3A_233, %dma_start3A_234] : memref<2x16x128xi32, #tpu.memory_space<vmem>> -> memref<1x1x128xi32, #tpu.memory_space<vmem>>
      %dma_start3A_236 = tpu.memref_squeeze %dma_start3A_235 : memref<1x1x128xi32, #tpu.memory_space<vmem>> -> memref<128xi32, #tpu.memory_space<vmem>>
      %dma_start3A_237 = arith.constant 0 : i32
      %dma_start3A_238 = tpu.memref_slice %arg16[%dma_start3A_237] : memref<100096xf32, #tpu.memory_space<vmem_shared>> -> memref<100096xf32, #tpu.memory_space<vmem_shared>>
      tpu.enqueue_indirect_dma source(%arg13 : memref<128xf32, #tpu.memory_space<vmem>>) target(%dma_start3A_238 : memref<100096xf32, #tpu.memory_space<vmem_shared>>) offsets(%dma_start3A_236 : memref<128xi32, #tpu.memory_space<vmem>>) semaphore(%arg18 : memref<!tpu.dma_semaphore, #tpu.memory_space<semaphore_mem>>) {add = true}
      %dma_start3A_239 = arith.constant 5 : i32
      %dma_start3A_240 = arith.constant 640 : i32
      %dma_start3A_241 = arith.constant 0 : i32
      %dma_start3A_242 = tpu.memref_slice %arg11[%rem3A_65, %dma_start3A_240, %dma_start3A_241] : memref<2x2048x8xf32, #tpu.memory_space<vmem>> -> memref<1x128x8xf32, #tpu.memory_space<vmem>>
      %dma_start3A_243 = tpu.memref_squeeze %dma_start3A_242 : memref<1x128x8xf32, #tpu.memory_space<vmem>> -> memref<128x8xf32, #tpu.memory_space<vmem>>
      %dma_start3A_244 = arith.constant 0 : i32
      %dma_start3A_245 = tpu.memref_slice %arg10[%rem3A_65, %dma_start3A_239, %dma_start3A_244] : memref<2x16x128xi32, #tpu.memory_space<vmem>> -> memref<1x1x128xi32, #tpu.memory_space<vmem>>
      %dma_start3A_246 = tpu.memref_squeeze %dma_start3A_245 : memref<1x1x128xi32, #tpu.memory_space<vmem>> -> memref<128xi32, #tpu.memory_space<vmem>>
      %dma_start3A_247 = arith.constant 0 : i32
      %dma_start3A_248 = arith.constant 0 : i32
      %dma_start3A_249 = tpu.memref_slice %arg14[%dma_start3A_247, %dma_start3A_248] : memref<100096x8xf32, #tpu.memory_space<vmem_shared>> -> memref<100096x8xf32, #tpu.memory_space<vmem_shared>>
      tpu.enqueue_indirect_dma source(%dma_start3A_243 : memref<128x8xf32, #tpu.memory_space<vmem>>) target(%dma_start3A_249 : memref<100096x8xf32, #tpu.memory_space<vmem_shared>>) offsets(%dma_start3A_246 : memref<128xi32, #tpu.memory_space<vmem>>) semaphore(%arg18 : memref<!tpu.dma_semaphore, #tpu.memory_space<semaphore_mem>>) {add = true}
      %dma_start3A_250 = arith.constant 5 : i32
      %dma_start3A_251 = arith.constant 640 : i32
      %dma_start3A_252 = tpu.memref_slice %arg12[%rem3A_65, %dma_start3A_251] : memref<2x2048xf32, #tpu.memory_space<vmem>> -> memref<1x128xf32, #tpu.memory_space<vmem>>
      %dma_start3A_253 = tpu.memref_squeeze %dma_start3A_252 : memref<1x128xf32, #tpu.memory_space<vmem>> -> memref<128xf32, #tpu.memory_space<vmem>>
      %dma_start3A_254 = arith.constant 0 : i32
      %dma_start3A_255 = tpu.memref_slice %arg10[%rem3A_65, %dma_start3A_250, %dma_start3A_254] : memref<2x16x128xi32, #tpu.memory_space<vmem>> -> memref<1x1x128xi32, #tpu.memory_space<vmem>>
      %dma_start3A_256 = tpu.memref_squeeze %dma_start3A_255 : memref<1x1x128xi32, #tpu.memory_space<vmem>> -> memref<128xi32, #tpu.memory_space<vmem>>
      %dma_start3A_257 = arith.constant 0 : i32
      %dma_start3A_258 = tpu.memref_slice %arg15[%dma_start3A_257] : memref<100096xf32, #tpu.memory_space<vmem_shared>> -> memref<100096xf32, #tpu.memory_space<vmem_shared>>
      tpu.enqueue_indirect_dma source(%dma_start3A_253 : memref<128xf32, #tpu.memory_space<vmem>>) target(%dma_start3A_258 : memref<100096xf32, #tpu.memory_space<vmem_shared>>) offsets(%dma_start3A_256 : memref<128xi32, #tpu.memory_space<vmem>>) semaphore(%arg18 : memref<!tpu.dma_semaphore, #tpu.memory_space<semaphore_mem>>) {add = true}
      %dma_start3A_259 = arith.constant 5 : i32
      %dma_start3A_260 = arith.constant 0 : i32
      %dma_start3A_261 = tpu.memref_slice %arg10[%rem3A_65, %dma_start3A_259, %dma_start3A_260] : memref<2x16x128xi32, #tpu.memory_space<vmem>> -> memref<1x1x128xi32, #tpu.memory_space<vmem>>
      %dma_start3A_262 = tpu.memref_squeeze %dma_start3A_261 : memref<1x1x128xi32, #tpu.memory_space<vmem>> -> memref<128xi32, #tpu.memory_space<vmem>>
      %dma_start3A_263 = arith.constant 0 : i32
      %dma_start3A_264 = tpu.memref_slice %arg16[%dma_start3A_263] : memref<100096xf32, #tpu.memory_space<vmem_shared>> -> memref<100096xf32, #tpu.memory_space<vmem_shared>>
      tpu.enqueue_indirect_dma source(%arg13 : memref<128xf32, #tpu.memory_space<vmem>>) target(%dma_start3A_264 : memref<100096xf32, #tpu.memory_space<vmem_shared>>) offsets(%dma_start3A_262 : memref<128xi32, #tpu.memory_space<vmem>>) semaphore(%arg18 : memref<!tpu.dma_semaphore, #tpu.memory_space<semaphore_mem>>) {add = true}
      %dma_start3A_265 = arith.constant 6 : i32
      %dma_start3A_266 = arith.constant 768 : i32
      %dma_start3A_267 = arith.constant 0 : i32
      %dma_start3A_268 = tpu.memref_slice %arg11[%rem3A_65, %dma_start3A_266, %dma_start3A_267] : memref<2x2048x8xf32, #tpu.memory_space<vmem>> -> memref<1x128x8xf32, #tpu.memory_space<vmem>>
      %dma_start3A_269 = tpu.memref_squeeze %dma_start3A_268 : memref<1x128x8xf32, #tpu.memory_space<vmem>> -> memref<128x8xf32, #tpu.memory_space<vmem>>
      %dma_start3A_270 = arith.constant 0 : i32
      %dma_start3A_271 = tpu.memref_slice %arg10[%rem3A_65, %dma_start3A_265, %dma_start3A_270] : memref<2x16x128xi32, #tpu.memory_space<vmem>> -> memref<1x1x128xi32, #tpu.memory_space<vmem>>
      %dma_start3A_272 = tpu.memref_squeeze %dma_start3A_271 : memref<1x1x128xi32, #tpu.memory_space<vmem>> -> memref<128xi32, #tpu.memory_space<vmem>>
      %dma_start3A_273 = arith.constant 0 : i32
      %dma_start3A_274 = arith.constant 0 : i32
      %dma_start3A_275 = tpu.memref_slice %arg14[%dma_start3A_273, %dma_start3A_274] : memref<100096x8xf32, #tpu.memory_space<vmem_shared>> -> memref<100096x8xf32, #tpu.memory_space<vmem_shared>>
      tpu.enqueue_indirect_dma source(%dma_start3A_269 : memref<128x8xf32, #tpu.memory_space<vmem>>) target(%dma_start3A_275 : memref<100096x8xf32, #tpu.memory_space<vmem_shared>>) offsets(%dma_start3A_272 : memref<128xi32, #tpu.memory_space<vmem>>) semaphore(%arg18 : memref<!tpu.dma_semaphore, #tpu.memory_space<semaphore_mem>>) {add = true}
      %dma_start3A_276 = arith.constant 6 : i32
      %dma_start3A_277 = arith.constant 768 : i32
      %dma_start3A_278 = tpu.memref_slice %arg12[%rem3A_65, %dma_start3A_277] : memref<2x2048xf32, #tpu.memory_space<vmem>> -> memref<1x128xf32, #tpu.memory_space<vmem>>
      %dma_start3A_279 = tpu.memref_squeeze %dma_start3A_278 : memref<1x128xf32, #tpu.memory_space<vmem>> -> memref<128xf32, #tpu.memory_space<vmem>>
      %dma_start3A_280 = arith.constant 0 : i32
      %dma_start3A_281 = tpu.memref_slice %arg10[%rem3A_65, %dma_start3A_276, %dma_start3A_280] : memref<2x16x128xi32, #tpu.memory_space<vmem>> -> memref<1x1x128xi32, #tpu.memory_space<vmem>>
      %dma_start3A_282 = tpu.memref_squeeze %dma_start3A_281 : memref<1x1x128xi32, #tpu.memory_space<vmem>> -> memref<128xi32, #tpu.memory_space<vmem>>
      %dma_start3A_283 = arith.constant 0 : i32
      %dma_start3A_284 = tpu.memref_slice %arg15[%dma_start3A_283] : memref<100096xf32, #tpu.memory_space<vmem_shared>> -> memref<100096xf32, #tpu.memory_space<vmem_shared>>
      tpu.enqueue_indirect_dma source(%dma_start3A_279 : memref<128xf32, #tpu.memory_space<vmem>>) target(%dma_start3A_284 : memref<100096xf32, #tpu.memory_space<vmem_shared>>) offsets(%dma_start3A_282 : memref<128xi32, #tpu.memory_space<vmem>>) semaphore(%arg18 : memref<!tpu.dma_semaphore, #tpu.memory_space<semaphore_mem>>) {add = true}
      %dma_start3A_285 = arith.constant 6 : i32
      %dma_start3A_286 = arith.constant 0 : i32
      %dma_start3A_287 = tpu.memref_slice %arg10[%rem3A_65, %dma_start3A_285, %dma_start3A_286] : memref<2x16x128xi32, #tpu.memory_space<vmem>> -> memref<1x1x128xi32, #tpu.memory_space<vmem>>
      %dma_start3A_288 = tpu.memref_squeeze %dma_start3A_287 : memref<1x1x128xi32, #tpu.memory_space<vmem>> -> memref<128xi32, #tpu.memory_space<vmem>>
      %dma_start3A_289 = arith.constant 0 : i32
      %dma_start3A_290 = tpu.memref_slice %arg16[%dma_start3A_289] : memref<100096xf32, #tpu.memory_space<vmem_shared>> -> memref<100096xf32, #tpu.memory_space<vmem_shared>>
      tpu.enqueue_indirect_dma source(%arg13 : memref<128xf32, #tpu.memory_space<vmem>>) target(%dma_start3A_290 : memref<100096xf32, #tpu.memory_space<vmem_shared>>) offsets(%dma_start3A_288 : memref<128xi32, #tpu.memory_space<vmem>>) semaphore(%arg18 : memref<!tpu.dma_semaphore, #tpu.memory_space<semaphore_mem>>) {add = true}
      %dma_start3A_291 = arith.constant 7 : i32
      %dma_start3A_292 = arith.constant 896 : i32
      %dma_start3A_293 = arith.constant 0 : i32
      %dma_start3A_294 = tpu.memref_slice %arg11[%rem3A_65, %dma_start3A_292, %dma_start3A_293] : memref<2x2048x8xf32, #tpu.memory_space<vmem>> -> memref<1x128x8xf32, #tpu.memory_space<vmem>>
      %dma_start3A_295 = tpu.memref_squeeze %dma_start3A_294 : memref<1x128x8xf32, #tpu.memory_space<vmem>> -> memref<128x8xf32, #tpu.memory_space<vmem>>
      %dma_start3A_296 = arith.constant 0 : i32
      %dma_start3A_297 = tpu.memref_slice %arg10[%rem3A_65, %dma_start3A_291, %dma_start3A_296] : memref<2x16x128xi32, #tpu.memory_space<vmem>> -> memref<1x1x128xi32, #tpu.memory_space<vmem>>
      %dma_start3A_298 = tpu.memref_squeeze %dma_start3A_297 : memref<1x1x128xi32, #tpu.memory_space<vmem>> -> memref<128xi32, #tpu.memory_space<vmem>>
      %dma_start3A_299 = arith.constant 0 : i32
      %dma_start3A_300 = arith.constant 0 : i32
      %dma_start3A_301 = tpu.memref_slice %arg14[%dma_start3A_299, %dma_start3A_300] : memref<100096x8xf32, #tpu.memory_space<vmem_shared>> -> memref<100096x8xf32, #tpu.memory_space<vmem_shared>>
      tpu.enqueue_indirect_dma source(%dma_start3A_295 : memref<128x8xf32, #tpu.memory_space<vmem>>) target(%dma_start3A_301 : memref<100096x8xf32, #tpu.memory_space<vmem_shared>>) offsets(%dma_start3A_298 : memref<128xi32, #tpu.memory_space<vmem>>) semaphore(%arg18 : memref<!tpu.dma_semaphore, #tpu.memory_space<semaphore_mem>>) {add = true}
      %dma_start3A_302 = arith.constant 7 : i32
      %dma_start3A_303 = arith.constant 896 : i32
      %dma_start3A_304 = tpu.memref_slice %arg12[%rem3A_65, %dma_start3A_303] : memref<2x2048xf32, #tpu.memory_space<vmem>> -> memref<1x128xf32, #tpu.memory_space<vmem>>
      %dma_start3A_305 = tpu.memref_squeeze %dma_start3A_304 : memref<1x128xf32, #tpu.memory_space<vmem>> -> memref<128xf32, #tpu.memory_space<vmem>>
      %dma_start3A_306 = arith.constant 0 : i32
      %dma_start3A_307 = tpu.memref_slice %arg10[%rem3A_65, %dma_start3A_302, %dma_start3A_306] : memref<2x16x128xi32, #tpu.memory_space<vmem>> -> memref<1x1x128xi32, #tpu.memory_space<vmem>>
      %dma_start3A_308 = tpu.memref_squeeze %dma_start3A_307 : memref<1x1x128xi32, #tpu.memory_space<vmem>> -> memref<128xi32, #tpu.memory_space<vmem>>
      %dma_start3A_309 = arith.constant 0 : i32
      %dma_start3A_310 = tpu.memref_slice %arg15[%dma_start3A_309] : memref<100096xf32, #tpu.memory_space<vmem_shared>> -> memref<100096xf32, #tpu.memory_space<vmem_shared>>
      tpu.enqueue_indirect_dma source(%dma_start3A_305 : memref<128xf32, #tpu.memory_space<vmem>>) target(%dma_start3A_310 : memref<100096xf32, #tpu.memory_space<vmem_shared>>) offsets(%dma_start3A_308 : memref<128xi32, #tpu.memory_space<vmem>>) semaphore(%arg18 : memref<!tpu.dma_semaphore, #tpu.memory_space<semaphore_mem>>) {add = true}
      %dma_start3A_311 = arith.constant 7 : i32
      %dma_start3A_312 = arith.constant 0 : i32
      %dma_start3A_313 = tpu.memref_slice %arg10[%rem3A_65, %dma_start3A_311, %dma_start3A_312] : memref<2x16x128xi32, #tpu.memory_space<vmem>> -> memref<1x1x128xi32, #tpu.memory_space<vmem>>
      %dma_start3A_314 = tpu.memref_squeeze %dma_start3A_313 : memref<1x1x128xi32, #tpu.memory_space<vmem>> -> memref<128xi32, #tpu.memory_space<vmem>>
      %dma_start3A_315 = arith.constant 0 : i32
      %dma_start3A_316 = tpu.memref_slice %arg16[%dma_start3A_315] : memref<100096xf32, #tpu.memory_space<vmem_shared>> -> memref<100096xf32, #tpu.memory_space<vmem_shared>>
      tpu.enqueue_indirect_dma source(%arg13 : memref<128xf32, #tpu.memory_space<vmem>>) target(%dma_start3A_316 : memref<100096xf32, #tpu.memory_space<vmem_shared>>) offsets(%dma_start3A_314 : memref<128xi32, #tpu.memory_space<vmem>>) semaphore(%arg18 : memref<!tpu.dma_semaphore, #tpu.memory_space<semaphore_mem>>) {add = true}
      %dma_start3A_317 = arith.constant 8 : i32
      %dma_start3A_318 = arith.constant 1024 : i32
      %dma_start3A_319 = arith.constant 0 : i32
      %dma_start3A_320 = tpu.memref_slice %arg11[%rem3A_65, %dma_start3A_318, %dma_start3A_319] : memref<2x2048x8xf32, #tpu.memory_space<vmem>> -> memref<1x128x8xf32, #tpu.memory_space<vmem>>
      %dma_start3A_321 = tpu.memref_squeeze %dma_start3A_320 : memref<1x128x8xf32, #tpu.memory_space<vmem>> -> memref<128x8xf32, #tpu.memory_space<vmem>>
      %dma_start3A_322 = arith.constant 0 : i32
      %dma_start3A_323 = tpu.memref_slice %arg10[%rem3A_65, %dma_start3A_317, %dma_start3A_322] : memref<2x16x128xi32, #tpu.memory_space<vmem>> -> memref<1x1x128xi32, #tpu.memory_space<vmem>>
      %dma_start3A_324 = tpu.memref_squeeze %dma_start3A_323 : memref<1x1x128xi32, #tpu.memory_space<vmem>> -> memref<128xi32, #tpu.memory_space<vmem>>
      %dma_start3A_325 = arith.constant 0 : i32
      %dma_start3A_326 = arith.constant 0 : i32
      %dma_start3A_327 = tpu.memref_slice %arg14[%dma_start3A_325, %dma_start3A_326] : memref<100096x8xf32, #tpu.memory_space<vmem_shared>> -> memref<100096x8xf32, #tpu.memory_space<vmem_shared>>
      tpu.enqueue_indirect_dma source(%dma_start3A_321 : memref<128x8xf32, #tpu.memory_space<vmem>>) target(%dma_start3A_327 : memref<100096x8xf32, #tpu.memory_space<vmem_shared>>) offsets(%dma_start3A_324 : memref<128xi32, #tpu.memory_space<vmem>>) semaphore(%arg18 : memref<!tpu.dma_semaphore, #tpu.memory_space<semaphore_mem>>) {add = true}
      %dma_start3A_328 = arith.constant 8 : i32
      %dma_start3A_329 = arith.constant 1024 : i32
      %dma_start3A_330 = tpu.memref_slice %arg12[%rem3A_65, %dma_start3A_329] : memref<2x2048xf32, #tpu.memory_space<vmem>> -> memref<1x128xf32, #tpu.memory_space<vmem>>
      %dma_start3A_331 = tpu.memref_squeeze %dma_start3A_330 : memref<1x128xf32, #tpu.memory_space<vmem>> -> memref<128xf32, #tpu.memory_space<vmem>>
      %dma_start3A_332 = arith.constant 0 : i32
      %dma_start3A_333 = tpu.memref_slice %arg10[%rem3A_65, %dma_start3A_328, %dma_start3A_332] : memref<2x16x128xi32, #tpu.memory_space<vmem>> -> memref<1x1x128xi32, #tpu.memory_space<vmem>>
      %dma_start3A_334 = tpu.memref_squeeze %dma_start3A_333 : memref<1x1x128xi32, #tpu.memory_space<vmem>> -> memref<128xi32, #tpu.memory_space<vmem>>
      %dma_start3A_335 = arith.constant 0 : i32
      %dma_start3A_336 = tpu.memref_slice %arg15[%dma_start3A_335] : memref<100096xf32, #tpu.memory_space<vmem_shared>> -> memref<100096xf32, #tpu.memory_space<vmem_shared>>
      tpu.enqueue_indirect_dma source(%dma_start3A_331 : memref<128xf32, #tpu.memory_space<vmem>>) target(%dma_start3A_336 : memref<100096xf32, #tpu.memory_space<vmem_shared>>) offsets(%dma_start3A_334 : memref<128xi32, #tpu.memory_space<vmem>>) semaphore(%arg18 : memref<!tpu.dma_semaphore, #tpu.memory_space<semaphore_mem>>) {add = true}
      %dma_start3A_337 = arith.constant 8 : i32
      %dma_start3A_338 = arith.constant 0 : i32
      %dma_start3A_339 = tpu.memref_slice %arg10[%rem3A_65, %dma_start3A_337, %dma_start3A_338] : memref<2x16x128xi32, #tpu.memory_space<vmem>> -> memref<1x1x128xi32, #tpu.memory_space<vmem>>
      %dma_start3A_340 = tpu.memref_squeeze %dma_start3A_339 : memref<1x1x128xi32, #tpu.memory_space<vmem>> -> memref<128xi32, #tpu.memory_space<vmem>>
      %dma_start3A_341 = arith.constant 0 : i32
      %dma_start3A_342 = tpu.memref_slice %arg16[%dma_start3A_341] : memref<100096xf32, #tpu.memory_space<vmem_shared>> -> memref<100096xf32, #tpu.memory_space<vmem_shared>>
      tpu.enqueue_indirect_dma source(%arg13 : memref<128xf32, #tpu.memory_space<vmem>>) target(%dma_start3A_342 : memref<100096xf32, #tpu.memory_space<vmem_shared>>) offsets(%dma_start3A_340 : memref<128xi32, #tpu.memory_space<vmem>>) semaphore(%arg18 : memref<!tpu.dma_semaphore, #tpu.memory_space<semaphore_mem>>) {add = true}
      %dma_start3A_343 = arith.constant 9 : i32
      %dma_start3A_344 = arith.constant 1152 : i32
      %dma_start3A_345 = arith.constant 0 : i32
      %dma_start3A_346 = tpu.memref_slice %arg11[%rem3A_65, %dma_start3A_344, %dma_start3A_345] : memref<2x2048x8xf32, #tpu.memory_space<vmem>> -> memref<1x128x8xf32, #tpu.memory_space<vmem>>
      %dma_start3A_347 = tpu.memref_squeeze %dma_start3A_346 : memref<1x128x8xf32, #tpu.memory_space<vmem>> -> memref<128x8xf32, #tpu.memory_space<vmem>>
      %dma_start3A_348 = arith.constant 0 : i32
      %dma_start3A_349 = tpu.memref_slice %arg10[%rem3A_65, %dma_start3A_343, %dma_start3A_348] : memref<2x16x128xi32, #tpu.memory_space<vmem>> -> memref<1x1x128xi32, #tpu.memory_space<vmem>>
      %dma_start3A_350 = tpu.memref_squeeze %dma_start3A_349 : memref<1x1x128xi32, #tpu.memory_space<vmem>> -> memref<128xi32, #tpu.memory_space<vmem>>
      %dma_start3A_351 = arith.constant 0 : i32
      %dma_start3A_352 = arith.constant 0 : i32
      %dma_start3A_353 = tpu.memref_slice %arg14[%dma_start3A_351, %dma_start3A_352] : memref<100096x8xf32, #tpu.memory_space<vmem_shared>> -> memref<100096x8xf32, #tpu.memory_space<vmem_shared>>
      tpu.enqueue_indirect_dma source(%dma_start3A_347 : memref<128x8xf32, #tpu.memory_space<vmem>>) target(%dma_start3A_353 : memref<100096x8xf32, #tpu.memory_space<vmem_shared>>) offsets(%dma_start3A_350 : memref<128xi32, #tpu.memory_space<vmem>>) semaphore(%arg18 : memref<!tpu.dma_semaphore, #tpu.memory_space<semaphore_mem>>) {add = true}
      %dma_start3A_354 = arith.constant 9 : i32
      %dma_start3A_355 = arith.constant 1152 : i32
      %dma_start3A_356 = tpu.memref_slice %arg12[%rem3A_65, %dma_start3A_355] : memref<2x2048xf32, #tpu.memory_space<vmem>> -> memref<1x128xf32, #tpu.memory_space<vmem>>
      %dma_start3A_357 = tpu.memref_squeeze %dma_start3A_356 : memref<1x128xf32, #tpu.memory_space<vmem>> -> memref<128xf32, #tpu.memory_space<vmem>>
      %dma_start3A_358 = arith.constant 0 : i32
      %dma_start3A_359 = tpu.memref_slice %arg10[%rem3A_65, %dma_start3A_354, %dma_start3A_358] : memref<2x16x128xi32, #tpu.memory_space<vmem>> -> memref<1x1x128xi32, #tpu.memory_space<vmem>>
      %dma_start3A_360 = tpu.memref_squeeze %dma_start3A_359 : memref<1x1x128xi32, #tpu.memory_space<vmem>> -> memref<128xi32, #tpu.memory_space<vmem>>
      %dma_start3A_361 = arith.constant 0 : i32
      %dma_start3A_362 = tpu.memref_slice %arg15[%dma_start3A_361] : memref<100096xf32, #tpu.memory_space<vmem_shared>> -> memref<100096xf32, #tpu.memory_space<vmem_shared>>
      tpu.enqueue_indirect_dma source(%dma_start3A_357 : memref<128xf32, #tpu.memory_space<vmem>>) target(%dma_start3A_362 : memref<100096xf32, #tpu.memory_space<vmem_shared>>) offsets(%dma_start3A_360 : memref<128xi32, #tpu.memory_space<vmem>>) semaphore(%arg18 : memref<!tpu.dma_semaphore, #tpu.memory_space<semaphore_mem>>) {add = true}
      %dma_start3A_363 = arith.constant 9 : i32
      %dma_start3A_364 = arith.constant 0 : i32
      %dma_start3A_365 = tpu.memref_slice %arg10[%rem3A_65, %dma_start3A_363, %dma_start3A_364] : memref<2x16x128xi32, #tpu.memory_space<vmem>> -> memref<1x1x128xi32, #tpu.memory_space<vmem>>
      %dma_start3A_366 = tpu.memref_squeeze %dma_start3A_365 : memref<1x1x128xi32, #tpu.memory_space<vmem>> -> memref<128xi32, #tpu.memory_space<vmem>>
      %dma_start3A_367 = arith.constant 0 : i32
      %dma_start3A_368 = tpu.memref_slice %arg16[%dma_start3A_367] : memref<100096xf32, #tpu.memory_space<vmem_shared>> -> memref<100096xf32, #tpu.memory_space<vmem_shared>>
      tpu.enqueue_indirect_dma source(%arg13 : memref<128xf32, #tpu.memory_space<vmem>>) target(%dma_start3A_368 : memref<100096xf32, #tpu.memory_space<vmem_shared>>) offsets(%dma_start3A_366 : memref<128xi32, #tpu.memory_space<vmem>>) semaphore(%arg18 : memref<!tpu.dma_semaphore, #tpu.memory_space<semaphore_mem>>) {add = true}
      %dma_start3A_369 = arith.constant 10 : i32
      %dma_start3A_370 = arith.constant 1280 : i32
      %dma_start3A_371 = arith.constant 0 : i32
      %dma_start3A_372 = tpu.memref_slice %arg11[%rem3A_65, %dma_start3A_370, %dma_start3A_371] : memref<2x2048x8xf32, #tpu.memory_space<vmem>> -> memref<1x128x8xf32, #tpu.memory_space<vmem>>
      %dma_start3A_373 = tpu.memref_squeeze %dma_start3A_372 : memref<1x128x8xf32, #tpu.memory_space<vmem>> -> memref<128x8xf32, #tpu.memory_space<vmem>>
      %dma_start3A_374 = arith.constant 0 : i32
      %dma_start3A_375 = tpu.memref_slice %arg10[%rem3A_65, %dma_start3A_369, %dma_start3A_374] : memref<2x16x128xi32, #tpu.memory_space<vmem>> -> memref<1x1x128xi32, #tpu.memory_space<vmem>>
      %dma_start3A_376 = tpu.memref_squeeze %dma_start3A_375 : memref<1x1x128xi32, #tpu.memory_space<vmem>> -> memref<128xi32, #tpu.memory_space<vmem>>
      %dma_start3A_377 = arith.constant 0 : i32
      %dma_start3A_378 = arith.constant 0 : i32
      %dma_start3A_379 = tpu.memref_slice %arg14[%dma_start3A_377, %dma_start3A_378] : memref<100096x8xf32, #tpu.memory_space<vmem_shared>> -> memref<100096x8xf32, #tpu.memory_space<vmem_shared>>
      tpu.enqueue_indirect_dma source(%dma_start3A_373 : memref<128x8xf32, #tpu.memory_space<vmem>>) target(%dma_start3A_379 : memref<100096x8xf32, #tpu.memory_space<vmem_shared>>) offsets(%dma_start3A_376 : memref<128xi32, #tpu.memory_space<vmem>>) semaphore(%arg18 : memref<!tpu.dma_semaphore, #tpu.memory_space<semaphore_mem>>) {add = true}
      %dma_start3A_380 = arith.constant 10 : i32
      %dma_start3A_381 = arith.constant 1280 : i32
      %dma_start3A_382 = tpu.memref_slice %arg12[%rem3A_65, %dma_start3A_381] : memref<2x2048xf32, #tpu.memory_space<vmem>> -> memref<1x128xf32, #tpu.memory_space<vmem>>
      %dma_start3A_383 = tpu.memref_squeeze %dma_start3A_382 : memref<1x128xf32, #tpu.memory_space<vmem>> -> memref<128xf32, #tpu.memory_space<vmem>>
      %dma_start3A_384 = arith.constant 0 : i32
      %dma_start3A_385 = tpu.memref_slice %arg10[%rem3A_65, %dma_start3A_380, %dma_start3A_384] : memref<2x16x128xi32, #tpu.memory_space<vmem>> -> memref<1x1x128xi32, #tpu.memory_space<vmem>>
      %dma_start3A_386 = tpu.memref_squeeze %dma_start3A_385 : memref<1x1x128xi32, #tpu.memory_space<vmem>> -> memref<128xi32, #tpu.memory_space<vmem>>
      %dma_start3A_387 = arith.constant 0 : i32
      %dma_start3A_388 = tpu.memref_slice %arg15[%dma_start3A_387] : memref<100096xf32, #tpu.memory_space<vmem_shared>> -> memref<100096xf32, #tpu.memory_space<vmem_shared>>
      tpu.enqueue_indirect_dma source(%dma_start3A_383 : memref<128xf32, #tpu.memory_space<vmem>>) target(%dma_start3A_388 : memref<100096xf32, #tpu.memory_space<vmem_shared>>) offsets(%dma_start3A_386 : memref<128xi32, #tpu.memory_space<vmem>>) semaphore(%arg18 : memref<!tpu.dma_semaphore, #tpu.memory_space<semaphore_mem>>) {add = true}
      %dma_start3A_389 = arith.constant 10 : i32
      %dma_start3A_390 = arith.constant 0 : i32
      %dma_start3A_391 = tpu.memref_slice %arg10[%rem3A_65, %dma_start3A_389, %dma_start3A_390] : memref<2x16x128xi32, #tpu.memory_space<vmem>> -> memref<1x1x128xi32, #tpu.memory_space<vmem>>
      %dma_start3A_392 = tpu.memref_squeeze %dma_start3A_391 : memref<1x1x128xi32, #tpu.memory_space<vmem>> -> memref<128xi32, #tpu.memory_space<vmem>>
      %dma_start3A_393 = arith.constant 0 : i32
      %dma_start3A_394 = tpu.memref_slice %arg16[%dma_start3A_393] : memref<100096xf32, #tpu.memory_space<vmem_shared>> -> memref<100096xf32, #tpu.memory_space<vmem_shared>>
      tpu.enqueue_indirect_dma source(%arg13 : memref<128xf32, #tpu.memory_space<vmem>>) target(%dma_start3A_394 : memref<100096xf32, #tpu.memory_space<vmem_shared>>) offsets(%dma_start3A_392 : memref<128xi32, #tpu.memory_space<vmem>>) semaphore(%arg18 : memref<!tpu.dma_semaphore, #tpu.memory_space<semaphore_mem>>) {add = true}
      %dma_start3A_395 = arith.constant 11 : i32
      %dma_start3A_396 = arith.constant 1408 : i32
      %dma_start3A_397 = arith.constant 0 : i32
      %dma_start3A_398 = tpu.memref_slice %arg11[%rem3A_65, %dma_start3A_396, %dma_start3A_397] : memref<2x2048x8xf32, #tpu.memory_space<vmem>> -> memref<1x128x8xf32, #tpu.memory_space<vmem>>
      %dma_start3A_399 = tpu.memref_squeeze %dma_start3A_398 : memref<1x128x8xf32, #tpu.memory_space<vmem>> -> memref<128x8xf32, #tpu.memory_space<vmem>>
      %dma_start3A_400 = arith.constant 0 : i32
      %dma_start3A_401 = tpu.memref_slice %arg10[%rem3A_65, %dma_start3A_395, %dma_start3A_400] : memref<2x16x128xi32, #tpu.memory_space<vmem>> -> memref<1x1x128xi32, #tpu.memory_space<vmem>>
      %dma_start3A_402 = tpu.memref_squeeze %dma_start3A_401 : memref<1x1x128xi32, #tpu.memory_space<vmem>> -> memref<128xi32, #tpu.memory_space<vmem>>
      %dma_start3A_403 = arith.constant 0 : i32
      %dma_start3A_404 = arith.constant 0 : i32
      %dma_start3A_405 = tpu.memref_slice %arg14[%dma_start3A_403, %dma_start3A_404] : memref<100096x8xf32, #tpu.memory_space<vmem_shared>> -> memref<100096x8xf32, #tpu.memory_space<vmem_shared>>
      tpu.enqueue_indirect_dma source(%dma_start3A_399 : memref<128x8xf32, #tpu.memory_space<vmem>>) target(%dma_start3A_405 : memref<100096x8xf32, #tpu.memory_space<vmem_shared>>) offsets(%dma_start3A_402 : memref<128xi32, #tpu.memory_space<vmem>>) semaphore(%arg18 : memref<!tpu.dma_semaphore, #tpu.memory_space<semaphore_mem>>) {add = true}
      %dma_start3A_406 = arith.constant 11 : i32
      %dma_start3A_407 = arith.constant 1408 : i32
      %dma_start3A_408 = tpu.memref_slice %arg12[%rem3A_65, %dma_start3A_407] : memref<2x2048xf32, #tpu.memory_space<vmem>> -> memref<1x128xf32, #tpu.memory_space<vmem>>
      %dma_start3A_409 = tpu.memref_squeeze %dma_start3A_408 : memref<1x128xf32, #tpu.memory_space<vmem>> -> memref<128xf32, #tpu.memory_space<vmem>>
      %dma_start3A_410 = arith.constant 0 : i32
      %dma_start3A_411 = tpu.memref_slice %arg10[%rem3A_65, %dma_start3A_406, %dma_start3A_410] : memref<2x16x128xi32, #tpu.memory_space<vmem>> -> memref<1x1x128xi32, #tpu.memory_space<vmem>>
      %dma_start3A_412 = tpu.memref_squeeze %dma_start3A_411 : memref<1x1x128xi32, #tpu.memory_space<vmem>> -> memref<128xi32, #tpu.memory_space<vmem>>
      %dma_start3A_413 = arith.constant 0 : i32
      %dma_start3A_414 = tpu.memref_slice %arg15[%dma_start3A_413] : memref<100096xf32, #tpu.memory_space<vmem_shared>> -> memref<100096xf32, #tpu.memory_space<vmem_shared>>
      tpu.enqueue_indirect_dma source(%dma_start3A_409 : memref<128xf32, #tpu.memory_space<vmem>>) target(%dma_start3A_414 : memref<100096xf32, #tpu.memory_space<vmem_shared>>) offsets(%dma_start3A_412 : memref<128xi32, #tpu.memory_space<vmem>>) semaphore(%arg18 : memref<!tpu.dma_semaphore, #tpu.memory_space<semaphore_mem>>) {add = true}
      %dma_start3A_415 = arith.constant 11 : i32
      %dma_start3A_416 = arith.constant 0 : i32
      %dma_start3A_417 = tpu.memref_slice %arg10[%rem3A_65, %dma_start3A_415, %dma_start3A_416] : memref<2x16x128xi32, #tpu.memory_space<vmem>> -> memref<1x1x128xi32, #tpu.memory_space<vmem>>
      %dma_start3A_418 = tpu.memref_squeeze %dma_start3A_417 : memref<1x1x128xi32, #tpu.memory_space<vmem>> -> memref<128xi32, #tpu.memory_space<vmem>>
      %dma_start3A_419 = arith.constant 0 : i32
      %dma_start3A_420 = tpu.memref_slice %arg16[%dma_start3A_419] : memref<100096xf32, #tpu.memory_space<vmem_shared>> -> memref<100096xf32, #tpu.memory_space<vmem_shared>>
      tpu.enqueue_indirect_dma source(%arg13 : memref<128xf32, #tpu.memory_space<vmem>>) target(%dma_start3A_420 : memref<100096xf32, #tpu.memory_space<vmem_shared>>) offsets(%dma_start3A_418 : memref<128xi32, #tpu.memory_space<vmem>>) semaphore(%arg18 : memref<!tpu.dma_semaphore, #tpu.memory_space<semaphore_mem>>) {add = true}
      %dma_start3A_421 = arith.constant 12 : i32
      %dma_start3A_422 = arith.constant 1536 : i32
      %dma_start3A_423 = arith.constant 0 : i32
      %dma_start3A_424 = tpu.memref_slice %arg11[%rem3A_65, %dma_start3A_422, %dma_start3A_423] : memref<2x2048x8xf32, #tpu.memory_space<vmem>> -> memref<1x128x8xf32, #tpu.memory_space<vmem>>
      %dma_start3A_425 = tpu.memref_squeeze %dma_start3A_424 : memref<1x128x8xf32, #tpu.memory_space<vmem>> -> memref<128x8xf32, #tpu.memory_space<vmem>>
      %dma_start3A_426 = arith.constant 0 : i32
      %dma_start3A_427 = tpu.memref_slice %arg10[%rem3A_65, %dma_start3A_421, %dma_start3A_426] : memref<2x16x128xi32, #tpu.memory_space<vmem>> -> memref<1x1x128xi32, #tpu.memory_space<vmem>>
      %dma_start3A_428 = tpu.memref_squeeze %dma_start3A_427 : memref<1x1x128xi32, #tpu.memory_space<vmem>> -> memref<128xi32, #tpu.memory_space<vmem>>
      %dma_start3A_429 = arith.constant 0 : i32
      %dma_start3A_430 = arith.constant 0 : i32
      %dma_start3A_431 = tpu.memref_slice %arg14[%dma_start3A_429, %dma_start3A_430] : memref<100096x8xf32, #tpu.memory_space<vmem_shared>> -> memref<100096x8xf32, #tpu.memory_space<vmem_shared>>
      tpu.enqueue_indirect_dma source(%dma_start3A_425 : memref<128x8xf32, #tpu.memory_space<vmem>>) target(%dma_start3A_431 : memref<100096x8xf32, #tpu.memory_space<vmem_shared>>) offsets(%dma_start3A_428 : memref<128xi32, #tpu.memory_space<vmem>>) semaphore(%arg18 : memref<!tpu.dma_semaphore, #tpu.memory_space<semaphore_mem>>) {add = true}
      %dma_start3A_432 = arith.constant 12 : i32
      %dma_start3A_433 = arith.constant 1536 : i32
      %dma_start3A_434 = tpu.memref_slice %arg12[%rem3A_65, %dma_start3A_433] : memref<2x2048xf32, #tpu.memory_space<vmem>> -> memref<1x128xf32, #tpu.memory_space<vmem>>
      %dma_start3A_435 = tpu.memref_squeeze %dma_start3A_434 : memref<1x128xf32, #tpu.memory_space<vmem>> -> memref<128xf32, #tpu.memory_space<vmem>>
      %dma_start3A_436 = arith.constant 0 : i32
      %dma_start3A_437 = tpu.memref_slice %arg10[%rem3A_65, %dma_start3A_432, %dma_start3A_436] : memref<2x16x128xi32, #tpu.memory_space<vmem>> -> memref<1x1x128xi32, #tpu.memory_space<vmem>>
      %dma_start3A_438 = tpu.memref_squeeze %dma_start3A_437 : memref<1x1x128xi32, #tpu.memory_space<vmem>> -> memref<128xi32, #tpu.memory_space<vmem>>
      %dma_start3A_439 = arith.constant 0 : i32
      %dma_start3A_440 = tpu.memref_slice %arg15[%dma_start3A_439] : memref<100096xf32, #tpu.memory_space<vmem_shared>> -> memref<100096xf32, #tpu.memory_space<vmem_shared>>
      tpu.enqueue_indirect_dma source(%dma_start3A_435 : memref<128xf32, #tpu.memory_space<vmem>>) target(%dma_start3A_440 : memref<100096xf32, #tpu.memory_space<vmem_shared>>) offsets(%dma_start3A_438 : memref<128xi32, #tpu.memory_space<vmem>>) semaphore(%arg18 : memref<!tpu.dma_semaphore, #tpu.memory_space<semaphore_mem>>) {add = true}
      %dma_start3A_441 = arith.constant 12 : i32
      %dma_start3A_442 = arith.constant 0 : i32
      %dma_start3A_443 = tpu.memref_slice %arg10[%rem3A_65, %dma_start3A_441, %dma_start3A_442] : memref<2x16x128xi32, #tpu.memory_space<vmem>> -> memref<1x1x128xi32, #tpu.memory_space<vmem>>
      %dma_start3A_444 = tpu.memref_squeeze %dma_start3A_443 : memref<1x1x128xi32, #tpu.memory_space<vmem>> -> memref<128xi32, #tpu.memory_space<vmem>>
      %dma_start3A_445 = arith.constant 0 : i32
      %dma_start3A_446 = tpu.memref_slice %arg16[%dma_start3A_445] : memref<100096xf32, #tpu.memory_space<vmem_shared>> -> memref<100096xf32, #tpu.memory_space<vmem_shared>>
      tpu.enqueue_indirect_dma source(%arg13 : memref<128xf32, #tpu.memory_space<vmem>>) target(%dma_start3A_446 : memref<100096xf32, #tpu.memory_space<vmem_shared>>) offsets(%dma_start3A_444 : memref<128xi32, #tpu.memory_space<vmem>>) semaphore(%arg18 : memref<!tpu.dma_semaphore, #tpu.memory_space<semaphore_mem>>) {add = true}
      %dma_start3A_447 = arith.constant 13 : i32
      %dma_start3A_448 = arith.constant 1664 : i32
      %dma_start3A_449 = arith.constant 0 : i32
      %dma_start3A_450 = tpu.memref_slice %arg11[%rem3A_65, %dma_start3A_448, %dma_start3A_449] : memref<2x2048x8xf32, #tpu.memory_space<vmem>> -> memref<1x128x8xf32, #tpu.memory_space<vmem>>
      %dma_start3A_451 = tpu.memref_squeeze %dma_start3A_450 : memref<1x128x8xf32, #tpu.memory_space<vmem>> -> memref<128x8xf32, #tpu.memory_space<vmem>>
      %dma_start3A_452 = arith.constant 0 : i32
      %dma_start3A_453 = tpu.memref_slice %arg10[%rem3A_65, %dma_start3A_447, %dma_start3A_452] : memref<2x16x128xi32, #tpu.memory_space<vmem>> -> memref<1x1x128xi32, #tpu.memory_space<vmem>>
      %dma_start3A_454 = tpu.memref_squeeze %dma_start3A_453 : memref<1x1x128xi32, #tpu.memory_space<vmem>> -> memref<128xi32, #tpu.memory_space<vmem>>
      %dma_start3A_455 = arith.constant 0 : i32
      %dma_start3A_456 = arith.constant 0 : i32
      %dma_start3A_457 = tpu.memref_slice %arg14[%dma_start3A_455, %dma_start3A_456] : memref<100096x8xf32, #tpu.memory_space<vmem_shared>> -> memref<100096x8xf32, #tpu.memory_space<vmem_shared>>
      tpu.enqueue_indirect_dma source(%dma_start3A_451 : memref<128x8xf32, #tpu.memory_space<vmem>>) target(%dma_start3A_457 : memref<100096x8xf32, #tpu.memory_space<vmem_shared>>) offsets(%dma_start3A_454 : memref<128xi32, #tpu.memory_space<vmem>>) semaphore(%arg18 : memref<!tpu.dma_semaphore, #tpu.memory_space<semaphore_mem>>) {add = true}
      %dma_start3A_458 = arith.constant 13 : i32
      %dma_start3A_459 = arith.constant 1664 : i32
      %dma_start3A_460 = tpu.memref_slice %arg12[%rem3A_65, %dma_start3A_459] : memref<2x2048xf32, #tpu.memory_space<vmem>> -> memref<1x128xf32, #tpu.memory_space<vmem>>
      %dma_start3A_461 = tpu.memref_squeeze %dma_start3A_460 : memref<1x128xf32, #tpu.memory_space<vmem>> -> memref<128xf32, #tpu.memory_space<vmem>>
      %dma_start3A_462 = arith.constant 0 : i32
      %dma_start3A_463 = tpu.memref_slice %arg10[%rem3A_65, %dma_start3A_458, %dma_start3A_462] : memref<2x16x128xi32, #tpu.memory_space<vmem>> -> memref<1x1x128xi32, #tpu.memory_space<vmem>>
      %dma_start3A_464 = tpu.memref_squeeze %dma_start3A_463 : memref<1x1x128xi32, #tpu.memory_space<vmem>> -> memref<128xi32, #tpu.memory_space<vmem>>
      %dma_start3A_465 = arith.constant 0 : i32
      %dma_start3A_466 = tpu.memref_slice %arg15[%dma_start3A_465] : memref<100096xf32, #tpu.memory_space<vmem_shared>> -> memref<100096xf32, #tpu.memory_space<vmem_shared>>
      tpu.enqueue_indirect_dma source(%dma_start3A_461 : memref<128xf32, #tpu.memory_space<vmem>>) target(%dma_start3A_466 : memref<100096xf32, #tpu.memory_space<vmem_shared>>) offsets(%dma_start3A_464 : memref<128xi32, #tpu.memory_space<vmem>>) semaphore(%arg18 : memref<!tpu.dma_semaphore, #tpu.memory_space<semaphore_mem>>) {add = true}
      %dma_start3A_467 = arith.constant 13 : i32
      %dma_start3A_468 = arith.constant 0 : i32
      %dma_start3A_469 = tpu.memref_slice %arg10[%rem3A_65, %dma_start3A_467, %dma_start3A_468] : memref<2x16x128xi32, #tpu.memory_space<vmem>> -> memref<1x1x128xi32, #tpu.memory_space<vmem>>
      %dma_start3A_470 = tpu.memref_squeeze %dma_start3A_469 : memref<1x1x128xi32, #tpu.memory_space<vmem>> -> memref<128xi32, #tpu.memory_space<vmem>>
      %dma_start3A_471 = arith.constant 0 : i32
      %dma_start3A_472 = tpu.memref_slice %arg16[%dma_start3A_471] : memref<100096xf32, #tpu.memory_space<vmem_shared>> -> memref<100096xf32, #tpu.memory_space<vmem_shared>>
      tpu.enqueue_indirect_dma source(%arg13 : memref<128xf32, #tpu.memory_space<vmem>>) target(%dma_start3A_472 : memref<100096xf32, #tpu.memory_space<vmem_shared>>) offsets(%dma_start3A_470 : memref<128xi32, #tpu.memory_space<vmem>>) semaphore(%arg18 : memref<!tpu.dma_semaphore, #tpu.memory_space<semaphore_mem>>) {add = true}
      %dma_start3A_473 = arith.constant 14 : i32
      %dma_start3A_474 = arith.constant 1792 : i32
      %dma_start3A_475 = arith.constant 0 : i32
      %dma_start3A_476 = tpu.memref_slice %arg11[%rem3A_65, %dma_start3A_474, %dma_start3A_475] : memref<2x2048x8xf32, #tpu.memory_space<vmem>> -> memref<1x128x8xf32, #tpu.memory_space<vmem>>
      %dma_start3A_477 = tpu.memref_squeeze %dma_start3A_476 : memref<1x128x8xf32, #tpu.memory_space<vmem>> -> memref<128x8xf32, #tpu.memory_space<vmem>>
      %dma_start3A_478 = arith.constant 0 : i32
      %dma_start3A_479 = tpu.memref_slice %arg10[%rem3A_65, %dma_start3A_473, %dma_start3A_478] : memref<2x16x128xi32, #tpu.memory_space<vmem>> -> memref<1x1x128xi32, #tpu.memory_space<vmem>>
      %dma_start3A_480 = tpu.memref_squeeze %dma_start3A_479 : memref<1x1x128xi32, #tpu.memory_space<vmem>> -> memref<128xi32, #tpu.memory_space<vmem>>
      %dma_start3A_481 = arith.constant 0 : i32
      %dma_start3A_482 = arith.constant 0 : i32
      %dma_start3A_483 = tpu.memref_slice %arg14[%dma_start3A_481, %dma_start3A_482] : memref<100096x8xf32, #tpu.memory_space<vmem_shared>> -> memref<100096x8xf32, #tpu.memory_space<vmem_shared>>
      tpu.enqueue_indirect_dma source(%dma_start3A_477 : memref<128x8xf32, #tpu.memory_space<vmem>>) target(%dma_start3A_483 : memref<100096x8xf32, #tpu.memory_space<vmem_shared>>) offsets(%dma_start3A_480 : memref<128xi32, #tpu.memory_space<vmem>>) semaphore(%arg18 : memref<!tpu.dma_semaphore, #tpu.memory_space<semaphore_mem>>) {add = true}
      %dma_start3A_484 = arith.constant 14 : i32
      %dma_start3A_485 = arith.constant 1792 : i32
      %dma_start3A_486 = tpu.memref_slice %arg12[%rem3A_65, %dma_start3A_485] : memref<2x2048xf32, #tpu.memory_space<vmem>> -> memref<1x128xf32, #tpu.memory_space<vmem>>
      %dma_start3A_487 = tpu.memref_squeeze %dma_start3A_486 : memref<1x128xf32, #tpu.memory_space<vmem>> -> memref<128xf32, #tpu.memory_space<vmem>>
      %dma_start3A_488 = arith.constant 0 : i32
      %dma_start3A_489 = tpu.memref_slice %arg10[%rem3A_65, %dma_start3A_484, %dma_start3A_488] : memref<2x16x128xi32, #tpu.memory_space<vmem>> -> memref<1x1x128xi32, #tpu.memory_space<vmem>>
      %dma_start3A_490 = tpu.memref_squeeze %dma_start3A_489 : memref<1x1x128xi32, #tpu.memory_space<vmem>> -> memref<128xi32, #tpu.memory_space<vmem>>
      %dma_start3A_491 = arith.constant 0 : i32
      %dma_start3A_492 = tpu.memref_slice %arg15[%dma_start3A_491] : memref<100096xf32, #tpu.memory_space<vmem_shared>> -> memref<100096xf32, #tpu.memory_space<vmem_shared>>
      tpu.enqueue_indirect_dma source(%dma_start3A_487 : memref<128xf32, #tpu.memory_space<vmem>>) target(%dma_start3A_492 : memref<100096xf32, #tpu.memory_space<vmem_shared>>) offsets(%dma_start3A_490 : memref<128xi32, #tpu.memory_space<vmem>>) semaphore(%arg18 : memref<!tpu.dma_semaphore, #tpu.memory_space<semaphore_mem>>) {add = true}
      %dma_start3A_493 = arith.constant 14 : i32
      %dma_start3A_494 = arith.constant 0 : i32
      %dma_start3A_495 = tpu.memref_slice %arg10[%rem3A_65, %dma_start3A_493, %dma_start3A_494] : memref<2x16x128xi32, #tpu.memory_space<vmem>> -> memref<1x1x128xi32, #tpu.memory_space<vmem>>
      %dma_start3A_496 = tpu.memref_squeeze %dma_start3A_495 : memref<1x1x128xi32, #tpu.memory_space<vmem>> -> memref<128xi32, #tpu.memory_space<vmem>>
      %dma_start3A_497 = arith.constant 0 : i32
      %dma_start3A_498 = tpu.memref_slice %arg16[%dma_start3A_497] : memref<100096xf32, #tpu.memory_space<vmem_shared>> -> memref<100096xf32, #tpu.memory_space<vmem_shared>>
      tpu.enqueue_indirect_dma source(%arg13 : memref<128xf32, #tpu.memory_space<vmem>>) target(%dma_start3A_498 : memref<100096xf32, #tpu.memory_space<vmem_shared>>) offsets(%dma_start3A_496 : memref<128xi32, #tpu.memory_space<vmem>>) semaphore(%arg18 : memref<!tpu.dma_semaphore, #tpu.memory_space<semaphore_mem>>) {add = true}
      %dma_start3A_499 = arith.constant 15 : i32
      %dma_start3A_500 = arith.constant 1920 : i32
      %dma_start3A_501 = arith.constant 0 : i32
      %dma_start3A_502 = tpu.memref_slice %arg11[%rem3A_65, %dma_start3A_500, %dma_start3A_501] : memref<2x2048x8xf32, #tpu.memory_space<vmem>> -> memref<1x128x8xf32, #tpu.memory_space<vmem>>
      %dma_start3A_503 = tpu.memref_squeeze %dma_start3A_502 : memref<1x128x8xf32, #tpu.memory_space<vmem>> -> memref<128x8xf32, #tpu.memory_space<vmem>>
      %dma_start3A_504 = arith.constant 0 : i32
      %dma_start3A_505 = tpu.memref_slice %arg10[%rem3A_65, %dma_start3A_499, %dma_start3A_504] : memref<2x16x128xi32, #tpu.memory_space<vmem>> -> memref<1x1x128xi32, #tpu.memory_space<vmem>>
      %dma_start3A_506 = tpu.memref_squeeze %dma_start3A_505 : memref<1x1x128xi32, #tpu.memory_space<vmem>> -> memref<128xi32, #tpu.memory_space<vmem>>
      %dma_start3A_507 = arith.constant 0 : i32
      %dma_start3A_508 = arith.constant 0 : i32
      %dma_start3A_509 = tpu.memref_slice %arg14[%dma_start3A_507, %dma_start3A_508] : memref<100096x8xf32, #tpu.memory_space<vmem_shared>> -> memref<100096x8xf32, #tpu.memory_space<vmem_shared>>
      tpu.enqueue_indirect_dma source(%dma_start3A_503 : memref<128x8xf32, #tpu.memory_space<vmem>>) target(%dma_start3A_509 : memref<100096x8xf32, #tpu.memory_space<vmem_shared>>) offsets(%dma_start3A_506 : memref<128xi32, #tpu.memory_space<vmem>>) semaphore(%arg18 : memref<!tpu.dma_semaphore, #tpu.memory_space<semaphore_mem>>) {add = true}
      %dma_start3A_510 = arith.constant 15 : i32
      %dma_start3A_511 = arith.constant 1920 : i32
      %dma_start3A_512 = tpu.memref_slice %arg12[%rem3A_65, %dma_start3A_511] : memref<2x2048xf32, #tpu.memory_space<vmem>> -> memref<1x128xf32, #tpu.memory_space<vmem>>
      %dma_start3A_513 = tpu.memref_squeeze %dma_start3A_512 : memref<1x128xf32, #tpu.memory_space<vmem>> -> memref<128xf32, #tpu.memory_space<vmem>>
      %dma_start3A_514 = arith.constant 0 : i32
      %dma_start3A_515 = tpu.memref_slice %arg10[%rem3A_65, %dma_start3A_510, %dma_start3A_514] : memref<2x16x128xi32, #tpu.memory_space<vmem>> -> memref<1x1x128xi32, #tpu.memory_space<vmem>>
      %dma_start3A_516 = tpu.memref_squeeze %dma_start3A_515 : memref<1x1x128xi32, #tpu.memory_space<vmem>> -> memref<128xi32, #tpu.memory_space<vmem>>
      %dma_start3A_517 = arith.constant 0 : i32
      %dma_start3A_518 = tpu.memref_slice %arg15[%dma_start3A_517] : memref<100096xf32, #tpu.memory_space<vmem_shared>> -> memref<100096xf32, #tpu.memory_space<vmem_shared>>
      tpu.enqueue_indirect_dma source(%dma_start3A_513 : memref<128xf32, #tpu.memory_space<vmem>>) target(%dma_start3A_518 : memref<100096xf32, #tpu.memory_space<vmem_shared>>) offsets(%dma_start3A_516 : memref<128xi32, #tpu.memory_space<vmem>>) semaphore(%arg18 : memref<!tpu.dma_semaphore, #tpu.memory_space<semaphore_mem>>) {add = true}
      %dma_start3A_519 = arith.constant 15 : i32
      %dma_start3A_520 = arith.constant 0 : i32
      %dma_start3A_521 = tpu.memref_slice %arg10[%rem3A_65, %dma_start3A_519, %dma_start3A_520] : memref<2x16x128xi32, #tpu.memory_space<vmem>> -> memref<1x1x128xi32, #tpu.memory_space<vmem>>
      %dma_start3A_522 = tpu.memref_squeeze %dma_start3A_521 : memref<1x1x128xi32, #tpu.memory_space<vmem>> -> memref<128xi32, #tpu.memory_space<vmem>>
      %dma_start3A_523 = arith.constant 0 : i32
      %dma_start3A_524 = tpu.memref_slice %arg16[%dma_start3A_523] : memref<100096xf32, #tpu.memory_space<vmem_shared>> -> memref<100096xf32, #tpu.memory_space<vmem_shared>>
      tpu.enqueue_indirect_dma source(%arg13 : memref<128xf32, #tpu.memory_space<vmem>>) target(%dma_start3A_524 : memref<100096xf32, #tpu.memory_space<vmem_shared>>) offsets(%dma_start3A_522 : memref<128xi32, #tpu.memory_space<vmem>>) semaphore(%arg18 : memref<!tpu.dma_semaphore, #tpu.memory_space<semaphore_mem>>) {add = true}
      %dma_wait3A_525 = arith.constant 0 : i32
      %dma_wait3A_526 = arith.constant 0 : i32
      %dma_wait3A_527 = arith.constant 0 : i32
      %dma_wait3A_528 = tpu.memref_slice %arg11[%rem3A_65, %dma_wait3A_526, %dma_wait3A_527] : memref<2x2048x8xf32, #tpu.memory_space<vmem>> -> memref<1x128x8xf32, #tpu.memory_space<vmem>>
      %dma_wait3A_529 = tpu.memref_squeeze %dma_wait3A_528 : memref<1x128x8xf32, #tpu.memory_space<vmem>> -> memref<128x8xf32, #tpu.memory_space<vmem>>
      %dma_wait3A_530 = arith.constant 0 : i32
      %dma_wait3A_531 = tpu.memref_slice %arg10[%rem3A_65, %dma_wait3A_525, %dma_wait3A_530] : memref<2x16x128xi32, #tpu.memory_space<vmem>> -> memref<1x1x128xi32, #tpu.memory_space<vmem>>
      %dma_wait3A_532 = tpu.memref_squeeze %dma_wait3A_531 : memref<1x1x128xi32, #tpu.memory_space<vmem>> -> memref<128xi32, #tpu.memory_space<vmem>>
      %dma_wait3A_533 = arith.constant 0 : i32
      %dma_wait3A_534 = arith.constant 0 : i32
      %dma_wait3A_535 = tpu.memref_slice %arg14[%dma_wait3A_533, %dma_wait3A_534] : memref<100096x8xf32, #tpu.memory_space<vmem_shared>> -> memref<100096x8xf32, #tpu.memory_space<vmem_shared>>
      tpu.wait_indirect_dma semaphore(%arg18 : memref<!tpu.dma_semaphore, #tpu.memory_space<semaphore_mem>>) src(%dma_wait3A_529 : memref<128x8xf32, #tpu.memory_space<vmem>>) dst(%dma_wait3A_535 : memref<100096x8xf32, #tpu.memory_space<vmem_shared>>)
      %dma_wait3A_536 = arith.constant 0 : i32
      %dma_wait3A_537 = arith.constant 0 : i32
      %dma_wait3A_538 = tpu.memref_slice %arg12[%rem3A_65, %dma_wait3A_537] : memref<2x2048xf32, #tpu.memory_space<vmem>> -> memref<1x128xf32, #tpu.memory_space<vmem>>
      %dma_wait3A_539 = tpu.memref_squeeze %dma_wait3A_538 : memref<1x128xf32, #tpu.memory_space<vmem>> -> memref<128xf32, #tpu.memory_space<vmem>>
      %dma_wait3A_540 = arith.constant 0 : i32
      %dma_wait3A_541 = tpu.memref_slice %arg10[%rem3A_65, %dma_wait3A_536, %dma_wait3A_540] : memref<2x16x128xi32, #tpu.memory_space<vmem>> -> memref<1x1x128xi32, #tpu.memory_space<vmem>>
      %dma_wait3A_542 = tpu.memref_squeeze %dma_wait3A_541 : memref<1x1x128xi32, #tpu.memory_space<vmem>> -> memref<128xi32, #tpu.memory_space<vmem>>
      %dma_wait3A_543 = arith.constant 0 : i32
      %dma_wait3A_544 = tpu.memref_slice %arg15[%dma_wait3A_543] : memref<100096xf32, #tpu.memory_space<vmem_shared>> -> memref<100096xf32, #tpu.memory_space<vmem_shared>>
      tpu.wait_indirect_dma semaphore(%arg18 : memref<!tpu.dma_semaphore, #tpu.memory_space<semaphore_mem>>) src(%dma_wait3A_539 : memref<128xf32, #tpu.memory_space<vmem>>) dst(%dma_wait3A_544 : memref<100096xf32, #tpu.memory_space<vmem_shared>>)
      %dma_wait3A_545 = arith.constant 0 : i32
      %dma_wait3A_546 = arith.constant 0 : i32
      %dma_wait3A_547 = tpu.memref_slice %arg10[%rem3A_65, %dma_wait3A_545, %dma_wait3A_546] : memref<2x16x128xi32, #tpu.memory_space<vmem>> -> memref<1x1x128xi32, #tpu.memory_space<vmem>>
      %dma_wait3A_548 = tpu.memref_squeeze %dma_wait3A_547 : memref<1x1x128xi32, #tpu.memory_space<vmem>> -> memref<128xi32, #tpu.memory_space<vmem>>
      %dma_wait3A_549 = arith.constant 0 : i32
      %dma_wait3A_550 = tpu.memref_slice %arg16[%dma_wait3A_549] : memref<100096xf32, #tpu.memory_space<vmem_shared>> -> memref<100096xf32, #tpu.memory_space<vmem_shared>>
      tpu.wait_indirect_dma semaphore(%arg18 : memref<!tpu.dma_semaphore, #tpu.memory_space<semaphore_mem>>) src(%arg13 : memref<128xf32, #tpu.memory_space<vmem>>) dst(%dma_wait3A_550 : memref<100096xf32, #tpu.memory_space<vmem_shared>>)
      %dma_wait3A_551 = arith.constant 1 : i32
      %dma_wait3A_552 = arith.constant 128 : i32
      %dma_wait3A_553 = arith.constant 0 : i32
      %dma_wait3A_554 = tpu.memref_slice %arg11[%rem3A_65, %dma_wait3A_552, %dma_wait3A_553] : memref<2x2048x8xf32, #tpu.memory_space<vmem>> -> memref<1x128x8xf32, #tpu.memory_space<vmem>>
      %dma_wait3A_555 = tpu.memref_squeeze %dma_wait3A_554 : memref<1x128x8xf32, #tpu.memory_space<vmem>> -> memref<128x8xf32, #tpu.memory_space<vmem>>
      %dma_wait3A_556 = arith.constant 0 : i32
      %dma_wait3A_557 = tpu.memref_slice %arg10[%rem3A_65, %dma_wait3A_551, %dma_wait3A_556] : memref<2x16x128xi32, #tpu.memory_space<vmem>> -> memref<1x1x128xi32, #tpu.memory_space<vmem>>
      %dma_wait3A_558 = tpu.memref_squeeze %dma_wait3A_557 : memref<1x1x128xi32, #tpu.memory_space<vmem>> -> memref<128xi32, #tpu.memory_space<vmem>>
      %dma_wait3A_559 = arith.constant 0 : i32
      %dma_wait3A_560 = arith.constant 0 : i32
      %dma_wait3A_561 = tpu.memref_slice %arg14[%dma_wait3A_559, %dma_wait3A_560] : memref<100096x8xf32, #tpu.memory_space<vmem_shared>> -> memref<100096x8xf32, #tpu.memory_space<vmem_shared>>
      tpu.wait_indirect_dma semaphore(%arg18 : memref<!tpu.dma_semaphore, #tpu.memory_space<semaphore_mem>>) src(%dma_wait3A_555 : memref<128x8xf32, #tpu.memory_space<vmem>>) dst(%dma_wait3A_561 : memref<100096x8xf32, #tpu.memory_space<vmem_shared>>)
      %dma_wait3A_562 = arith.constant 1 : i32
      %dma_wait3A_563 = arith.constant 128 : i32
      %dma_wait3A_564 = tpu.memref_slice %arg12[%rem3A_65, %dma_wait3A_563] : memref<2x2048xf32, #tpu.memory_space<vmem>> -> memref<1x128xf32, #tpu.memory_space<vmem>>
      %dma_wait3A_565 = tpu.memref_squeeze %dma_wait3A_564 : memref<1x128xf32, #tpu.memory_space<vmem>> -> memref<128xf32, #tpu.memory_space<vmem>>
      %dma_wait3A_566 = arith.constant 0 : i32
      %dma_wait3A_567 = tpu.memref_slice %arg10[%rem3A_65, %dma_wait3A_562, %dma_wait3A_566] : memref<2x16x128xi32, #tpu.memory_space<vmem>> -> memref<1x1x128xi32, #tpu.memory_space<vmem>>
      %dma_wait3A_568 = tpu.memref_squeeze %dma_wait3A_567 : memref<1x1x128xi32, #tpu.memory_space<vmem>> -> memref<128xi32, #tpu.memory_space<vmem>>
      %dma_wait3A_569 = arith.constant 0 : i32
      %dma_wait3A_570 = tpu.memref_slice %arg15[%dma_wait3A_569] : memref<100096xf32, #tpu.memory_space<vmem_shared>> -> memref<100096xf32, #tpu.memory_space<vmem_shared>>
      tpu.wait_indirect_dma semaphore(%arg18 : memref<!tpu.dma_semaphore, #tpu.memory_space<semaphore_mem>>) src(%dma_wait3A_565 : memref<128xf32, #tpu.memory_space<vmem>>) dst(%dma_wait3A_570 : memref<100096xf32, #tpu.memory_space<vmem_shared>>)
      %dma_wait3A_571 = arith.constant 1 : i32
      %dma_wait3A_572 = arith.constant 0 : i32
      %dma_wait3A_573 = tpu.memref_slice %arg10[%rem3A_65, %dma_wait3A_571, %dma_wait3A_572] : memref<2x16x128xi32, #tpu.memory_space<vmem>> -> memref<1x1x128xi32, #tpu.memory_space<vmem>>
      %dma_wait3A_574 = tpu.memref_squeeze %dma_wait3A_573 : memref<1x1x128xi32, #tpu.memory_space<vmem>> -> memref<128xi32, #tpu.memory_space<vmem>>
      %dma_wait3A_575 = arith.constant 0 : i32
      %dma_wait3A_576 = tpu.memref_slice %arg16[%dma_wait3A_575] : memref<100096xf32, #tpu.memory_space<vmem_shared>> -> memref<100096xf32, #tpu.memory_space<vmem_shared>>
      tpu.wait_indirect_dma semaphore(%arg18 : memref<!tpu.dma_semaphore, #tpu.memory_space<semaphore_mem>>) src(%arg13 : memref<128xf32, #tpu.memory_space<vmem>>) dst(%dma_wait3A_576 : memref<100096xf32, #tpu.memory_space<vmem_shared>>)
      %dma_wait3A_577 = arith.constant 2 : i32
      %dma_wait3A_578 = arith.constant 256 : i32
      %dma_wait3A_579 = arith.constant 0 : i32
      %dma_wait3A_580 = tpu.memref_slice %arg11[%rem3A_65, %dma_wait3A_578, %dma_wait3A_579] : memref<2x2048x8xf32, #tpu.memory_space<vmem>> -> memref<1x128x8xf32, #tpu.memory_space<vmem>>
      %dma_wait3A_581 = tpu.memref_squeeze %dma_wait3A_580 : memref<1x128x8xf32, #tpu.memory_space<vmem>> -> memref<128x8xf32, #tpu.memory_space<vmem>>
      %dma_wait3A_582 = arith.constant 0 : i32
      %dma_wait3A_583 = tpu.memref_slice %arg10[%rem3A_65, %dma_wait3A_577, %dma_wait3A_582] : memref<2x16x128xi32, #tpu.memory_space<vmem>> -> memref<1x1x128xi32, #tpu.memory_space<vmem>>
      %dma_wait3A_584 = tpu.memref_squeeze %dma_wait3A_583 : memref<1x1x128xi32, #tpu.memory_space<vmem>> -> memref<128xi32, #tpu.memory_space<vmem>>
      %dma_wait3A_585 = arith.constant 0 : i32
      %dma_wait3A_586 = arith.constant 0 : i32
      %dma_wait3A_587 = tpu.memref_slice %arg14[%dma_wait3A_585, %dma_wait3A_586] : memref<100096x8xf32, #tpu.memory_space<vmem_shared>> -> memref<100096x8xf32, #tpu.memory_space<vmem_shared>>
      tpu.wait_indirect_dma semaphore(%arg18 : memref<!tpu.dma_semaphore, #tpu.memory_space<semaphore_mem>>) src(%dma_wait3A_581 : memref<128x8xf32, #tpu.memory_space<vmem>>) dst(%dma_wait3A_587 : memref<100096x8xf32, #tpu.memory_space<vmem_shared>>)
      %dma_wait3A_588 = arith.constant 2 : i32
      %dma_wait3A_589 = arith.constant 256 : i32
      %dma_wait3A_590 = tpu.memref_slice %arg12[%rem3A_65, %dma_wait3A_589] : memref<2x2048xf32, #tpu.memory_space<vmem>> -> memref<1x128xf32, #tpu.memory_space<vmem>>
      %dma_wait3A_591 = tpu.memref_squeeze %dma_wait3A_590 : memref<1x128xf32, #tpu.memory_space<vmem>> -> memref<128xf32, #tpu.memory_space<vmem>>
      %dma_wait3A_592 = arith.constant 0 : i32
      %dma_wait3A_593 = tpu.memref_slice %arg10[%rem3A_65, %dma_wait3A_588, %dma_wait3A_592] : memref<2x16x128xi32, #tpu.memory_space<vmem>> -> memref<1x1x128xi32, #tpu.memory_space<vmem>>
      %dma_wait3A_594 = tpu.memref_squeeze %dma_wait3A_593 : memref<1x1x128xi32, #tpu.memory_space<vmem>> -> memref<128xi32, #tpu.memory_space<vmem>>
      %dma_wait3A_595 = arith.constant 0 : i32
      %dma_wait3A_596 = tpu.memref_slice %arg15[%dma_wait3A_595] : memref<100096xf32, #tpu.memory_space<vmem_shared>> -> memref<100096xf32, #tpu.memory_space<vmem_shared>>
      tpu.wait_indirect_dma semaphore(%arg18 : memref<!tpu.dma_semaphore, #tpu.memory_space<semaphore_mem>>) src(%dma_wait3A_591 : memref<128xf32, #tpu.memory_space<vmem>>) dst(%dma_wait3A_596 : memref<100096xf32, #tpu.memory_space<vmem_shared>>)
      %dma_wait3A_597 = arith.constant 2 : i32
      %dma_wait3A_598 = arith.constant 0 : i32
      %dma_wait3A_599 = tpu.memref_slice %arg10[%rem3A_65, %dma_wait3A_597, %dma_wait3A_598] : memref<2x16x128xi32, #tpu.memory_space<vmem>> -> memref<1x1x128xi32, #tpu.memory_space<vmem>>
      %dma_wait3A_600 = tpu.memref_squeeze %dma_wait3A_599 : memref<1x1x128xi32, #tpu.memory_space<vmem>> -> memref<128xi32, #tpu.memory_space<vmem>>
      %dma_wait3A_601 = arith.constant 0 : i32
      %dma_wait3A_602 = tpu.memref_slice %arg16[%dma_wait3A_601] : memref<100096xf32, #tpu.memory_space<vmem_shared>> -> memref<100096xf32, #tpu.memory_space<vmem_shared>>
      tpu.wait_indirect_dma semaphore(%arg18 : memref<!tpu.dma_semaphore, #tpu.memory_space<semaphore_mem>>) src(%arg13 : memref<128xf32, #tpu.memory_space<vmem>>) dst(%dma_wait3A_602 : memref<100096xf32, #tpu.memory_space<vmem_shared>>)
      %dma_wait3A_603 = arith.constant 3 : i32
      %dma_wait3A_604 = arith.constant 384 : i32
      %dma_wait3A_605 = arith.constant 0 : i32
      %dma_wait3A_606 = tpu.memref_slice %arg11[%rem3A_65, %dma_wait3A_604, %dma_wait3A_605] : memref<2x2048x8xf32, #tpu.memory_space<vmem>> -> memref<1x128x8xf32, #tpu.memory_space<vmem>>
      %dma_wait3A_607 = tpu.memref_squeeze %dma_wait3A_606 : memref<1x128x8xf32, #tpu.memory_space<vmem>> -> memref<128x8xf32, #tpu.memory_space<vmem>>
      %dma_wait3A_608 = arith.constant 0 : i32
      %dma_wait3A_609 = tpu.memref_slice %arg10[%rem3A_65, %dma_wait3A_603, %dma_wait3A_608] : memref<2x16x128xi32, #tpu.memory_space<vmem>> -> memref<1x1x128xi32, #tpu.memory_space<vmem>>
      %dma_wait3A_610 = tpu.memref_squeeze %dma_wait3A_609 : memref<1x1x128xi32, #tpu.memory_space<vmem>> -> memref<128xi32, #tpu.memory_space<vmem>>
      %dma_wait3A_611 = arith.constant 0 : i32
      %dma_wait3A_612 = arith.constant 0 : i32
      %dma_wait3A_613 = tpu.memref_slice %arg14[%dma_wait3A_611, %dma_wait3A_612] : memref<100096x8xf32, #tpu.memory_space<vmem_shared>> -> memref<100096x8xf32, #tpu.memory_space<vmem_shared>>
      tpu.wait_indirect_dma semaphore(%arg18 : memref<!tpu.dma_semaphore, #tpu.memory_space<semaphore_mem>>) src(%dma_wait3A_607 : memref<128x8xf32, #tpu.memory_space<vmem>>) dst(%dma_wait3A_613 : memref<100096x8xf32, #tpu.memory_space<vmem_shared>>)
      %dma_wait3A_614 = arith.constant 3 : i32
      %dma_wait3A_615 = arith.constant 384 : i32
      %dma_wait3A_616 = tpu.memref_slice %arg12[%rem3A_65, %dma_wait3A_615] : memref<2x2048xf32, #tpu.memory_space<vmem>> -> memref<1x128xf32, #tpu.memory_space<vmem>>
      %dma_wait3A_617 = tpu.memref_squeeze %dma_wait3A_616 : memref<1x128xf32, #tpu.memory_space<vmem>> -> memref<128xf32, #tpu.memory_space<vmem>>
      %dma_wait3A_618 = arith.constant 0 : i32
      %dma_wait3A_619 = tpu.memref_slice %arg10[%rem3A_65, %dma_wait3A_614, %dma_wait3A_618] : memref<2x16x128xi32, #tpu.memory_space<vmem>> -> memref<1x1x128xi32, #tpu.memory_space<vmem>>
      %dma_wait3A_620 = tpu.memref_squeeze %dma_wait3A_619 : memref<1x1x128xi32, #tpu.memory_space<vmem>> -> memref<128xi32, #tpu.memory_space<vmem>>
      %dma_wait3A_621 = arith.constant 0 : i32
      %dma_wait3A_622 = tpu.memref_slice %arg15[%dma_wait3A_621] : memref<100096xf32, #tpu.memory_space<vmem_shared>> -> memref<100096xf32, #tpu.memory_space<vmem_shared>>
      tpu.wait_indirect_dma semaphore(%arg18 : memref<!tpu.dma_semaphore, #tpu.memory_space<semaphore_mem>>) src(%dma_wait3A_617 : memref<128xf32, #tpu.memory_space<vmem>>) dst(%dma_wait3A_622 : memref<100096xf32, #tpu.memory_space<vmem_shared>>)
      %dma_wait3A_623 = arith.constant 3 : i32
      %dma_wait3A_624 = arith.constant 0 : i32
      %dma_wait3A_625 = tpu.memref_slice %arg10[%rem3A_65, %dma_wait3A_623, %dma_wait3A_624] : memref<2x16x128xi32, #tpu.memory_space<vmem>> -> memref<1x1x128xi32, #tpu.memory_space<vmem>>
      %dma_wait3A_626 = tpu.memref_squeeze %dma_wait3A_625 : memref<1x1x128xi32, #tpu.memory_space<vmem>> -> memref<128xi32, #tpu.memory_space<vmem>>
      %dma_wait3A_627 = arith.constant 0 : i32
      %dma_wait3A_628 = tpu.memref_slice %arg16[%dma_wait3A_627] : memref<100096xf32, #tpu.memory_space<vmem_shared>> -> memref<100096xf32, #tpu.memory_space<vmem_shared>>
      tpu.wait_indirect_dma semaphore(%arg18 : memref<!tpu.dma_semaphore, #tpu.memory_space<semaphore_mem>>) src(%arg13 : memref<128xf32, #tpu.memory_space<vmem>>) dst(%dma_wait3A_628 : memref<100096xf32, #tpu.memory_space<vmem_shared>>)
      %dma_wait3A_629 = arith.constant 4 : i32
      %dma_wait3A_630 = arith.constant 512 : i32
      %dma_wait3A_631 = arith.constant 0 : i32
      %dma_wait3A_632 = tpu.memref_slice %arg11[%rem3A_65, %dma_wait3A_630, %dma_wait3A_631] : memref<2x2048x8xf32, #tpu.memory_space<vmem>> -> memref<1x128x8xf32, #tpu.memory_space<vmem>>
      %dma_wait3A_633 = tpu.memref_squeeze %dma_wait3A_632 : memref<1x128x8xf32, #tpu.memory_space<vmem>> -> memref<128x8xf32, #tpu.memory_space<vmem>>
      %dma_wait3A_634 = arith.constant 0 : i32
      %dma_wait3A_635 = tpu.memref_slice %arg10[%rem3A_65, %dma_wait3A_629, %dma_wait3A_634] : memref<2x16x128xi32, #tpu.memory_space<vmem>> -> memref<1x1x128xi32, #tpu.memory_space<vmem>>
      %dma_wait3A_636 = tpu.memref_squeeze %dma_wait3A_635 : memref<1x1x128xi32, #tpu.memory_space<vmem>> -> memref<128xi32, #tpu.memory_space<vmem>>
      %dma_wait3A_637 = arith.constant 0 : i32
      %dma_wait3A_638 = arith.constant 0 : i32
      %dma_wait3A_639 = tpu.memref_slice %arg14[%dma_wait3A_637, %dma_wait3A_638] : memref<100096x8xf32, #tpu.memory_space<vmem_shared>> -> memref<100096x8xf32, #tpu.memory_space<vmem_shared>>
      tpu.wait_indirect_dma semaphore(%arg18 : memref<!tpu.dma_semaphore, #tpu.memory_space<semaphore_mem>>) src(%dma_wait3A_633 : memref<128x8xf32, #tpu.memory_space<vmem>>) dst(%dma_wait3A_639 : memref<100096x8xf32, #tpu.memory_space<vmem_shared>>)
      %dma_wait3A_640 = arith.constant 4 : i32
      %dma_wait3A_641 = arith.constant 512 : i32
      %dma_wait3A_642 = tpu.memref_slice %arg12[%rem3A_65, %dma_wait3A_641] : memref<2x2048xf32, #tpu.memory_space<vmem>> -> memref<1x128xf32, #tpu.memory_space<vmem>>
      %dma_wait3A_643 = tpu.memref_squeeze %dma_wait3A_642 : memref<1x128xf32, #tpu.memory_space<vmem>> -> memref<128xf32, #tpu.memory_space<vmem>>
      %dma_wait3A_644 = arith.constant 0 : i32
      %dma_wait3A_645 = tpu.memref_slice %arg10[%rem3A_65, %dma_wait3A_640, %dma_wait3A_644] : memref<2x16x128xi32, #tpu.memory_space<vmem>> -> memref<1x1x128xi32, #tpu.memory_space<vmem>>
      %dma_wait3A_646 = tpu.memref_squeeze %dma_wait3A_645 : memref<1x1x128xi32, #tpu.memory_space<vmem>> -> memref<128xi32, #tpu.memory_space<vmem>>
      %dma_wait3A_647 = arith.constant 0 : i32
      %dma_wait3A_648 = tpu.memref_slice %arg15[%dma_wait3A_647] : memref<100096xf32, #tpu.memory_space<vmem_shared>> -> memref<100096xf32, #tpu.memory_space<vmem_shared>>
      tpu.wait_indirect_dma semaphore(%arg18 : memref<!tpu.dma_semaphore, #tpu.memory_space<semaphore_mem>>) src(%dma_wait3A_643 : memref<128xf32, #tpu.memory_space<vmem>>) dst(%dma_wait3A_648 : memref<100096xf32, #tpu.memory_space<vmem_shared>>)
      %dma_wait3A_649 = arith.constant 4 : i32
      %dma_wait3A_650 = arith.constant 0 : i32
      %dma_wait3A_651 = tpu.memref_slice %arg10[%rem3A_65, %dma_wait3A_649, %dma_wait3A_650] : memref<2x16x128xi32, #tpu.memory_space<vmem>> -> memref<1x1x128xi32, #tpu.memory_space<vmem>>
      %dma_wait3A_652 = tpu.memref_squeeze %dma_wait3A_651 : memref<1x1x128xi32, #tpu.memory_space<vmem>> -> memref<128xi32, #tpu.memory_space<vmem>>
      %dma_wait3A_653 = arith.constant 0 : i32
      %dma_wait3A_654 = tpu.memref_slice %arg16[%dma_wait3A_653] : memref<100096xf32, #tpu.memory_space<vmem_shared>> -> memref<100096xf32, #tpu.memory_space<vmem_shared>>
      tpu.wait_indirect_dma semaphore(%arg18 : memref<!tpu.dma_semaphore, #tpu.memory_space<semaphore_mem>>) src(%arg13 : memref<128xf32, #tpu.memory_space<vmem>>) dst(%dma_wait3A_654 : memref<100096xf32, #tpu.memory_space<vmem_shared>>)
      %dma_wait3A_655 = arith.constant 5 : i32
      %dma_wait3A_656 = arith.constant 640 : i32
      %dma_wait3A_657 = arith.constant 0 : i32
      %dma_wait3A_658 = tpu.memref_slice %arg11[%rem3A_65, %dma_wait3A_656, %dma_wait3A_657] : memref<2x2048x8xf32, #tpu.memory_space<vmem>> -> memref<1x128x8xf32, #tpu.memory_space<vmem>>
      %dma_wait3A_659 = tpu.memref_squeeze %dma_wait3A_658 : memref<1x128x8xf32, #tpu.memory_space<vmem>> -> memref<128x8xf32, #tpu.memory_space<vmem>>
      %dma_wait3A_660 = arith.constant 0 : i32
      %dma_wait3A_661 = tpu.memref_slice %arg10[%rem3A_65, %dma_wait3A_655, %dma_wait3A_660] : memref<2x16x128xi32, #tpu.memory_space<vmem>> -> memref<1x1x128xi32, #tpu.memory_space<vmem>>
      %dma_wait3A_662 = tpu.memref_squeeze %dma_wait3A_661 : memref<1x1x128xi32, #tpu.memory_space<vmem>> -> memref<128xi32, #tpu.memory_space<vmem>>
      %dma_wait3A_663 = arith.constant 0 : i32
      %dma_wait3A_664 = arith.constant 0 : i32
      %dma_wait3A_665 = tpu.memref_slice %arg14[%dma_wait3A_663, %dma_wait3A_664] : memref<100096x8xf32, #tpu.memory_space<vmem_shared>> -> memref<100096x8xf32, #tpu.memory_space<vmem_shared>>
      tpu.wait_indirect_dma semaphore(%arg18 : memref<!tpu.dma_semaphore, #tpu.memory_space<semaphore_mem>>) src(%dma_wait3A_659 : memref<128x8xf32, #tpu.memory_space<vmem>>) dst(%dma_wait3A_665 : memref<100096x8xf32, #tpu.memory_space<vmem_shared>>)
      %dma_wait3A_666 = arith.constant 5 : i32
      %dma_wait3A_667 = arith.constant 640 : i32
      %dma_wait3A_668 = tpu.memref_slice %arg12[%rem3A_65, %dma_wait3A_667] : memref<2x2048xf32, #tpu.memory_space<vmem>> -> memref<1x128xf32, #tpu.memory_space<vmem>>
      %dma_wait3A_669 = tpu.memref_squeeze %dma_wait3A_668 : memref<1x128xf32, #tpu.memory_space<vmem>> -> memref<128xf32, #tpu.memory_space<vmem>>
      %dma_wait3A_670 = arith.constant 0 : i32
      %dma_wait3A_671 = tpu.memref_slice %arg10[%rem3A_65, %dma_wait3A_666, %dma_wait3A_670] : memref<2x16x128xi32, #tpu.memory_space<vmem>> -> memref<1x1x128xi32, #tpu.memory_space<vmem>>
      %dma_wait3A_672 = tpu.memref_squeeze %dma_wait3A_671 : memref<1x1x128xi32, #tpu.memory_space<vmem>> -> memref<128xi32, #tpu.memory_space<vmem>>
      %dma_wait3A_673 = arith.constant 0 : i32
      %dma_wait3A_674 = tpu.memref_slice %arg15[%dma_wait3A_673] : memref<100096xf32, #tpu.memory_space<vmem_shared>> -> memref<100096xf32, #tpu.memory_space<vmem_shared>>
      tpu.wait_indirect_dma semaphore(%arg18 : memref<!tpu.dma_semaphore, #tpu.memory_space<semaphore_mem>>) src(%dma_wait3A_669 : memref<128xf32, #tpu.memory_space<vmem>>) dst(%dma_wait3A_674 : memref<100096xf32, #tpu.memory_space<vmem_shared>>)
      %dma_wait3A_675 = arith.constant 5 : i32
      %dma_wait3A_676 = arith.constant 0 : i32
      %dma_wait3A_677 = tpu.memref_slice %arg10[%rem3A_65, %dma_wait3A_675, %dma_wait3A_676] : memref<2x16x128xi32, #tpu.memory_space<vmem>> -> memref<1x1x128xi32, #tpu.memory_space<vmem>>
      %dma_wait3A_678 = tpu.memref_squeeze %dma_wait3A_677 : memref<1x1x128xi32, #tpu.memory_space<vmem>> -> memref<128xi32, #tpu.memory_space<vmem>>
      %dma_wait3A_679 = arith.constant 0 : i32
      %dma_wait3A_680 = tpu.memref_slice %arg16[%dma_wait3A_679] : memref<100096xf32, #tpu.memory_space<vmem_shared>> -> memref<100096xf32, #tpu.memory_space<vmem_shared>>
      tpu.wait_indirect_dma semaphore(%arg18 : memref<!tpu.dma_semaphore, #tpu.memory_space<semaphore_mem>>) src(%arg13 : memref<128xf32, #tpu.memory_space<vmem>>) dst(%dma_wait3A_680 : memref<100096xf32, #tpu.memory_space<vmem_shared>>)
      %dma_wait3A_681 = arith.constant 6 : i32
      %dma_wait3A_682 = arith.constant 768 : i32
      %dma_wait3A_683 = arith.constant 0 : i32
      %dma_wait3A_684 = tpu.memref_slice %arg11[%rem3A_65, %dma_wait3A_682, %dma_wait3A_683] : memref<2x2048x8xf32, #tpu.memory_space<vmem>> -> memref<1x128x8xf32, #tpu.memory_space<vmem>>
      %dma_wait3A_685 = tpu.memref_squeeze %dma_wait3A_684 : memref<1x128x8xf32, #tpu.memory_space<vmem>> -> memref<128x8xf32, #tpu.memory_space<vmem>>
      %dma_wait3A_686 = arith.constant 0 : i32
      %dma_wait3A_687 = tpu.memref_slice %arg10[%rem3A_65, %dma_wait3A_681, %dma_wait3A_686] : memref<2x16x128xi32, #tpu.memory_space<vmem>> -> memref<1x1x128xi32, #tpu.memory_space<vmem>>
      %dma_wait3A_688 = tpu.memref_squeeze %dma_wait3A_687 : memref<1x1x128xi32, #tpu.memory_space<vmem>> -> memref<128xi32, #tpu.memory_space<vmem>>
      %dma_wait3A_689 = arith.constant 0 : i32
      %dma_wait3A_690 = arith.constant 0 : i32
      %dma_wait3A_691 = tpu.memref_slice %arg14[%dma_wait3A_689, %dma_wait3A_690] : memref<100096x8xf32, #tpu.memory_space<vmem_shared>> -> memref<100096x8xf32, #tpu.memory_space<vmem_shared>>
      tpu.wait_indirect_dma semaphore(%arg18 : memref<!tpu.dma_semaphore, #tpu.memory_space<semaphore_mem>>) src(%dma_wait3A_685 : memref<128x8xf32, #tpu.memory_space<vmem>>) dst(%dma_wait3A_691 : memref<100096x8xf32, #tpu.memory_space<vmem_shared>>)
      %dma_wait3A_692 = arith.constant 6 : i32
      %dma_wait3A_693 = arith.constant 768 : i32
      %dma_wait3A_694 = tpu.memref_slice %arg12[%rem3A_65, %dma_wait3A_693] : memref<2x2048xf32, #tpu.memory_space<vmem>> -> memref<1x128xf32, #tpu.memory_space<vmem>>
      %dma_wait3A_695 = tpu.memref_squeeze %dma_wait3A_694 : memref<1x128xf32, #tpu.memory_space<vmem>> -> memref<128xf32, #tpu.memory_space<vmem>>
      %dma_wait3A_696 = arith.constant 0 : i32
      %dma_wait3A_697 = tpu.memref_slice %arg10[%rem3A_65, %dma_wait3A_692, %dma_wait3A_696] : memref<2x16x128xi32, #tpu.memory_space<vmem>> -> memref<1x1x128xi32, #tpu.memory_space<vmem>>
      %dma_wait3A_698 = tpu.memref_squeeze %dma_wait3A_697 : memref<1x1x128xi32, #tpu.memory_space<vmem>> -> memref<128xi32, #tpu.memory_space<vmem>>
      %dma_wait3A_699 = arith.constant 0 : i32
      %dma_wait3A_700 = tpu.memref_slice %arg15[%dma_wait3A_699] : memref<100096xf32, #tpu.memory_space<vmem_shared>> -> memref<100096xf32, #tpu.memory_space<vmem_shared>>
      tpu.wait_indirect_dma semaphore(%arg18 : memref<!tpu.dma_semaphore, #tpu.memory_space<semaphore_mem>>) src(%dma_wait3A_695 : memref<128xf32, #tpu.memory_space<vmem>>) dst(%dma_wait3A_700 : memref<100096xf32, #tpu.memory_space<vmem_shared>>)
      %dma_wait3A_701 = arith.constant 6 : i32
      %dma_wait3A_702 = arith.constant 0 : i32
      %dma_wait3A_703 = tpu.memref_slice %arg10[%rem3A_65, %dma_wait3A_701, %dma_wait3A_702] : memref<2x16x128xi32, #tpu.memory_space<vmem>> -> memref<1x1x128xi32, #tpu.memory_space<vmem>>
      %dma_wait3A_704 = tpu.memref_squeeze %dma_wait3A_703 : memref<1x1x128xi32, #tpu.memory_space<vmem>> -> memref<128xi32, #tpu.memory_space<vmem>>
      %dma_wait3A_705 = arith.constant 0 : i32
      %dma_wait3A_706 = tpu.memref_slice %arg16[%dma_wait3A_705] : memref<100096xf32, #tpu.memory_space<vmem_shared>> -> memref<100096xf32, #tpu.memory_space<vmem_shared>>
      tpu.wait_indirect_dma semaphore(%arg18 : memref<!tpu.dma_semaphore, #tpu.memory_space<semaphore_mem>>) src(%arg13 : memref<128xf32, #tpu.memory_space<vmem>>) dst(%dma_wait3A_706 : memref<100096xf32, #tpu.memory_space<vmem_shared>>)
      %dma_wait3A_707 = arith.constant 7 : i32
      %dma_wait3A_708 = arith.constant 896 : i32
      %dma_wait3A_709 = arith.constant 0 : i32
      %dma_wait3A_710 = tpu.memref_slice %arg11[%rem3A_65, %dma_wait3A_708, %dma_wait3A_709] : memref<2x2048x8xf32, #tpu.memory_space<vmem>> -> memref<1x128x8xf32, #tpu.memory_space<vmem>>
      %dma_wait3A_711 = tpu.memref_squeeze %dma_wait3A_710 : memref<1x128x8xf32, #tpu.memory_space<vmem>> -> memref<128x8xf32, #tpu.memory_space<vmem>>
      %dma_wait3A_712 = arith.constant 0 : i32
      %dma_wait3A_713 = tpu.memref_slice %arg10[%rem3A_65, %dma_wait3A_707, %dma_wait3A_712] : memref<2x16x128xi32, #tpu.memory_space<vmem>> -> memref<1x1x128xi32, #tpu.memory_space<vmem>>
      %dma_wait3A_714 = tpu.memref_squeeze %dma_wait3A_713 : memref<1x1x128xi32, #tpu.memory_space<vmem>> -> memref<128xi32, #tpu.memory_space<vmem>>
      %dma_wait3A_715 = arith.constant 0 : i32
      %dma_wait3A_716 = arith.constant 0 : i32
      %dma_wait3A_717 = tpu.memref_slice %arg14[%dma_wait3A_715, %dma_wait3A_716] : memref<100096x8xf32, #tpu.memory_space<vmem_shared>> -> memref<100096x8xf32, #tpu.memory_space<vmem_shared>>
      tpu.wait_indirect_dma semaphore(%arg18 : memref<!tpu.dma_semaphore, #tpu.memory_space<semaphore_mem>>) src(%dma_wait3A_711 : memref<128x8xf32, #tpu.memory_space<vmem>>) dst(%dma_wait3A_717 : memref<100096x8xf32, #tpu.memory_space<vmem_shared>>)
      %dma_wait3A_718 = arith.constant 7 : i32
      %dma_wait3A_719 = arith.constant 896 : i32
      %dma_wait3A_720 = tpu.memref_slice %arg12[%rem3A_65, %dma_wait3A_719] : memref<2x2048xf32, #tpu.memory_space<vmem>> -> memref<1x128xf32, #tpu.memory_space<vmem>>
      %dma_wait3A_721 = tpu.memref_squeeze %dma_wait3A_720 : memref<1x128xf32, #tpu.memory_space<vmem>> -> memref<128xf32, #tpu.memory_space<vmem>>
      %dma_wait3A_722 = arith.constant 0 : i32
      %dma_wait3A_723 = tpu.memref_slice %arg10[%rem3A_65, %dma_wait3A_718, %dma_wait3A_722] : memref<2x16x128xi32, #tpu.memory_space<vmem>> -> memref<1x1x128xi32, #tpu.memory_space<vmem>>
      %dma_wait3A_724 = tpu.memref_squeeze %dma_wait3A_723 : memref<1x1x128xi32, #tpu.memory_space<vmem>> -> memref<128xi32, #tpu.memory_space<vmem>>
      %dma_wait3A_725 = arith.constant 0 : i32
      %dma_wait3A_726 = tpu.memref_slice %arg15[%dma_wait3A_725] : memref<100096xf32, #tpu.memory_space<vmem_shared>> -> memref<100096xf32, #tpu.memory_space<vmem_shared>>
      tpu.wait_indirect_dma semaphore(%arg18 : memref<!tpu.dma_semaphore, #tpu.memory_space<semaphore_mem>>) src(%dma_wait3A_721 : memref<128xf32, #tpu.memory_space<vmem>>) dst(%dma_wait3A_726 : memref<100096xf32, #tpu.memory_space<vmem_shared>>)
      %dma_wait3A_727 = arith.constant 7 : i32
      %dma_wait3A_728 = arith.constant 0 : i32
      %dma_wait3A_729 = tpu.memref_slice %arg10[%rem3A_65, %dma_wait3A_727, %dma_wait3A_728] : memref<2x16x128xi32, #tpu.memory_space<vmem>> -> memref<1x1x128xi32, #tpu.memory_space<vmem>>
      %dma_wait3A_730 = tpu.memref_squeeze %dma_wait3A_729 : memref<1x1x128xi32, #tpu.memory_space<vmem>> -> memref<128xi32, #tpu.memory_space<vmem>>
      %dma_wait3A_731 = arith.constant 0 : i32
      %dma_wait3A_732 = tpu.memref_slice %arg16[%dma_wait3A_731] : memref<100096xf32, #tpu.memory_space<vmem_shared>> -> memref<100096xf32, #tpu.memory_space<vmem_shared>>
      tpu.wait_indirect_dma semaphore(%arg18 : memref<!tpu.dma_semaphore, #tpu.memory_space<semaphore_mem>>) src(%arg13 : memref<128xf32, #tpu.memory_space<vmem>>) dst(%dma_wait3A_732 : memref<100096xf32, #tpu.memory_space<vmem_shared>>)
      %dma_wait3A_733 = arith.constant 8 : i32
      %dma_wait3A_734 = arith.constant 1024 : i32
      %dma_wait3A_735 = arith.constant 0 : i32
      %dma_wait3A_736 = tpu.memref_slice %arg11[%rem3A_65, %dma_wait3A_734, %dma_wait3A_735] : memref<2x2048x8xf32, #tpu.memory_space<vmem>> -> memref<1x128x8xf32, #tpu.memory_space<vmem>>
      %dma_wait3A_737 = tpu.memref_squeeze %dma_wait3A_736 : memref<1x128x8xf32, #tpu.memory_space<vmem>> -> memref<128x8xf32, #tpu.memory_space<vmem>>
      %dma_wait3A_738 = arith.constant 0 : i32
      %dma_wait3A_739 = tpu.memref_slice %arg10[%rem3A_65, %dma_wait3A_733, %dma_wait3A_738] : memref<2x16x128xi32, #tpu.memory_space<vmem>> -> memref<1x1x128xi32, #tpu.memory_space<vmem>>
      %dma_wait3A_740 = tpu.memref_squeeze %dma_wait3A_739 : memref<1x1x128xi32, #tpu.memory_space<vmem>> -> memref<128xi32, #tpu.memory_space<vmem>>
      %dma_wait3A_741 = arith.constant 0 : i32
      %dma_wait3A_742 = arith.constant 0 : i32
      %dma_wait3A_743 = tpu.memref_slice %arg14[%dma_wait3A_741, %dma_wait3A_742] : memref<100096x8xf32, #tpu.memory_space<vmem_shared>> -> memref<100096x8xf32, #tpu.memory_space<vmem_shared>>
      tpu.wait_indirect_dma semaphore(%arg18 : memref<!tpu.dma_semaphore, #tpu.memory_space<semaphore_mem>>) src(%dma_wait3A_737 : memref<128x8xf32, #tpu.memory_space<vmem>>) dst(%dma_wait3A_743 : memref<100096x8xf32, #tpu.memory_space<vmem_shared>>)
      %dma_wait3A_744 = arith.constant 8 : i32
      %dma_wait3A_745 = arith.constant 1024 : i32
      %dma_wait3A_746 = tpu.memref_slice %arg12[%rem3A_65, %dma_wait3A_745] : memref<2x2048xf32, #tpu.memory_space<vmem>> -> memref<1x128xf32, #tpu.memory_space<vmem>>
      %dma_wait3A_747 = tpu.memref_squeeze %dma_wait3A_746 : memref<1x128xf32, #tpu.memory_space<vmem>> -> memref<128xf32, #tpu.memory_space<vmem>>
      %dma_wait3A_748 = arith.constant 0 : i32
      %dma_wait3A_749 = tpu.memref_slice %arg10[%rem3A_65, %dma_wait3A_744, %dma_wait3A_748] : memref<2x16x128xi32, #tpu.memory_space<vmem>> -> memref<1x1x128xi32, #tpu.memory_space<vmem>>
      %dma_wait3A_750 = tpu.memref_squeeze %dma_wait3A_749 : memref<1x1x128xi32, #tpu.memory_space<vmem>> -> memref<128xi32, #tpu.memory_space<vmem>>
      %dma_wait3A_751 = arith.constant 0 : i32
      %dma_wait3A_752 = tpu.memref_slice %arg15[%dma_wait3A_751] : memref<100096xf32, #tpu.memory_space<vmem_shared>> -> memref<100096xf32, #tpu.memory_space<vmem_shared>>
      tpu.wait_indirect_dma semaphore(%arg18 : memref<!tpu.dma_semaphore, #tpu.memory_space<semaphore_mem>>) src(%dma_wait3A_747 : memref<128xf32, #tpu.memory_space<vmem>>) dst(%dma_wait3A_752 : memref<100096xf32, #tpu.memory_space<vmem_shared>>)
      %dma_wait3A_753 = arith.constant 8 : i32
      %dma_wait3A_754 = arith.constant 0 : i32
      %dma_wait3A_755 = tpu.memref_slice %arg10[%rem3A_65, %dma_wait3A_753, %dma_wait3A_754] : memref<2x16x128xi32, #tpu.memory_space<vmem>> -> memref<1x1x128xi32, #tpu.memory_space<vmem>>
      %dma_wait3A_756 = tpu.memref_squeeze %dma_wait3A_755 : memref<1x1x128xi32, #tpu.memory_space<vmem>> -> memref<128xi32, #tpu.memory_space<vmem>>
      %dma_wait3A_757 = arith.constant 0 : i32
      %dma_wait3A_758 = tpu.memref_slice %arg16[%dma_wait3A_757] : memref<100096xf32, #tpu.memory_space<vmem_shared>> -> memref<100096xf32, #tpu.memory_space<vmem_shared>>
      tpu.wait_indirect_dma semaphore(%arg18 : memref<!tpu.dma_semaphore, #tpu.memory_space<semaphore_mem>>) src(%arg13 : memref<128xf32, #tpu.memory_space<vmem>>) dst(%dma_wait3A_758 : memref<100096xf32, #tpu.memory_space<vmem_shared>>)
      %dma_wait3A_759 = arith.constant 9 : i32
      %dma_wait3A_760 = arith.constant 1152 : i32
      %dma_wait3A_761 = arith.constant 0 : i32
      %dma_wait3A_762 = tpu.memref_slice %arg11[%rem3A_65, %dma_wait3A_760, %dma_wait3A_761] : memref<2x2048x8xf32, #tpu.memory_space<vmem>> -> memref<1x128x8xf32, #tpu.memory_space<vmem>>
      %dma_wait3A_763 = tpu.memref_squeeze %dma_wait3A_762 : memref<1x128x8xf32, #tpu.memory_space<vmem>> -> memref<128x8xf32, #tpu.memory_space<vmem>>
      %dma_wait3A_764 = arith.constant 0 : i32
      %dma_wait3A_765 = tpu.memref_slice %arg10[%rem3A_65, %dma_wait3A_759, %dma_wait3A_764] : memref<2x16x128xi32, #tpu.memory_space<vmem>> -> memref<1x1x128xi32, #tpu.memory_space<vmem>>
      %dma_wait3A_766 = tpu.memref_squeeze %dma_wait3A_765 : memref<1x1x128xi32, #tpu.memory_space<vmem>> -> memref<128xi32, #tpu.memory_space<vmem>>
      %dma_wait3A_767 = arith.constant 0 : i32
      %dma_wait3A_768 = arith.constant 0 : i32
      %dma_wait3A_769 = tpu.memref_slice %arg14[%dma_wait3A_767, %dma_wait3A_768] : memref<100096x8xf32, #tpu.memory_space<vmem_shared>> -> memref<100096x8xf32, #tpu.memory_space<vmem_shared>>
      tpu.wait_indirect_dma semaphore(%arg18 : memref<!tpu.dma_semaphore, #tpu.memory_space<semaphore_mem>>) src(%dma_wait3A_763 : memref<128x8xf32, #tpu.memory_space<vmem>>) dst(%dma_wait3A_769 : memref<100096x8xf32, #tpu.memory_space<vmem_shared>>)
      %dma_wait3A_770 = arith.constant 9 : i32
      %dma_wait3A_771 = arith.constant 1152 : i32
      %dma_wait3A_772 = tpu.memref_slice %arg12[%rem3A_65, %dma_wait3A_771] : memref<2x2048xf32, #tpu.memory_space<vmem>> -> memref<1x128xf32, #tpu.memory_space<vmem>>
      %dma_wait3A_773 = tpu.memref_squeeze %dma_wait3A_772 : memref<1x128xf32, #tpu.memory_space<vmem>> -> memref<128xf32, #tpu.memory_space<vmem>>
      %dma_wait3A_774 = arith.constant 0 : i32
      %dma_wait3A_775 = tpu.memref_slice %arg10[%rem3A_65, %dma_wait3A_770, %dma_wait3A_774] : memref<2x16x128xi32, #tpu.memory_space<vmem>> -> memref<1x1x128xi32, #tpu.memory_space<vmem>>
      %dma_wait3A_776 = tpu.memref_squeeze %dma_wait3A_775 : memref<1x1x128xi32, #tpu.memory_space<vmem>> -> memref<128xi32, #tpu.memory_space<vmem>>
      %dma_wait3A_777 = arith.constant 0 : i32
      %dma_wait3A_778 = tpu.memref_slice %arg15[%dma_wait3A_777] : memref<100096xf32, #tpu.memory_space<vmem_shared>> -> memref<100096xf32, #tpu.memory_space<vmem_shared>>
      tpu.wait_indirect_dma semaphore(%arg18 : memref<!tpu.dma_semaphore, #tpu.memory_space<semaphore_mem>>) src(%dma_wait3A_773 : memref<128xf32, #tpu.memory_space<vmem>>) dst(%dma_wait3A_778 : memref<100096xf32, #tpu.memory_space<vmem_shared>>)
      %dma_wait3A_779 = arith.constant 9 : i32
      %dma_wait3A_780 = arith.constant 0 : i32
      %dma_wait3A_781 = tpu.memref_slice %arg10[%rem3A_65, %dma_wait3A_779, %dma_wait3A_780] : memref<2x16x128xi32, #tpu.memory_space<vmem>> -> memref<1x1x128xi32, #tpu.memory_space<vmem>>
      %dma_wait3A_782 = tpu.memref_squeeze %dma_wait3A_781 : memref<1x1x128xi32, #tpu.memory_space<vmem>> -> memref<128xi32, #tpu.memory_space<vmem>>
      %dma_wait3A_783 = arith.constant 0 : i32
      %dma_wait3A_784 = tpu.memref_slice %arg16[%dma_wait3A_783] : memref<100096xf32, #tpu.memory_space<vmem_shared>> -> memref<100096xf32, #tpu.memory_space<vmem_shared>>
      tpu.wait_indirect_dma semaphore(%arg18 : memref<!tpu.dma_semaphore, #tpu.memory_space<semaphore_mem>>) src(%arg13 : memref<128xf32, #tpu.memory_space<vmem>>) dst(%dma_wait3A_784 : memref<100096xf32, #tpu.memory_space<vmem_shared>>)
      %dma_wait3A_785 = arith.constant 10 : i32
      %dma_wait3A_786 = arith.constant 1280 : i32
      %dma_wait3A_787 = arith.constant 0 : i32
      %dma_wait3A_788 = tpu.memref_slice %arg11[%rem3A_65, %dma_wait3A_786, %dma_wait3A_787] : memref<2x2048x8xf32, #tpu.memory_space<vmem>> -> memref<1x128x8xf32, #tpu.memory_space<vmem>>
      %dma_wait3A_789 = tpu.memref_squeeze %dma_wait3A_788 : memref<1x128x8xf32, #tpu.memory_space<vmem>> -> memref<128x8xf32, #tpu.memory_space<vmem>>
      %dma_wait3A_790 = arith.constant 0 : i32
      %dma_wait3A_791 = tpu.memref_slice %arg10[%rem3A_65, %dma_wait3A_785, %dma_wait3A_790] : memref<2x16x128xi32, #tpu.memory_space<vmem>> -> memref<1x1x128xi32, #tpu.memory_space<vmem>>
      %dma_wait3A_792 = tpu.memref_squeeze %dma_wait3A_791 : memref<1x1x128xi32, #tpu.memory_space<vmem>> -> memref<128xi32, #tpu.memory_space<vmem>>
      %dma_wait3A_793 = arith.constant 0 : i32
      %dma_wait3A_794 = arith.constant 0 : i32
      %dma_wait3A_795 = tpu.memref_slice %arg14[%dma_wait3A_793, %dma_wait3A_794] : memref<100096x8xf32, #tpu.memory_space<vmem_shared>> -> memref<100096x8xf32, #tpu.memory_space<vmem_shared>>
      tpu.wait_indirect_dma semaphore(%arg18 : memref<!tpu.dma_semaphore, #tpu.memory_space<semaphore_mem>>) src(%dma_wait3A_789 : memref<128x8xf32, #tpu.memory_space<vmem>>) dst(%dma_wait3A_795 : memref<100096x8xf32, #tpu.memory_space<vmem_shared>>)
      %dma_wait3A_796 = arith.constant 10 : i32
      %dma_wait3A_797 = arith.constant 1280 : i32
      %dma_wait3A_798 = tpu.memref_slice %arg12[%rem3A_65, %dma_wait3A_797] : memref<2x2048xf32, #tpu.memory_space<vmem>> -> memref<1x128xf32, #tpu.memory_space<vmem>>
      %dma_wait3A_799 = tpu.memref_squeeze %dma_wait3A_798 : memref<1x128xf32, #tpu.memory_space<vmem>> -> memref<128xf32, #tpu.memory_space<vmem>>
      %dma_wait3A_800 = arith.constant 0 : i32
      %dma_wait3A_801 = tpu.memref_slice %arg10[%rem3A_65, %dma_wait3A_796, %dma_wait3A_800] : memref<2x16x128xi32, #tpu.memory_space<vmem>> -> memref<1x1x128xi32, #tpu.memory_space<vmem>>
      %dma_wait3A_802 = tpu.memref_squeeze %dma_wait3A_801 : memref<1x1x128xi32, #tpu.memory_space<vmem>> -> memref<128xi32, #tpu.memory_space<vmem>>
      %dma_wait3A_803 = arith.constant 0 : i32
      %dma_wait3A_804 = tpu.memref_slice %arg15[%dma_wait3A_803] : memref<100096xf32, #tpu.memory_space<vmem_shared>> -> memref<100096xf32, #tpu.memory_space<vmem_shared>>
      tpu.wait_indirect_dma semaphore(%arg18 : memref<!tpu.dma_semaphore, #tpu.memory_space<semaphore_mem>>) src(%dma_wait3A_799 : memref<128xf32, #tpu.memory_space<vmem>>) dst(%dma_wait3A_804 : memref<100096xf32, #tpu.memory_space<vmem_shared>>)
      %dma_wait3A_805 = arith.constant 10 : i32
      %dma_wait3A_806 = arith.constant 0 : i32
      %dma_wait3A_807 = tpu.memref_slice %arg10[%rem3A_65, %dma_wait3A_805, %dma_wait3A_806] : memref<2x16x128xi32, #tpu.memory_space<vmem>> -> memref<1x1x128xi32, #tpu.memory_space<vmem>>
      %dma_wait3A_808 = tpu.memref_squeeze %dma_wait3A_807 : memref<1x1x128xi32, #tpu.memory_space<vmem>> -> memref<128xi32, #tpu.memory_space<vmem>>
      %dma_wait3A_809 = arith.constant 0 : i32
      %dma_wait3A_810 = tpu.memref_slice %arg16[%dma_wait3A_809] : memref<100096xf32, #tpu.memory_space<vmem_shared>> -> memref<100096xf32, #tpu.memory_space<vmem_shared>>
      tpu.wait_indirect_dma semaphore(%arg18 : memref<!tpu.dma_semaphore, #tpu.memory_space<semaphore_mem>>) src(%arg13 : memref<128xf32, #tpu.memory_space<vmem>>) dst(%dma_wait3A_810 : memref<100096xf32, #tpu.memory_space<vmem_shared>>)
      %dma_wait3A_811 = arith.constant 11 : i32
      %dma_wait3A_812 = arith.constant 1408 : i32
      %dma_wait3A_813 = arith.constant 0 : i32
      %dma_wait3A_814 = tpu.memref_slice %arg11[%rem3A_65, %dma_wait3A_812, %dma_wait3A_813] : memref<2x2048x8xf32, #tpu.memory_space<vmem>> -> memref<1x128x8xf32, #tpu.memory_space<vmem>>
      %dma_wait3A_815 = tpu.memref_squeeze %dma_wait3A_814 : memref<1x128x8xf32, #tpu.memory_space<vmem>> -> memref<128x8xf32, #tpu.memory_space<vmem>>
      %dma_wait3A_816 = arith.constant 0 : i32
      %dma_wait3A_817 = tpu.memref_slice %arg10[%rem3A_65, %dma_wait3A_811, %dma_wait3A_816] : memref<2x16x128xi32, #tpu.memory_space<vmem>> -> memref<1x1x128xi32, #tpu.memory_space<vmem>>
      %dma_wait3A_818 = tpu.memref_squeeze %dma_wait3A_817 : memref<1x1x128xi32, #tpu.memory_space<vmem>> -> memref<128xi32, #tpu.memory_space<vmem>>
      %dma_wait3A_819 = arith.constant 0 : i32
      %dma_wait3A_820 = arith.constant 0 : i32
      %dma_wait3A_821 = tpu.memref_slice %arg14[%dma_wait3A_819, %dma_wait3A_820] : memref<100096x8xf32, #tpu.memory_space<vmem_shared>> -> memref<100096x8xf32, #tpu.memory_space<vmem_shared>>
      tpu.wait_indirect_dma semaphore(%arg18 : memref<!tpu.dma_semaphore, #tpu.memory_space<semaphore_mem>>) src(%dma_wait3A_815 : memref<128x8xf32, #tpu.memory_space<vmem>>) dst(%dma_wait3A_821 : memref<100096x8xf32, #tpu.memory_space<vmem_shared>>)
      %dma_wait3A_822 = arith.constant 11 : i32
      %dma_wait3A_823 = arith.constant 1408 : i32
      %dma_wait3A_824 = tpu.memref_slice %arg12[%rem3A_65, %dma_wait3A_823] : memref<2x2048xf32, #tpu.memory_space<vmem>> -> memref<1x128xf32, #tpu.memory_space<vmem>>
      %dma_wait3A_825 = tpu.memref_squeeze %dma_wait3A_824 : memref<1x128xf32, #tpu.memory_space<vmem>> -> memref<128xf32, #tpu.memory_space<vmem>>
      %dma_wait3A_826 = arith.constant 0 : i32
      %dma_wait3A_827 = tpu.memref_slice %arg10[%rem3A_65, %dma_wait3A_822, %dma_wait3A_826] : memref<2x16x128xi32, #tpu.memory_space<vmem>> -> memref<1x1x128xi32, #tpu.memory_space<vmem>>
      %dma_wait3A_828 = tpu.memref_squeeze %dma_wait3A_827 : memref<1x1x128xi32, #tpu.memory_space<vmem>> -> memref<128xi32, #tpu.memory_space<vmem>>
      %dma_wait3A_829 = arith.constant 0 : i32
      %dma_wait3A_830 = tpu.memref_slice %arg15[%dma_wait3A_829] : memref<100096xf32, #tpu.memory_space<vmem_shared>> -> memref<100096xf32, #tpu.memory_space<vmem_shared>>
      tpu.wait_indirect_dma semaphore(%arg18 : memref<!tpu.dma_semaphore, #tpu.memory_space<semaphore_mem>>) src(%dma_wait3A_825 : memref<128xf32, #tpu.memory_space<vmem>>) dst(%dma_wait3A_830 : memref<100096xf32, #tpu.memory_space<vmem_shared>>)
      %dma_wait3A_831 = arith.constant 11 : i32
      %dma_wait3A_832 = arith.constant 0 : i32
      %dma_wait3A_833 = tpu.memref_slice %arg10[%rem3A_65, %dma_wait3A_831, %dma_wait3A_832] : memref<2x16x128xi32, #tpu.memory_space<vmem>> -> memref<1x1x128xi32, #tpu.memory_space<vmem>>
      %dma_wait3A_834 = tpu.memref_squeeze %dma_wait3A_833 : memref<1x1x128xi32, #tpu.memory_space<vmem>> -> memref<128xi32, #tpu.memory_space<vmem>>
      %dma_wait3A_835 = arith.constant 0 : i32
      %dma_wait3A_836 = tpu.memref_slice %arg16[%dma_wait3A_835] : memref<100096xf32, #tpu.memory_space<vmem_shared>> -> memref<100096xf32, #tpu.memory_space<vmem_shared>>
      tpu.wait_indirect_dma semaphore(%arg18 : memref<!tpu.dma_semaphore, #tpu.memory_space<semaphore_mem>>) src(%arg13 : memref<128xf32, #tpu.memory_space<vmem>>) dst(%dma_wait3A_836 : memref<100096xf32, #tpu.memory_space<vmem_shared>>)
      %dma_wait3A_837 = arith.constant 12 : i32
      %dma_wait3A_838 = arith.constant 1536 : i32
      %dma_wait3A_839 = arith.constant 0 : i32
      %dma_wait3A_840 = tpu.memref_slice %arg11[%rem3A_65, %dma_wait3A_838, %dma_wait3A_839] : memref<2x2048x8xf32, #tpu.memory_space<vmem>> -> memref<1x128x8xf32, #tpu.memory_space<vmem>>
      %dma_wait3A_841 = tpu.memref_squeeze %dma_wait3A_840 : memref<1x128x8xf32, #tpu.memory_space<vmem>> -> memref<128x8xf32, #tpu.memory_space<vmem>>
      %dma_wait3A_842 = arith.constant 0 : i32
      %dma_wait3A_843 = tpu.memref_slice %arg10[%rem3A_65, %dma_wait3A_837, %dma_wait3A_842] : memref<2x16x128xi32, #tpu.memory_space<vmem>> -> memref<1x1x128xi32, #tpu.memory_space<vmem>>
      %dma_wait3A_844 = tpu.memref_squeeze %dma_wait3A_843 : memref<1x1x128xi32, #tpu.memory_space<vmem>> -> memref<128xi32, #tpu.memory_space<vmem>>
      %dma_wait3A_845 = arith.constant 0 : i32
      %dma_wait3A_846 = arith.constant 0 : i32
      %dma_wait3A_847 = tpu.memref_slice %arg14[%dma_wait3A_845, %dma_wait3A_846] : memref<100096x8xf32, #tpu.memory_space<vmem_shared>> -> memref<100096x8xf32, #tpu.memory_space<vmem_shared>>
      tpu.wait_indirect_dma semaphore(%arg18 : memref<!tpu.dma_semaphore, #tpu.memory_space<semaphore_mem>>) src(%dma_wait3A_841 : memref<128x8xf32, #tpu.memory_space<vmem>>) dst(%dma_wait3A_847 : memref<100096x8xf32, #tpu.memory_space<vmem_shared>>)
      %dma_wait3A_848 = arith.constant 12 : i32
      %dma_wait3A_849 = arith.constant 1536 : i32
      %dma_wait3A_850 = tpu.memref_slice %arg12[%rem3A_65, %dma_wait3A_849] : memref<2x2048xf32, #tpu.memory_space<vmem>> -> memref<1x128xf32, #tpu.memory_space<vmem>>
      %dma_wait3A_851 = tpu.memref_squeeze %dma_wait3A_850 : memref<1x128xf32, #tpu.memory_space<vmem>> -> memref<128xf32, #tpu.memory_space<vmem>>
      %dma_wait3A_852 = arith.constant 0 : i32
      %dma_wait3A_853 = tpu.memref_slice %arg10[%rem3A_65, %dma_wait3A_848, %dma_wait3A_852] : memref<2x16x128xi32, #tpu.memory_space<vmem>> -> memref<1x1x128xi32, #tpu.memory_space<vmem>>
      %dma_wait3A_854 = tpu.memref_squeeze %dma_wait3A_853 : memref<1x1x128xi32, #tpu.memory_space<vmem>> -> memref<128xi32, #tpu.memory_space<vmem>>
      %dma_wait3A_855 = arith.constant 0 : i32
      %dma_wait3A_856 = tpu.memref_slice %arg15[%dma_wait3A_855] : memref<100096xf32, #tpu.memory_space<vmem_shared>> -> memref<100096xf32, #tpu.memory_space<vmem_shared>>
      tpu.wait_indirect_dma semaphore(%arg18 : memref<!tpu.dma_semaphore, #tpu.memory_space<semaphore_mem>>) src(%dma_wait3A_851 : memref<128xf32, #tpu.memory_space<vmem>>) dst(%dma_wait3A_856 : memref<100096xf32, #tpu.memory_space<vmem_shared>>)
      %dma_wait3A_857 = arith.constant 12 : i32
      %dma_wait3A_858 = arith.constant 0 : i32
      %dma_wait3A_859 = tpu.memref_slice %arg10[%rem3A_65, %dma_wait3A_857, %dma_wait3A_858] : memref<2x16x128xi32, #tpu.memory_space<vmem>> -> memref<1x1x128xi32, #tpu.memory_space<vmem>>
      %dma_wait3A_860 = tpu.memref_squeeze %dma_wait3A_859 : memref<1x1x128xi32, #tpu.memory_space<vmem>> -> memref<128xi32, #tpu.memory_space<vmem>>
      %dma_wait3A_861 = arith.constant 0 : i32
      %dma_wait3A_862 = tpu.memref_slice %arg16[%dma_wait3A_861] : memref<100096xf32, #tpu.memory_space<vmem_shared>> -> memref<100096xf32, #tpu.memory_space<vmem_shared>>
      tpu.wait_indirect_dma semaphore(%arg18 : memref<!tpu.dma_semaphore, #tpu.memory_space<semaphore_mem>>) src(%arg13 : memref<128xf32, #tpu.memory_space<vmem>>) dst(%dma_wait3A_862 : memref<100096xf32, #tpu.memory_space<vmem_shared>>)
      %dma_wait3A_863 = arith.constant 13 : i32
      %dma_wait3A_864 = arith.constant 1664 : i32
      %dma_wait3A_865 = arith.constant 0 : i32
      %dma_wait3A_866 = tpu.memref_slice %arg11[%rem3A_65, %dma_wait3A_864, %dma_wait3A_865] : memref<2x2048x8xf32, #tpu.memory_space<vmem>> -> memref<1x128x8xf32, #tpu.memory_space<vmem>>
      %dma_wait3A_867 = tpu.memref_squeeze %dma_wait3A_866 : memref<1x128x8xf32, #tpu.memory_space<vmem>> -> memref<128x8xf32, #tpu.memory_space<vmem>>
      %dma_wait3A_868 = arith.constant 0 : i32
      %dma_wait3A_869 = tpu.memref_slice %arg10[%rem3A_65, %dma_wait3A_863, %dma_wait3A_868] : memref<2x16x128xi32, #tpu.memory_space<vmem>> -> memref<1x1x128xi32, #tpu.memory_space<vmem>>
      %dma_wait3A_870 = tpu.memref_squeeze %dma_wait3A_869 : memref<1x1x128xi32, #tpu.memory_space<vmem>> -> memref<128xi32, #tpu.memory_space<vmem>>
      %dma_wait3A_871 = arith.constant 0 : i32
      %dma_wait3A_872 = arith.constant 0 : i32
      %dma_wait3A_873 = tpu.memref_slice %arg14[%dma_wait3A_871, %dma_wait3A_872] : memref<100096x8xf32, #tpu.memory_space<vmem_shared>> -> memref<100096x8xf32, #tpu.memory_space<vmem_shared>>
      tpu.wait_indirect_dma semaphore(%arg18 : memref<!tpu.dma_semaphore, #tpu.memory_space<semaphore_mem>>) src(%dma_wait3A_867 : memref<128x8xf32, #tpu.memory_space<vmem>>) dst(%dma_wait3A_873 : memref<100096x8xf32, #tpu.memory_space<vmem_shared>>)
      %dma_wait3A_874 = arith.constant 13 : i32
      %dma_wait3A_875 = arith.constant 1664 : i32
      %dma_wait3A_876 = tpu.memref_slice %arg12[%rem3A_65, %dma_wait3A_875] : memref<2x2048xf32, #tpu.memory_space<vmem>> -> memref<1x128xf32, #tpu.memory_space<vmem>>
      %dma_wait3A_877 = tpu.memref_squeeze %dma_wait3A_876 : memref<1x128xf32, #tpu.memory_space<vmem>> -> memref<128xf32, #tpu.memory_space<vmem>>
      %dma_wait3A_878 = arith.constant 0 : i32
      %dma_wait3A_879 = tpu.memref_slice %arg10[%rem3A_65, %dma_wait3A_874, %dma_wait3A_878] : memref<2x16x128xi32, #tpu.memory_space<vmem>> -> memref<1x1x128xi32, #tpu.memory_space<vmem>>
      %dma_wait3A_880 = tpu.memref_squeeze %dma_wait3A_879 : memref<1x1x128xi32, #tpu.memory_space<vmem>> -> memref<128xi32, #tpu.memory_space<vmem>>
      %dma_wait3A_881 = arith.constant 0 : i32
      %dma_wait3A_882 = tpu.memref_slice %arg15[%dma_wait3A_881] : memref<100096xf32, #tpu.memory_space<vmem_shared>> -> memref<100096xf32, #tpu.memory_space<vmem_shared>>
      tpu.wait_indirect_dma semaphore(%arg18 : memref<!tpu.dma_semaphore, #tpu.memory_space<semaphore_mem>>) src(%dma_wait3A_877 : memref<128xf32, #tpu.memory_space<vmem>>) dst(%dma_wait3A_882 : memref<100096xf32, #tpu.memory_space<vmem_shared>>)
      %dma_wait3A_883 = arith.constant 13 : i32
      %dma_wait3A_884 = arith.constant 0 : i32
      %dma_wait3A_885 = tpu.memref_slice %arg10[%rem3A_65, %dma_wait3A_883, %dma_wait3A_884] : memref<2x16x128xi32, #tpu.memory_space<vmem>> -> memref<1x1x128xi32, #tpu.memory_space<vmem>>
      %dma_wait3A_886 = tpu.memref_squeeze %dma_wait3A_885 : memref<1x1x128xi32, #tpu.memory_space<vmem>> -> memref<128xi32, #tpu.memory_space<vmem>>
      %dma_wait3A_887 = arith.constant 0 : i32
      %dma_wait3A_888 = tpu.memref_slice %arg16[%dma_wait3A_887] : memref<100096xf32, #tpu.memory_space<vmem_shared>> -> memref<100096xf32, #tpu.memory_space<vmem_shared>>
      tpu.wait_indirect_dma semaphore(%arg18 : memref<!tpu.dma_semaphore, #tpu.memory_space<semaphore_mem>>) src(%arg13 : memref<128xf32, #tpu.memory_space<vmem>>) dst(%dma_wait3A_888 : memref<100096xf32, #tpu.memory_space<vmem_shared>>)
      %dma_wait3A_889 = arith.constant 14 : i32
      %dma_wait3A_890 = arith.constant 1792 : i32
      %dma_wait3A_891 = arith.constant 0 : i32
      %dma_wait3A_892 = tpu.memref_slice %arg11[%rem3A_65, %dma_wait3A_890, %dma_wait3A_891] : memref<2x2048x8xf32, #tpu.memory_space<vmem>> -> memref<1x128x8xf32, #tpu.memory_space<vmem>>
      %dma_wait3A_893 = tpu.memref_squeeze %dma_wait3A_892 : memref<1x128x8xf32, #tpu.memory_space<vmem>> -> memref<128x8xf32, #tpu.memory_space<vmem>>
      %dma_wait3A_894 = arith.constant 0 : i32
      %dma_wait3A_895 = tpu.memref_slice %arg10[%rem3A_65, %dma_wait3A_889, %dma_wait3A_894] : memref<2x16x128xi32, #tpu.memory_space<vmem>> -> memref<1x1x128xi32, #tpu.memory_space<vmem>>
      %dma_wait3A_896 = tpu.memref_squeeze %dma_wait3A_895 : memref<1x1x128xi32, #tpu.memory_space<vmem>> -> memref<128xi32, #tpu.memory_space<vmem>>
      %dma_wait3A_897 = arith.constant 0 : i32
      %dma_wait3A_898 = arith.constant 0 : i32
      %dma_wait3A_899 = tpu.memref_slice %arg14[%dma_wait3A_897, %dma_wait3A_898] : memref<100096x8xf32, #tpu.memory_space<vmem_shared>> -> memref<100096x8xf32, #tpu.memory_space<vmem_shared>>
      tpu.wait_indirect_dma semaphore(%arg18 : memref<!tpu.dma_semaphore, #tpu.memory_space<semaphore_mem>>) src(%dma_wait3A_893 : memref<128x8xf32, #tpu.memory_space<vmem>>) dst(%dma_wait3A_899 : memref<100096x8xf32, #tpu.memory_space<vmem_shared>>)
      %dma_wait3A_900 = arith.constant 14 : i32
      %dma_wait3A_901 = arith.constant 1792 : i32
      %dma_wait3A_902 = tpu.memref_slice %arg12[%rem3A_65, %dma_wait3A_901] : memref<2x2048xf32, #tpu.memory_space<vmem>> -> memref<1x128xf32, #tpu.memory_space<vmem>>
      %dma_wait3A_903 = tpu.memref_squeeze %dma_wait3A_902 : memref<1x128xf32, #tpu.memory_space<vmem>> -> memref<128xf32, #tpu.memory_space<vmem>>
      %dma_wait3A_904 = arith.constant 0 : i32
      %dma_wait3A_905 = tpu.memref_slice %arg10[%rem3A_65, %dma_wait3A_900, %dma_wait3A_904] : memref<2x16x128xi32, #tpu.memory_space<vmem>> -> memref<1x1x128xi32, #tpu.memory_space<vmem>>
      %dma_wait3A_906 = tpu.memref_squeeze %dma_wait3A_905 : memref<1x1x128xi32, #tpu.memory_space<vmem>> -> memref<128xi32, #tpu.memory_space<vmem>>
      %dma_wait3A_907 = arith.constant 0 : i32
      %dma_wait3A_908 = tpu.memref_slice %arg15[%dma_wait3A_907] : memref<100096xf32, #tpu.memory_space<vmem_shared>> -> memref<100096xf32, #tpu.memory_space<vmem_shared>>
      tpu.wait_indirect_dma semaphore(%arg18 : memref<!tpu.dma_semaphore, #tpu.memory_space<semaphore_mem>>) src(%dma_wait3A_903 : memref<128xf32, #tpu.memory_space<vmem>>) dst(%dma_wait3A_908 : memref<100096xf32, #tpu.memory_space<vmem_shared>>)
      %dma_wait3A_909 = arith.constant 14 : i32
      %dma_wait3A_910 = arith.constant 0 : i32
      %dma_wait3A_911 = tpu.memref_slice %arg10[%rem3A_65, %dma_wait3A_909, %dma_wait3A_910] : memref<2x16x128xi32, #tpu.memory_space<vmem>> -> memref<1x1x128xi32, #tpu.memory_space<vmem>>
      %dma_wait3A_912 = tpu.memref_squeeze %dma_wait3A_911 : memref<1x1x128xi32, #tpu.memory_space<vmem>> -> memref<128xi32, #tpu.memory_space<vmem>>
      %dma_wait3A_913 = arith.constant 0 : i32
      %dma_wait3A_914 = tpu.memref_slice %arg16[%dma_wait3A_913] : memref<100096xf32, #tpu.memory_space<vmem_shared>> -> memref<100096xf32, #tpu.memory_space<vmem_shared>>
      tpu.wait_indirect_dma semaphore(%arg18 : memref<!tpu.dma_semaphore, #tpu.memory_space<semaphore_mem>>) src(%arg13 : memref<128xf32, #tpu.memory_space<vmem>>) dst(%dma_wait3A_914 : memref<100096xf32, #tpu.memory_space<vmem_shared>>)
      %dma_wait3A_915 = arith.constant 15 : i32
      %dma_wait3A_916 = arith.constant 1920 : i32
      %dma_wait3A_917 = arith.constant 0 : i32
      %dma_wait3A_918 = tpu.memref_slice %arg11[%rem3A_65, %dma_wait3A_916, %dma_wait3A_917] : memref<2x2048x8xf32, #tpu.memory_space<vmem>> -> memref<1x128x8xf32, #tpu.memory_space<vmem>>
      %dma_wait3A_919 = tpu.memref_squeeze %dma_wait3A_918 : memref<1x128x8xf32, #tpu.memory_space<vmem>> -> memref<128x8xf32, #tpu.memory_space<vmem>>
      %dma_wait3A_920 = arith.constant 0 : i32
      %dma_wait3A_921 = tpu.memref_slice %arg10[%rem3A_65, %dma_wait3A_915, %dma_wait3A_920] : memref<2x16x128xi32, #tpu.memory_space<vmem>> -> memref<1x1x128xi32, #tpu.memory_space<vmem>>
      %dma_wait3A_922 = tpu.memref_squeeze %dma_wait3A_921 : memref<1x1x128xi32, #tpu.memory_space<vmem>> -> memref<128xi32, #tpu.memory_space<vmem>>
      %dma_wait3A_923 = arith.constant 0 : i32
      %dma_wait3A_924 = arith.constant 0 : i32
      %dma_wait3A_925 = tpu.memref_slice %arg14[%dma_wait3A_923, %dma_wait3A_924] : memref<100096x8xf32, #tpu.memory_space<vmem_shared>> -> memref<100096x8xf32, #tpu.memory_space<vmem_shared>>
      tpu.wait_indirect_dma semaphore(%arg18 : memref<!tpu.dma_semaphore, #tpu.memory_space<semaphore_mem>>) src(%dma_wait3A_919 : memref<128x8xf32, #tpu.memory_space<vmem>>) dst(%dma_wait3A_925 : memref<100096x8xf32, #tpu.memory_space<vmem_shared>>)
      %dma_wait3A_926 = arith.constant 15 : i32
      %dma_wait3A_927 = arith.constant 1920 : i32
      %dma_wait3A_928 = tpu.memref_slice %arg12[%rem3A_65, %dma_wait3A_927] : memref<2x2048xf32, #tpu.memory_space<vmem>> -> memref<1x128xf32, #tpu.memory_space<vmem>>
      %dma_wait3A_929 = tpu.memref_squeeze %dma_wait3A_928 : memref<1x128xf32, #tpu.memory_space<vmem>> -> memref<128xf32, #tpu.memory_space<vmem>>
      %dma_wait3A_930 = arith.constant 0 : i32
      %dma_wait3A_931 = tpu.memref_slice %arg10[%rem3A_65, %dma_wait3A_926, %dma_wait3A_930] : memref<2x16x128xi32, #tpu.memory_space<vmem>> -> memref<1x1x128xi32, #tpu.memory_space<vmem>>
      %dma_wait3A_932 = tpu.memref_squeeze %dma_wait3A_931 : memref<1x1x128xi32, #tpu.memory_space<vmem>> -> memref<128xi32, #tpu.memory_space<vmem>>
      %dma_wait3A_933 = arith.constant 0 : i32
      %dma_wait3A_934 = tpu.memref_slice %arg15[%dma_wait3A_933] : memref<100096xf32, #tpu.memory_space<vmem_shared>> -> memref<100096xf32, #tpu.memory_space<vmem_shared>>
      tpu.wait_indirect_dma semaphore(%arg18 : memref<!tpu.dma_semaphore, #tpu.memory_space<semaphore_mem>>) src(%dma_wait3A_929 : memref<128xf32, #tpu.memory_space<vmem>>) dst(%dma_wait3A_934 : memref<100096xf32, #tpu.memory_space<vmem_shared>>)
      %dma_wait3A_935 = arith.constant 15 : i32
      %dma_wait3A_936 = arith.constant 0 : i32
      %dma_wait3A_937 = tpu.memref_slice %arg10[%rem3A_65, %dma_wait3A_935, %dma_wait3A_936] : memref<2x16x128xi32, #tpu.memory_space<vmem>> -> memref<1x1x128xi32, #tpu.memory_space<vmem>>
      %dma_wait3A_938 = tpu.memref_squeeze %dma_wait3A_937 : memref<1x1x128xi32, #tpu.memory_space<vmem>> -> memref<128xi32, #tpu.memory_space<vmem>>
      %dma_wait3A_939 = arith.constant 0 : i32
      %dma_wait3A_940 = tpu.memref_slice %arg16[%dma_wait3A_939] : memref<100096xf32, #tpu.memory_space<vmem_shared>> -> memref<100096xf32, #tpu.memory_space<vmem_shared>>
      tpu.wait_indirect_dma semaphore(%arg18 : memref<!tpu.dma_semaphore, #tpu.memory_space<semaphore_mem>>) src(%arg13 : memref<128xf32, #tpu.memory_space<vmem>>) dst(%dma_wait3A_940 : memref<100096xf32, #tpu.memory_space<vmem_shared>>)
    }
    %while3A_60 = arith.constant 1 : i32
    scf.for %while3A_64 = %while3A_58 to %while3A_54 step %while3A_60  : i32 {
      %rem3A = arith.constant 2 : i32
      %rem3A_65 = arith.remsi %while3A_64, %rem3A : i32
      %dma_wait3A = arith.constant 0 : i32
      %dma_wait3A_66 = arith.constant 0 : i32
      %dma_wait3A_67 = tpu.memref_slice %arg10[%rem3A_65, %dma_wait3A, %dma_wait3A_66] : memref<2x16x128xi32, #tpu.memory_space<vmem>> -> memref<1x16x128xi32, #tpu.memory_space<vmem>>
      %dma_wait3A_68 = tpu.memref_squeeze %dma_wait3A_67 : memref<1x16x128xi32, #tpu.memory_space<vmem>> -> memref<16x128xi32, #tpu.memory_space<vmem>>
      %dma_wait3A_69 = arith.constant 0 : i32
      %dma_wait3A_70 = arith.constant 0 : i32
      %dma_wait3A_71 = tpu.memref_slice %arg2[%dma_wait3A_69, %dma_wait3A_70] : memref<25000x128xi32, #tpu.memory_space<hbm>> -> memref<16x128xi32, #tpu.memory_space<hbm>>
      %dma_wait3A_72 = arith.constant 0 : i32
      %dma_wait3A_73 = arith.constant 0 : i32
      %dma_wait3A_74 = tpu.memref_slice %arg10[%rem3A_65, %dma_wait3A_72, %dma_wait3A_73] : memref<2x16x128xi32, #tpu.memory_space<vmem>> -> memref<1x16x128xi32, #tpu.memory_space<vmem>>
      %dma_wait3A_75 = tpu.memref_squeeze %dma_wait3A_74 : memref<1x16x128xi32, #tpu.memory_space<vmem>> -> memref<16x128xi32, #tpu.memory_space<vmem>>
      %dma_wait3A_76 = arith.constant 0 : i32
      %dma_wait3A_77 = arith.constant 0 : i32
      %dma_wait3A_78 = tpu.memref_slice %arg2[%dma_wait3A_76, %dma_wait3A_77] : memref<25000x128xi32, #tpu.memory_space<hbm>> -> memref<16x128xi32, #tpu.memory_space<hbm>>
      tpu.wait_dma2 semaphore(%arg17 : memref<!tpu.dma_semaphore, #tpu.memory_space<semaphore_mem>>) src(%dma_wait3A_78 : memref<16x128xi32, #tpu.memory_space<hbm>>) dst(%dma_wait3A_75 : memref<16x128xi32, #tpu.memory_space<vmem>>)
      %dma_wait3A_79 = arith.constant 0 : i32
      %dma_wait3A_80 = arith.constant 0 : i32
      %dma_wait3A_81 = tpu.memref_slice %arg11[%rem3A_65, %dma_wait3A_79, %dma_wait3A_80] : memref<2x2048x8xf32, #tpu.memory_space<vmem>> -> memref<1x2048x8xf32, #tpu.memory_space<vmem>>
      %dma_wait3A_82 = tpu.memref_squeeze %dma_wait3A_81 : memref<1x2048x8xf32, #tpu.memory_space<vmem>> -> memref<2048x8xf32, #tpu.memory_space<vmem>>
      %dma_wait3A_83 = arith.constant 0 : i32
      %dma_wait3A_84 = arith.constant 0 : i32
      %dma_wait3A_85 = tpu.memref_slice %arg3[%dma_wait3A_83, %dma_wait3A_84] : memref<3200000x8xf32, #tpu.memory_space<hbm>> -> memref<2048x8xf32, #tpu.memory_space<hbm>>
      %dma_wait3A_86 = arith.constant 0 : i32
      %dma_wait3A_87 = arith.constant 0 : i32
      %dma_wait3A_88 = tpu.memref_slice %arg11[%rem3A_65, %dma_wait3A_86, %dma_wait3A_87] : memref<2x2048x8xf32, #tpu.memory_space<vmem>> -> memref<1x2048x8xf32, #tpu.memory_space<vmem>>
      %dma_wait3A_89 = tpu.memref_squeeze %dma_wait3A_88 : memref<1x2048x8xf32, #tpu.memory_space<vmem>> -> memref<2048x8xf32, #tpu.memory_space<vmem>>
      %dma_wait3A_90 = arith.constant 0 : i32
      %dma_wait3A_91 = arith.constant 0 : i32
      %dma_wait3A_92 = tpu.memref_slice %arg3[%dma_wait3A_90, %dma_wait3A_91] : memref<3200000x8xf32, #tpu.memory_space<hbm>> -> memref<2048x8xf32, #tpu.memory_space<hbm>>
      tpu.wait_dma2 semaphore(%arg17 : memref<!tpu.dma_semaphore, #tpu.memory_space<semaphore_mem>>) src(%dma_wait3A_92 : memref<2048x8xf32, #tpu.memory_space<hbm>>) dst(%dma_wait3A_89 : memref<2048x8xf32, #tpu.memory_space<vmem>>)
      %dma_wait3A_93 = arith.constant 0 : i32
      %dma_wait3A_94 = tpu.memref_slice %arg12[%rem3A_65, %dma_wait3A_93] : memref<2x2048xf32, #tpu.memory_space<vmem>> -> memref<1x2048xf32, #tpu.memory_space<vmem>>
      %dma_wait3A_95 = tpu.memref_squeeze %dma_wait3A_94 : memref<1x2048xf32, #tpu.memory_space<vmem>> -> memref<2048xf32, #tpu.memory_space<vmem>>
      %dma_wait3A_96 = arith.constant 0 : i32
      %dma_wait3A_97 = tpu.memref_slice %arg4[%dma_wait3A_96] : memref<3200000xf32, #tpu.memory_space<hbm>> -> memref<2048xf32, #tpu.memory_space<hbm>>
      %dma_wait3A_98 = arith.constant 0 : i32
      %dma_wait3A_99 = tpu.memref_slice %arg12[%rem3A_65, %dma_wait3A_98] : memref<2x2048xf32, #tpu.memory_space<vmem>> -> memref<1x2048xf32, #tpu.memory_space<vmem>>
      %dma_wait3A_100 = tpu.memref_squeeze %dma_wait3A_99 : memref<1x2048xf32, #tpu.memory_space<vmem>> -> memref<2048xf32, #tpu.memory_space<vmem>>
      %dma_wait3A_101 = arith.constant 0 : i32
      %dma_wait3A_102 = tpu.memref_slice %arg4[%dma_wait3A_101] : memref<3200000xf32, #tpu.memory_space<hbm>> -> memref<2048xf32, #tpu.memory_space<hbm>>
      tpu.wait_dma2 semaphore(%arg17 : memref<!tpu.dma_semaphore, #tpu.memory_space<semaphore_mem>>) src(%dma_wait3A_102 : memref<2048xf32, #tpu.memory_space<hbm>>) dst(%dma_wait3A_100 : memref<2048xf32, #tpu.memory_space<vmem>>)
      %add3A_103 = arith.constant 1 : i32
      %add3A_104 = arith.addi %while3A_64, %add3A_103 : i32
      %lt3A_105 = arith.cmpi slt, %add3A_104, %select_n3A : i32
      %convert_element_type3A_106 = arith.extui %lt3A_105 : i1 to i32
      %cond3A_107 = arith.constant 0 : i32
      %cond3A_108 = arith.cmpi ne, %convert_element_type3A_106, %cond3A_107 : i32
      scf.if %cond3A_108 {
        %mul3A_941 = arith.constant 49 : i32
        %mul3A_942 = arith.muli %add3A, %mul3A_941 : i32
        %add3A_943 = arith.addi %mul3A_942, %while3A_64 : i32
        %add3A_944 = arith.constant 1 : i32
        %add3A_945 = arith.addi %add3A_943, %add3A_944 : i32
        %sub3A = arith.constant 1 : i32
        %sub3A_946 = arith.subi %sub3A, %rem3A_65 : i32
        %mul3A_947 = arith.constant 16 : i32
        %mul3A_948 = arith.muli %add3A_945, %mul3A_947 : i32
        %dma_start3A_949 = arith.constant 0 : i32
        %dma_start3A_950 = arith.constant 0 : i32
        %dma_start3A_951 = tpu.memref_slice %arg10[%sub3A_946, %dma_start3A_949, %dma_start3A_950] : memref<2x16x128xi32, #tpu.memory_space<vmem>> -> memref<1x16x128xi32, #tpu.memory_space<vmem>>
        %dma_start3A_952 = tpu.memref_squeeze %dma_start3A_951 : memref<1x16x128xi32, #tpu.memory_space<vmem>> -> memref<16x128xi32, #tpu.memory_space<vmem>>
        %dma_start3A_953 = arith.constant 0 : i32
        %dma_start3A_954 = tpu.memref_slice %arg2[%mul3A_948, %dma_start3A_953] : memref<25000x128xi32, #tpu.memory_space<hbm>> -> memref<16x128xi32, #tpu.memory_space<hbm>>
        %dma_start3A_955 = arith.constant 0 : i32
        %dma_start3A_956 = arith.constant 0 : i32
        %dma_start3A_957 = tpu.memref_slice %arg10[%sub3A_946, %dma_start3A_955, %dma_start3A_956] : memref<2x16x128xi32, #tpu.memory_space<vmem>> -> memref<1x16x128xi32, #tpu.memory_space<vmem>>
        %dma_start3A_958 = tpu.memref_squeeze %dma_start3A_957 : memref<1x16x128xi32, #tpu.memory_space<vmem>> -> memref<16x128xi32, #tpu.memory_space<vmem>>
        %dma_start3A_959 = arith.constant 0 : i32
        %dma_start3A_960 = tpu.memref_slice %arg2[%mul3A_948, %dma_start3A_959] : memref<25000x128xi32, #tpu.memory_space<hbm>> -> memref<16x128xi32, #tpu.memory_space<hbm>>
        tpu.enqueue_dma source(%dma_start3A_960 : memref<16x128xi32, #tpu.memory_space<hbm>>) target(%dma_start3A_958 : memref<16x128xi32, #tpu.memory_space<vmem>>) target_semaphore(%arg17 : memref<!tpu.dma_semaphore, #tpu.memory_space<semaphore_mem>>)
        %mul3A_961 = arith.constant 2048 : i32
        %mul3A_962 = arith.muli %add3A_945, %mul3A_961 : i32
        %dma_start3A_963 = arith.constant 0 : i32
        %dma_start3A_964 = arith.constant 0 : i32
        %dma_start3A_965 = tpu.memref_slice %arg11[%sub3A_946, %dma_start3A_963, %dma_start3A_964] : memref<2x2048x8xf32, #tpu.memory_space<vmem>> -> memref<1x2048x8xf32, #tpu.memory_space<vmem>>
        %dma_start3A_966 = tpu.memref_squeeze %dma_start3A_965 : memref<1x2048x8xf32, #tpu.memory_space<vmem>> -> memref<2048x8xf32, #tpu.memory_space<vmem>>
        %dma_start3A_967 = arith.constant 0 : i32
        %dma_start3A_968 = tpu.memref_slice %arg3[%mul3A_962, %dma_start3A_967] : memref<3200000x8xf32, #tpu.memory_space<hbm>> -> memref<2048x8xf32, #tpu.memory_space<hbm>>
        %dma_start3A_969 = arith.constant 0 : i32
        %dma_start3A_970 = arith.constant 0 : i32
        %dma_start3A_971 = tpu.memref_slice %arg11[%sub3A_946, %dma_start3A_969, %dma_start3A_970] : memref<2x2048x8xf32, #tpu.memory_space<vmem>> -> memref<1x2048x8xf32, #tpu.memory_space<vmem>>
        %dma_start3A_972 = tpu.memref_squeeze %dma_start3A_971 : memref<1x2048x8xf32, #tpu.memory_space<vmem>> -> memref<2048x8xf32, #tpu.memory_space<vmem>>
        %dma_start3A_973 = arith.constant 0 : i32
        %dma_start3A_974 = tpu.memref_slice %arg3[%mul3A_962, %dma_start3A_973] : memref<3200000x8xf32, #tpu.memory_space<hbm>> -> memref<2048x8xf32, #tpu.memory_space<hbm>>
        tpu.enqueue_dma source(%dma_start3A_974 : memref<2048x8xf32, #tpu.memory_space<hbm>>) target(%dma_start3A_972 : memref<2048x8xf32, #tpu.memory_space<vmem>>) target_semaphore(%arg17 : memref<!tpu.dma_semaphore, #tpu.memory_space<semaphore_mem>>)
        %mul3A_975 = arith.constant 2048 : i32
        %mul3A_976 = arith.muli %add3A_945, %mul3A_975 : i32
        %dma_start3A_977 = arith.constant 0 : i32
        %dma_start3A_978 = tpu.memref_slice %arg12[%sub3A_946, %dma_start3A_977] : memref<2x2048xf32, #tpu.memory_space<vmem>> -> memref<1x2048xf32, #tpu.memory_space<vmem>>
        %dma_start3A_979 = tpu.memref_squeeze %dma_start3A_978 : memref<1x2048xf32, #tpu.memory_space<vmem>> -> memref<2048xf32, #tpu.memory_space<vmem>>
        %dma_start3A_980 = tpu.memref_slice %arg4[%mul3A_976] : memref<3200000xf32, #tpu.memory_space<hbm>> -> memref<2048xf32, #tpu.memory_space<hbm>>
        %dma_start3A_981 = arith.constant 0 : i32
        %dma_start3A_982 = tpu.memref_slice %arg12[%sub3A_946, %dma_start3A_981] : memref<2x2048xf32, #tpu.memory_space<vmem>> -> memref<1x2048xf32, #tpu.memory_space<vmem>>
        %dma_start3A_983 = tpu.memref_squeeze %dma_start3A_982 : memref<1x2048xf32, #tpu.memory_space<vmem>> -> memref<2048xf32, #tpu.memory_space<vmem>>
        %dma_start3A_984 = tpu.memref_slice %arg4[%mul3A_976] : memref<3200000xf32, #tpu.memory_space<hbm>> -> memref<2048xf32, #tpu.memory_space<hbm>>
        tpu.enqueue_dma source(%dma_start3A_984 : memref<2048xf32, #tpu.memory_space<hbm>>) target(%dma_start3A_983 : memref<2048xf32, #tpu.memory_space<vmem>>) target_semaphore(%arg17 : memref<!tpu.dma_semaphore, #tpu.memory_space<semaphore_mem>>)
      } else {
      }
      %dma_start3A_109 = arith.constant 0 : i32
      %dma_start3A_110 = arith.constant 0 : i32
      %dma_start3A_111 = arith.constant 0 : i32
      %dma_start3A_112 = tpu.memref_slice %arg11[%rem3A_65, %dma_start3A_110, %dma_start3A_111] : memref<2x2048x8xf32, #tpu.memory_space<vmem>> -> memref<1x128x8xf32, #tpu.memory_space<vmem>>
      %dma_start3A_113 = tpu.memref_squeeze %dma_start3A_112 : memref<1x128x8xf32, #tpu.memory_space<vmem>> -> memref<128x8xf32, #tpu.memory_space<vmem>>
      %dma_start3A_114 = arith.constant 0 : i32
      %dma_start3A_115 = tpu.memref_slice %arg10[%rem3A_65, %dma_start3A_109, %dma_start3A_114] : memref<2x16x128xi32, #tpu.memory_space<vmem>> -> memref<1x1x128xi32, #tpu.memory_space<vmem>>
      %dma_start3A_116 = tpu.memref_squeeze %dma_start3A_115 : memref<1x1x128xi32, #tpu.memory_space<vmem>> -> memref<128xi32, #tpu.memory_space<vmem>>
      %dma_start3A_117 = arith.constant 0 : i32
      %dma_start3A_118 = arith.constant 0 : i32
      %dma_start3A_119 = tpu.memref_slice %arg14[%dma_start3A_117, %dma_start3A_118] : memref<100096x8xf32, #tpu.memory_space<vmem_shared>> -> memref<100096x8xf32, #tpu.memory_space<vmem_shared>>
      tpu.enqueue_indirect_dma source(%dma_start3A_113 : memref<128x8xf32, #tpu.memory_space<vmem>>) target(%dma_start3A_119 : memref<100096x8xf32, #tpu.memory_space<vmem_shared>>) offsets(%dma_start3A_116 : memref<128xi32, #tpu.memory_space<vmem>>) semaphore(%arg18 : memref<!tpu.dma_semaphore, #tpu.memory_space<semaphore_mem>>) {add = true}
      %dma_start3A_120 = arith.constant 0 : i32
      %dma_start3A_121 = arith.constant 0 : i32
      %dma_start3A_122 = tpu.memref_slice %arg12[%rem3A_65, %dma_start3A_121] : memref<2x2048xf32, #tpu.memory_space<vmem>> -> memref<1x128xf32, #tpu.memory_space<vmem>>
      %dma_start3A_123 = tpu.memref_squeeze %dma_start3A_122 : memref<1x128xf32, #tpu.memory_space<vmem>> -> memref<128xf32, #tpu.memory_space<vmem>>
      %dma_start3A_124 = arith.constant 0 : i32
      %dma_start3A_125 = tpu.memref_slice %arg10[%rem3A_65, %dma_start3A_120, %dma_start3A_124] : memref<2x16x128xi32, #tpu.memory_space<vmem>> -> memref<1x1x128xi32, #tpu.memory_space<vmem>>
      %dma_start3A_126 = tpu.memref_squeeze %dma_start3A_125 : memref<1x1x128xi32, #tpu.memory_space<vmem>> -> memref<128xi32, #tpu.memory_space<vmem>>
      %dma_start3A_127 = arith.constant 0 : i32
      %dma_start3A_128 = tpu.memref_slice %arg15[%dma_start3A_127] : memref<100096xf32, #tpu.memory_space<vmem_shared>> -> memref<100096xf32, #tpu.memory_space<vmem_shared>>
      tpu.enqueue_indirect_dma source(%dma_start3A_123 : memref<128xf32, #tpu.memory_space<vmem>>) target(%dma_start3A_128 : memref<100096xf32, #tpu.memory_space<vmem_shared>>) offsets(%dma_start3A_126 : memref<128xi32, #tpu.memory_space<vmem>>) semaphore(%arg18 : memref<!tpu.dma_semaphore, #tpu.memory_space<semaphore_mem>>) {add = true}
      %dma_start3A_129 = arith.constant 0 : i32
      %dma_start3A_130 = arith.constant 0 : i32
      %dma_start3A_131 = tpu.memref_slice %arg10[%rem3A_65, %dma_start3A_129, %dma_start3A_130] : memref<2x16x128xi32, #tpu.memory_space<vmem>> -> memref<1x1x128xi32, #tpu.memory_space<vmem>>
      %dma_start3A_132 = tpu.memref_squeeze %dma_start3A_131 : memref<1x1x128xi32, #tpu.memory_space<vmem>> -> memref<128xi32, #tpu.memory_space<vmem>>
      %dma_start3A_133 = arith.constant 0 : i32
      %dma_start3A_134 = tpu.memref_slice %arg16[%dma_start3A_133] : memref<100096xf32, #tpu.memory_space<vmem_shared>> -> memref<100096xf32, #tpu.memory_space<vmem_shared>>
      tpu.enqueue_indirect_dma source(%arg13 : memref<128xf32, #tpu.memory_space<vmem>>) target(%dma_start3A_134 : memref<100096xf32, #tpu.memory_space<vmem_shared>>) offsets(%dma_start3A_132 : memref<128xi32, #tpu.memory_space<vmem>>) semaphore(%arg18 : memref<!tpu.dma_semaphore, #tpu.memory_space<semaphore_mem>>) {add = true}
      %dma_start3A_135 = arith.constant 1 : i32
      %dma_start3A_136 = arith.constant 128 : i32
      %dma_start3A_137 = arith.constant 0 : i32
      %dma_start3A_138 = tpu.memref_slice %arg11[%rem3A_65, %dma_start3A_136, %dma_start3A_137] : memref<2x2048x8xf32, #tpu.memory_space<vmem>> -> memref<1x128x8xf32, #tpu.memory_space<vmem>>
      %dma_start3A_139 = tpu.memref_squeeze %dma_start3A_138 : memref<1x128x8xf32, #tpu.memory_space<vmem>> -> memref<128x8xf32, #tpu.memory_space<vmem>>
      %dma_start3A_140 = arith.constant 0 : i32
      %dma_start3A_141 = tpu.memref_slice %arg10[%rem3A_65, %dma_start3A_135, %dma_start3A_140] : memref<2x16x128xi32, #tpu.memory_space<vmem>> -> memref<1x1x128xi32, #tpu.memory_space<vmem>>
      %dma_start3A_142 = tpu.memref_squeeze %dma_start3A_141 : memref<1x1x128xi32, #tpu.memory_space<vmem>> -> memref<128xi32, #tpu.memory_space<vmem>>
      %dma_start3A_143 = arith.constant 0 : i32
      %dma_start3A_144 = arith.constant 0 : i32
      %dma_start3A_145 = tpu.memref_slice %arg14[%dma_start3A_143, %dma_start3A_144] : memref<100096x8xf32, #tpu.memory_space<vmem_shared>> -> memref<100096x8xf32, #tpu.memory_space<vmem_shared>>
      tpu.enqueue_indirect_dma source(%dma_start3A_139 : memref<128x8xf32, #tpu.memory_space<vmem>>) target(%dma_start3A_145 : memref<100096x8xf32, #tpu.memory_space<vmem_shared>>) offsets(%dma_start3A_142 : memref<128xi32, #tpu.memory_space<vmem>>) semaphore(%arg18 : memref<!tpu.dma_semaphore, #tpu.memory_space<semaphore_mem>>) {add = true}
      %dma_start3A_146 = arith.constant 1 : i32
      %dma_start3A_147 = arith.constant 128 : i32
      %dma_start3A_148 = tpu.memref_slice %arg12[%rem3A_65, %dma_start3A_147] : memref<2x2048xf32, #tpu.memory_space<vmem>> -> memref<1x128xf32, #tpu.memory_space<vmem>>
      %dma_start3A_149 = tpu.memref_squeeze %dma_start3A_148 : memref<1x128xf32, #tpu.memory_space<vmem>> -> memref<128xf32, #tpu.memory_space<vmem>>
      %dma_start3A_150 = arith.constant 0 : i32
      %dma_start3A_151 = tpu.memref_slice %arg10[%rem3A_65, %dma_start3A_146, %dma_start3A_150] : memref<2x16x128xi32, #tpu.memory_space<vmem>> -> memref<1x1x128xi32, #tpu.memory_space<vmem>>
      %dma_start3A_152 = tpu.memref_squeeze %dma_start3A_151 : memref<1x1x128xi32, #tpu.memory_space<vmem>> -> memref<128xi32, #tpu.memory_space<vmem>>
      %dma_start3A_153 = arith.constant 0 : i32
      %dma_start3A_154 = tpu.memref_slice %arg15[%dma_start3A_153] : memref<100096xf32, #tpu.memory_space<vmem_shared>> -> memref<100096xf32, #tpu.memory_space<vmem_shared>>
      tpu.enqueue_indirect_dma source(%dma_start3A_149 : memref<128xf32, #tpu.memory_space<vmem>>) target(%dma_start3A_154 : memref<100096xf32, #tpu.memory_space<vmem_shared>>) offsets(%dma_start3A_152 : memref<128xi32, #tpu.memory_space<vmem>>) semaphore(%arg18 : memref<!tpu.dma_semaphore, #tpu.memory_space<semaphore_mem>>) {add = true}
      %dma_start3A_155 = arith.constant 1 : i32
      %dma_start3A_156 = arith.constant 0 : i32
      %dma_start3A_157 = tpu.memref_slice %arg10[%rem3A_65, %dma_start3A_155, %dma_start3A_156] : memref<2x16x128xi32, #tpu.memory_space<vmem>> -> memref<1x1x128xi32, #tpu.memory_space<vmem>>
      %dma_start3A_158 = tpu.memref_squeeze %dma_start3A_157 : memref<1x1x128xi32, #tpu.memory_space<vmem>> -> memref<128xi32, #tpu.memory_space<vmem>>
      %dma_start3A_159 = arith.constant 0 : i32
      %dma_start3A_160 = tpu.memref_slice %arg16[%dma_start3A_159] : memref<100096xf32, #tpu.memory_space<vmem_shared>> -> memref<100096xf32, #tpu.memory_space<vmem_shared>>
      tpu.enqueue_indirect_dma source(%arg13 : memref<128xf32, #tpu.memory_space<vmem>>) target(%dma_start3A_160 : memref<100096xf32, #tpu.memory_space<vmem_shared>>) offsets(%dma_start3A_158 : memref<128xi32, #tpu.memory_space<vmem>>) semaphore(%arg18 : memref<!tpu.dma_semaphore, #tpu.memory_space<semaphore_mem>>) {add = true}
      %dma_start3A_161 = arith.constant 2 : i32
      %dma_start3A_162 = arith.constant 256 : i32
      %dma_start3A_163 = arith.constant 0 : i32
      %dma_start3A_164 = tpu.memref_slice %arg11[%rem3A_65, %dma_start3A_162, %dma_start3A_163] : memref<2x2048x8xf32, #tpu.memory_space<vmem>> -> memref<1x128x8xf32, #tpu.memory_space<vmem>>
      %dma_start3A_165 = tpu.memref_squeeze %dma_start3A_164 : memref<1x128x8xf32, #tpu.memory_space<vmem>> -> memref<128x8xf32, #tpu.memory_space<vmem>>
      %dma_start3A_166 = arith.constant 0 : i32
      %dma_start3A_167 = tpu.memref_slice %arg10[%rem3A_65, %dma_start3A_161, %dma_start3A_166] : memref<2x16x128xi32, #tpu.memory_space<vmem>> -> memref<1x1x128xi32, #tpu.memory_space<vmem>>
      %dma_start3A_168 = tpu.memref_squeeze %dma_start3A_167 : memref<1x1x128xi32, #tpu.memory_space<vmem>> -> memref<128xi32, #tpu.memory_space<vmem>>
      %dma_start3A_169 = arith.constant 0 : i32
      %dma_start3A_170 = arith.constant 0 : i32
      %dma_start3A_171 = tpu.memref_slice %arg14[%dma_start3A_169, %dma_start3A_170] : memref<100096x8xf32, #tpu.memory_space<vmem_shared>> -> memref<100096x8xf32, #tpu.memory_space<vmem_shared>>
      tpu.enqueue_indirect_dma source(%dma_start3A_165 : memref<128x8xf32, #tpu.memory_space<vmem>>) target(%dma_start3A_171 : memref<100096x8xf32, #tpu.memory_space<vmem_shared>>) offsets(%dma_start3A_168 : memref<128xi32, #tpu.memory_space<vmem>>) semaphore(%arg18 : memref<!tpu.dma_semaphore, #tpu.memory_space<semaphore_mem>>) {add = true}
      %dma_start3A_172 = arith.constant 2 : i32
      %dma_start3A_173 = arith.constant 256 : i32
      %dma_start3A_174 = tpu.memref_slice %arg12[%rem3A_65, %dma_start3A_173] : memref<2x2048xf32, #tpu.memory_space<vmem>> -> memref<1x128xf32, #tpu.memory_space<vmem>>
      %dma_start3A_175 = tpu.memref_squeeze %dma_start3A_174 : memref<1x128xf32, #tpu.memory_space<vmem>> -> memref<128xf32, #tpu.memory_space<vmem>>
      %dma_start3A_176 = arith.constant 0 : i32
      %dma_start3A_177 = tpu.memref_slice %arg10[%rem3A_65, %dma_start3A_172, %dma_start3A_176] : memref<2x16x128xi32, #tpu.memory_space<vmem>> -> memref<1x1x128xi32, #tpu.memory_space<vmem>>
      %dma_start3A_178 = tpu.memref_squeeze %dma_start3A_177 : memref<1x1x128xi32, #tpu.memory_space<vmem>> -> memref<128xi32, #tpu.memory_space<vmem>>
      %dma_start3A_179 = arith.constant 0 : i32
      %dma_start3A_180 = tpu.memref_slice %arg15[%dma_start3A_179] : memref<100096xf32, #tpu.memory_space<vmem_shared>> -> memref<100096xf32, #tpu.memory_space<vmem_shared>>
      tpu.enqueue_indirect_dma source(%dma_start3A_175 : memref<128xf32, #tpu.memory_space<vmem>>) target(%dma_start3A_180 : memref<100096xf32, #tpu.memory_space<vmem_shared>>) offsets(%dma_start3A_178 : memref<128xi32, #tpu.memory_space<vmem>>) semaphore(%arg18 : memref<!tpu.dma_semaphore, #tpu.memory_space<semaphore_mem>>) {add = true}
      %dma_start3A_181 = arith.constant 2 : i32
      %dma_start3A_182 = arith.constant 0 : i32
      %dma_start3A_183 = tpu.memref_slice %arg10[%rem3A_65, %dma_start3A_181, %dma_start3A_182] : memref<2x16x128xi32, #tpu.memory_space<vmem>> -> memref<1x1x128xi32, #tpu.memory_space<vmem>>
      %dma_start3A_184 = tpu.memref_squeeze %dma_start3A_183 : memref<1x1x128xi32, #tpu.memory_space<vmem>> -> memref<128xi32, #tpu.memory_space<vmem>>
      %dma_start3A_185 = arith.constant 0 : i32
      %dma_start3A_186 = tpu.memref_slice %arg16[%dma_start3A_185] : memref<100096xf32, #tpu.memory_space<vmem_shared>> -> memref<100096xf32, #tpu.memory_space<vmem_shared>>
      tpu.enqueue_indirect_dma source(%arg13 : memref<128xf32, #tpu.memory_space<vmem>>) target(%dma_start3A_186 : memref<100096xf32, #tpu.memory_space<vmem_shared>>) offsets(%dma_start3A_184 : memref<128xi32, #tpu.memory_space<vmem>>) semaphore(%arg18 : memref<!tpu.dma_semaphore, #tpu.memory_space<semaphore_mem>>) {add = true}
      %dma_start3A_187 = arith.constant 3 : i32
      %dma_start3A_188 = arith.constant 384 : i32
      %dma_start3A_189 = arith.constant 0 : i32
      %dma_start3A_190 = tpu.memref_slice %arg11[%rem3A_65, %dma_start3A_188, %dma_start3A_189] : memref<2x2048x8xf32, #tpu.memory_space<vmem>> -> memref<1x128x8xf32, #tpu.memory_space<vmem>>
      %dma_start3A_191 = tpu.memref_squeeze %dma_start3A_190 : memref<1x128x8xf32, #tpu.memory_space<vmem>> -> memref<128x8xf32, #tpu.memory_space<vmem>>
      %dma_start3A_192 = arith.constant 0 : i32
      %dma_start3A_193 = tpu.memref_slice %arg10[%rem3A_65, %dma_start3A_187, %dma_start3A_192] : memref<2x16x128xi32, #tpu.memory_space<vmem>> -> memref<1x1x128xi32, #tpu.memory_space<vmem>>
      %dma_start3A_194 = tpu.memref_squeeze %dma_start3A_193 : memref<1x1x128xi32, #tpu.memory_space<vmem>> -> memref<128xi32, #tpu.memory_space<vmem>>
      %dma_start3A_195 = arith.constant 0 : i32
      %dma_start3A_196 = arith.constant 0 : i32
      %dma_start3A_197 = tpu.memref_slice %arg14[%dma_start3A_195, %dma_start3A_196] : memref<100096x8xf32, #tpu.memory_space<vmem_shared>> -> memref<100096x8xf32, #tpu.memory_space<vmem_shared>>
      tpu.enqueue_indirect_dma source(%dma_start3A_191 : memref<128x8xf32, #tpu.memory_space<vmem>>) target(%dma_start3A_197 : memref<100096x8xf32, #tpu.memory_space<vmem_shared>>) offsets(%dma_start3A_194 : memref<128xi32, #tpu.memory_space<vmem>>) semaphore(%arg18 : memref<!tpu.dma_semaphore, #tpu.memory_space<semaphore_mem>>) {add = true}
      %dma_start3A_198 = arith.constant 3 : i32
      %dma_start3A_199 = arith.constant 384 : i32
      %dma_start3A_200 = tpu.memref_slice %arg12[%rem3A_65, %dma_start3A_199] : memref<2x2048xf32, #tpu.memory_space<vmem>> -> memref<1x128xf32, #tpu.memory_space<vmem>>
      %dma_start3A_201 = tpu.memref_squeeze %dma_start3A_200 : memref<1x128xf32, #tpu.memory_space<vmem>> -> memref<128xf32, #tpu.memory_space<vmem>>
      %dma_start3A_202 = arith.constant 0 : i32
      %dma_start3A_203 = tpu.memref_slice %arg10[%rem3A_65, %dma_start3A_198, %dma_start3A_202] : memref<2x16x128xi32, #tpu.memory_space<vmem>> -> memref<1x1x128xi32, #tpu.memory_space<vmem>>
      %dma_start3A_204 = tpu.memref_squeeze %dma_start3A_203 : memref<1x1x128xi32, #tpu.memory_space<vmem>> -> memref<128xi32, #tpu.memory_space<vmem>>
      %dma_start3A_205 = arith.constant 0 : i32
      %dma_start3A_206 = tpu.memref_slice %arg15[%dma_start3A_205] : memref<100096xf32, #tpu.memory_space<vmem_shared>> -> memref<100096xf32, #tpu.memory_space<vmem_shared>>
      tpu.enqueue_indirect_dma source(%dma_start3A_201 : memref<128xf32, #tpu.memory_space<vmem>>) target(%dma_start3A_206 : memref<100096xf32, #tpu.memory_space<vmem_shared>>) offsets(%dma_start3A_204 : memref<128xi32, #tpu.memory_space<vmem>>) semaphore(%arg18 : memref<!tpu.dma_semaphore, #tpu.memory_space<semaphore_mem>>) {add = true}
      %dma_start3A_207 = arith.constant 3 : i32
      %dma_start3A_208 = arith.constant 0 : i32
      %dma_start3A_209 = tpu.memref_slice %arg10[%rem3A_65, %dma_start3A_207, %dma_start3A_208] : memref<2x16x128xi32, #tpu.memory_space<vmem>> -> memref<1x1x128xi32, #tpu.memory_space<vmem>>
      %dma_start3A_210 = tpu.memref_squeeze %dma_start3A_209 : memref<1x1x128xi32, #tpu.memory_space<vmem>> -> memref<128xi32, #tpu.memory_space<vmem>>
      %dma_start3A_211 = arith.constant 0 : i32
      %dma_start3A_212 = tpu.memref_slice %arg16[%dma_start3A_211] : memref<100096xf32, #tpu.memory_space<vmem_shared>> -> memref<100096xf32, #tpu.memory_space<vmem_shared>>
      tpu.enqueue_indirect_dma source(%arg13 : memref<128xf32, #tpu.memory_space<vmem>>) target(%dma_start3A_212 : memref<100096xf32, #tpu.memory_space<vmem_shared>>) offsets(%dma_start3A_210 : memref<128xi32, #tpu.memory_space<vmem>>) semaphore(%arg18 : memref<!tpu.dma_semaphore, #tpu.memory_space<semaphore_mem>>) {add = true}
      %dma_start3A_213 = arith.constant 4 : i32
      %dma_start3A_214 = arith.constant 512 : i32
      %dma_start3A_215 = arith.constant 0 : i32
      %dma_start3A_216 = tpu.memref_slice %arg11[%rem3A_65, %dma_start3A_214, %dma_start3A_215] : memref<2x2048x8xf32, #tpu.memory_space<vmem>> -> memref<1x128x8xf32, #tpu.memory_space<vmem>>
      %dma_start3A_217 = tpu.memref_squeeze %dma_start3A_216 : memref<1x128x8xf32, #tpu.memory_space<vmem>> -> memref<128x8xf32, #tpu.memory_space<vmem>>
      %dma_start3A_218 = arith.constant 0 : i32
      %dma_start3A_219 = tpu.memref_slice %arg10[%rem3A_65, %dma_start3A_213, %dma_start3A_218] : memref<2x16x128xi32, #tpu.memory_space<vmem>> -> memref<1x1x128xi32, #tpu.memory_space<vmem>>
      %dma_start3A_220 = tpu.memref_squeeze %dma_start3A_219 : memref<1x1x128xi32, #tpu.memory_space<vmem>> -> memref<128xi32, #tpu.memory_space<vmem>>
      %dma_start3A_221 = arith.constant 0 : i32
      %dma_start3A_222 = arith.constant 0 : i32
      %dma_start3A_223 = tpu.memref_slice %arg14[%dma_start3A_221, %dma_start3A_222] : memref<100096x8xf32, #tpu.memory_space<vmem_shared>> -> memref<100096x8xf32, #tpu.memory_space<vmem_shared>>
      tpu.enqueue_indirect_dma source(%dma_start3A_217 : memref<128x8xf32, #tpu.memory_space<vmem>>) target(%dma_start3A_223 : memref<100096x8xf32, #tpu.memory_space<vmem_shared>>) offsets(%dma_start3A_220 : memref<128xi32, #tpu.memory_space<vmem>>) semaphore(%arg18 : memref<!tpu.dma_semaphore, #tpu.memory_space<semaphore_mem>>) {add = true}
      %dma_start3A_224 = arith.constant 4 : i32
      %dma_start3A_225 = arith.constant 512 : i32
      %dma_start3A_226 = tpu.memref_slice %arg12[%rem3A_65, %dma_start3A_225] : memref<2x2048xf32, #tpu.memory_space<vmem>> -> memref<1x128xf32, #tpu.memory_space<vmem>>
      %dma_start3A_227 = tpu.memref_squeeze %dma_start3A_226 : memref<1x128xf32, #tpu.memory_space<vmem>> -> memref<128xf32, #tpu.memory_space<vmem>>
      %dma_start3A_228 = arith.constant 0 : i32
      %dma_start3A_229 = tpu.memref_slice %arg10[%rem3A_65, %dma_start3A_224, %dma_start3A_228] : memref<2x16x128xi32, #tpu.memory_space<vmem>> -> memref<1x1x128xi32, #tpu.memory_space<vmem>>
      %dma_start3A_230 = tpu.memref_squeeze %dma_start3A_229 : memref<1x1x128xi32, #tpu.memory_space<vmem>> -> memref<128xi32, #tpu.memory_space<vmem>>
      %dma_start3A_231 = arith.constant 0 : i32
      %dma_start3A_232 = tpu.memref_slice %arg15[%dma_start3A_231] : memref<100096xf32, #tpu.memory_space<vmem_shared>> -> memref<100096xf32, #tpu.memory_space<vmem_shared>>
      tpu.enqueue_indirect_dma source(%dma_start3A_227 : memref<128xf32, #tpu.memory_space<vmem>>) target(%dma_start3A_232 : memref<100096xf32, #tpu.memory_space<vmem_shared>>) offsets(%dma_start3A_230 : memref<128xi32, #tpu.memory_space<vmem>>) semaphore(%arg18 : memref<!tpu.dma_semaphore, #tpu.memory_space<semaphore_mem>>) {add = true}
      %dma_start3A_233 = arith.constant 4 : i32
      %dma_start3A_234 = arith.constant 0 : i32
      %dma_start3A_235 = tpu.memref_slice %arg10[%rem3A_65, %dma_start3A_233, %dma_start3A_234] : memref<2x16x128xi32, #tpu.memory_space<vmem>> -> memref<1x1x128xi32, #tpu.memory_space<vmem>>
      %dma_start3A_236 = tpu.memref_squeeze %dma_start3A_235 : memref<1x1x128xi32, #tpu.memory_space<vmem>> -> memref<128xi32, #tpu.memory_space<vmem>>
      %dma_start3A_237 = arith.constant 0 : i32
      %dma_start3A_238 = tpu.memref_slice %arg16[%dma_start3A_237] : memref<100096xf32, #tpu.memory_space<vmem_shared>> -> memref<100096xf32, #tpu.memory_space<vmem_shared>>
      tpu.enqueue_indirect_dma source(%arg13 : memref<128xf32, #tpu.memory_space<vmem>>) target(%dma_start3A_238 : memref<100096xf32, #tpu.memory_space<vmem_shared>>) offsets(%dma_start3A_236 : memref<128xi32, #tpu.memory_space<vmem>>) semaphore(%arg18 : memref<!tpu.dma_semaphore, #tpu.memory_space<semaphore_mem>>) {add = true}
      %dma_start3A_239 = arith.constant 5 : i32
      %dma_start3A_240 = arith.constant 640 : i32
      %dma_start3A_241 = arith.constant 0 : i32
      %dma_start3A_242 = tpu.memref_slice %arg11[%rem3A_65, %dma_start3A_240, %dma_start3A_241] : memref<2x2048x8xf32, #tpu.memory_space<vmem>> -> memref<1x128x8xf32, #tpu.memory_space<vmem>>
      %dma_start3A_243 = tpu.memref_squeeze %dma_start3A_242 : memref<1x128x8xf32, #tpu.memory_space<vmem>> -> memref<128x8xf32, #tpu.memory_space<vmem>>
      %dma_start3A_244 = arith.constant 0 : i32
      %dma_start3A_245 = tpu.memref_slice %arg10[%rem3A_65, %dma_start3A_239, %dma_start3A_244] : memref<2x16x128xi32, #tpu.memory_space<vmem>> -> memref<1x1x128xi32, #tpu.memory_space<vmem>>
      %dma_start3A_246 = tpu.memref_squeeze %dma_start3A_245 : memref<1x1x128xi32, #tpu.memory_space<vmem>> -> memref<128xi32, #tpu.memory_space<vmem>>
      %dma_start3A_247 = arith.constant 0 : i32
      %dma_start3A_248 = arith.constant 0 : i32
      %dma_start3A_249 = tpu.memref_slice %arg14[%dma_start3A_247, %dma_start3A_248] : memref<100096x8xf32, #tpu.memory_space<vmem_shared>> -> memref<100096x8xf32, #tpu.memory_space<vmem_shared>>
      tpu.enqueue_indirect_dma source(%dma_start3A_243 : memref<128x8xf32, #tpu.memory_space<vmem>>) target(%dma_start3A_249 : memref<100096x8xf32, #tpu.memory_space<vmem_shared>>) offsets(%dma_start3A_246 : memref<128xi32, #tpu.memory_space<vmem>>) semaphore(%arg18 : memref<!tpu.dma_semaphore, #tpu.memory_space<semaphore_mem>>) {add = true}
      %dma_start3A_250 = arith.constant 5 : i32
      %dma_start3A_251 = arith.constant 640 : i32
      %dma_start3A_252 = tpu.memref_slice %arg12[%rem3A_65, %dma_start3A_251] : memref<2x2048xf32, #tpu.memory_space<vmem>> -> memref<1x128xf32, #tpu.memory_space<vmem>>
      %dma_start3A_253 = tpu.memref_squeeze %dma_start3A_252 : memref<1x128xf32, #tpu.memory_space<vmem>> -> memref<128xf32, #tpu.memory_space<vmem>>
      %dma_start3A_254 = arith.constant 0 : i32
      %dma_start3A_255 = tpu.memref_slice %arg10[%rem3A_65, %dma_start3A_250, %dma_start3A_254] : memref<2x16x128xi32, #tpu.memory_space<vmem>> -> memref<1x1x128xi32, #tpu.memory_space<vmem>>
      %dma_start3A_256 = tpu.memref_squeeze %dma_start3A_255 : memref<1x1x128xi32, #tpu.memory_space<vmem>> -> memref<128xi32, #tpu.memory_space<vmem>>
      %dma_start3A_257 = arith.constant 0 : i32
      %dma_start3A_258 = tpu.memref_slice %arg15[%dma_start3A_257] : memref<100096xf32, #tpu.memory_space<vmem_shared>> -> memref<100096xf32, #tpu.memory_space<vmem_shared>>
      tpu.enqueue_indirect_dma source(%dma_start3A_253 : memref<128xf32, #tpu.memory_space<vmem>>) target(%dma_start3A_258 : memref<100096xf32, #tpu.memory_space<vmem_shared>>) offsets(%dma_start3A_256 : memref<128xi32, #tpu.memory_space<vmem>>) semaphore(%arg18 : memref<!tpu.dma_semaphore, #tpu.memory_space<semaphore_mem>>) {add = true}
      %dma_start3A_259 = arith.constant 5 : i32
      %dma_start3A_260 = arith.constant 0 : i32
      %dma_start3A_261 = tpu.memref_slice %arg10[%rem3A_65, %dma_start3A_259, %dma_start3A_260] : memref<2x16x128xi32, #tpu.memory_space<vmem>> -> memref<1x1x128xi32, #tpu.memory_space<vmem>>
      %dma_start3A_262 = tpu.memref_squeeze %dma_start3A_261 : memref<1x1x128xi32, #tpu.memory_space<vmem>> -> memref<128xi32, #tpu.memory_space<vmem>>
      %dma_start3A_263 = arith.constant 0 : i32
      %dma_start3A_264 = tpu.memref_slice %arg16[%dma_start3A_263] : memref<100096xf32, #tpu.memory_space<vmem_shared>> -> memref<100096xf32, #tpu.memory_space<vmem_shared>>
      tpu.enqueue_indirect_dma source(%arg13 : memref<128xf32, #tpu.memory_space<vmem>>) target(%dma_start3A_264 : memref<100096xf32, #tpu.memory_space<vmem_shared>>) offsets(%dma_start3A_262 : memref<128xi32, #tpu.memory_space<vmem>>) semaphore(%arg18 : memref<!tpu.dma_semaphore, #tpu.memory_space<semaphore_mem>>) {add = true}
      %dma_start3A_265 = arith.constant 6 : i32
      %dma_start3A_266 = arith.constant 768 : i32
      %dma_start3A_267 = arith.constant 0 : i32
      %dma_start3A_268 = tpu.memref_slice %arg11[%rem3A_65, %dma_start3A_266, %dma_start3A_267] : memref<2x2048x8xf32, #tpu.memory_space<vmem>> -> memref<1x128x8xf32, #tpu.memory_space<vmem>>
      %dma_start3A_269 = tpu.memref_squeeze %dma_start3A_268 : memref<1x128x8xf32, #tpu.memory_space<vmem>> -> memref<128x8xf32, #tpu.memory_space<vmem>>
      %dma_start3A_270 = arith.constant 0 : i32
      %dma_start3A_271 = tpu.memref_slice %arg10[%rem3A_65, %dma_start3A_265, %dma_start3A_270] : memref<2x16x128xi32, #tpu.memory_space<vmem>> -> memref<1x1x128xi32, #tpu.memory_space<vmem>>
      %dma_start3A_272 = tpu.memref_squeeze %dma_start3A_271 : memref<1x1x128xi32, #tpu.memory_space<vmem>> -> memref<128xi32, #tpu.memory_space<vmem>>
      %dma_start3A_273 = arith.constant 0 : i32
      %dma_start3A_274 = arith.constant 0 : i32
      %dma_start3A_275 = tpu.memref_slice %arg14[%dma_start3A_273, %dma_start3A_274] : memref<100096x8xf32, #tpu.memory_space<vmem_shared>> -> memref<100096x8xf32, #tpu.memory_space<vmem_shared>>
      tpu.enqueue_indirect_dma source(%dma_start3A_269 : memref<128x8xf32, #tpu.memory_space<vmem>>) target(%dma_start3A_275 : memref<100096x8xf32, #tpu.memory_space<vmem_shared>>) offsets(%dma_start3A_272 : memref<128xi32, #tpu.memory_space<vmem>>) semaphore(%arg18 : memref<!tpu.dma_semaphore, #tpu.memory_space<semaphore_mem>>) {add = true}
      %dma_start3A_276 = arith.constant 6 : i32
      %dma_start3A_277 = arith.constant 768 : i32
      %dma_start3A_278 = tpu.memref_slice %arg12[%rem3A_65, %dma_start3A_277] : memref<2x2048xf32, #tpu.memory_space<vmem>> -> memref<1x128xf32, #tpu.memory_space<vmem>>
      %dma_start3A_279 = tpu.memref_squeeze %dma_start3A_278 : memref<1x128xf32, #tpu.memory_space<vmem>> -> memref<128xf32, #tpu.memory_space<vmem>>
      %dma_start3A_280 = arith.constant 0 : i32
      %dma_start3A_281 = tpu.memref_slice %arg10[%rem3A_65, %dma_start3A_276, %dma_start3A_280] : memref<2x16x128xi32, #tpu.memory_space<vmem>> -> memref<1x1x128xi32, #tpu.memory_space<vmem>>
      %dma_start3A_282 = tpu.memref_squeeze %dma_start3A_281 : memref<1x1x128xi32, #tpu.memory_space<vmem>> -> memref<128xi32, #tpu.memory_space<vmem>>
      %dma_start3A_283 = arith.constant 0 : i32
      %dma_start3A_284 = tpu.memref_slice %arg15[%dma_start3A_283] : memref<100096xf32, #tpu.memory_space<vmem_shared>> -> memref<100096xf32, #tpu.memory_space<vmem_shared>>
      tpu.enqueue_indirect_dma source(%dma_start3A_279 : memref<128xf32, #tpu.memory_space<vmem>>) target(%dma_start3A_284 : memref<100096xf32, #tpu.memory_space<vmem_shared>>) offsets(%dma_start3A_282 : memref<128xi32, #tpu.memory_space<vmem>>) semaphore(%arg18 : memref<!tpu.dma_semaphore, #tpu.memory_space<semaphore_mem>>) {add = true}
      %dma_start3A_285 = arith.constant 6 : i32
      %dma_start3A_286 = arith.constant 0 : i32
      %dma_start3A_287 = tpu.memref_slice %arg10[%rem3A_65, %dma_start3A_285, %dma_start3A_286] : memref<2x16x128xi32, #tpu.memory_space<vmem>> -> memref<1x1x128xi32, #tpu.memory_space<vmem>>
      %dma_start3A_288 = tpu.memref_squeeze %dma_start3A_287 : memref<1x1x128xi32, #tpu.memory_space<vmem>> -> memref<128xi32, #tpu.memory_space<vmem>>
      %dma_start3A_289 = arith.constant 0 : i32
      %dma_start3A_290 = tpu.memref_slice %arg16[%dma_start3A_289] : memref<100096xf32, #tpu.memory_space<vmem_shared>> -> memref<100096xf32, #tpu.memory_space<vmem_shared>>
      tpu.enqueue_indirect_dma source(%arg13 : memref<128xf32, #tpu.memory_space<vmem>>) target(%dma_start3A_290 : memref<100096xf32, #tpu.memory_space<vmem_shared>>) offsets(%dma_start3A_288 : memref<128xi32, #tpu.memory_space<vmem>>) semaphore(%arg18 : memref<!tpu.dma_semaphore, #tpu.memory_space<semaphore_mem>>) {add = true}
      %dma_start3A_291 = arith.constant 7 : i32
      %dma_start3A_292 = arith.constant 896 : i32
      %dma_start3A_293 = arith.constant 0 : i32
      %dma_start3A_294 = tpu.memref_slice %arg11[%rem3A_65, %dma_start3A_292, %dma_start3A_293] : memref<2x2048x8xf32, #tpu.memory_space<vmem>> -> memref<1x128x8xf32, #tpu.memory_space<vmem>>
      %dma_start3A_295 = tpu.memref_squeeze %dma_start3A_294 : memref<1x128x8xf32, #tpu.memory_space<vmem>> -> memref<128x8xf32, #tpu.memory_space<vmem>>
      %dma_start3A_296 = arith.constant 0 : i32
      %dma_start3A_297 = tpu.memref_slice %arg10[%rem3A_65, %dma_start3A_291, %dma_start3A_296] : memref<2x16x128xi32, #tpu.memory_space<vmem>> -> memref<1x1x128xi32, #tpu.memory_space<vmem>>
      %dma_start3A_298 = tpu.memref_squeeze %dma_start3A_297 : memref<1x1x128xi32, #tpu.memory_space<vmem>> -> memref<128xi32, #tpu.memory_space<vmem>>
      %dma_start3A_299 = arith.constant 0 : i32
      %dma_start3A_300 = arith.constant 0 : i32
      %dma_start3A_301 = tpu.memref_slice %arg14[%dma_start3A_299, %dma_start3A_300] : memref<100096x8xf32, #tpu.memory_space<vmem_shared>> -> memref<100096x8xf32, #tpu.memory_space<vmem_shared>>
      tpu.enqueue_indirect_dma source(%dma_start3A_295 : memref<128x8xf32, #tpu.memory_space<vmem>>) target(%dma_start3A_301 : memref<100096x8xf32, #tpu.memory_space<vmem_shared>>) offsets(%dma_start3A_298 : memref<128xi32, #tpu.memory_space<vmem>>) semaphore(%arg18 : memref<!tpu.dma_semaphore, #tpu.memory_space<semaphore_mem>>) {add = true}
      %dma_start3A_302 = arith.constant 7 : i32
      %dma_start3A_303 = arith.constant 896 : i32
      %dma_start3A_304 = tpu.memref_slice %arg12[%rem3A_65, %dma_start3A_303] : memref<2x2048xf32, #tpu.memory_space<vmem>> -> memref<1x128xf32, #tpu.memory_space<vmem>>
      %dma_start3A_305 = tpu.memref_squeeze %dma_start3A_304 : memref<1x128xf32, #tpu.memory_space<vmem>> -> memref<128xf32, #tpu.memory_space<vmem>>
      %dma_start3A_306 = arith.constant 0 : i32
      %dma_start3A_307 = tpu.memref_slice %arg10[%rem3A_65, %dma_start3A_302, %dma_start3A_306] : memref<2x16x128xi32, #tpu.memory_space<vmem>> -> memref<1x1x128xi32, #tpu.memory_space<vmem>>
      %dma_start3A_308 = tpu.memref_squeeze %dma_start3A_307 : memref<1x1x128xi32, #tpu.memory_space<vmem>> -> memref<128xi32, #tpu.memory_space<vmem>>
      %dma_start3A_309 = arith.constant 0 : i32
      %dma_start3A_310 = tpu.memref_slice %arg15[%dma_start3A_309] : memref<100096xf32, #tpu.memory_space<vmem_shared>> -> memref<100096xf32, #tpu.memory_space<vmem_shared>>
      tpu.enqueue_indirect_dma source(%dma_start3A_305 : memref<128xf32, #tpu.memory_space<vmem>>) target(%dma_start3A_310 : memref<100096xf32, #tpu.memory_space<vmem_shared>>) offsets(%dma_start3A_308 : memref<128xi32, #tpu.memory_space<vmem>>) semaphore(%arg18 : memref<!tpu.dma_semaphore, #tpu.memory_space<semaphore_mem>>) {add = true}
      %dma_start3A_311 = arith.constant 7 : i32
      %dma_start3A_312 = arith.constant 0 : i32
      %dma_start3A_313 = tpu.memref_slice %arg10[%rem3A_65, %dma_start3A_311, %dma_start3A_312] : memref<2x16x128xi32, #tpu.memory_space<vmem>> -> memref<1x1x128xi32, #tpu.memory_space<vmem>>
      %dma_start3A_314 = tpu.memref_squeeze %dma_start3A_313 : memref<1x1x128xi32, #tpu.memory_space<vmem>> -> memref<128xi32, #tpu.memory_space<vmem>>
      %dma_start3A_315 = arith.constant 0 : i32
      %dma_start3A_316 = tpu.memref_slice %arg16[%dma_start3A_315] : memref<100096xf32, #tpu.memory_space<vmem_shared>> -> memref<100096xf32, #tpu.memory_space<vmem_shared>>
      tpu.enqueue_indirect_dma source(%arg13 : memref<128xf32, #tpu.memory_space<vmem>>) target(%dma_start3A_316 : memref<100096xf32, #tpu.memory_space<vmem_shared>>) offsets(%dma_start3A_314 : memref<128xi32, #tpu.memory_space<vmem>>) semaphore(%arg18 : memref<!tpu.dma_semaphore, #tpu.memory_space<semaphore_mem>>) {add = true}
      %dma_start3A_317 = arith.constant 8 : i32
      %dma_start3A_318 = arith.constant 1024 : i32
      %dma_start3A_319 = arith.constant 0 : i32
      %dma_start3A_320 = tpu.memref_slice %arg11[%rem3A_65, %dma_start3A_318, %dma_start3A_319] : memref<2x2048x8xf32, #tpu.memory_space<vmem>> -> memref<1x128x8xf32, #tpu.memory_space<vmem>>
      %dma_start3A_321 = tpu.memref_squeeze %dma_start3A_320 : memref<1x128x8xf32, #tpu.memory_space<vmem>> -> memref<128x8xf32, #tpu.memory_space<vmem>>
      %dma_start3A_322 = arith.constant 0 : i32
      %dma_start3A_323 = tpu.memref_slice %arg10[%rem3A_65, %dma_start3A_317, %dma_start3A_322] : memref<2x16x128xi32, #tpu.memory_space<vmem>> -> memref<1x1x128xi32, #tpu.memory_space<vmem>>
      %dma_start3A_324 = tpu.memref_squeeze %dma_start3A_323 : memref<1x1x128xi32, #tpu.memory_space<vmem>> -> memref<128xi32, #tpu.memory_space<vmem>>
      %dma_start3A_325 = arith.constant 0 : i32
      %dma_start3A_326 = arith.constant 0 : i32
      %dma_start3A_327 = tpu.memref_slice %arg14[%dma_start3A_325, %dma_start3A_326] : memref<100096x8xf32, #tpu.memory_space<vmem_shared>> -> memref<100096x8xf32, #tpu.memory_space<vmem_shared>>
      tpu.enqueue_indirect_dma source(%dma_start3A_321 : memref<128x8xf32, #tpu.memory_space<vmem>>) target(%dma_start3A_327 : memref<100096x8xf32, #tpu.memory_space<vmem_shared>>) offsets(%dma_start3A_324 : memref<128xi32, #tpu.memory_space<vmem>>) semaphore(%arg18 : memref<!tpu.dma_semaphore, #tpu.memory_space<semaphore_mem>>) {add = true}
      %dma_start3A_328 = arith.constant 8 : i32
      %dma_start3A_329 = arith.constant 1024 : i32
      %dma_start3A_330 = tpu.memref_slice %arg12[%rem3A_65, %dma_start3A_329] : memref<2x2048xf32, #tpu.memory_space<vmem>> -> memref<1x128xf32, #tpu.memory_space<vmem>>
      %dma_start3A_331 = tpu.memref_squeeze %dma_start3A_330 : memref<1x128xf32, #tpu.memory_space<vmem>> -> memref<128xf32, #tpu.memory_space<vmem>>
      %dma_start3A_332 = arith.constant 0 : i32
      %dma_start3A_333 = tpu.memref_slice %arg10[%rem3A_65, %dma_start3A_328, %dma_start3A_332] : memref<2x16x128xi32, #tpu.memory_space<vmem>> -> memref<1x1x128xi32, #tpu.memory_space<vmem>>
      %dma_start3A_334 = tpu.memref_squeeze %dma_start3A_333 : memref<1x1x128xi32, #tpu.memory_space<vmem>> -> memref<128xi32, #tpu.memory_space<vmem>>
      %dma_start3A_335 = arith.constant 0 : i32
      %dma_start3A_336 = tpu.memref_slice %arg15[%dma_start3A_335] : memref<100096xf32, #tpu.memory_space<vmem_shared>> -> memref<100096xf32, #tpu.memory_space<vmem_shared>>
      tpu.enqueue_indirect_dma source(%dma_start3A_331 : memref<128xf32, #tpu.memory_space<vmem>>) target(%dma_start3A_336 : memref<100096xf32, #tpu.memory_space<vmem_shared>>) offsets(%dma_start3A_334 : memref<128xi32, #tpu.memory_space<vmem>>) semaphore(%arg18 : memref<!tpu.dma_semaphore, #tpu.memory_space<semaphore_mem>>) {add = true}
      %dma_start3A_337 = arith.constant 8 : i32
      %dma_start3A_338 = arith.constant 0 : i32
      %dma_start3A_339 = tpu.memref_slice %arg10[%rem3A_65, %dma_start3A_337, %dma_start3A_338] : memref<2x16x128xi32, #tpu.memory_space<vmem>> -> memref<1x1x128xi32, #tpu.memory_space<vmem>>
      %dma_start3A_340 = tpu.memref_squeeze %dma_start3A_339 : memref<1x1x128xi32, #tpu.memory_space<vmem>> -> memref<128xi32, #tpu.memory_space<vmem>>
      %dma_start3A_341 = arith.constant 0 : i32
      %dma_start3A_342 = tpu.memref_slice %arg16[%dma_start3A_341] : memref<100096xf32, #tpu.memory_space<vmem_shared>> -> memref<100096xf32, #tpu.memory_space<vmem_shared>>
      tpu.enqueue_indirect_dma source(%arg13 : memref<128xf32, #tpu.memory_space<vmem>>) target(%dma_start3A_342 : memref<100096xf32, #tpu.memory_space<vmem_shared>>) offsets(%dma_start3A_340 : memref<128xi32, #tpu.memory_space<vmem>>) semaphore(%arg18 : memref<!tpu.dma_semaphore, #tpu.memory_space<semaphore_mem>>) {add = true}
      %dma_start3A_343 = arith.constant 9 : i32
      %dma_start3A_344 = arith.constant 1152 : i32
      %dma_start3A_345 = arith.constant 0 : i32
      %dma_start3A_346 = tpu.memref_slice %arg11[%rem3A_65, %dma_start3A_344, %dma_start3A_345] : memref<2x2048x8xf32, #tpu.memory_space<vmem>> -> memref<1x128x8xf32, #tpu.memory_space<vmem>>
      %dma_start3A_347 = tpu.memref_squeeze %dma_start3A_346 : memref<1x128x8xf32, #tpu.memory_space<vmem>> -> memref<128x8xf32, #tpu.memory_space<vmem>>
      %dma_start3A_348 = arith.constant 0 : i32
      %dma_start3A_349 = tpu.memref_slice %arg10[%rem3A_65, %dma_start3A_343, %dma_start3A_348] : memref<2x16x128xi32, #tpu.memory_space<vmem>> -> memref<1x1x128xi32, #tpu.memory_space<vmem>>
      %dma_start3A_350 = tpu.memref_squeeze %dma_start3A_349 : memref<1x1x128xi32, #tpu.memory_space<vmem>> -> memref<128xi32, #tpu.memory_space<vmem>>
      %dma_start3A_351 = arith.constant 0 : i32
      %dma_start3A_352 = arith.constant 0 : i32
      %dma_start3A_353 = tpu.memref_slice %arg14[%dma_start3A_351, %dma_start3A_352] : memref<100096x8xf32, #tpu.memory_space<vmem_shared>> -> memref<100096x8xf32, #tpu.memory_space<vmem_shared>>
      tpu.enqueue_indirect_dma source(%dma_start3A_347 : memref<128x8xf32, #tpu.memory_space<vmem>>) target(%dma_start3A_353 : memref<100096x8xf32, #tpu.memory_space<vmem_shared>>) offsets(%dma_start3A_350 : memref<128xi32, #tpu.memory_space<vmem>>) semaphore(%arg18 : memref<!tpu.dma_semaphore, #tpu.memory_space<semaphore_mem>>) {add = true}
      %dma_start3A_354 = arith.constant 9 : i32
      %dma_start3A_355 = arith.constant 1152 : i32
      %dma_start3A_356 = tpu.memref_slice %arg12[%rem3A_65, %dma_start3A_355] : memref<2x2048xf32, #tpu.memory_space<vmem>> -> memref<1x128xf32, #tpu.memory_space<vmem>>
      %dma_start3A_357 = tpu.memref_squeeze %dma_start3A_356 : memref<1x128xf32, #tpu.memory_space<vmem>> -> memref<128xf32, #tpu.memory_space<vmem>>
      %dma_start3A_358 = arith.constant 0 : i32
      %dma_start3A_359 = tpu.memref_slice %arg10[%rem3A_65, %dma_start3A_354, %dma_start3A_358] : memref<2x16x128xi32, #tpu.memory_space<vmem>> -> memref<1x1x128xi32, #tpu.memory_space<vmem>>
      %dma_start3A_360 = tpu.memref_squeeze %dma_start3A_359 : memref<1x1x128xi32, #tpu.memory_space<vmem>> -> memref<128xi32, #tpu.memory_space<vmem>>
      %dma_start3A_361 = arith.constant 0 : i32
      %dma_start3A_362 = tpu.memref_slice %arg15[%dma_start3A_361] : memref<100096xf32, #tpu.memory_space<vmem_shared>> -> memref<100096xf32, #tpu.memory_space<vmem_shared>>
      tpu.enqueue_indirect_dma source(%dma_start3A_357 : memref<128xf32, #tpu.memory_space<vmem>>) target(%dma_start3A_362 : memref<100096xf32, #tpu.memory_space<vmem_shared>>) offsets(%dma_start3A_360 : memref<128xi32, #tpu.memory_space<vmem>>) semaphore(%arg18 : memref<!tpu.dma_semaphore, #tpu.memory_space<semaphore_mem>>) {add = true}
      %dma_start3A_363 = arith.constant 9 : i32
      %dma_start3A_364 = arith.constant 0 : i32
      %dma_start3A_365 = tpu.memref_slice %arg10[%rem3A_65, %dma_start3A_363, %dma_start3A_364] : memref<2x16x128xi32, #tpu.memory_space<vmem>> -> memref<1x1x128xi32, #tpu.memory_space<vmem>>
      %dma_start3A_366 = tpu.memref_squeeze %dma_start3A_365 : memref<1x1x128xi32, #tpu.memory_space<vmem>> -> memref<128xi32, #tpu.memory_space<vmem>>
      %dma_start3A_367 = arith.constant 0 : i32
      %dma_start3A_368 = tpu.memref_slice %arg16[%dma_start3A_367] : memref<100096xf32, #tpu.memory_space<vmem_shared>> -> memref<100096xf32, #tpu.memory_space<vmem_shared>>
      tpu.enqueue_indirect_dma source(%arg13 : memref<128xf32, #tpu.memory_space<vmem>>) target(%dma_start3A_368 : memref<100096xf32, #tpu.memory_space<vmem_shared>>) offsets(%dma_start3A_366 : memref<128xi32, #tpu.memory_space<vmem>>) semaphore(%arg18 : memref<!tpu.dma_semaphore, #tpu.memory_space<semaphore_mem>>) {add = true}
      %dma_start3A_369 = arith.constant 10 : i32
      %dma_start3A_370 = arith.constant 1280 : i32
      %dma_start3A_371 = arith.constant 0 : i32
      %dma_start3A_372 = tpu.memref_slice %arg11[%rem3A_65, %dma_start3A_370, %dma_start3A_371] : memref<2x2048x8xf32, #tpu.memory_space<vmem>> -> memref<1x128x8xf32, #tpu.memory_space<vmem>>
      %dma_start3A_373 = tpu.memref_squeeze %dma_start3A_372 : memref<1x128x8xf32, #tpu.memory_space<vmem>> -> memref<128x8xf32, #tpu.memory_space<vmem>>
      %dma_start3A_374 = arith.constant 0 : i32
      %dma_start3A_375 = tpu.memref_slice %arg10[%rem3A_65, %dma_start3A_369, %dma_start3A_374] : memref<2x16x128xi32, #tpu.memory_space<vmem>> -> memref<1x1x128xi32, #tpu.memory_space<vmem>>
      %dma_start3A_376 = tpu.memref_squeeze %dma_start3A_375 : memref<1x1x128xi32, #tpu.memory_space<vmem>> -> memref<128xi32, #tpu.memory_space<vmem>>
      %dma_start3A_377 = arith.constant 0 : i32
      %dma_start3A_378 = arith.constant 0 : i32
      %dma_start3A_379 = tpu.memref_slice %arg14[%dma_start3A_377, %dma_start3A_378] : memref<100096x8xf32, #tpu.memory_space<vmem_shared>> -> memref<100096x8xf32, #tpu.memory_space<vmem_shared>>
      tpu.enqueue_indirect_dma source(%dma_start3A_373 : memref<128x8xf32, #tpu.memory_space<vmem>>) target(%dma_start3A_379 : memref<100096x8xf32, #tpu.memory_space<vmem_shared>>) offsets(%dma_start3A_376 : memref<128xi32, #tpu.memory_space<vmem>>) semaphore(%arg18 : memref<!tpu.dma_semaphore, #tpu.memory_space<semaphore_mem>>) {add = true}
      %dma_start3A_380 = arith.constant 10 : i32
      %dma_start3A_381 = arith.constant 1280 : i32
      %dma_start3A_382 = tpu.memref_slice %arg12[%rem3A_65, %dma_start3A_381] : memref<2x2048xf32, #tpu.memory_space<vmem>> -> memref<1x128xf32, #tpu.memory_space<vmem>>
      %dma_start3A_383 = tpu.memref_squeeze %dma_start3A_382 : memref<1x128xf32, #tpu.memory_space<vmem>> -> memref<128xf32, #tpu.memory_space<vmem>>
      %dma_start3A_384 = arith.constant 0 : i32
      %dma_start3A_385 = tpu.memref_slice %arg10[%rem3A_65, %dma_start3A_380, %dma_start3A_384] : memref<2x16x128xi32, #tpu.memory_space<vmem>> -> memref<1x1x128xi32, #tpu.memory_space<vmem>>
      %dma_start3A_386 = tpu.memref_squeeze %dma_start3A_385 : memref<1x1x128xi32, #tpu.memory_space<vmem>> -> memref<128xi32, #tpu.memory_space<vmem>>
      %dma_start3A_387 = arith.constant 0 : i32
      %dma_start3A_388 = tpu.memref_slice %arg15[%dma_start3A_387] : memref<100096xf32, #tpu.memory_space<vmem_shared>> -> memref<100096xf32, #tpu.memory_space<vmem_shared>>
      tpu.enqueue_indirect_dma source(%dma_start3A_383 : memref<128xf32, #tpu.memory_space<vmem>>) target(%dma_start3A_388 : memref<100096xf32, #tpu.memory_space<vmem_shared>>) offsets(%dma_start3A_386 : memref<128xi32, #tpu.memory_space<vmem>>) semaphore(%arg18 : memref<!tpu.dma_semaphore, #tpu.memory_space<semaphore_mem>>) {add = true}
      %dma_start3A_389 = arith.constant 10 : i32
      %dma_start3A_390 = arith.constant 0 : i32
      %dma_start3A_391 = tpu.memref_slice %arg10[%rem3A_65, %dma_start3A_389, %dma_start3A_390] : memref<2x16x128xi32, #tpu.memory_space<vmem>> -> memref<1x1x128xi32, #tpu.memory_space<vmem>>
      %dma_start3A_392 = tpu.memref_squeeze %dma_start3A_391 : memref<1x1x128xi32, #tpu.memory_space<vmem>> -> memref<128xi32, #tpu.memory_space<vmem>>
      %dma_start3A_393 = arith.constant 0 : i32
      %dma_start3A_394 = tpu.memref_slice %arg16[%dma_start3A_393] : memref<100096xf32, #tpu.memory_space<vmem_shared>> -> memref<100096xf32, #tpu.memory_space<vmem_shared>>
      tpu.enqueue_indirect_dma source(%arg13 : memref<128xf32, #tpu.memory_space<vmem>>) target(%dma_start3A_394 : memref<100096xf32, #tpu.memory_space<vmem_shared>>) offsets(%dma_start3A_392 : memref<128xi32, #tpu.memory_space<vmem>>) semaphore(%arg18 : memref<!tpu.dma_semaphore, #tpu.memory_space<semaphore_mem>>) {add = true}
      %dma_start3A_395 = arith.constant 11 : i32
      %dma_start3A_396 = arith.constant 1408 : i32
      %dma_start3A_397 = arith.constant 0 : i32
      %dma_start3A_398 = tpu.memref_slice %arg11[%rem3A_65, %dma_start3A_396, %dma_start3A_397] : memref<2x2048x8xf32, #tpu.memory_space<vmem>> -> memref<1x128x8xf32, #tpu.memory_space<vmem>>
      %dma_start3A_399 = tpu.memref_squeeze %dma_start3A_398 : memref<1x128x8xf32, #tpu.memory_space<vmem>> -> memref<128x8xf32, #tpu.memory_space<vmem>>
      %dma_start3A_400 = arith.constant 0 : i32
      %dma_start3A_401 = tpu.memref_slice %arg10[%rem3A_65, %dma_start3A_395, %dma_start3A_400] : memref<2x16x128xi32, #tpu.memory_space<vmem>> -> memref<1x1x128xi32, #tpu.memory_space<vmem>>
      %dma_start3A_402 = tpu.memref_squeeze %dma_start3A_401 : memref<1x1x128xi32, #tpu.memory_space<vmem>> -> memref<128xi32, #tpu.memory_space<vmem>>
      %dma_start3A_403 = arith.constant 0 : i32
      %dma_start3A_404 = arith.constant 0 : i32
      %dma_start3A_405 = tpu.memref_slice %arg14[%dma_start3A_403, %dma_start3A_404] : memref<100096x8xf32, #tpu.memory_space<vmem_shared>> -> memref<100096x8xf32, #tpu.memory_space<vmem_shared>>
      tpu.enqueue_indirect_dma source(%dma_start3A_399 : memref<128x8xf32, #tpu.memory_space<vmem>>) target(%dma_start3A_405 : memref<100096x8xf32, #tpu.memory_space<vmem_shared>>) offsets(%dma_start3A_402 : memref<128xi32, #tpu.memory_space<vmem>>) semaphore(%arg18 : memref<!tpu.dma_semaphore, #tpu.memory_space<semaphore_mem>>) {add = true}
      %dma_start3A_406 = arith.constant 11 : i32
      %dma_start3A_407 = arith.constant 1408 : i32
      %dma_start3A_408 = tpu.memref_slice %arg12[%rem3A_65, %dma_start3A_407] : memref<2x2048xf32, #tpu.memory_space<vmem>> -> memref<1x128xf32, #tpu.memory_space<vmem>>
      %dma_start3A_409 = tpu.memref_squeeze %dma_start3A_408 : memref<1x128xf32, #tpu.memory_space<vmem>> -> memref<128xf32, #tpu.memory_space<vmem>>
      %dma_start3A_410 = arith.constant 0 : i32
      %dma_start3A_411 = tpu.memref_slice %arg10[%rem3A_65, %dma_start3A_406, %dma_start3A_410] : memref<2x16x128xi32, #tpu.memory_space<vmem>> -> memref<1x1x128xi32, #tpu.memory_space<vmem>>
      %dma_start3A_412 = tpu.memref_squeeze %dma_start3A_411 : memref<1x1x128xi32, #tpu.memory_space<vmem>> -> memref<128xi32, #tpu.memory_space<vmem>>
      %dma_start3A_413 = arith.constant 0 : i32
      %dma_start3A_414 = tpu.memref_slice %arg15[%dma_start3A_413] : memref<100096xf32, #tpu.memory_space<vmem_shared>> -> memref<100096xf32, #tpu.memory_space<vmem_shared>>
      tpu.enqueue_indirect_dma source(%dma_start3A_409 : memref<128xf32, #tpu.memory_space<vmem>>) target(%dma_start3A_414 : memref<100096xf32, #tpu.memory_space<vmem_shared>>) offsets(%dma_start3A_412 : memref<128xi32, #tpu.memory_space<vmem>>) semaphore(%arg18 : memref<!tpu.dma_semaphore, #tpu.memory_space<semaphore_mem>>) {add = true}
      %dma_start3A_415 = arith.constant 11 : i32
      %dma_start3A_416 = arith.constant 0 : i32
      %dma_start3A_417 = tpu.memref_slice %arg10[%rem3A_65, %dma_start3A_415, %dma_start3A_416] : memref<2x16x128xi32, #tpu.memory_space<vmem>> -> memref<1x1x128xi32, #tpu.memory_space<vmem>>
      %dma_start3A_418 = tpu.memref_squeeze %dma_start3A_417 : memref<1x1x128xi32, #tpu.memory_space<vmem>> -> memref<128xi32, #tpu.memory_space<vmem>>
      %dma_start3A_419 = arith.constant 0 : i32
      %dma_start3A_420 = tpu.memref_slice %arg16[%dma_start3A_419] : memref<100096xf32, #tpu.memory_space<vmem_shared>> -> memref<100096xf32, #tpu.memory_space<vmem_shared>>
      tpu.enqueue_indirect_dma source(%arg13 : memref<128xf32, #tpu.memory_space<vmem>>) target(%dma_start3A_420 : memref<100096xf32, #tpu.memory_space<vmem_shared>>) offsets(%dma_start3A_418 : memref<128xi32, #tpu.memory_space<vmem>>) semaphore(%arg18 : memref<!tpu.dma_semaphore, #tpu.memory_space<semaphore_mem>>) {add = true}
      %dma_start3A_421 = arith.constant 12 : i32
      %dma_start3A_422 = arith.constant 1536 : i32
      %dma_start3A_423 = arith.constant 0 : i32
      %dma_start3A_424 = tpu.memref_slice %arg11[%rem3A_65, %dma_start3A_422, %dma_start3A_423] : memref<2x2048x8xf32, #tpu.memory_space<vmem>> -> memref<1x128x8xf32, #tpu.memory_space<vmem>>
      %dma_start3A_425 = tpu.memref_squeeze %dma_start3A_424 : memref<1x128x8xf32, #tpu.memory_space<vmem>> -> memref<128x8xf32, #tpu.memory_space<vmem>>
      %dma_start3A_426 = arith.constant 0 : i32
      %dma_start3A_427 = tpu.memref_slice %arg10[%rem3A_65, %dma_start3A_421, %dma_start3A_426] : memref<2x16x128xi32, #tpu.memory_space<vmem>> -> memref<1x1x128xi32, #tpu.memory_space<vmem>>
      %dma_start3A_428 = tpu.memref_squeeze %dma_start3A_427 : memref<1x1x128xi32, #tpu.memory_space<vmem>> -> memref<128xi32, #tpu.memory_space<vmem>>
      %dma_start3A_429 = arith.constant 0 : i32
      %dma_start3A_430 = arith.constant 0 : i32
      %dma_start3A_431 = tpu.memref_slice %arg14[%dma_start3A_429, %dma_start3A_430] : memref<100096x8xf32, #tpu.memory_space<vmem_shared>> -> memref<100096x8xf32, #tpu.memory_space<vmem_shared>>
      tpu.enqueue_indirect_dma source(%dma_start3A_425 : memref<128x8xf32, #tpu.memory_space<vmem>>) target(%dma_start3A_431 : memref<100096x8xf32, #tpu.memory_space<vmem_shared>>) offsets(%dma_start3A_428 : memref<128xi32, #tpu.memory_space<vmem>>) semaphore(%arg18 : memref<!tpu.dma_semaphore, #tpu.memory_space<semaphore_mem>>) {add = true}
      %dma_start3A_432 = arith.constant 12 : i32
      %dma_start3A_433 = arith.constant 1536 : i32
      %dma_start3A_434 = tpu.memref_slice %arg12[%rem3A_65, %dma_start3A_433] : memref<2x2048xf32, #tpu.memory_space<vmem>> -> memref<1x128xf32, #tpu.memory_space<vmem>>
      %dma_start3A_435 = tpu.memref_squeeze %dma_start3A_434 : memref<1x128xf32, #tpu.memory_space<vmem>> -> memref<128xf32, #tpu.memory_space<vmem>>
      %dma_start3A_436 = arith.constant 0 : i32
      %dma_start3A_437 = tpu.memref_slice %arg10[%rem3A_65, %dma_start3A_432, %dma_start3A_436] : memref<2x16x128xi32, #tpu.memory_space<vmem>> -> memref<1x1x128xi32, #tpu.memory_space<vmem>>
      %dma_start3A_438 = tpu.memref_squeeze %dma_start3A_437 : memref<1x1x128xi32, #tpu.memory_space<vmem>> -> memref<128xi32, #tpu.memory_space<vmem>>
      %dma_start3A_439 = arith.constant 0 : i32
      %dma_start3A_440 = tpu.memref_slice %arg15[%dma_start3A_439] : memref<100096xf32, #tpu.memory_space<vmem_shared>> -> memref<100096xf32, #tpu.memory_space<vmem_shared>>
      tpu.enqueue_indirect_dma source(%dma_start3A_435 : memref<128xf32, #tpu.memory_space<vmem>>) target(%dma_start3A_440 : memref<100096xf32, #tpu.memory_space<vmem_shared>>) offsets(%dma_start3A_438 : memref<128xi32, #tpu.memory_space<vmem>>) semaphore(%arg18 : memref<!tpu.dma_semaphore, #tpu.memory_space<semaphore_mem>>) {add = true}
      %dma_start3A_441 = arith.constant 12 : i32
      %dma_start3A_442 = arith.constant 0 : i32
      %dma_start3A_443 = tpu.memref_slice %arg10[%rem3A_65, %dma_start3A_441, %dma_start3A_442] : memref<2x16x128xi32, #tpu.memory_space<vmem>> -> memref<1x1x128xi32, #tpu.memory_space<vmem>>
      %dma_start3A_444 = tpu.memref_squeeze %dma_start3A_443 : memref<1x1x128xi32, #tpu.memory_space<vmem>> -> memref<128xi32, #tpu.memory_space<vmem>>
      %dma_start3A_445 = arith.constant 0 : i32
      %dma_start3A_446 = tpu.memref_slice %arg16[%dma_start3A_445] : memref<100096xf32, #tpu.memory_space<vmem_shared>> -> memref<100096xf32, #tpu.memory_space<vmem_shared>>
      tpu.enqueue_indirect_dma source(%arg13 : memref<128xf32, #tpu.memory_space<vmem>>) target(%dma_start3A_446 : memref<100096xf32, #tpu.memory_space<vmem_shared>>) offsets(%dma_start3A_444 : memref<128xi32, #tpu.memory_space<vmem>>) semaphore(%arg18 : memref<!tpu.dma_semaphore, #tpu.memory_space<semaphore_mem>>) {add = true}
      %dma_start3A_447 = arith.constant 13 : i32
      %dma_start3A_448 = arith.constant 1664 : i32
      %dma_start3A_449 = arith.constant 0 : i32
      %dma_start3A_450 = tpu.memref_slice %arg11[%rem3A_65, %dma_start3A_448, %dma_start3A_449] : memref<2x2048x8xf32, #tpu.memory_space<vmem>> -> memref<1x128x8xf32, #tpu.memory_space<vmem>>
      %dma_start3A_451 = tpu.memref_squeeze %dma_start3A_450 : memref<1x128x8xf32, #tpu.memory_space<vmem>> -> memref<128x8xf32, #tpu.memory_space<vmem>>
      %dma_start3A_452 = arith.constant 0 : i32
      %dma_start3A_453 = tpu.memref_slice %arg10[%rem3A_65, %dma_start3A_447, %dma_start3A_452] : memref<2x16x128xi32, #tpu.memory_space<vmem>> -> memref<1x1x128xi32, #tpu.memory_space<vmem>>
      %dma_start3A_454 = tpu.memref_squeeze %dma_start3A_453 : memref<1x1x128xi32, #tpu.memory_space<vmem>> -> memref<128xi32, #tpu.memory_space<vmem>>
      %dma_start3A_455 = arith.constant 0 : i32
      %dma_start3A_456 = arith.constant 0 : i32
      %dma_start3A_457 = tpu.memref_slice %arg14[%dma_start3A_455, %dma_start3A_456] : memref<100096x8xf32, #tpu.memory_space<vmem_shared>> -> memref<100096x8xf32, #tpu.memory_space<vmem_shared>>
      tpu.enqueue_indirect_dma source(%dma_start3A_451 : memref<128x8xf32, #tpu.memory_space<vmem>>) target(%dma_start3A_457 : memref<100096x8xf32, #tpu.memory_space<vmem_shared>>) offsets(%dma_start3A_454 : memref<128xi32, #tpu.memory_space<vmem>>) semaphore(%arg18 : memref<!tpu.dma_semaphore, #tpu.memory_space<semaphore_mem>>) {add = true}
      %dma_start3A_458 = arith.constant 13 : i32
      %dma_start3A_459 = arith.constant 1664 : i32
      %dma_start3A_460 = tpu.memref_slice %arg12[%rem3A_65, %dma_start3A_459] : memref<2x2048xf32, #tpu.memory_space<vmem>> -> memref<1x128xf32, #tpu.memory_space<vmem>>
      %dma_start3A_461 = tpu.memref_squeeze %dma_start3A_460 : memref<1x128xf32, #tpu.memory_space<vmem>> -> memref<128xf32, #tpu.memory_space<vmem>>
      %dma_start3A_462 = arith.constant 0 : i32
      %dma_start3A_463 = tpu.memref_slice %arg10[%rem3A_65, %dma_start3A_458, %dma_start3A_462] : memref<2x16x128xi32, #tpu.memory_space<vmem>> -> memref<1x1x128xi32, #tpu.memory_space<vmem>>
      %dma_start3A_464 = tpu.memref_squeeze %dma_start3A_463 : memref<1x1x128xi32, #tpu.memory_space<vmem>> -> memref<128xi32, #tpu.memory_space<vmem>>
      %dma_start3A_465 = arith.constant 0 : i32
      %dma_start3A_466 = tpu.memref_slice %arg15[%dma_start3A_465] : memref<100096xf32, #tpu.memory_space<vmem_shared>> -> memref<100096xf32, #tpu.memory_space<vmem_shared>>
      tpu.enqueue_indirect_dma source(%dma_start3A_461 : memref<128xf32, #tpu.memory_space<vmem>>) target(%dma_start3A_466 : memref<100096xf32, #tpu.memory_space<vmem_shared>>) offsets(%dma_start3A_464 : memref<128xi32, #tpu.memory_space<vmem>>) semaphore(%arg18 : memref<!tpu.dma_semaphore, #tpu.memory_space<semaphore_mem>>) {add = true}
      %dma_start3A_467 = arith.constant 13 : i32
      %dma_start3A_468 = arith.constant 0 : i32
      %dma_start3A_469 = tpu.memref_slice %arg10[%rem3A_65, %dma_start3A_467, %dma_start3A_468] : memref<2x16x128xi32, #tpu.memory_space<vmem>> -> memref<1x1x128xi32, #tpu.memory_space<vmem>>
      %dma_start3A_470 = tpu.memref_squeeze %dma_start3A_469 : memref<1x1x128xi32, #tpu.memory_space<vmem>> -> memref<128xi32, #tpu.memory_space<vmem>>
      %dma_start3A_471 = arith.constant 0 : i32
      %dma_start3A_472 = tpu.memref_slice %arg16[%dma_start3A_471] : memref<100096xf32, #tpu.memory_space<vmem_shared>> -> memref<100096xf32, #tpu.memory_space<vmem_shared>>
      tpu.enqueue_indirect_dma source(%arg13 : memref<128xf32, #tpu.memory_space<vmem>>) target(%dma_start3A_472 : memref<100096xf32, #tpu.memory_space<vmem_shared>>) offsets(%dma_start3A_470 : memref<128xi32, #tpu.memory_space<vmem>>) semaphore(%arg18 : memref<!tpu.dma_semaphore, #tpu.memory_space<semaphore_mem>>) {add = true}
      %dma_start3A_473 = arith.constant 14 : i32
      %dma_start3A_474 = arith.constant 1792 : i32
      %dma_start3A_475 = arith.constant 0 : i32
      %dma_start3A_476 = tpu.memref_slice %arg11[%rem3A_65, %dma_start3A_474, %dma_start3A_475] : memref<2x2048x8xf32, #tpu.memory_space<vmem>> -> memref<1x128x8xf32, #tpu.memory_space<vmem>>
      %dma_start3A_477 = tpu.memref_squeeze %dma_start3A_476 : memref<1x128x8xf32, #tpu.memory_space<vmem>> -> memref<128x8xf32, #tpu.memory_space<vmem>>
      %dma_start3A_478 = arith.constant 0 : i32
      %dma_start3A_479 = tpu.memref_slice %arg10[%rem3A_65, %dma_start3A_473, %dma_start3A_478] : memref<2x16x128xi32, #tpu.memory_space<vmem>> -> memref<1x1x128xi32, #tpu.memory_space<vmem>>
      %dma_start3A_480 = tpu.memref_squeeze %dma_start3A_479 : memref<1x1x128xi32, #tpu.memory_space<vmem>> -> memref<128xi32, #tpu.memory_space<vmem>>
      %dma_start3A_481 = arith.constant 0 : i32
      %dma_start3A_482 = arith.constant 0 : i32
      %dma_start3A_483 = tpu.memref_slice %arg14[%dma_start3A_481, %dma_start3A_482] : memref<100096x8xf32, #tpu.memory_space<vmem_shared>> -> memref<100096x8xf32, #tpu.memory_space<vmem_shared>>
      tpu.enqueue_indirect_dma source(%dma_start3A_477 : memref<128x8xf32, #tpu.memory_space<vmem>>) target(%dma_start3A_483 : memref<100096x8xf32, #tpu.memory_space<vmem_shared>>) offsets(%dma_start3A_480 : memref<128xi32, #tpu.memory_space<vmem>>) semaphore(%arg18 : memref<!tpu.dma_semaphore, #tpu.memory_space<semaphore_mem>>) {add = true}
      %dma_start3A_484 = arith.constant 14 : i32
      %dma_start3A_485 = arith.constant 1792 : i32
      %dma_start3A_486 = tpu.memref_slice %arg12[%rem3A_65, %dma_start3A_485] : memref<2x2048xf32, #tpu.memory_space<vmem>> -> memref<1x128xf32, #tpu.memory_space<vmem>>
      %dma_start3A_487 = tpu.memref_squeeze %dma_start3A_486 : memref<1x128xf32, #tpu.memory_space<vmem>> -> memref<128xf32, #tpu.memory_space<vmem>>
      %dma_start3A_488 = arith.constant 0 : i32
      %dma_start3A_489 = tpu.memref_slice %arg10[%rem3A_65, %dma_start3A_484, %dma_start3A_488] : memref<2x16x128xi32, #tpu.memory_space<vmem>> -> memref<1x1x128xi32, #tpu.memory_space<vmem>>
      %dma_start3A_490 = tpu.memref_squeeze %dma_start3A_489 : memref<1x1x128xi32, #tpu.memory_space<vmem>> -> memref<128xi32, #tpu.memory_space<vmem>>
      %dma_start3A_491 = arith.constant 0 : i32
      %dma_start3A_492 = tpu.memref_slice %arg15[%dma_start3A_491] : memref<100096xf32, #tpu.memory_space<vmem_shared>> -> memref<100096xf32, #tpu.memory_space<vmem_shared>>
      tpu.enqueue_indirect_dma source(%dma_start3A_487 : memref<128xf32, #tpu.memory_space<vmem>>) target(%dma_start3A_492 : memref<100096xf32, #tpu.memory_space<vmem_shared>>) offsets(%dma_start3A_490 : memref<128xi32, #tpu.memory_space<vmem>>) semaphore(%arg18 : memref<!tpu.dma_semaphore, #tpu.memory_space<semaphore_mem>>) {add = true}
      %dma_start3A_493 = arith.constant 14 : i32
      %dma_start3A_494 = arith.constant 0 : i32
      %dma_start3A_495 = tpu.memref_slice %arg10[%rem3A_65, %dma_start3A_493, %dma_start3A_494] : memref<2x16x128xi32, #tpu.memory_space<vmem>> -> memref<1x1x128xi32, #tpu.memory_space<vmem>>
      %dma_start3A_496 = tpu.memref_squeeze %dma_start3A_495 : memref<1x1x128xi32, #tpu.memory_space<vmem>> -> memref<128xi32, #tpu.memory_space<vmem>>
      %dma_start3A_497 = arith.constant 0 : i32
      %dma_start3A_498 = tpu.memref_slice %arg16[%dma_start3A_497] : memref<100096xf32, #tpu.memory_space<vmem_shared>> -> memref<100096xf32, #tpu.memory_space<vmem_shared>>
      tpu.enqueue_indirect_dma source(%arg13 : memref<128xf32, #tpu.memory_space<vmem>>) target(%dma_start3A_498 : memref<100096xf32, #tpu.memory_space<vmem_shared>>) offsets(%dma_start3A_496 : memref<128xi32, #tpu.memory_space<vmem>>) semaphore(%arg18 : memref<!tpu.dma_semaphore, #tpu.memory_space<semaphore_mem>>) {add = true}
      %dma_start3A_499 = arith.constant 15 : i32
      %dma_start3A_500 = arith.constant 1920 : i32
      %dma_start3A_501 = arith.constant 0 : i32
      %dma_start3A_502 = tpu.memref_slice %arg11[%rem3A_65, %dma_start3A_500, %dma_start3A_501] : memref<2x2048x8xf32, #tpu.memory_space<vmem>> -> memref<1x128x8xf32, #tpu.memory_space<vmem>>
      %dma_start3A_503 = tpu.memref_squeeze %dma_start3A_502 : memref<1x128x8xf32, #tpu.memory_space<vmem>> -> memref<128x8xf32, #tpu.memory_space<vmem>>
      %dma_start3A_504 = arith.constant 0 : i32
      %dma_start3A_505 = tpu.memref_slice %arg10[%rem3A_65, %dma_start3A_499, %dma_start3A_504] : memref<2x16x128xi32, #tpu.memory_space<vmem>> -> memref<1x1x128xi32, #tpu.memory_space<vmem>>
      %dma_start3A_506 = tpu.memref_squeeze %dma_start3A_505 : memref<1x1x128xi32, #tpu.memory_space<vmem>> -> memref<128xi32, #tpu.memory_space<vmem>>
      %dma_start3A_507 = arith.constant 0 : i32
      %dma_start3A_508 = arith.constant 0 : i32
      %dma_start3A_509 = tpu.memref_slice %arg14[%dma_start3A_507, %dma_start3A_508] : memref<100096x8xf32, #tpu.memory_space<vmem_shared>> -> memref<100096x8xf32, #tpu.memory_space<vmem_shared>>
      tpu.enqueue_indirect_dma source(%dma_start3A_503 : memref<128x8xf32, #tpu.memory_space<vmem>>) target(%dma_start3A_509 : memref<100096x8xf32, #tpu.memory_space<vmem_shared>>) offsets(%dma_start3A_506 : memref<128xi32, #tpu.memory_space<vmem>>) semaphore(%arg18 : memref<!tpu.dma_semaphore, #tpu.memory_space<semaphore_mem>>) {add = true}
      %dma_start3A_510 = arith.constant 15 : i32
      %dma_start3A_511 = arith.constant 1920 : i32
      %dma_start3A_512 = tpu.memref_slice %arg12[%rem3A_65, %dma_start3A_511] : memref<2x2048xf32, #tpu.memory_space<vmem>> -> memref<1x128xf32, #tpu.memory_space<vmem>>
      %dma_start3A_513 = tpu.memref_squeeze %dma_start3A_512 : memref<1x128xf32, #tpu.memory_space<vmem>> -> memref<128xf32, #tpu.memory_space<vmem>>
      %dma_start3A_514 = arith.constant 0 : i32
      %dma_start3A_515 = tpu.memref_slice %arg10[%rem3A_65, %dma_start3A_510, %dma_start3A_514] : memref<2x16x128xi32, #tpu.memory_space<vmem>> -> memref<1x1x128xi32, #tpu.memory_space<vmem>>
      %dma_start3A_516 = tpu.memref_squeeze %dma_start3A_515 : memref<1x1x128xi32, #tpu.memory_space<vmem>> -> memref<128xi32, #tpu.memory_space<vmem>>
      %dma_start3A_517 = arith.constant 0 : i32
      %dma_start3A_518 = tpu.memref_slice %arg15[%dma_start3A_517] : memref<100096xf32, #tpu.memory_space<vmem_shared>> -> memref<100096xf32, #tpu.memory_space<vmem_shared>>
      tpu.enqueue_indirect_dma source(%dma_start3A_513 : memref<128xf32, #tpu.memory_space<vmem>>) target(%dma_start3A_518 : memref<100096xf32, #tpu.memory_space<vmem_shared>>) offsets(%dma_start3A_516 : memref<128xi32, #tpu.memory_space<vmem>>) semaphore(%arg18 : memref<!tpu.dma_semaphore, #tpu.memory_space<semaphore_mem>>) {add = true}
      %dma_start3A_519 = arith.constant 15 : i32
      %dma_start3A_520 = arith.constant 0 : i32
      %dma_start3A_521 = tpu.memref_slice %arg10[%rem3A_65, %dma_start3A_519, %dma_start3A_520] : memref<2x16x128xi32, #tpu.memory_space<vmem>> -> memref<1x1x128xi32, #tpu.memory_space<vmem>>
      %dma_start3A_522 = tpu.memref_squeeze %dma_start3A_521 : memref<1x1x128xi32, #tpu.memory_space<vmem>> -> memref<128xi32, #tpu.memory_space<vmem>>
      %dma_start3A_523 = arith.constant 0 : i32
      %dma_start3A_524 = tpu.memref_slice %arg16[%dma_start3A_523] : memref<100096xf32, #tpu.memory_space<vmem_shared>> -> memref<100096xf32, #tpu.memory_space<vmem_shared>>
      tpu.enqueue_indirect_dma source(%arg13 : memref<128xf32, #tpu.memory_space<vmem>>) target(%dma_start3A_524 : memref<100096xf32, #tpu.memory_space<vmem_shared>>) offsets(%dma_start3A_522 : memref<128xi32, #tpu.memory_space<vmem>>) semaphore(%arg18 : memref<!tpu.dma_semaphore, #tpu.memory_space<semaphore_mem>>) {add = true}
      %dma_wait3A_525 = arith.constant 0 : i32
      %dma_wait3A_526 = arith.constant 0 : i32
      %dma_wait3A_527 = arith.constant 0 : i32
      %dma_wait3A_528 = tpu.memref_slice %arg11[%rem3A_65, %dma_wait3A_526, %dma_wait3A_527] : memref<2x2048x8xf32, #tpu.memory_space<vmem>> -> memref<1x128x8xf32, #tpu.memory_space<vmem>>
      %dma_wait3A_529 = tpu.memref_squeeze %dma_wait3A_528 : memref<1x128x8xf32, #tpu.memory_space<vmem>> -> memref<128x8xf32, #tpu.memory_space<vmem>>
      %dma_wait3A_530 = arith.constant 0 : i32
      %dma_wait3A_531 = tpu.memref_slice %arg10[%rem3A_65, %dma_wait3A_525, %dma_wait3A_530] : memref<2x16x128xi32, #tpu.memory_space<vmem>> -> memref<1x1x128xi32, #tpu.memory_space<vmem>>
      %dma_wait3A_532 = tpu.memref_squeeze %dma_wait3A_531 : memref<1x1x128xi32, #tpu.memory_space<vmem>> -> memref<128xi32, #tpu.memory_space<vmem>>
      %dma_wait3A_533 = arith.constant 0 : i32
      %dma_wait3A_534 = arith.constant 0 : i32
      %dma_wait3A_535 = tpu.memref_slice %arg14[%dma_wait3A_533, %dma_wait3A_534] : memref<100096x8xf32, #tpu.memory_space<vmem_shared>> -> memref<100096x8xf32, #tpu.memory_space<vmem_shared>>
      tpu.wait_indirect_dma semaphore(%arg18 : memref<!tpu.dma_semaphore, #tpu.memory_space<semaphore_mem>>) src(%dma_wait3A_529 : memref<128x8xf32, #tpu.memory_space<vmem>>) dst(%dma_wait3A_535 : memref<100096x8xf32, #tpu.memory_space<vmem_shared>>)
      %dma_wait3A_536 = arith.constant 0 : i32
      %dma_wait3A_537 = arith.constant 0 : i32
      %dma_wait3A_538 = tpu.memref_slice %arg12[%rem3A_65, %dma_wait3A_537] : memref<2x2048xf32, #tpu.memory_space<vmem>> -> memref<1x128xf32, #tpu.memory_space<vmem>>
      %dma_wait3A_539 = tpu.memref_squeeze %dma_wait3A_538 : memref<1x128xf32, #tpu.memory_space<vmem>> -> memref<128xf32, #tpu.memory_space<vmem>>
      %dma_wait3A_540 = arith.constant 0 : i32
      %dma_wait3A_541 = tpu.memref_slice %arg10[%rem3A_65, %dma_wait3A_536, %dma_wait3A_540] : memref<2x16x128xi32, #tpu.memory_space<vmem>> -> memref<1x1x128xi32, #tpu.memory_space<vmem>>
      %dma_wait3A_542 = tpu.memref_squeeze %dma_wait3A_541 : memref<1x1x128xi32, #tpu.memory_space<vmem>> -> memref<128xi32, #tpu.memory_space<vmem>>
      %dma_wait3A_543 = arith.constant 0 : i32
      %dma_wait3A_544 = tpu.memref_slice %arg15[%dma_wait3A_543] : memref<100096xf32, #tpu.memory_space<vmem_shared>> -> memref<100096xf32, #tpu.memory_space<vmem_shared>>
      tpu.wait_indirect_dma semaphore(%arg18 : memref<!tpu.dma_semaphore, #tpu.memory_space<semaphore_mem>>) src(%dma_wait3A_539 : memref<128xf32, #tpu.memory_space<vmem>>) dst(%dma_wait3A_544 : memref<100096xf32, #tpu.memory_space<vmem_shared>>)
      %dma_wait3A_545 = arith.constant 0 : i32
      %dma_wait3A_546 = arith.constant 0 : i32
      %dma_wait3A_547 = tpu.memref_slice %arg10[%rem3A_65, %dma_wait3A_545, %dma_wait3A_546] : memref<2x16x128xi32, #tpu.memory_space<vmem>> -> memref<1x1x128xi32, #tpu.memory_space<vmem>>
      %dma_wait3A_548 = tpu.memref_squeeze %dma_wait3A_547 : memref<1x1x128xi32, #tpu.memory_space<vmem>> -> memref<128xi32, #tpu.memory_space<vmem>>
      %dma_wait3A_549 = arith.constant 0 : i32
      %dma_wait3A_550 = tpu.memref_slice %arg16[%dma_wait3A_549] : memref<100096xf32, #tpu.memory_space<vmem_shared>> -> memref<100096xf32, #tpu.memory_space<vmem_shared>>
      tpu.wait_indirect_dma semaphore(%arg18 : memref<!tpu.dma_semaphore, #tpu.memory_space<semaphore_mem>>) src(%arg13 : memref<128xf32, #tpu.memory_space<vmem>>) dst(%dma_wait3A_550 : memref<100096xf32, #tpu.memory_space<vmem_shared>>)
      %dma_wait3A_551 = arith.constant 1 : i32
      %dma_wait3A_552 = arith.constant 128 : i32
      %dma_wait3A_553 = arith.constant 0 : i32
      %dma_wait3A_554 = tpu.memref_slice %arg11[%rem3A_65, %dma_wait3A_552, %dma_wait3A_553] : memref<2x2048x8xf32, #tpu.memory_space<vmem>> -> memref<1x128x8xf32, #tpu.memory_space<vmem>>
      %dma_wait3A_555 = tpu.memref_squeeze %dma_wait3A_554 : memref<1x128x8xf32, #tpu.memory_space<vmem>> -> memref<128x8xf32, #tpu.memory_space<vmem>>
      %dma_wait3A_556 = arith.constant 0 : i32
      %dma_wait3A_557 = tpu.memref_slice %arg10[%rem3A_65, %dma_wait3A_551, %dma_wait3A_556] : memref<2x16x128xi32, #tpu.memory_space<vmem>> -> memref<1x1x128xi32, #tpu.memory_space<vmem>>
      %dma_wait3A_558 = tpu.memref_squeeze %dma_wait3A_557 : memref<1x1x128xi32, #tpu.memory_space<vmem>> -> memref<128xi32, #tpu.memory_space<vmem>>
      %dma_wait3A_559 = arith.constant 0 : i32
      %dma_wait3A_560 = arith.constant 0 : i32
      %dma_wait3A_561 = tpu.memref_slice %arg14[%dma_wait3A_559, %dma_wait3A_560] : memref<100096x8xf32, #tpu.memory_space<vmem_shared>> -> memref<100096x8xf32, #tpu.memory_space<vmem_shared>>
      tpu.wait_indirect_dma semaphore(%arg18 : memref<!tpu.dma_semaphore, #tpu.memory_space<semaphore_mem>>) src(%dma_wait3A_555 : memref<128x8xf32, #tpu.memory_space<vmem>>) dst(%dma_wait3A_561 : memref<100096x8xf32, #tpu.memory_space<vmem_shared>>)
      %dma_wait3A_562 = arith.constant 1 : i32
      %dma_wait3A_563 = arith.constant 128 : i32
      %dma_wait3A_564 = tpu.memref_slice %arg12[%rem3A_65, %dma_wait3A_563] : memref<2x2048xf32, #tpu.memory_space<vmem>> -> memref<1x128xf32, #tpu.memory_space<vmem>>
      %dma_wait3A_565 = tpu.memref_squeeze %dma_wait3A_564 : memref<1x128xf32, #tpu.memory_space<vmem>> -> memref<128xf32, #tpu.memory_space<vmem>>
      %dma_wait3A_566 = arith.constant 0 : i32
      %dma_wait3A_567 = tpu.memref_slice %arg10[%rem3A_65, %dma_wait3A_562, %dma_wait3A_566] : memref<2x16x128xi32, #tpu.memory_space<vmem>> -> memref<1x1x128xi32, #tpu.memory_space<vmem>>
      %dma_wait3A_568 = tpu.memref_squeeze %dma_wait3A_567 : memref<1x1x128xi32, #tpu.memory_space<vmem>> -> memref<128xi32, #tpu.memory_space<vmem>>
      %dma_wait3A_569 = arith.constant 0 : i32
      %dma_wait3A_570 = tpu.memref_slice %arg15[%dma_wait3A_569] : memref<100096xf32, #tpu.memory_space<vmem_shared>> -> memref<100096xf32, #tpu.memory_space<vmem_shared>>
      tpu.wait_indirect_dma semaphore(%arg18 : memref<!tpu.dma_semaphore, #tpu.memory_space<semaphore_mem>>) src(%dma_wait3A_565 : memref<128xf32, #tpu.memory_space<vmem>>) dst(%dma_wait3A_570 : memref<100096xf32, #tpu.memory_space<vmem_shared>>)
      %dma_wait3A_571 = arith.constant 1 : i32
      %dma_wait3A_572 = arith.constant 0 : i32
      %dma_wait3A_573 = tpu.memref_slice %arg10[%rem3A_65, %dma_wait3A_571, %dma_wait3A_572] : memref<2x16x128xi32, #tpu.memory_space<vmem>> -> memref<1x1x128xi32, #tpu.memory_space<vmem>>
      %dma_wait3A_574 = tpu.memref_squeeze %dma_wait3A_573 : memref<1x1x128xi32, #tpu.memory_space<vmem>> -> memref<128xi32, #tpu.memory_space<vmem>>
      %dma_wait3A_575 = arith.constant 0 : i32
      %dma_wait3A_576 = tpu.memref_slice %arg16[%dma_wait3A_575] : memref<100096xf32, #tpu.memory_space<vmem_shared>> -> memref<100096xf32, #tpu.memory_space<vmem_shared>>
      tpu.wait_indirect_dma semaphore(%arg18 : memref<!tpu.dma_semaphore, #tpu.memory_space<semaphore_mem>>) src(%arg13 : memref<128xf32, #tpu.memory_space<vmem>>) dst(%dma_wait3A_576 : memref<100096xf32, #tpu.memory_space<vmem_shared>>)
      %dma_wait3A_577 = arith.constant 2 : i32
      %dma_wait3A_578 = arith.constant 256 : i32
      %dma_wait3A_579 = arith.constant 0 : i32
      %dma_wait3A_580 = tpu.memref_slice %arg11[%rem3A_65, %dma_wait3A_578, %dma_wait3A_579] : memref<2x2048x8xf32, #tpu.memory_space<vmem>> -> memref<1x128x8xf32, #tpu.memory_space<vmem>>
      %dma_wait3A_581 = tpu.memref_squeeze %dma_wait3A_580 : memref<1x128x8xf32, #tpu.memory_space<vmem>> -> memref<128x8xf32, #tpu.memory_space<vmem>>
      %dma_wait3A_582 = arith.constant 0 : i32
      %dma_wait3A_583 = tpu.memref_slice %arg10[%rem3A_65, %dma_wait3A_577, %dma_wait3A_582] : memref<2x16x128xi32, #tpu.memory_space<vmem>> -> memref<1x1x128xi32, #tpu.memory_space<vmem>>
      %dma_wait3A_584 = tpu.memref_squeeze %dma_wait3A_583 : memref<1x1x128xi32, #tpu.memory_space<vmem>> -> memref<128xi32, #tpu.memory_space<vmem>>
      %dma_wait3A_585 = arith.constant 0 : i32
      %dma_wait3A_586 = arith.constant 0 : i32
      %dma_wait3A_587 = tpu.memref_slice %arg14[%dma_wait3A_585, %dma_wait3A_586] : memref<100096x8xf32, #tpu.memory_space<vmem_shared>> -> memref<100096x8xf32, #tpu.memory_space<vmem_shared>>
      tpu.wait_indirect_dma semaphore(%arg18 : memref<!tpu.dma_semaphore, #tpu.memory_space<semaphore_mem>>) src(%dma_wait3A_581 : memref<128x8xf32, #tpu.memory_space<vmem>>) dst(%dma_wait3A_587 : memref<100096x8xf32, #tpu.memory_space<vmem_shared>>)
      %dma_wait3A_588 = arith.constant 2 : i32
      %dma_wait3A_589 = arith.constant 256 : i32
      %dma_wait3A_590 = tpu.memref_slice %arg12[%rem3A_65, %dma_wait3A_589] : memref<2x2048xf32, #tpu.memory_space<vmem>> -> memref<1x128xf32, #tpu.memory_space<vmem>>
      %dma_wait3A_591 = tpu.memref_squeeze %dma_wait3A_590 : memref<1x128xf32, #tpu.memory_space<vmem>> -> memref<128xf32, #tpu.memory_space<vmem>>
      %dma_wait3A_592 = arith.constant 0 : i32
      %dma_wait3A_593 = tpu.memref_slice %arg10[%rem3A_65, %dma_wait3A_588, %dma_wait3A_592] : memref<2x16x128xi32, #tpu.memory_space<vmem>> -> memref<1x1x128xi32, #tpu.memory_space<vmem>>
      %dma_wait3A_594 = tpu.memref_squeeze %dma_wait3A_593 : memref<1x1x128xi32, #tpu.memory_space<vmem>> -> memref<128xi32, #tpu.memory_space<vmem>>
      %dma_wait3A_595 = arith.constant 0 : i32
      %dma_wait3A_596 = tpu.memref_slice %arg15[%dma_wait3A_595] : memref<100096xf32, #tpu.memory_space<vmem_shared>> -> memref<100096xf32, #tpu.memory_space<vmem_shared>>
      tpu.wait_indirect_dma semaphore(%arg18 : memref<!tpu.dma_semaphore, #tpu.memory_space<semaphore_mem>>) src(%dma_wait3A_591 : memref<128xf32, #tpu.memory_space<vmem>>) dst(%dma_wait3A_596 : memref<100096xf32, #tpu.memory_space<vmem_shared>>)
      %dma_wait3A_597 = arith.constant 2 : i32
      %dma_wait3A_598 = arith.constant 0 : i32
      %dma_wait3A_599 = tpu.memref_slice %arg10[%rem3A_65, %dma_wait3A_597, %dma_wait3A_598] : memref<2x16x128xi32, #tpu.memory_space<vmem>> -> memref<1x1x128xi32, #tpu.memory_space<vmem>>
      %dma_wait3A_600 = tpu.memref_squeeze %dma_wait3A_599 : memref<1x1x128xi32, #tpu.memory_space<vmem>> -> memref<128xi32, #tpu.memory_space<vmem>>
      %dma_wait3A_601 = arith.constant 0 : i32
      %dma_wait3A_602 = tpu.memref_slice %arg16[%dma_wait3A_601] : memref<100096xf32, #tpu.memory_space<vmem_shared>> -> memref<100096xf32, #tpu.memory_space<vmem_shared>>
      tpu.wait_indirect_dma semaphore(%arg18 : memref<!tpu.dma_semaphore, #tpu.memory_space<semaphore_mem>>) src(%arg13 : memref<128xf32, #tpu.memory_space<vmem>>) dst(%dma_wait3A_602 : memref<100096xf32, #tpu.memory_space<vmem_shared>>)
      %dma_wait3A_603 = arith.constant 3 : i32
      %dma_wait3A_604 = arith.constant 384 : i32
      %dma_wait3A_605 = arith.constant 0 : i32
      %dma_wait3A_606 = tpu.memref_slice %arg11[%rem3A_65, %dma_wait3A_604, %dma_wait3A_605] : memref<2x2048x8xf32, #tpu.memory_space<vmem>> -> memref<1x128x8xf32, #tpu.memory_space<vmem>>
      %dma_wait3A_607 = tpu.memref_squeeze %dma_wait3A_606 : memref<1x128x8xf32, #tpu.memory_space<vmem>> -> memref<128x8xf32, #tpu.memory_space<vmem>>
      %dma_wait3A_608 = arith.constant 0 : i32
      %dma_wait3A_609 = tpu.memref_slice %arg10[%rem3A_65, %dma_wait3A_603, %dma_wait3A_608] : memref<2x16x128xi32, #tpu.memory_space<vmem>> -> memref<1x1x128xi32, #tpu.memory_space<vmem>>
      %dma_wait3A_610 = tpu.memref_squeeze %dma_wait3A_609 : memref<1x1x128xi32, #tpu.memory_space<vmem>> -> memref<128xi32, #tpu.memory_space<vmem>>
      %dma_wait3A_611 = arith.constant 0 : i32
      %dma_wait3A_612 = arith.constant 0 : i32
      %dma_wait3A_613 = tpu.memref_slice %arg14[%dma_wait3A_611, %dma_wait3A_612] : memref<100096x8xf32, #tpu.memory_space<vmem_shared>> -> memref<100096x8xf32, #tpu.memory_space<vmem_shared>>
      tpu.wait_indirect_dma semaphore(%arg18 : memref<!tpu.dma_semaphore, #tpu.memory_space<semaphore_mem>>) src(%dma_wait3A_607 : memref<128x8xf32, #tpu.memory_space<vmem>>) dst(%dma_wait3A_613 : memref<100096x8xf32, #tpu.memory_space<vmem_shared>>)
      %dma_wait3A_614 = arith.constant 3 : i32
      %dma_wait3A_615 = arith.constant 384 : i32
      %dma_wait3A_616 = tpu.memref_slice %arg12[%rem3A_65, %dma_wait3A_615] : memref<2x2048xf32, #tpu.memory_space<vmem>> -> memref<1x128xf32, #tpu.memory_space<vmem>>
      %dma_wait3A_617 = tpu.memref_squeeze %dma_wait3A_616 : memref<1x128xf32, #tpu.memory_space<vmem>> -> memref<128xf32, #tpu.memory_space<vmem>>
      %dma_wait3A_618 = arith.constant 0 : i32
      %dma_wait3A_619 = tpu.memref_slice %arg10[%rem3A_65, %dma_wait3A_614, %dma_wait3A_618] : memref<2x16x128xi32, #tpu.memory_space<vmem>> -> memref<1x1x128xi32, #tpu.memory_space<vmem>>
      %dma_wait3A_620 = tpu.memref_squeeze %dma_wait3A_619 : memref<1x1x128xi32, #tpu.memory_space<vmem>> -> memref<128xi32, #tpu.memory_space<vmem>>
      %dma_wait3A_621 = arith.constant 0 : i32
      %dma_wait3A_622 = tpu.memref_slice %arg15[%dma_wait3A_621] : memref<100096xf32, #tpu.memory_space<vmem_shared>> -> memref<100096xf32, #tpu.memory_space<vmem_shared>>
      tpu.wait_indirect_dma semaphore(%arg18 : memref<!tpu.dma_semaphore, #tpu.memory_space<semaphore_mem>>) src(%dma_wait3A_617 : memref<128xf32, #tpu.memory_space<vmem>>) dst(%dma_wait3A_622 : memref<100096xf32, #tpu.memory_space<vmem_shared>>)
      %dma_wait3A_623 = arith.constant 3 : i32
      %dma_wait3A_624 = arith.constant 0 : i32
      %dma_wait3A_625 = tpu.memref_slice %arg10[%rem3A_65, %dma_wait3A_623, %dma_wait3A_624] : memref<2x16x128xi32, #tpu.memory_space<vmem>> -> memref<1x1x128xi32, #tpu.memory_space<vmem>>
      %dma_wait3A_626 = tpu.memref_squeeze %dma_wait3A_625 : memref<1x1x128xi32, #tpu.memory_space<vmem>> -> memref<128xi32, #tpu.memory_space<vmem>>
      %dma_wait3A_627 = arith.constant 0 : i32
      %dma_wait3A_628 = tpu.memref_slice %arg16[%dma_wait3A_627] : memref<100096xf32, #tpu.memory_space<vmem_shared>> -> memref<100096xf32, #tpu.memory_space<vmem_shared>>
      tpu.wait_indirect_dma semaphore(%arg18 : memref<!tpu.dma_semaphore, #tpu.memory_space<semaphore_mem>>) src(%arg13 : memref<128xf32, #tpu.memory_space<vmem>>) dst(%dma_wait3A_628 : memref<100096xf32, #tpu.memory_space<vmem_shared>>)
      %dma_wait3A_629 = arith.constant 4 : i32
      %dma_wait3A_630 = arith.constant 512 : i32
      %dma_wait3A_631 = arith.constant 0 : i32
      %dma_wait3A_632 = tpu.memref_slice %arg11[%rem3A_65, %dma_wait3A_630, %dma_wait3A_631] : memref<2x2048x8xf32, #tpu.memory_space<vmem>> -> memref<1x128x8xf32, #tpu.memory_space<vmem>>
      %dma_wait3A_633 = tpu.memref_squeeze %dma_wait3A_632 : memref<1x128x8xf32, #tpu.memory_space<vmem>> -> memref<128x8xf32, #tpu.memory_space<vmem>>
      %dma_wait3A_634 = arith.constant 0 : i32
      %dma_wait3A_635 = tpu.memref_slice %arg10[%rem3A_65, %dma_wait3A_629, %dma_wait3A_634] : memref<2x16x128xi32, #tpu.memory_space<vmem>> -> memref<1x1x128xi32, #tpu.memory_space<vmem>>
      %dma_wait3A_636 = tpu.memref_squeeze %dma_wait3A_635 : memref<1x1x128xi32, #tpu.memory_space<vmem>> -> memref<128xi32, #tpu.memory_space<vmem>>
      %dma_wait3A_637 = arith.constant 0 : i32
      %dma_wait3A_638 = arith.constant 0 : i32
      %dma_wait3A_639 = tpu.memref_slice %arg14[%dma_wait3A_637, %dma_wait3A_638] : memref<100096x8xf32, #tpu.memory_space<vmem_shared>> -> memref<100096x8xf32, #tpu.memory_space<vmem_shared>>
      tpu.wait_indirect_dma semaphore(%arg18 : memref<!tpu.dma_semaphore, #tpu.memory_space<semaphore_mem>>) src(%dma_wait3A_633 : memref<128x8xf32, #tpu.memory_space<vmem>>) dst(%dma_wait3A_639 : memref<100096x8xf32, #tpu.memory_space<vmem_shared>>)
      %dma_wait3A_640 = arith.constant 4 : i32
      %dma_wait3A_641 = arith.constant 512 : i32
      %dma_wait3A_642 = tpu.memref_slice %arg12[%rem3A_65, %dma_wait3A_641] : memref<2x2048xf32, #tpu.memory_space<vmem>> -> memref<1x128xf32, #tpu.memory_space<vmem>>
      %dma_wait3A_643 = tpu.memref_squeeze %dma_wait3A_642 : memref<1x128xf32, #tpu.memory_space<vmem>> -> memref<128xf32, #tpu.memory_space<vmem>>
      %dma_wait3A_644 = arith.constant 0 : i32
      %dma_wait3A_645 = tpu.memref_slice %arg10[%rem3A_65, %dma_wait3A_640, %dma_wait3A_644] : memref<2x16x128xi32, #tpu.memory_space<vmem>> -> memref<1x1x128xi32, #tpu.memory_space<vmem>>
      %dma_wait3A_646 = tpu.memref_squeeze %dma_wait3A_645 : memref<1x1x128xi32, #tpu.memory_space<vmem>> -> memref<128xi32, #tpu.memory_space<vmem>>
      %dma_wait3A_647 = arith.constant 0 : i32
      %dma_wait3A_648 = tpu.memref_slice %arg15[%dma_wait3A_647] : memref<100096xf32, #tpu.memory_space<vmem_shared>> -> memref<100096xf32, #tpu.memory_space<vmem_shared>>
      tpu.wait_indirect_dma semaphore(%arg18 : memref<!tpu.dma_semaphore, #tpu.memory_space<semaphore_mem>>) src(%dma_wait3A_643 : memref<128xf32, #tpu.memory_space<vmem>>) dst(%dma_wait3A_648 : memref<100096xf32, #tpu.memory_space<vmem_shared>>)
      %dma_wait3A_649 = arith.constant 4 : i32
      %dma_wait3A_650 = arith.constant 0 : i32
      %dma_wait3A_651 = tpu.memref_slice %arg10[%rem3A_65, %dma_wait3A_649, %dma_wait3A_650] : memref<2x16x128xi32, #tpu.memory_space<vmem>> -> memref<1x1x128xi32, #tpu.memory_space<vmem>>
      %dma_wait3A_652 = tpu.memref_squeeze %dma_wait3A_651 : memref<1x1x128xi32, #tpu.memory_space<vmem>> -> memref<128xi32, #tpu.memory_space<vmem>>
      %dma_wait3A_653 = arith.constant 0 : i32
      %dma_wait3A_654 = tpu.memref_slice %arg16[%dma_wait3A_653] : memref<100096xf32, #tpu.memory_space<vmem_shared>> -> memref<100096xf32, #tpu.memory_space<vmem_shared>>
      tpu.wait_indirect_dma semaphore(%arg18 : memref<!tpu.dma_semaphore, #tpu.memory_space<semaphore_mem>>) src(%arg13 : memref<128xf32, #tpu.memory_space<vmem>>) dst(%dma_wait3A_654 : memref<100096xf32, #tpu.memory_space<vmem_shared>>)
      %dma_wait3A_655 = arith.constant 5 : i32
      %dma_wait3A_656 = arith.constant 640 : i32
      %dma_wait3A_657 = arith.constant 0 : i32
      %dma_wait3A_658 = tpu.memref_slice %arg11[%rem3A_65, %dma_wait3A_656, %dma_wait3A_657] : memref<2x2048x8xf32, #tpu.memory_space<vmem>> -> memref<1x128x8xf32, #tpu.memory_space<vmem>>
      %dma_wait3A_659 = tpu.memref_squeeze %dma_wait3A_658 : memref<1x128x8xf32, #tpu.memory_space<vmem>> -> memref<128x8xf32, #tpu.memory_space<vmem>>
      %dma_wait3A_660 = arith.constant 0 : i32
      %dma_wait3A_661 = tpu.memref_slice %arg10[%rem3A_65, %dma_wait3A_655, %dma_wait3A_660] : memref<2x16x128xi32, #tpu.memory_space<vmem>> -> memref<1x1x128xi32, #tpu.memory_space<vmem>>
      %dma_wait3A_662 = tpu.memref_squeeze %dma_wait3A_661 : memref<1x1x128xi32, #tpu.memory_space<vmem>> -> memref<128xi32, #tpu.memory_space<vmem>>
      %dma_wait3A_663 = arith.constant 0 : i32
      %dma_wait3A_664 = arith.constant 0 : i32
      %dma_wait3A_665 = tpu.memref_slice %arg14[%dma_wait3A_663, %dma_wait3A_664] : memref<100096x8xf32, #tpu.memory_space<vmem_shared>> -> memref<100096x8xf32, #tpu.memory_space<vmem_shared>>
      tpu.wait_indirect_dma semaphore(%arg18 : memref<!tpu.dma_semaphore, #tpu.memory_space<semaphore_mem>>) src(%dma_wait3A_659 : memref<128x8xf32, #tpu.memory_space<vmem>>) dst(%dma_wait3A_665 : memref<100096x8xf32, #tpu.memory_space<vmem_shared>>)
      %dma_wait3A_666 = arith.constant 5 : i32
      %dma_wait3A_667 = arith.constant 640 : i32
      %dma_wait3A_668 = tpu.memref_slice %arg12[%rem3A_65, %dma_wait3A_667] : memref<2x2048xf32, #tpu.memory_space<vmem>> -> memref<1x128xf32, #tpu.memory_space<vmem>>
      %dma_wait3A_669 = tpu.memref_squeeze %dma_wait3A_668 : memref<1x128xf32, #tpu.memory_space<vmem>> -> memref<128xf32, #tpu.memory_space<vmem>>
      %dma_wait3A_670 = arith.constant 0 : i32
      %dma_wait3A_671 = tpu.memref_slice %arg10[%rem3A_65, %dma_wait3A_666, %dma_wait3A_670] : memref<2x16x128xi32, #tpu.memory_space<vmem>> -> memref<1x1x128xi32, #tpu.memory_space<vmem>>
      %dma_wait3A_672 = tpu.memref_squeeze %dma_wait3A_671 : memref<1x1x128xi32, #tpu.memory_space<vmem>> -> memref<128xi32, #tpu.memory_space<vmem>>
      %dma_wait3A_673 = arith.constant 0 : i32
      %dma_wait3A_674 = tpu.memref_slice %arg15[%dma_wait3A_673] : memref<100096xf32, #tpu.memory_space<vmem_shared>> -> memref<100096xf32, #tpu.memory_space<vmem_shared>>
      tpu.wait_indirect_dma semaphore(%arg18 : memref<!tpu.dma_semaphore, #tpu.memory_space<semaphore_mem>>) src(%dma_wait3A_669 : memref<128xf32, #tpu.memory_space<vmem>>) dst(%dma_wait3A_674 : memref<100096xf32, #tpu.memory_space<vmem_shared>>)
      %dma_wait3A_675 = arith.constant 5 : i32
      %dma_wait3A_676 = arith.constant 0 : i32
      %dma_wait3A_677 = tpu.memref_slice %arg10[%rem3A_65, %dma_wait3A_675, %dma_wait3A_676] : memref<2x16x128xi32, #tpu.memory_space<vmem>> -> memref<1x1x128xi32, #tpu.memory_space<vmem>>
      %dma_wait3A_678 = tpu.memref_squeeze %dma_wait3A_677 : memref<1x1x128xi32, #tpu.memory_space<vmem>> -> memref<128xi32, #tpu.memory_space<vmem>>
      %dma_wait3A_679 = arith.constant 0 : i32
      %dma_wait3A_680 = tpu.memref_slice %arg16[%dma_wait3A_679] : memref<100096xf32, #tpu.memory_space<vmem_shared>> -> memref<100096xf32, #tpu.memory_space<vmem_shared>>
      tpu.wait_indirect_dma semaphore(%arg18 : memref<!tpu.dma_semaphore, #tpu.memory_space<semaphore_mem>>) src(%arg13 : memref<128xf32, #tpu.memory_space<vmem>>) dst(%dma_wait3A_680 : memref<100096xf32, #tpu.memory_space<vmem_shared>>)
      %dma_wait3A_681 = arith.constant 6 : i32
      %dma_wait3A_682 = arith.constant 768 : i32
      %dma_wait3A_683 = arith.constant 0 : i32
      %dma_wait3A_684 = tpu.memref_slice %arg11[%rem3A_65, %dma_wait3A_682, %dma_wait3A_683] : memref<2x2048x8xf32, #tpu.memory_space<vmem>> -> memref<1x128x8xf32, #tpu.memory_space<vmem>>
      %dma_wait3A_685 = tpu.memref_squeeze %dma_wait3A_684 : memref<1x128x8xf32, #tpu.memory_space<vmem>> -> memref<128x8xf32, #tpu.memory_space<vmem>>
      %dma_wait3A_686 = arith.constant 0 : i32
      %dma_wait3A_687 = tpu.memref_slice %arg10[%rem3A_65, %dma_wait3A_681, %dma_wait3A_686] : memref<2x16x128xi32, #tpu.memory_space<vmem>> -> memref<1x1x128xi32, #tpu.memory_space<vmem>>
      %dma_wait3A_688 = tpu.memref_squeeze %dma_wait3A_687 : memref<1x1x128xi32, #tpu.memory_space<vmem>> -> memref<128xi32, #tpu.memory_space<vmem>>
      %dma_wait3A_689 = arith.constant 0 : i32
      %dma_wait3A_690 = arith.constant 0 : i32
      %dma_wait3A_691 = tpu.memref_slice %arg14[%dma_wait3A_689, %dma_wait3A_690] : memref<100096x8xf32, #tpu.memory_space<vmem_shared>> -> memref<100096x8xf32, #tpu.memory_space<vmem_shared>>
      tpu.wait_indirect_dma semaphore(%arg18 : memref<!tpu.dma_semaphore, #tpu.memory_space<semaphore_mem>>) src(%dma_wait3A_685 : memref<128x8xf32, #tpu.memory_space<vmem>>) dst(%dma_wait3A_691 : memref<100096x8xf32, #tpu.memory_space<vmem_shared>>)
      %dma_wait3A_692 = arith.constant 6 : i32
      %dma_wait3A_693 = arith.constant 768 : i32
      %dma_wait3A_694 = tpu.memref_slice %arg12[%rem3A_65, %dma_wait3A_693] : memref<2x2048xf32, #tpu.memory_space<vmem>> -> memref<1x128xf32, #tpu.memory_space<vmem>>
      %dma_wait3A_695 = tpu.memref_squeeze %dma_wait3A_694 : memref<1x128xf32, #tpu.memory_space<vmem>> -> memref<128xf32, #tpu.memory_space<vmem>>
      %dma_wait3A_696 = arith.constant 0 : i32
      %dma_wait3A_697 = tpu.memref_slice %arg10[%rem3A_65, %dma_wait3A_692, %dma_wait3A_696] : memref<2x16x128xi32, #tpu.memory_space<vmem>> -> memref<1x1x128xi32, #tpu.memory_space<vmem>>
      %dma_wait3A_698 = tpu.memref_squeeze %dma_wait3A_697 : memref<1x1x128xi32, #tpu.memory_space<vmem>> -> memref<128xi32, #tpu.memory_space<vmem>>
      %dma_wait3A_699 = arith.constant 0 : i32
      %dma_wait3A_700 = tpu.memref_slice %arg15[%dma_wait3A_699] : memref<100096xf32, #tpu.memory_space<vmem_shared>> -> memref<100096xf32, #tpu.memory_space<vmem_shared>>
      tpu.wait_indirect_dma semaphore(%arg18 : memref<!tpu.dma_semaphore, #tpu.memory_space<semaphore_mem>>) src(%dma_wait3A_695 : memref<128xf32, #tpu.memory_space<vmem>>) dst(%dma_wait3A_700 : memref<100096xf32, #tpu.memory_space<vmem_shared>>)
      %dma_wait3A_701 = arith.constant 6 : i32
      %dma_wait3A_702 = arith.constant 0 : i32
      %dma_wait3A_703 = tpu.memref_slice %arg10[%rem3A_65, %dma_wait3A_701, %dma_wait3A_702] : memref<2x16x128xi32, #tpu.memory_space<vmem>> -> memref<1x1x128xi32, #tpu.memory_space<vmem>>
      %dma_wait3A_704 = tpu.memref_squeeze %dma_wait3A_703 : memref<1x1x128xi32, #tpu.memory_space<vmem>> -> memref<128xi32, #tpu.memory_space<vmem>>
      %dma_wait3A_705 = arith.constant 0 : i32
      %dma_wait3A_706 = tpu.memref_slice %arg16[%dma_wait3A_705] : memref<100096xf32, #tpu.memory_space<vmem_shared>> -> memref<100096xf32, #tpu.memory_space<vmem_shared>>
      tpu.wait_indirect_dma semaphore(%arg18 : memref<!tpu.dma_semaphore, #tpu.memory_space<semaphore_mem>>) src(%arg13 : memref<128xf32, #tpu.memory_space<vmem>>) dst(%dma_wait3A_706 : memref<100096xf32, #tpu.memory_space<vmem_shared>>)
      %dma_wait3A_707 = arith.constant 7 : i32
      %dma_wait3A_708 = arith.constant 896 : i32
      %dma_wait3A_709 = arith.constant 0 : i32
      %dma_wait3A_710 = tpu.memref_slice %arg11[%rem3A_65, %dma_wait3A_708, %dma_wait3A_709] : memref<2x2048x8xf32, #tpu.memory_space<vmem>> -> memref<1x128x8xf32, #tpu.memory_space<vmem>>
      %dma_wait3A_711 = tpu.memref_squeeze %dma_wait3A_710 : memref<1x128x8xf32, #tpu.memory_space<vmem>> -> memref<128x8xf32, #tpu.memory_space<vmem>>
      %dma_wait3A_712 = arith.constant 0 : i32
      %dma_wait3A_713 = tpu.memref_slice %arg10[%rem3A_65, %dma_wait3A_707, %dma_wait3A_712] : memref<2x16x128xi32, #tpu.memory_space<vmem>> -> memref<1x1x128xi32, #tpu.memory_space<vmem>>
      %dma_wait3A_714 = tpu.memref_squeeze %dma_wait3A_713 : memref<1x1x128xi32, #tpu.memory_space<vmem>> -> memref<128xi32, #tpu.memory_space<vmem>>
      %dma_wait3A_715 = arith.constant 0 : i32
      %dma_wait3A_716 = arith.constant 0 : i32
      %dma_wait3A_717 = tpu.memref_slice %arg14[%dma_wait3A_715, %dma_wait3A_716] : memref<100096x8xf32, #tpu.memory_space<vmem_shared>> -> memref<100096x8xf32, #tpu.memory_space<vmem_shared>>
      tpu.wait_indirect_dma semaphore(%arg18 : memref<!tpu.dma_semaphore, #tpu.memory_space<semaphore_mem>>) src(%dma_wait3A_711 : memref<128x8xf32, #tpu.memory_space<vmem>>) dst(%dma_wait3A_717 : memref<100096x8xf32, #tpu.memory_space<vmem_shared>>)
      %dma_wait3A_718 = arith.constant 7 : i32
      %dma_wait3A_719 = arith.constant 896 : i32
      %dma_wait3A_720 = tpu.memref_slice %arg12[%rem3A_65, %dma_wait3A_719] : memref<2x2048xf32, #tpu.memory_space<vmem>> -> memref<1x128xf32, #tpu.memory_space<vmem>>
      %dma_wait3A_721 = tpu.memref_squeeze %dma_wait3A_720 : memref<1x128xf32, #tpu.memory_space<vmem>> -> memref<128xf32, #tpu.memory_space<vmem>>
      %dma_wait3A_722 = arith.constant 0 : i32
      %dma_wait3A_723 = tpu.memref_slice %arg10[%rem3A_65, %dma_wait3A_718, %dma_wait3A_722] : memref<2x16x128xi32, #tpu.memory_space<vmem>> -> memref<1x1x128xi32, #tpu.memory_space<vmem>>
      %dma_wait3A_724 = tpu.memref_squeeze %dma_wait3A_723 : memref<1x1x128xi32, #tpu.memory_space<vmem>> -> memref<128xi32, #tpu.memory_space<vmem>>
      %dma_wait3A_725 = arith.constant 0 : i32
      %dma_wait3A_726 = tpu.memref_slice %arg15[%dma_wait3A_725] : memref<100096xf32, #tpu.memory_space<vmem_shared>> -> memref<100096xf32, #tpu.memory_space<vmem_shared>>
      tpu.wait_indirect_dma semaphore(%arg18 : memref<!tpu.dma_semaphore, #tpu.memory_space<semaphore_mem>>) src(%dma_wait3A_721 : memref<128xf32, #tpu.memory_space<vmem>>) dst(%dma_wait3A_726 : memref<100096xf32, #tpu.memory_space<vmem_shared>>)
      %dma_wait3A_727 = arith.constant 7 : i32
      %dma_wait3A_728 = arith.constant 0 : i32
      %dma_wait3A_729 = tpu.memref_slice %arg10[%rem3A_65, %dma_wait3A_727, %dma_wait3A_728] : memref<2x16x128xi32, #tpu.memory_space<vmem>> -> memref<1x1x128xi32, #tpu.memory_space<vmem>>
      %dma_wait3A_730 = tpu.memref_squeeze %dma_wait3A_729 : memref<1x1x128xi32, #tpu.memory_space<vmem>> -> memref<128xi32, #tpu.memory_space<vmem>>
      %dma_wait3A_731 = arith.constant 0 : i32
      %dma_wait3A_732 = tpu.memref_slice %arg16[%dma_wait3A_731] : memref<100096xf32, #tpu.memory_space<vmem_shared>> -> memref<100096xf32, #tpu.memory_space<vmem_shared>>
      tpu.wait_indirect_dma semaphore(%arg18 : memref<!tpu.dma_semaphore, #tpu.memory_space<semaphore_mem>>) src(%arg13 : memref<128xf32, #tpu.memory_space<vmem>>) dst(%dma_wait3A_732 : memref<100096xf32, #tpu.memory_space<vmem_shared>>)
      %dma_wait3A_733 = arith.constant 8 : i32
      %dma_wait3A_734 = arith.constant 1024 : i32
      %dma_wait3A_735 = arith.constant 0 : i32
      %dma_wait3A_736 = tpu.memref_slice %arg11[%rem3A_65, %dma_wait3A_734, %dma_wait3A_735] : memref<2x2048x8xf32, #tpu.memory_space<vmem>> -> memref<1x128x8xf32, #tpu.memory_space<vmem>>
      %dma_wait3A_737 = tpu.memref_squeeze %dma_wait3A_736 : memref<1x128x8xf32, #tpu.memory_space<vmem>> -> memref<128x8xf32, #tpu.memory_space<vmem>>
      %dma_wait3A_738 = arith.constant 0 : i32
      %dma_wait3A_739 = tpu.memref_slice %arg10[%rem3A_65, %dma_wait3A_733, %dma_wait3A_738] : memref<2x16x128xi32, #tpu.memory_space<vmem>> -> memref<1x1x128xi32, #tpu.memory_space<vmem>>
      %dma_wait3A_740 = tpu.memref_squeeze %dma_wait3A_739 : memref<1x1x128xi32, #tpu.memory_space<vmem>> -> memref<128xi32, #tpu.memory_space<vmem>>
      %dma_wait3A_741 = arith.constant 0 : i32
      %dma_wait3A_742 = arith.constant 0 : i32
      %dma_wait3A_743 = tpu.memref_slice %arg14[%dma_wait3A_741, %dma_wait3A_742] : memref<100096x8xf32, #tpu.memory_space<vmem_shared>> -> memref<100096x8xf32, #tpu.memory_space<vmem_shared>>
      tpu.wait_indirect_dma semaphore(%arg18 : memref<!tpu.dma_semaphore, #tpu.memory_space<semaphore_mem>>) src(%dma_wait3A_737 : memref<128x8xf32, #tpu.memory_space<vmem>>) dst(%dma_wait3A_743 : memref<100096x8xf32, #tpu.memory_space<vmem_shared>>)
      %dma_wait3A_744 = arith.constant 8 : i32
      %dma_wait3A_745 = arith.constant 1024 : i32
      %dma_wait3A_746 = tpu.memref_slice %arg12[%rem3A_65, %dma_wait3A_745] : memref<2x2048xf32, #tpu.memory_space<vmem>> -> memref<1x128xf32, #tpu.memory_space<vmem>>
      %dma_wait3A_747 = tpu.memref_squeeze %dma_wait3A_746 : memref<1x128xf32, #tpu.memory_space<vmem>> -> memref<128xf32, #tpu.memory_space<vmem>>
      %dma_wait3A_748 = arith.constant 0 : i32
      %dma_wait3A_749 = tpu.memref_slice %arg10[%rem3A_65, %dma_wait3A_744, %dma_wait3A_748] : memref<2x16x128xi32, #tpu.memory_space<vmem>> -> memref<1x1x128xi32, #tpu.memory_space<vmem>>
      %dma_wait3A_750 = tpu.memref_squeeze %dma_wait3A_749 : memref<1x1x128xi32, #tpu.memory_space<vmem>> -> memref<128xi32, #tpu.memory_space<vmem>>
      %dma_wait3A_751 = arith.constant 0 : i32
      %dma_wait3A_752 = tpu.memref_slice %arg15[%dma_wait3A_751] : memref<100096xf32, #tpu.memory_space<vmem_shared>> -> memref<100096xf32, #tpu.memory_space<vmem_shared>>
      tpu.wait_indirect_dma semaphore(%arg18 : memref<!tpu.dma_semaphore, #tpu.memory_space<semaphore_mem>>) src(%dma_wait3A_747 : memref<128xf32, #tpu.memory_space<vmem>>) dst(%dma_wait3A_752 : memref<100096xf32, #tpu.memory_space<vmem_shared>>)
      %dma_wait3A_753 = arith.constant 8 : i32
      %dma_wait3A_754 = arith.constant 0 : i32
      %dma_wait3A_755 = tpu.memref_slice %arg10[%rem3A_65, %dma_wait3A_753, %dma_wait3A_754] : memref<2x16x128xi32, #tpu.memory_space<vmem>> -> memref<1x1x128xi32, #tpu.memory_space<vmem>>
      %dma_wait3A_756 = tpu.memref_squeeze %dma_wait3A_755 : memref<1x1x128xi32, #tpu.memory_space<vmem>> -> memref<128xi32, #tpu.memory_space<vmem>>
      %dma_wait3A_757 = arith.constant 0 : i32
      %dma_wait3A_758 = tpu.memref_slice %arg16[%dma_wait3A_757] : memref<100096xf32, #tpu.memory_space<vmem_shared>> -> memref<100096xf32, #tpu.memory_space<vmem_shared>>
      tpu.wait_indirect_dma semaphore(%arg18 : memref<!tpu.dma_semaphore, #tpu.memory_space<semaphore_mem>>) src(%arg13 : memref<128xf32, #tpu.memory_space<vmem>>) dst(%dma_wait3A_758 : memref<100096xf32, #tpu.memory_space<vmem_shared>>)
      %dma_wait3A_759 = arith.constant 9 : i32
      %dma_wait3A_760 = arith.constant 1152 : i32
      %dma_wait3A_761 = arith.constant 0 : i32
      %dma_wait3A_762 = tpu.memref_slice %arg11[%rem3A_65, %dma_wait3A_760, %dma_wait3A_761] : memref<2x2048x8xf32, #tpu.memory_space<vmem>> -> memref<1x128x8xf32, #tpu.memory_space<vmem>>
      %dma_wait3A_763 = tpu.memref_squeeze %dma_wait3A_762 : memref<1x128x8xf32, #tpu.memory_space<vmem>> -> memref<128x8xf32, #tpu.memory_space<vmem>>
      %dma_wait3A_764 = arith.constant 0 : i32
      %dma_wait3A_765 = tpu.memref_slice %arg10[%rem3A_65, %dma_wait3A_759, %dma_wait3A_764] : memref<2x16x128xi32, #tpu.memory_space<vmem>> -> memref<1x1x128xi32, #tpu.memory_space<vmem>>
      %dma_wait3A_766 = tpu.memref_squeeze %dma_wait3A_765 : memref<1x1x128xi32, #tpu.memory_space<vmem>> -> memref<128xi32, #tpu.memory_space<vmem>>
      %dma_wait3A_767 = arith.constant 0 : i32
      %dma_wait3A_768 = arith.constant 0 : i32
      %dma_wait3A_769 = tpu.memref_slice %arg14[%dma_wait3A_767, %dma_wait3A_768] : memref<100096x8xf32, #tpu.memory_space<vmem_shared>> -> memref<100096x8xf32, #tpu.memory_space<vmem_shared>>
      tpu.wait_indirect_dma semaphore(%arg18 : memref<!tpu.dma_semaphore, #tpu.memory_space<semaphore_mem>>) src(%dma_wait3A_763 : memref<128x8xf32, #tpu.memory_space<vmem>>) dst(%dma_wait3A_769 : memref<100096x8xf32, #tpu.memory_space<vmem_shared>>)
      %dma_wait3A_770 = arith.constant 9 : i32
      %dma_wait3A_771 = arith.constant 1152 : i32
      %dma_wait3A_772 = tpu.memref_slice %arg12[%rem3A_65, %dma_wait3A_771] : memref<2x2048xf32, #tpu.memory_space<vmem>> -> memref<1x128xf32, #tpu.memory_space<vmem>>
      %dma_wait3A_773 = tpu.memref_squeeze %dma_wait3A_772 : memref<1x128xf32, #tpu.memory_space<vmem>> -> memref<128xf32, #tpu.memory_space<vmem>>
      %dma_wait3A_774 = arith.constant 0 : i32
      %dma_wait3A_775 = tpu.memref_slice %arg10[%rem3A_65, %dma_wait3A_770, %dma_wait3A_774] : memref<2x16x128xi32, #tpu.memory_space<vmem>> -> memref<1x1x128xi32, #tpu.memory_space<vmem>>
      %dma_wait3A_776 = tpu.memref_squeeze %dma_wait3A_775 : memref<1x1x128xi32, #tpu.memory_space<vmem>> -> memref<128xi32, #tpu.memory_space<vmem>>
      %dma_wait3A_777 = arith.constant 0 : i32
      %dma_wait3A_778 = tpu.memref_slice %arg15[%dma_wait3A_777] : memref<100096xf32, #tpu.memory_space<vmem_shared>> -> memref<100096xf32, #tpu.memory_space<vmem_shared>>
      tpu.wait_indirect_dma semaphore(%arg18 : memref<!tpu.dma_semaphore, #tpu.memory_space<semaphore_mem>>) src(%dma_wait3A_773 : memref<128xf32, #tpu.memory_space<vmem>>) dst(%dma_wait3A_778 : memref<100096xf32, #tpu.memory_space<vmem_shared>>)
      %dma_wait3A_779 = arith.constant 9 : i32
      %dma_wait3A_780 = arith.constant 0 : i32
      %dma_wait3A_781 = tpu.memref_slice %arg10[%rem3A_65, %dma_wait3A_779, %dma_wait3A_780] : memref<2x16x128xi32, #tpu.memory_space<vmem>> -> memref<1x1x128xi32, #tpu.memory_space<vmem>>
      %dma_wait3A_782 = tpu.memref_squeeze %dma_wait3A_781 : memref<1x1x128xi32, #tpu.memory_space<vmem>> -> memref<128xi32, #tpu.memory_space<vmem>>
      %dma_wait3A_783 = arith.constant 0 : i32
      %dma_wait3A_784 = tpu.memref_slice %arg16[%dma_wait3A_783] : memref<100096xf32, #tpu.memory_space<vmem_shared>> -> memref<100096xf32, #tpu.memory_space<vmem_shared>>
      tpu.wait_indirect_dma semaphore(%arg18 : memref<!tpu.dma_semaphore, #tpu.memory_space<semaphore_mem>>) src(%arg13 : memref<128xf32, #tpu.memory_space<vmem>>) dst(%dma_wait3A_784 : memref<100096xf32, #tpu.memory_space<vmem_shared>>)
      %dma_wait3A_785 = arith.constant 10 : i32
      %dma_wait3A_786 = arith.constant 1280 : i32
      %dma_wait3A_787 = arith.constant 0 : i32
      %dma_wait3A_788 = tpu.memref_slice %arg11[%rem3A_65, %dma_wait3A_786, %dma_wait3A_787] : memref<2x2048x8xf32, #tpu.memory_space<vmem>> -> memref<1x128x8xf32, #tpu.memory_space<vmem>>
      %dma_wait3A_789 = tpu.memref_squeeze %dma_wait3A_788 : memref<1x128x8xf32, #tpu.memory_space<vmem>> -> memref<128x8xf32, #tpu.memory_space<vmem>>
      %dma_wait3A_790 = arith.constant 0 : i32
      %dma_wait3A_791 = tpu.memref_slice %arg10[%rem3A_65, %dma_wait3A_785, %dma_wait3A_790] : memref<2x16x128xi32, #tpu.memory_space<vmem>> -> memref<1x1x128xi32, #tpu.memory_space<vmem>>
      %dma_wait3A_792 = tpu.memref_squeeze %dma_wait3A_791 : memref<1x1x128xi32, #tpu.memory_space<vmem>> -> memref<128xi32, #tpu.memory_space<vmem>>
      %dma_wait3A_793 = arith.constant 0 : i32
      %dma_wait3A_794 = arith.constant 0 : i32
      %dma_wait3A_795 = tpu.memref_slice %arg14[%dma_wait3A_793, %dma_wait3A_794] : memref<100096x8xf32, #tpu.memory_space<vmem_shared>> -> memref<100096x8xf32, #tpu.memory_space<vmem_shared>>
      tpu.wait_indirect_dma semaphore(%arg18 : memref<!tpu.dma_semaphore, #tpu.memory_space<semaphore_mem>>) src(%dma_wait3A_789 : memref<128x8xf32, #tpu.memory_space<vmem>>) dst(%dma_wait3A_795 : memref<100096x8xf32, #tpu.memory_space<vmem_shared>>)
      %dma_wait3A_796 = arith.constant 10 : i32
      %dma_wait3A_797 = arith.constant 1280 : i32
      %dma_wait3A_798 = tpu.memref_slice %arg12[%rem3A_65, %dma_wait3A_797] : memref<2x2048xf32, #tpu.memory_space<vmem>> -> memref<1x128xf32, #tpu.memory_space<vmem>>
      %dma_wait3A_799 = tpu.memref_squeeze %dma_wait3A_798 : memref<1x128xf32, #tpu.memory_space<vmem>> -> memref<128xf32, #tpu.memory_space<vmem>>
      %dma_wait3A_800 = arith.constant 0 : i32
      %dma_wait3A_801 = tpu.memref_slice %arg10[%rem3A_65, %dma_wait3A_796, %dma_wait3A_800] : memref<2x16x128xi32, #tpu.memory_space<vmem>> -> memref<1x1x128xi32, #tpu.memory_space<vmem>>
      %dma_wait3A_802 = tpu.memref_squeeze %dma_wait3A_801 : memref<1x1x128xi32, #tpu.memory_space<vmem>> -> memref<128xi32, #tpu.memory_space<vmem>>
      %dma_wait3A_803 = arith.constant 0 : i32
      %dma_wait3A_804 = tpu.memref_slice %arg15[%dma_wait3A_803] : memref<100096xf32, #tpu.memory_space<vmem_shared>> -> memref<100096xf32, #tpu.memory_space<vmem_shared>>
      tpu.wait_indirect_dma semaphore(%arg18 : memref<!tpu.dma_semaphore, #tpu.memory_space<semaphore_mem>>) src(%dma_wait3A_799 : memref<128xf32, #tpu.memory_space<vmem>>) dst(%dma_wait3A_804 : memref<100096xf32, #tpu.memory_space<vmem_shared>>)
      %dma_wait3A_805 = arith.constant 10 : i32
      %dma_wait3A_806 = arith.constant 0 : i32
      %dma_wait3A_807 = tpu.memref_slice %arg10[%rem3A_65, %dma_wait3A_805, %dma_wait3A_806] : memref<2x16x128xi32, #tpu.memory_space<vmem>> -> memref<1x1x128xi32, #tpu.memory_space<vmem>>
      %dma_wait3A_808 = tpu.memref_squeeze %dma_wait3A_807 : memref<1x1x128xi32, #tpu.memory_space<vmem>> -> memref<128xi32, #tpu.memory_space<vmem>>
      %dma_wait3A_809 = arith.constant 0 : i32
      %dma_wait3A_810 = tpu.memref_slice %arg16[%dma_wait3A_809] : memref<100096xf32, #tpu.memory_space<vmem_shared>> -> memref<100096xf32, #tpu.memory_space<vmem_shared>>
      tpu.wait_indirect_dma semaphore(%arg18 : memref<!tpu.dma_semaphore, #tpu.memory_space<semaphore_mem>>) src(%arg13 : memref<128xf32, #tpu.memory_space<vmem>>) dst(%dma_wait3A_810 : memref<100096xf32, #tpu.memory_space<vmem_shared>>)
      %dma_wait3A_811 = arith.constant 11 : i32
      %dma_wait3A_812 = arith.constant 1408 : i32
      %dma_wait3A_813 = arith.constant 0 : i32
      %dma_wait3A_814 = tpu.memref_slice %arg11[%rem3A_65, %dma_wait3A_812, %dma_wait3A_813] : memref<2x2048x8xf32, #tpu.memory_space<vmem>> -> memref<1x128x8xf32, #tpu.memory_space<vmem>>
      %dma_wait3A_815 = tpu.memref_squeeze %dma_wait3A_814 : memref<1x128x8xf32, #tpu.memory_space<vmem>> -> memref<128x8xf32, #tpu.memory_space<vmem>>
      %dma_wait3A_816 = arith.constant 0 : i32
      %dma_wait3A_817 = tpu.memref_slice %arg10[%rem3A_65, %dma_wait3A_811, %dma_wait3A_816] : memref<2x16x128xi32, #tpu.memory_space<vmem>> -> memref<1x1x128xi32, #tpu.memory_space<vmem>>
      %dma_wait3A_818 = tpu.memref_squeeze %dma_wait3A_817 : memref<1x1x128xi32, #tpu.memory_space<vmem>> -> memref<128xi32, #tpu.memory_space<vmem>>
      %dma_wait3A_819 = arith.constant 0 : i32
      %dma_wait3A_820 = arith.constant 0 : i32
      %dma_wait3A_821 = tpu.memref_slice %arg14[%dma_wait3A_819, %dma_wait3A_820] : memref<100096x8xf32, #tpu.memory_space<vmem_shared>> -> memref<100096x8xf32, #tpu.memory_space<vmem_shared>>
      tpu.wait_indirect_dma semaphore(%arg18 : memref<!tpu.dma_semaphore, #tpu.memory_space<semaphore_mem>>) src(%dma_wait3A_815 : memref<128x8xf32, #tpu.memory_space<vmem>>) dst(%dma_wait3A_821 : memref<100096x8xf32, #tpu.memory_space<vmem_shared>>)
      %dma_wait3A_822 = arith.constant 11 : i32
      %dma_wait3A_823 = arith.constant 1408 : i32
      %dma_wait3A_824 = tpu.memref_slice %arg12[%rem3A_65, %dma_wait3A_823] : memref<2x2048xf32, #tpu.memory_space<vmem>> -> memref<1x128xf32, #tpu.memory_space<vmem>>
      %dma_wait3A_825 = tpu.memref_squeeze %dma_wait3A_824 : memref<1x128xf32, #tpu.memory_space<vmem>> -> memref<128xf32, #tpu.memory_space<vmem>>
      %dma_wait3A_826 = arith.constant 0 : i32
      %dma_wait3A_827 = tpu.memref_slice %arg10[%rem3A_65, %dma_wait3A_822, %dma_wait3A_826] : memref<2x16x128xi32, #tpu.memory_space<vmem>> -> memref<1x1x128xi32, #tpu.memory_space<vmem>>
      %dma_wait3A_828 = tpu.memref_squeeze %dma_wait3A_827 : memref<1x1x128xi32, #tpu.memory_space<vmem>> -> memref<128xi32, #tpu.memory_space<vmem>>
      %dma_wait3A_829 = arith.constant 0 : i32
      %dma_wait3A_830 = tpu.memref_slice %arg15[%dma_wait3A_829] : memref<100096xf32, #tpu.memory_space<vmem_shared>> -> memref<100096xf32, #tpu.memory_space<vmem_shared>>
      tpu.wait_indirect_dma semaphore(%arg18 : memref<!tpu.dma_semaphore, #tpu.memory_space<semaphore_mem>>) src(%dma_wait3A_825 : memref<128xf32, #tpu.memory_space<vmem>>) dst(%dma_wait3A_830 : memref<100096xf32, #tpu.memory_space<vmem_shared>>)
      %dma_wait3A_831 = arith.constant 11 : i32
      %dma_wait3A_832 = arith.constant 0 : i32
      %dma_wait3A_833 = tpu.memref_slice %arg10[%rem3A_65, %dma_wait3A_831, %dma_wait3A_832] : memref<2x16x128xi32, #tpu.memory_space<vmem>> -> memref<1x1x128xi32, #tpu.memory_space<vmem>>
      %dma_wait3A_834 = tpu.memref_squeeze %dma_wait3A_833 : memref<1x1x128xi32, #tpu.memory_space<vmem>> -> memref<128xi32, #tpu.memory_space<vmem>>
      %dma_wait3A_835 = arith.constant 0 : i32
      %dma_wait3A_836 = tpu.memref_slice %arg16[%dma_wait3A_835] : memref<100096xf32, #tpu.memory_space<vmem_shared>> -> memref<100096xf32, #tpu.memory_space<vmem_shared>>
      tpu.wait_indirect_dma semaphore(%arg18 : memref<!tpu.dma_semaphore, #tpu.memory_space<semaphore_mem>>) src(%arg13 : memref<128xf32, #tpu.memory_space<vmem>>) dst(%dma_wait3A_836 : memref<100096xf32, #tpu.memory_space<vmem_shared>>)
      %dma_wait3A_837 = arith.constant 12 : i32
      %dma_wait3A_838 = arith.constant 1536 : i32
      %dma_wait3A_839 = arith.constant 0 : i32
      %dma_wait3A_840 = tpu.memref_slice %arg11[%rem3A_65, %dma_wait3A_838, %dma_wait3A_839] : memref<2x2048x8xf32, #tpu.memory_space<vmem>> -> memref<1x128x8xf32, #tpu.memory_space<vmem>>
      %dma_wait3A_841 = tpu.memref_squeeze %dma_wait3A_840 : memref<1x128x8xf32, #tpu.memory_space<vmem>> -> memref<128x8xf32, #tpu.memory_space<vmem>>
      %dma_wait3A_842 = arith.constant 0 : i32
      %dma_wait3A_843 = tpu.memref_slice %arg10[%rem3A_65, %dma_wait3A_837, %dma_wait3A_842] : memref<2x16x128xi32, #tpu.memory_space<vmem>> -> memref<1x1x128xi32, #tpu.memory_space<vmem>>
      %dma_wait3A_844 = tpu.memref_squeeze %dma_wait3A_843 : memref<1x1x128xi32, #tpu.memory_space<vmem>> -> memref<128xi32, #tpu.memory_space<vmem>>
      %dma_wait3A_845 = arith.constant 0 : i32
      %dma_wait3A_846 = arith.constant 0 : i32
      %dma_wait3A_847 = tpu.memref_slice %arg14[%dma_wait3A_845, %dma_wait3A_846] : memref<100096x8xf32, #tpu.memory_space<vmem_shared>> -> memref<100096x8xf32, #tpu.memory_space<vmem_shared>>
      tpu.wait_indirect_dma semaphore(%arg18 : memref<!tpu.dma_semaphore, #tpu.memory_space<semaphore_mem>>) src(%dma_wait3A_841 : memref<128x8xf32, #tpu.memory_space<vmem>>) dst(%dma_wait3A_847 : memref<100096x8xf32, #tpu.memory_space<vmem_shared>>)
      %dma_wait3A_848 = arith.constant 12 : i32
      %dma_wait3A_849 = arith.constant 1536 : i32
      %dma_wait3A_850 = tpu.memref_slice %arg12[%rem3A_65, %dma_wait3A_849] : memref<2x2048xf32, #tpu.memory_space<vmem>> -> memref<1x128xf32, #tpu.memory_space<vmem>>
      %dma_wait3A_851 = tpu.memref_squeeze %dma_wait3A_850 : memref<1x128xf32, #tpu.memory_space<vmem>> -> memref<128xf32, #tpu.memory_space<vmem>>
      %dma_wait3A_852 = arith.constant 0 : i32
      %dma_wait3A_853 = tpu.memref_slice %arg10[%rem3A_65, %dma_wait3A_848, %dma_wait3A_852] : memref<2x16x128xi32, #tpu.memory_space<vmem>> -> memref<1x1x128xi32, #tpu.memory_space<vmem>>
      %dma_wait3A_854 = tpu.memref_squeeze %dma_wait3A_853 : memref<1x1x128xi32, #tpu.memory_space<vmem>> -> memref<128xi32, #tpu.memory_space<vmem>>
      %dma_wait3A_855 = arith.constant 0 : i32
      %dma_wait3A_856 = tpu.memref_slice %arg15[%dma_wait3A_855] : memref<100096xf32, #tpu.memory_space<vmem_shared>> -> memref<100096xf32, #tpu.memory_space<vmem_shared>>
      tpu.wait_indirect_dma semaphore(%arg18 : memref<!tpu.dma_semaphore, #tpu.memory_space<semaphore_mem>>) src(%dma_wait3A_851 : memref<128xf32, #tpu.memory_space<vmem>>) dst(%dma_wait3A_856 : memref<100096xf32, #tpu.memory_space<vmem_shared>>)
      %dma_wait3A_857 = arith.constant 12 : i32
      %dma_wait3A_858 = arith.constant 0 : i32
      %dma_wait3A_859 = tpu.memref_slice %arg10[%rem3A_65, %dma_wait3A_857, %dma_wait3A_858] : memref<2x16x128xi32, #tpu.memory_space<vmem>> -> memref<1x1x128xi32, #tpu.memory_space<vmem>>
      %dma_wait3A_860 = tpu.memref_squeeze %dma_wait3A_859 : memref<1x1x128xi32, #tpu.memory_space<vmem>> -> memref<128xi32, #tpu.memory_space<vmem>>
      %dma_wait3A_861 = arith.constant 0 : i32
      %dma_wait3A_862 = tpu.memref_slice %arg16[%dma_wait3A_861] : memref<100096xf32, #tpu.memory_space<vmem_shared>> -> memref<100096xf32, #tpu.memory_space<vmem_shared>>
      tpu.wait_indirect_dma semaphore(%arg18 : memref<!tpu.dma_semaphore, #tpu.memory_space<semaphore_mem>>) src(%arg13 : memref<128xf32, #tpu.memory_space<vmem>>) dst(%dma_wait3A_862 : memref<100096xf32, #tpu.memory_space<vmem_shared>>)
      %dma_wait3A_863 = arith.constant 13 : i32
      %dma_wait3A_864 = arith.constant 1664 : i32
      %dma_wait3A_865 = arith.constant 0 : i32
      %dma_wait3A_866 = tpu.memref_slice %arg11[%rem3A_65, %dma_wait3A_864, %dma_wait3A_865] : memref<2x2048x8xf32, #tpu.memory_space<vmem>> -> memref<1x128x8xf32, #tpu.memory_space<vmem>>
      %dma_wait3A_867 = tpu.memref_squeeze %dma_wait3A_866 : memref<1x128x8xf32, #tpu.memory_space<vmem>> -> memref<128x8xf32, #tpu.memory_space<vmem>>
      %dma_wait3A_868 = arith.constant 0 : i32
      %dma_wait3A_869 = tpu.memref_slice %arg10[%rem3A_65, %dma_wait3A_863, %dma_wait3A_868] : memref<2x16x128xi32, #tpu.memory_space<vmem>> -> memref<1x1x128xi32, #tpu.memory_space<vmem>>
      %dma_wait3A_870 = tpu.memref_squeeze %dma_wait3A_869 : memref<1x1x128xi32, #tpu.memory_space<vmem>> -> memref<128xi32, #tpu.memory_space<vmem>>
      %dma_wait3A_871 = arith.constant 0 : i32
      %dma_wait3A_872 = arith.constant 0 : i32
      %dma_wait3A_873 = tpu.memref_slice %arg14[%dma_wait3A_871, %dma_wait3A_872] : memref<100096x8xf32, #tpu.memory_space<vmem_shared>> -> memref<100096x8xf32, #tpu.memory_space<vmem_shared>>
      tpu.wait_indirect_dma semaphore(%arg18 : memref<!tpu.dma_semaphore, #tpu.memory_space<semaphore_mem>>) src(%dma_wait3A_867 : memref<128x8xf32, #tpu.memory_space<vmem>>) dst(%dma_wait3A_873 : memref<100096x8xf32, #tpu.memory_space<vmem_shared>>)
      %dma_wait3A_874 = arith.constant 13 : i32
      %dma_wait3A_875 = arith.constant 1664 : i32
      %dma_wait3A_876 = tpu.memref_slice %arg12[%rem3A_65, %dma_wait3A_875] : memref<2x2048xf32, #tpu.memory_space<vmem>> -> memref<1x128xf32, #tpu.memory_space<vmem>>
      %dma_wait3A_877 = tpu.memref_squeeze %dma_wait3A_876 : memref<1x128xf32, #tpu.memory_space<vmem>> -> memref<128xf32, #tpu.memory_space<vmem>>
      %dma_wait3A_878 = arith.constant 0 : i32
      %dma_wait3A_879 = tpu.memref_slice %arg10[%rem3A_65, %dma_wait3A_874, %dma_wait3A_878] : memref<2x16x128xi32, #tpu.memory_space<vmem>> -> memref<1x1x128xi32, #tpu.memory_space<vmem>>
      %dma_wait3A_880 = tpu.memref_squeeze %dma_wait3A_879 : memref<1x1x128xi32, #tpu.memory_space<vmem>> -> memref<128xi32, #tpu.memory_space<vmem>>
      %dma_wait3A_881 = arith.constant 0 : i32
      %dma_wait3A_882 = tpu.memref_slice %arg15[%dma_wait3A_881] : memref<100096xf32, #tpu.memory_space<vmem_shared>> -> memref<100096xf32, #tpu.memory_space<vmem_shared>>
      tpu.wait_indirect_dma semaphore(%arg18 : memref<!tpu.dma_semaphore, #tpu.memory_space<semaphore_mem>>) src(%dma_wait3A_877 : memref<128xf32, #tpu.memory_space<vmem>>) dst(%dma_wait3A_882 : memref<100096xf32, #tpu.memory_space<vmem_shared>>)
      %dma_wait3A_883 = arith.constant 13 : i32
      %dma_wait3A_884 = arith.constant 0 : i32
      %dma_wait3A_885 = tpu.memref_slice %arg10[%rem3A_65, %dma_wait3A_883, %dma_wait3A_884] : memref<2x16x128xi32, #tpu.memory_space<vmem>> -> memref<1x1x128xi32, #tpu.memory_space<vmem>>
      %dma_wait3A_886 = tpu.memref_squeeze %dma_wait3A_885 : memref<1x1x128xi32, #tpu.memory_space<vmem>> -> memref<128xi32, #tpu.memory_space<vmem>>
      %dma_wait3A_887 = arith.constant 0 : i32
      %dma_wait3A_888 = tpu.memref_slice %arg16[%dma_wait3A_887] : memref<100096xf32, #tpu.memory_space<vmem_shared>> -> memref<100096xf32, #tpu.memory_space<vmem_shared>>
      tpu.wait_indirect_dma semaphore(%arg18 : memref<!tpu.dma_semaphore, #tpu.memory_space<semaphore_mem>>) src(%arg13 : memref<128xf32, #tpu.memory_space<vmem>>) dst(%dma_wait3A_888 : memref<100096xf32, #tpu.memory_space<vmem_shared>>)
      %dma_wait3A_889 = arith.constant 14 : i32
      %dma_wait3A_890 = arith.constant 1792 : i32
      %dma_wait3A_891 = arith.constant 0 : i32
      %dma_wait3A_892 = tpu.memref_slice %arg11[%rem3A_65, %dma_wait3A_890, %dma_wait3A_891] : memref<2x2048x8xf32, #tpu.memory_space<vmem>> -> memref<1x128x8xf32, #tpu.memory_space<vmem>>
      %dma_wait3A_893 = tpu.memref_squeeze %dma_wait3A_892 : memref<1x128x8xf32, #tpu.memory_space<vmem>> -> memref<128x8xf32, #tpu.memory_space<vmem>>
      %dma_wait3A_894 = arith.constant 0 : i32
      %dma_wait3A_895 = tpu.memref_slice %arg10[%rem3A_65, %dma_wait3A_889, %dma_wait3A_894] : memref<2x16x128xi32, #tpu.memory_space<vmem>> -> memref<1x1x128xi32, #tpu.memory_space<vmem>>
      %dma_wait3A_896 = tpu.memref_squeeze %dma_wait3A_895 : memref<1x1x128xi32, #tpu.memory_space<vmem>> -> memref<128xi32, #tpu.memory_space<vmem>>
      %dma_wait3A_897 = arith.constant 0 : i32
      %dma_wait3A_898 = arith.constant 0 : i32
      %dma_wait3A_899 = tpu.memref_slice %arg14[%dma_wait3A_897, %dma_wait3A_898] : memref<100096x8xf32, #tpu.memory_space<vmem_shared>> -> memref<100096x8xf32, #tpu.memory_space<vmem_shared>>
      tpu.wait_indirect_dma semaphore(%arg18 : memref<!tpu.dma_semaphore, #tpu.memory_space<semaphore_mem>>) src(%dma_wait3A_893 : memref<128x8xf32, #tpu.memory_space<vmem>>) dst(%dma_wait3A_899 : memref<100096x8xf32, #tpu.memory_space<vmem_shared>>)
      %dma_wait3A_900 = arith.constant 14 : i32
      %dma_wait3A_901 = arith.constant 1792 : i32
      %dma_wait3A_902 = tpu.memref_slice %arg12[%rem3A_65, %dma_wait3A_901] : memref<2x2048xf32, #tpu.memory_space<vmem>> -> memref<1x128xf32, #tpu.memory_space<vmem>>
      %dma_wait3A_903 = tpu.memref_squeeze %dma_wait3A_902 : memref<1x128xf32, #tpu.memory_space<vmem>> -> memref<128xf32, #tpu.memory_space<vmem>>
      %dma_wait3A_904 = arith.constant 0 : i32
      %dma_wait3A_905 = tpu.memref_slice %arg10[%rem3A_65, %dma_wait3A_900, %dma_wait3A_904] : memref<2x16x128xi32, #tpu.memory_space<vmem>> -> memref<1x1x128xi32, #tpu.memory_space<vmem>>
      %dma_wait3A_906 = tpu.memref_squeeze %dma_wait3A_905 : memref<1x1x128xi32, #tpu.memory_space<vmem>> -> memref<128xi32, #tpu.memory_space<vmem>>
      %dma_wait3A_907 = arith.constant 0 : i32
      %dma_wait3A_908 = tpu.memref_slice %arg15[%dma_wait3A_907] : memref<100096xf32, #tpu.memory_space<vmem_shared>> -> memref<100096xf32, #tpu.memory_space<vmem_shared>>
      tpu.wait_indirect_dma semaphore(%arg18 : memref<!tpu.dma_semaphore, #tpu.memory_space<semaphore_mem>>) src(%dma_wait3A_903 : memref<128xf32, #tpu.memory_space<vmem>>) dst(%dma_wait3A_908 : memref<100096xf32, #tpu.memory_space<vmem_shared>>)
      %dma_wait3A_909 = arith.constant 14 : i32
      %dma_wait3A_910 = arith.constant 0 : i32
      %dma_wait3A_911 = tpu.memref_slice %arg10[%rem3A_65, %dma_wait3A_909, %dma_wait3A_910] : memref<2x16x128xi32, #tpu.memory_space<vmem>> -> memref<1x1x128xi32, #tpu.memory_space<vmem>>
      %dma_wait3A_912 = tpu.memref_squeeze %dma_wait3A_911 : memref<1x1x128xi32, #tpu.memory_space<vmem>> -> memref<128xi32, #tpu.memory_space<vmem>>
      %dma_wait3A_913 = arith.constant 0 : i32
      %dma_wait3A_914 = tpu.memref_slice %arg16[%dma_wait3A_913] : memref<100096xf32, #tpu.memory_space<vmem_shared>> -> memref<100096xf32, #tpu.memory_space<vmem_shared>>
      tpu.wait_indirect_dma semaphore(%arg18 : memref<!tpu.dma_semaphore, #tpu.memory_space<semaphore_mem>>) src(%arg13 : memref<128xf32, #tpu.memory_space<vmem>>) dst(%dma_wait3A_914 : memref<100096xf32, #tpu.memory_space<vmem_shared>>)
      %dma_wait3A_915 = arith.constant 15 : i32
      %dma_wait3A_916 = arith.constant 1920 : i32
      %dma_wait3A_917 = arith.constant 0 : i32
      %dma_wait3A_918 = tpu.memref_slice %arg11[%rem3A_65, %dma_wait3A_916, %dma_wait3A_917] : memref<2x2048x8xf32, #tpu.memory_space<vmem>> -> memref<1x128x8xf32, #tpu.memory_space<vmem>>
      %dma_wait3A_919 = tpu.memref_squeeze %dma_wait3A_918 : memref<1x128x8xf32, #tpu.memory_space<vmem>> -> memref<128x8xf32, #tpu.memory_space<vmem>>
      %dma_wait3A_920 = arith.constant 0 : i32
      %dma_wait3A_921 = tpu.memref_slice %arg10[%rem3A_65, %dma_wait3A_915, %dma_wait3A_920] : memref<2x16x128xi32, #tpu.memory_space<vmem>> -> memref<1x1x128xi32, #tpu.memory_space<vmem>>
      %dma_wait3A_922 = tpu.memref_squeeze %dma_wait3A_921 : memref<1x1x128xi32, #tpu.memory_space<vmem>> -> memref<128xi32, #tpu.memory_space<vmem>>
      %dma_wait3A_923 = arith.constant 0 : i32
      %dma_wait3A_924 = arith.constant 0 : i32
      %dma_wait3A_925 = tpu.memref_slice %arg14[%dma_wait3A_923, %dma_wait3A_924] : memref<100096x8xf32, #tpu.memory_space<vmem_shared>> -> memref<100096x8xf32, #tpu.memory_space<vmem_shared>>
      tpu.wait_indirect_dma semaphore(%arg18 : memref<!tpu.dma_semaphore, #tpu.memory_space<semaphore_mem>>) src(%dma_wait3A_919 : memref<128x8xf32, #tpu.memory_space<vmem>>) dst(%dma_wait3A_925 : memref<100096x8xf32, #tpu.memory_space<vmem_shared>>)
      %dma_wait3A_926 = arith.constant 15 : i32
      %dma_wait3A_927 = arith.constant 1920 : i32
      %dma_wait3A_928 = tpu.memref_slice %arg12[%rem3A_65, %dma_wait3A_927] : memref<2x2048xf32, #tpu.memory_space<vmem>> -> memref<1x128xf32, #tpu.memory_space<vmem>>
      %dma_wait3A_929 = tpu.memref_squeeze %dma_wait3A_928 : memref<1x128xf32, #tpu.memory_space<vmem>> -> memref<128xf32, #tpu.memory_space<vmem>>
      %dma_wait3A_930 = arith.constant 0 : i32
      %dma_wait3A_931 = tpu.memref_slice %arg10[%rem3A_65, %dma_wait3A_926, %dma_wait3A_930] : memref<2x16x128xi32, #tpu.memory_space<vmem>> -> memref<1x1x128xi32, #tpu.memory_space<vmem>>
      %dma_wait3A_932 = tpu.memref_squeeze %dma_wait3A_931 : memref<1x1x128xi32, #tpu.memory_space<vmem>> -> memref<128xi32, #tpu.memory_space<vmem>>
      %dma_wait3A_933 = arith.constant 0 : i32
      %dma_wait3A_934 = tpu.memref_slice %arg15[%dma_wait3A_933] : memref<100096xf32, #tpu.memory_space<vmem_shared>> -> memref<100096xf32, #tpu.memory_space<vmem_shared>>
      tpu.wait_indirect_dma semaphore(%arg18 : memref<!tpu.dma_semaphore, #tpu.memory_space<semaphore_mem>>) src(%dma_wait3A_929 : memref<128xf32, #tpu.memory_space<vmem>>) dst(%dma_wait3A_934 : memref<100096xf32, #tpu.memory_space<vmem_shared>>)
      %dma_wait3A_935 = arith.constant 15 : i32
      %dma_wait3A_936 = arith.constant 0 : i32
      %dma_wait3A_937 = tpu.memref_slice %arg10[%rem3A_65, %dma_wait3A_935, %dma_wait3A_936] : memref<2x16x128xi32, #tpu.memory_space<vmem>> -> memref<1x1x128xi32, #tpu.memory_space<vmem>>
      %dma_wait3A_938 = tpu.memref_squeeze %dma_wait3A_937 : memref<1x1x128xi32, #tpu.memory_space<vmem>> -> memref<128xi32, #tpu.memory_space<vmem>>
      %dma_wait3A_939 = arith.constant 0 : i32
      %dma_wait3A_940 = tpu.memref_slice %arg16[%dma_wait3A_939] : memref<100096xf32, #tpu.memory_space<vmem_shared>> -> memref<100096xf32, #tpu.memory_space<vmem_shared>>
      tpu.wait_indirect_dma semaphore(%arg18 : memref<!tpu.dma_semaphore, #tpu.memory_space<semaphore_mem>>) src(%arg13 : memref<128xf32, #tpu.memory_space<vmem>>) dst(%dma_wait3A_940 : memref<100096xf32, #tpu.memory_space<vmem_shared>>)
    }
    %eq3A = arith.constant 31 : i32
    %eq3A_61 = arith.cmpi eq, %add3A, %eq3A : i32
    %convert_element_type3A = arith.extui %eq3A_61 : i1 to i32
    %cond3A = arith.constant 0 : i32
    %cond3A_62 = arith.cmpi ne, %convert_element_type3A, %cond3A : i32
    scf.if %cond3A_62 {
      %run_scoped3A = arith.constant 0 : i32
      "tpu.region"() ({
        %run_scoped3A_561 = tpu.sem_alloc : memref<!tpu.dma_semaphore, #tpu.memory_space<semaphore_mem>>
        %dma_start3A_562 = arith.constant 0 : i32
        %dma_start3A_563 = arith.constant 0 : i32
        %dma_start3A_564 = tpu.memref_slice %arg10[%run_scoped3A, %dma_start3A_562, %dma_start3A_563] : memref<2x16x128xi32, #tpu.memory_space<vmem>> -> memref<1x8x128xi32, #tpu.memory_space<vmem>>
        %dma_start3A_565 = tpu.memref_squeeze %dma_start3A_564 : memref<1x8x128xi32, #tpu.memory_space<vmem>> -> memref<8x128xi32, #tpu.memory_space<vmem>>
        %dma_start3A_566 = arith.constant 24992 : i32
        %dma_start3A_567 = arith.constant 0 : i32
        %dma_start3A_568 = tpu.memref_slice %arg2[%dma_start3A_566, %dma_start3A_567] : memref<25000x128xi32, #tpu.memory_space<hbm>> -> memref<8x128xi32, #tpu.memory_space<hbm>>
        %dma_start3A_569 = arith.constant 0 : i32
        %dma_start3A_570 = arith.constant 0 : i32
        %dma_start3A_571 = tpu.memref_slice %arg10[%run_scoped3A, %dma_start3A_569, %dma_start3A_570] : memref<2x16x128xi32, #tpu.memory_space<vmem>> -> memref<1x8x128xi32, #tpu.memory_space<vmem>>
        %dma_start3A_572 = tpu.memref_squeeze %dma_start3A_571 : memref<1x8x128xi32, #tpu.memory_space<vmem>> -> memref<8x128xi32, #tpu.memory_space<vmem>>
        %dma_start3A_573 = arith.constant 24992 : i32
        %dma_start3A_574 = arith.constant 0 : i32
        %dma_start3A_575 = tpu.memref_slice %arg2[%dma_start3A_573, %dma_start3A_574] : memref<25000x128xi32, #tpu.memory_space<hbm>> -> memref<8x128xi32, #tpu.memory_space<hbm>>
        tpu.enqueue_dma source(%dma_start3A_575 : memref<8x128xi32, #tpu.memory_space<hbm>>) target(%dma_start3A_572 : memref<8x128xi32, #tpu.memory_space<vmem>>) target_semaphore(%run_scoped3A_561 : memref<!tpu.dma_semaphore, #tpu.memory_space<semaphore_mem>>)
        %dma_wait3A_576 = arith.constant 0 : i32
        %dma_wait3A_577 = arith.constant 0 : i32
        %dma_wait3A_578 = tpu.memref_slice %arg10[%run_scoped3A, %dma_wait3A_576, %dma_wait3A_577] : memref<2x16x128xi32, #tpu.memory_space<vmem>> -> memref<1x8x128xi32, #tpu.memory_space<vmem>>
        %dma_wait3A_579 = tpu.memref_squeeze %dma_wait3A_578 : memref<1x8x128xi32, #tpu.memory_space<vmem>> -> memref<8x128xi32, #tpu.memory_space<vmem>>
        %dma_wait3A_580 = arith.constant 24992 : i32
        %dma_wait3A_581 = arith.constant 0 : i32
        %dma_wait3A_582 = tpu.memref_slice %arg2[%dma_wait3A_580, %dma_wait3A_581] : memref<25000x128xi32, #tpu.memory_space<hbm>> -> memref<8x128xi32, #tpu.memory_space<hbm>>
        %dma_wait3A_583 = arith.constant 0 : i32
        %dma_wait3A_584 = arith.constant 0 : i32
        %dma_wait3A_585 = tpu.memref_slice %arg10[%run_scoped3A, %dma_wait3A_583, %dma_wait3A_584] : memref<2x16x128xi32, #tpu.memory_space<vmem>> -> memref<1x8x128xi32, #tpu.memory_space<vmem>>
        %dma_wait3A_586 = tpu.memref_squeeze %dma_wait3A_585 : memref<1x8x128xi32, #tpu.memory_space<vmem>> -> memref<8x128xi32, #tpu.memory_space<vmem>>
        %dma_wait3A_587 = arith.constant 24992 : i32
        %dma_wait3A_588 = arith.constant 0 : i32
        %dma_wait3A_589 = tpu.memref_slice %arg2[%dma_wait3A_587, %dma_wait3A_588] : memref<25000x128xi32, #tpu.memory_space<hbm>> -> memref<8x128xi32, #tpu.memory_space<hbm>>
        tpu.wait_dma2 semaphore(%run_scoped3A_561 : memref<!tpu.dma_semaphore, #tpu.memory_space<semaphore_mem>>) src(%dma_wait3A_589 : memref<8x128xi32, #tpu.memory_space<hbm>>) dst(%dma_wait3A_586 : memref<8x128xi32, #tpu.memory_space<vmem>>)
        tpu.yield
      }) : () -> ()
      %run_scoped3A_64 = arith.constant 0 : i32
      "tpu.region"() ({
        %run_scoped3A_561 = tpu.sem_alloc : memref<!tpu.dma_semaphore, #tpu.memory_space<semaphore_mem>>
        %dma_start3A_562 = arith.constant 0 : i32
        %dma_start3A_563 = arith.constant 0 : i32
        %dma_start3A_564 = tpu.memref_slice %arg11[%run_scoped3A_64, %dma_start3A_562, %dma_start3A_563] : memref<2x2048x8xf32, #tpu.memory_space<vmem>> -> memref<1x1024x8xf32, #tpu.memory_space<vmem>>
        %dma_start3A_565 = tpu.memref_squeeze %dma_start3A_564 : memref<1x1024x8xf32, #tpu.memory_space<vmem>> -> memref<1024x8xf32, #tpu.memory_space<vmem>>
        %dma_start3A_566 = arith.constant 3198976 : i32
        %dma_start3A_567 = arith.constant 0 : i32
        %dma_start3A_568 = tpu.memref_slice %arg3[%dma_start3A_566, %dma_start3A_567] : memref<3200000x8xf32, #tpu.memory_space<hbm>> -> memref<1024x8xf32, #tpu.memory_space<hbm>>
        %dma_start3A_569 = arith.constant 0 : i32
        %dma_start3A_570 = arith.constant 0 : i32
        %dma_start3A_571 = tpu.memref_slice %arg11[%run_scoped3A_64, %dma_start3A_569, %dma_start3A_570] : memref<2x2048x8xf32, #tpu.memory_space<vmem>> -> memref<1x1024x8xf32, #tpu.memory_space<vmem>>
        %dma_start3A_572 = tpu.memref_squeeze %dma_start3A_571 : memref<1x1024x8xf32, #tpu.memory_space<vmem>> -> memref<1024x8xf32, #tpu.memory_space<vmem>>
        %dma_start3A_573 = arith.constant 3198976 : i32
        %dma_start3A_574 = arith.constant 0 : i32
        %dma_start3A_575 = tpu.memref_slice %arg3[%dma_start3A_573, %dma_start3A_574] : memref<3200000x8xf32, #tpu.memory_space<hbm>> -> memref<1024x8xf32, #tpu.memory_space<hbm>>
        tpu.enqueue_dma source(%dma_start3A_575 : memref<1024x8xf32, #tpu.memory_space<hbm>>) target(%dma_start3A_572 : memref<1024x8xf32, #tpu.memory_space<vmem>>) target_semaphore(%run_scoped3A_561 : memref<!tpu.dma_semaphore, #tpu.memory_space<semaphore_mem>>)
        %dma_wait3A_576 = arith.constant 0 : i32
        %dma_wait3A_577 = arith.constant 0 : i32
        %dma_wait3A_578 = tpu.memref_slice %arg11[%run_scoped3A_64, %dma_wait3A_576, %dma_wait3A_577] : memref<2x2048x8xf32, #tpu.memory_space<vmem>> -> memref<1x1024x8xf32, #tpu.memory_space<vmem>>
        %dma_wait3A_579 = tpu.memref_squeeze %dma_wait3A_578 : memref<1x1024x8xf32, #tpu.memory_space<vmem>> -> memref<1024x8xf32, #tpu.memory_space<vmem>>
        %dma_wait3A_580 = arith.constant 3198976 : i32
        %dma_wait3A_581 = arith.constant 0 : i32
        %dma_wait3A_582 = tpu.memref_slice %arg3[%dma_wait3A_580, %dma_wait3A_581] : memref<3200000x8xf32, #tpu.memory_space<hbm>> -> memref<1024x8xf32, #tpu.memory_space<hbm>>
        %dma_wait3A_583 = arith.constant 0 : i32
        %dma_wait3A_584 = arith.constant 0 : i32
        %dma_wait3A_585 = tpu.memref_slice %arg11[%run_scoped3A_64, %dma_wait3A_583, %dma_wait3A_584] : memref<2x2048x8xf32, #tpu.memory_space<vmem>> -> memref<1x1024x8xf32, #tpu.memory_space<vmem>>
        %dma_wait3A_586 = tpu.memref_squeeze %dma_wait3A_585 : memref<1x1024x8xf32, #tpu.memory_space<vmem>> -> memref<1024x8xf32, #tpu.memory_space<vmem>>
        %dma_wait3A_587 = arith.constant 3198976 : i32
        %dma_wait3A_588 = arith.constant 0 : i32
        %dma_wait3A_589 = tpu.memref_slice %arg3[%dma_wait3A_587, %dma_wait3A_588] : memref<3200000x8xf32, #tpu.memory_space<hbm>> -> memref<1024x8xf32, #tpu.memory_space<hbm>>
        tpu.wait_dma2 semaphore(%run_scoped3A_561 : memref<!tpu.dma_semaphore, #tpu.memory_space<semaphore_mem>>) src(%dma_wait3A_589 : memref<1024x8xf32, #tpu.memory_space<hbm>>) dst(%dma_wait3A_586 : memref<1024x8xf32, #tpu.memory_space<vmem>>)
        tpu.yield
      }) : () -> ()
      %run_scoped3A_65 = arith.constant 0 : i32
      "tpu.region"() ({
        %run_scoped3A_561 = tpu.sem_alloc : memref<!tpu.dma_semaphore, #tpu.memory_space<semaphore_mem>>
        %dma_start3A_562 = arith.constant 0 : i32
        %dma_start3A_563 = tpu.memref_slice %arg12[%run_scoped3A_65, %dma_start3A_562] : memref<2x2048xf32, #tpu.memory_space<vmem>> -> memref<1x1024xf32, #tpu.memory_space<vmem>>
        %dma_start3A_564 = tpu.memref_squeeze %dma_start3A_563 : memref<1x1024xf32, #tpu.memory_space<vmem>> -> memref<1024xf32, #tpu.memory_space<vmem>>
        %dma_start3A_565 = arith.constant 3198976 : i32
        %dma_start3A_566 = tpu.memref_slice %arg4[%dma_start3A_565] : memref<3200000xf32, #tpu.memory_space<hbm>> -> memref<1024xf32, #tpu.memory_space<hbm>>
        %dma_start3A_567 = arith.constant 0 : i32
        %dma_start3A_568 = tpu.memref_slice %arg12[%run_scoped3A_65, %dma_start3A_567] : memref<2x2048xf32, #tpu.memory_space<vmem>> -> memref<1x1024xf32, #tpu.memory_space<vmem>>
        %dma_start3A_569 = tpu.memref_squeeze %dma_start3A_568 : memref<1x1024xf32, #tpu.memory_space<vmem>> -> memref<1024xf32, #tpu.memory_space<vmem>>
        %dma_start3A_570 = arith.constant 3198976 : i32
        %dma_start3A_571 = tpu.memref_slice %arg4[%dma_start3A_570] : memref<3200000xf32, #tpu.memory_space<hbm>> -> memref<1024xf32, #tpu.memory_space<hbm>>
        tpu.enqueue_dma source(%dma_start3A_571 : memref<1024xf32, #tpu.memory_space<hbm>>) target(%dma_start3A_569 : memref<1024xf32, #tpu.memory_space<vmem>>) target_semaphore(%run_scoped3A_561 : memref<!tpu.dma_semaphore, #tpu.memory_space<semaphore_mem>>)
        %dma_wait3A_572 = arith.constant 0 : i32
        %dma_wait3A_573 = tpu.memref_slice %arg12[%run_scoped3A_65, %dma_wait3A_572] : memref<2x2048xf32, #tpu.memory_space<vmem>> -> memref<1x1024xf32, #tpu.memory_space<vmem>>
        %dma_wait3A_574 = tpu.memref_squeeze %dma_wait3A_573 : memref<1x1024xf32, #tpu.memory_space<vmem>> -> memref<1024xf32, #tpu.memory_space<vmem>>
        %dma_wait3A_575 = arith.constant 3198976 : i32
        %dma_wait3A_576 = tpu.memref_slice %arg4[%dma_wait3A_575] : memref<3200000xf32, #tpu.memory_space<hbm>> -> memref<1024xf32, #tpu.memory_space<hbm>>
        %dma_wait3A_577 = arith.constant 0 : i32
        %dma_wait3A_578 = tpu.memref_slice %arg12[%run_scoped3A_65, %dma_wait3A_577] : memref<2x2048xf32, #tpu.memory_space<vmem>> -> memref<1x1024xf32, #tpu.memory_space<vmem>>
        %dma_wait3A_579 = tpu.memref_squeeze %dma_wait3A_578 : memref<1x1024xf32, #tpu.memory_space<vmem>> -> memref<1024xf32, #tpu.memory_space<vmem>>
        %dma_wait3A_580 = arith.constant 3198976 : i32
        %dma_wait3A_581 = tpu.memref_slice %arg4[%dma_wait3A_580] : memref<3200000xf32, #tpu.memory_space<hbm>> -> memref<1024xf32, #tpu.memory_space<hbm>>
        tpu.wait_dma2 semaphore(%run_scoped3A_561 : memref<!tpu.dma_semaphore, #tpu.memory_space<semaphore_mem>>) src(%dma_wait3A_581 : memref<1024xf32, #tpu.memory_space<hbm>>) dst(%dma_wait3A_579 : memref<1024xf32, #tpu.memory_space<vmem>>)
        tpu.yield
      }) : () -> ()
      %dma_start3A_66 = arith.constant 0 : i32
      %dma_start3A_67 = arith.constant 0 : i32
      %dma_start3A_68 = arith.constant 0 : i32
      %dma_start3A_69 = arith.constant 0 : i32
      %dma_start3A_70 = arith.constant 0 : i32
      %dma_start3A_71 = tpu.memref_slice %arg11[%dma_start3A_66, %dma_start3A_69, %dma_start3A_70] : memref<2x2048x8xf32, #tpu.memory_space<vmem>> -> memref<1x128x8xf32, #tpu.memory_space<vmem>>
      %dma_start3A_72 = tpu.memref_squeeze %dma_start3A_71 : memref<1x128x8xf32, #tpu.memory_space<vmem>> -> memref<128x8xf32, #tpu.memory_space<vmem>>
      %dma_start3A_73 = arith.constant 0 : i32
      %dma_start3A_74 = tpu.memref_slice %arg10[%dma_start3A_67, %dma_start3A_68, %dma_start3A_73] : memref<2x16x128xi32, #tpu.memory_space<vmem>> -> memref<1x1x128xi32, #tpu.memory_space<vmem>>
      %dma_start3A_75 = tpu.memref_squeeze %dma_start3A_74 : memref<1x1x128xi32, #tpu.memory_space<vmem>> -> memref<128xi32, #tpu.memory_space<vmem>>
      %dma_start3A_76 = arith.constant 0 : i32
      %dma_start3A_77 = arith.constant 0 : i32
      %dma_start3A_78 = tpu.memref_slice %arg14[%dma_start3A_76, %dma_start3A_77] : memref<100096x8xf32, #tpu.memory_space<vmem_shared>> -> memref<100096x8xf32, #tpu.memory_space<vmem_shared>>
      tpu.enqueue_indirect_dma source(%dma_start3A_72 : memref<128x8xf32, #tpu.memory_space<vmem>>) target(%dma_start3A_78 : memref<100096x8xf32, #tpu.memory_space<vmem_shared>>) offsets(%dma_start3A_75 : memref<128xi32, #tpu.memory_space<vmem>>) semaphore(%arg18 : memref<!tpu.dma_semaphore, #tpu.memory_space<semaphore_mem>>) {add = true}
      %dma_start3A_79 = arith.constant 0 : i32
      %dma_start3A_80 = arith.constant 0 : i32
      %dma_start3A_81 = arith.constant 0 : i32
      %dma_start3A_82 = arith.constant 0 : i32
      %dma_start3A_83 = tpu.memref_slice %arg12[%dma_start3A_79, %dma_start3A_82] : memref<2x2048xf32, #tpu.memory_space<vmem>> -> memref<1x128xf32, #tpu.memory_space<vmem>>
      %dma_start3A_84 = tpu.memref_squeeze %dma_start3A_83 : memref<1x128xf32, #tpu.memory_space<vmem>> -> memref<128xf32, #tpu.memory_space<vmem>>
      %dma_start3A_85 = arith.constant 0 : i32
      %dma_start3A_86 = tpu.memref_slice %arg10[%dma_start3A_80, %dma_start3A_81, %dma_start3A_85] : memref<2x16x128xi32, #tpu.memory_space<vmem>> -> memref<1x1x128xi32, #tpu.memory_space<vmem>>
      %dma_start3A_87 = tpu.memref_squeeze %dma_start3A_86 : memref<1x1x128xi32, #tpu.memory_space<vmem>> -> memref<128xi32, #tpu.memory_space<vmem>>
      %dma_start3A_88 = arith.constant 0 : i32
      %dma_start3A_89 = tpu.memref_slice %arg15[%dma_start3A_88] : memref<100096xf32, #tpu.memory_space<vmem_shared>> -> memref<100096xf32, #tpu.memory_space<vmem_shared>>
      tpu.enqueue_indirect_dma source(%dma_start3A_84 : memref<128xf32, #tpu.memory_space<vmem>>) target(%dma_start3A_89 : memref<100096xf32, #tpu.memory_space<vmem_shared>>) offsets(%dma_start3A_87 : memref<128xi32, #tpu.memory_space<vmem>>) semaphore(%arg18 : memref<!tpu.dma_semaphore, #tpu.memory_space<semaphore_mem>>) {add = true}
      %dma_start3A_90 = arith.constant 0 : i32
      %dma_start3A_91 = arith.constant 0 : i32
      %dma_start3A_92 = arith.constant 0 : i32
      %dma_start3A_93 = tpu.memref_slice %arg10[%dma_start3A_90, %dma_start3A_91, %dma_start3A_92] : memref<2x16x128xi32, #tpu.memory_space<vmem>> -> memref<1x1x128xi32, #tpu.memory_space<vmem>>
      %dma_start3A_94 = tpu.memref_squeeze %dma_start3A_93 : memref<1x1x128xi32, #tpu.memory_space<vmem>> -> memref<128xi32, #tpu.memory_space<vmem>>
      %dma_start3A_95 = arith.constant 0 : i32
      %dma_start3A_96 = tpu.memref_slice %arg16[%dma_start3A_95] : memref<100096xf32, #tpu.memory_space<vmem_shared>> -> memref<100096xf32, #tpu.memory_space<vmem_shared>>
      tpu.enqueue_indirect_dma source(%arg13 : memref<128xf32, #tpu.memory_space<vmem>>) target(%dma_start3A_96 : memref<100096xf32, #tpu.memory_space<vmem_shared>>) offsets(%dma_start3A_94 : memref<128xi32, #tpu.memory_space<vmem>>) semaphore(%arg18 : memref<!tpu.dma_semaphore, #tpu.memory_space<semaphore_mem>>) {add = true}
      %dma_start3A_97 = arith.constant 0 : i32
      %dma_start3A_98 = arith.constant 0 : i32
      %dma_start3A_99 = arith.constant 1 : i32
      %dma_start3A_100 = arith.constant 128 : i32
      %dma_start3A_101 = arith.constant 0 : i32
      %dma_start3A_102 = tpu.memref_slice %arg11[%dma_start3A_97, %dma_start3A_100, %dma_start3A_101] : memref<2x2048x8xf32, #tpu.memory_space<vmem>> -> memref<1x128x8xf32, #tpu.memory_space<vmem>>
      %dma_start3A_103 = tpu.memref_squeeze %dma_start3A_102 : memref<1x128x8xf32, #tpu.memory_space<vmem>> -> memref<128x8xf32, #tpu.memory_space<vmem>>
      %dma_start3A_104 = arith.constant 0 : i32
      %dma_start3A_105 = tpu.memref_slice %arg10[%dma_start3A_98, %dma_start3A_99, %dma_start3A_104] : memref<2x16x128xi32, #tpu.memory_space<vmem>> -> memref<1x1x128xi32, #tpu.memory_space<vmem>>
      %dma_start3A_106 = tpu.memref_squeeze %dma_start3A_105 : memref<1x1x128xi32, #tpu.memory_space<vmem>> -> memref<128xi32, #tpu.memory_space<vmem>>
      %dma_start3A_107 = arith.constant 0 : i32
      %dma_start3A_108 = arith.constant 0 : i32
      %dma_start3A_109 = tpu.memref_slice %arg14[%dma_start3A_107, %dma_start3A_108] : memref<100096x8xf32, #tpu.memory_space<vmem_shared>> -> memref<100096x8xf32, #tpu.memory_space<vmem_shared>>
      tpu.enqueue_indirect_dma source(%dma_start3A_103 : memref<128x8xf32, #tpu.memory_space<vmem>>) target(%dma_start3A_109 : memref<100096x8xf32, #tpu.memory_space<vmem_shared>>) offsets(%dma_start3A_106 : memref<128xi32, #tpu.memory_space<vmem>>) semaphore(%arg18 : memref<!tpu.dma_semaphore, #tpu.memory_space<semaphore_mem>>) {add = true}
      %dma_start3A_110 = arith.constant 0 : i32
      %dma_start3A_111 = arith.constant 0 : i32
      %dma_start3A_112 = arith.constant 1 : i32
      %dma_start3A_113 = arith.constant 128 : i32
      %dma_start3A_114 = tpu.memref_slice %arg12[%dma_start3A_110, %dma_start3A_113] : memref<2x2048xf32, #tpu.memory_space<vmem>> -> memref<1x128xf32, #tpu.memory_space<vmem>>
      %dma_start3A_115 = tpu.memref_squeeze %dma_start3A_114 : memref<1x128xf32, #tpu.memory_space<vmem>> -> memref<128xf32, #tpu.memory_space<vmem>>
      %dma_start3A_116 = arith.constant 0 : i32
      %dma_start3A_117 = tpu.memref_slice %arg10[%dma_start3A_111, %dma_start3A_112, %dma_start3A_116] : memref<2x16x128xi32, #tpu.memory_space<vmem>> -> memref<1x1x128xi32, #tpu.memory_space<vmem>>
      %dma_start3A_118 = tpu.memref_squeeze %dma_start3A_117 : memref<1x1x128xi32, #tpu.memory_space<vmem>> -> memref<128xi32, #tpu.memory_space<vmem>>
      %dma_start3A_119 = arith.constant 0 : i32
      %dma_start3A_120 = tpu.memref_slice %arg15[%dma_start3A_119] : memref<100096xf32, #tpu.memory_space<vmem_shared>> -> memref<100096xf32, #tpu.memory_space<vmem_shared>>
      tpu.enqueue_indirect_dma source(%dma_start3A_115 : memref<128xf32, #tpu.memory_space<vmem>>) target(%dma_start3A_120 : memref<100096xf32, #tpu.memory_space<vmem_shared>>) offsets(%dma_start3A_118 : memref<128xi32, #tpu.memory_space<vmem>>) semaphore(%arg18 : memref<!tpu.dma_semaphore, #tpu.memory_space<semaphore_mem>>) {add = true}
      %dma_start3A_121 = arith.constant 0 : i32
      %dma_start3A_122 = arith.constant 1 : i32
      %dma_start3A_123 = arith.constant 0 : i32
      %dma_start3A_124 = tpu.memref_slice %arg10[%dma_start3A_121, %dma_start3A_122, %dma_start3A_123] : memref<2x16x128xi32, #tpu.memory_space<vmem>> -> memref<1x1x128xi32, #tpu.memory_space<vmem>>
      %dma_start3A_125 = tpu.memref_squeeze %dma_start3A_124 : memref<1x1x128xi32, #tpu.memory_space<vmem>> -> memref<128xi32, #tpu.memory_space<vmem>>
      %dma_start3A_126 = arith.constant 0 : i32
      %dma_start3A_127 = tpu.memref_slice %arg16[%dma_start3A_126] : memref<100096xf32, #tpu.memory_space<vmem_shared>> -> memref<100096xf32, #tpu.memory_space<vmem_shared>>
      tpu.enqueue_indirect_dma source(%arg13 : memref<128xf32, #tpu.memory_space<vmem>>) target(%dma_start3A_127 : memref<100096xf32, #tpu.memory_space<vmem_shared>>) offsets(%dma_start3A_125 : memref<128xi32, #tpu.memory_space<vmem>>) semaphore(%arg18 : memref<!tpu.dma_semaphore, #tpu.memory_space<semaphore_mem>>) {add = true}
      %dma_start3A_128 = arith.constant 0 : i32
      %dma_start3A_129 = arith.constant 0 : i32
      %dma_start3A_130 = arith.constant 2 : i32
      %dma_start3A_131 = arith.constant 256 : i32
      %dma_start3A_132 = arith.constant 0 : i32
      %dma_start3A_133 = tpu.memref_slice %arg11[%dma_start3A_128, %dma_start3A_131, %dma_start3A_132] : memref<2x2048x8xf32, #tpu.memory_space<vmem>> -> memref<1x128x8xf32, #tpu.memory_space<vmem>>
      %dma_start3A_134 = tpu.memref_squeeze %dma_start3A_133 : memref<1x128x8xf32, #tpu.memory_space<vmem>> -> memref<128x8xf32, #tpu.memory_space<vmem>>
      %dma_start3A_135 = arith.constant 0 : i32
      %dma_start3A_136 = tpu.memref_slice %arg10[%dma_start3A_129, %dma_start3A_130, %dma_start3A_135] : memref<2x16x128xi32, #tpu.memory_space<vmem>> -> memref<1x1x128xi32, #tpu.memory_space<vmem>>
      %dma_start3A_137 = tpu.memref_squeeze %dma_start3A_136 : memref<1x1x128xi32, #tpu.memory_space<vmem>> -> memref<128xi32, #tpu.memory_space<vmem>>
      %dma_start3A_138 = arith.constant 0 : i32
      %dma_start3A_139 = arith.constant 0 : i32
      %dma_start3A_140 = tpu.memref_slice %arg14[%dma_start3A_138, %dma_start3A_139] : memref<100096x8xf32, #tpu.memory_space<vmem_shared>> -> memref<100096x8xf32, #tpu.memory_space<vmem_shared>>
      tpu.enqueue_indirect_dma source(%dma_start3A_134 : memref<128x8xf32, #tpu.memory_space<vmem>>) target(%dma_start3A_140 : memref<100096x8xf32, #tpu.memory_space<vmem_shared>>) offsets(%dma_start3A_137 : memref<128xi32, #tpu.memory_space<vmem>>) semaphore(%arg18 : memref<!tpu.dma_semaphore, #tpu.memory_space<semaphore_mem>>) {add = true}
      %dma_start3A_141 = arith.constant 0 : i32
      %dma_start3A_142 = arith.constant 0 : i32
      %dma_start3A_143 = arith.constant 2 : i32
      %dma_start3A_144 = arith.constant 256 : i32
      %dma_start3A_145 = tpu.memref_slice %arg12[%dma_start3A_141, %dma_start3A_144] : memref<2x2048xf32, #tpu.memory_space<vmem>> -> memref<1x128xf32, #tpu.memory_space<vmem>>
      %dma_start3A_146 = tpu.memref_squeeze %dma_start3A_145 : memref<1x128xf32, #tpu.memory_space<vmem>> -> memref<128xf32, #tpu.memory_space<vmem>>
      %dma_start3A_147 = arith.constant 0 : i32
      %dma_start3A_148 = tpu.memref_slice %arg10[%dma_start3A_142, %dma_start3A_143, %dma_start3A_147] : memref<2x16x128xi32, #tpu.memory_space<vmem>> -> memref<1x1x128xi32, #tpu.memory_space<vmem>>
      %dma_start3A_149 = tpu.memref_squeeze %dma_start3A_148 : memref<1x1x128xi32, #tpu.memory_space<vmem>> -> memref<128xi32, #tpu.memory_space<vmem>>
      %dma_start3A_150 = arith.constant 0 : i32
      %dma_start3A_151 = tpu.memref_slice %arg15[%dma_start3A_150] : memref<100096xf32, #tpu.memory_space<vmem_shared>> -> memref<100096xf32, #tpu.memory_space<vmem_shared>>
      tpu.enqueue_indirect_dma source(%dma_start3A_146 : memref<128xf32, #tpu.memory_space<vmem>>) target(%dma_start3A_151 : memref<100096xf32, #tpu.memory_space<vmem_shared>>) offsets(%dma_start3A_149 : memref<128xi32, #tpu.memory_space<vmem>>) semaphore(%arg18 : memref<!tpu.dma_semaphore, #tpu.memory_space<semaphore_mem>>) {add = true}
      %dma_start3A_152 = arith.constant 0 : i32
      %dma_start3A_153 = arith.constant 2 : i32
      %dma_start3A_154 = arith.constant 0 : i32
      %dma_start3A_155 = tpu.memref_slice %arg10[%dma_start3A_152, %dma_start3A_153, %dma_start3A_154] : memref<2x16x128xi32, #tpu.memory_space<vmem>> -> memref<1x1x128xi32, #tpu.memory_space<vmem>>
      %dma_start3A_156 = tpu.memref_squeeze %dma_start3A_155 : memref<1x1x128xi32, #tpu.memory_space<vmem>> -> memref<128xi32, #tpu.memory_space<vmem>>
      %dma_start3A_157 = arith.constant 0 : i32
      %dma_start3A_158 = tpu.memref_slice %arg16[%dma_start3A_157] : memref<100096xf32, #tpu.memory_space<vmem_shared>> -> memref<100096xf32, #tpu.memory_space<vmem_shared>>
      tpu.enqueue_indirect_dma source(%arg13 : memref<128xf32, #tpu.memory_space<vmem>>) target(%dma_start3A_158 : memref<100096xf32, #tpu.memory_space<vmem_shared>>) offsets(%dma_start3A_156 : memref<128xi32, #tpu.memory_space<vmem>>) semaphore(%arg18 : memref<!tpu.dma_semaphore, #tpu.memory_space<semaphore_mem>>) {add = true}
      %dma_start3A_159 = arith.constant 0 : i32
      %dma_start3A_160 = arith.constant 0 : i32
      %dma_start3A_161 = arith.constant 3 : i32
      %dma_start3A_162 = arith.constant 384 : i32
      %dma_start3A_163 = arith.constant 0 : i32
      %dma_start3A_164 = tpu.memref_slice %arg11[%dma_start3A_159, %dma_start3A_162, %dma_start3A_163] : memref<2x2048x8xf32, #tpu.memory_space<vmem>> -> memref<1x128x8xf32, #tpu.memory_space<vmem>>
      %dma_start3A_165 = tpu.memref_squeeze %dma_start3A_164 : memref<1x128x8xf32, #tpu.memory_space<vmem>> -> memref<128x8xf32, #tpu.memory_space<vmem>>
      %dma_start3A_166 = arith.constant 0 : i32
      %dma_start3A_167 = tpu.memref_slice %arg10[%dma_start3A_160, %dma_start3A_161, %dma_start3A_166] : memref<2x16x128xi32, #tpu.memory_space<vmem>> -> memref<1x1x128xi32, #tpu.memory_space<vmem>>
      %dma_start3A_168 = tpu.memref_squeeze %dma_start3A_167 : memref<1x1x128xi32, #tpu.memory_space<vmem>> -> memref<128xi32, #tpu.memory_space<vmem>>
      %dma_start3A_169 = arith.constant 0 : i32
      %dma_start3A_170 = arith.constant 0 : i32
      %dma_start3A_171 = tpu.memref_slice %arg14[%dma_start3A_169, %dma_start3A_170] : memref<100096x8xf32, #tpu.memory_space<vmem_shared>> -> memref<100096x8xf32, #tpu.memory_space<vmem_shared>>
      tpu.enqueue_indirect_dma source(%dma_start3A_165 : memref<128x8xf32, #tpu.memory_space<vmem>>) target(%dma_start3A_171 : memref<100096x8xf32, #tpu.memory_space<vmem_shared>>) offsets(%dma_start3A_168 : memref<128xi32, #tpu.memory_space<vmem>>) semaphore(%arg18 : memref<!tpu.dma_semaphore, #tpu.memory_space<semaphore_mem>>) {add = true}
      %dma_start3A_172 = arith.constant 0 : i32
      %dma_start3A_173 = arith.constant 0 : i32
      %dma_start3A_174 = arith.constant 3 : i32
      %dma_start3A_175 = arith.constant 384 : i32
      %dma_start3A_176 = tpu.memref_slice %arg12[%dma_start3A_172, %dma_start3A_175] : memref<2x2048xf32, #tpu.memory_space<vmem>> -> memref<1x128xf32, #tpu.memory_space<vmem>>
      %dma_start3A_177 = tpu.memref_squeeze %dma_start3A_176 : memref<1x128xf32, #tpu.memory_space<vmem>> -> memref<128xf32, #tpu.memory_space<vmem>>
      %dma_start3A_178 = arith.constant 0 : i32
      %dma_start3A_179 = tpu.memref_slice %arg10[%dma_start3A_173, %dma_start3A_174, %dma_start3A_178] : memref<2x16x128xi32, #tpu.memory_space<vmem>> -> memref<1x1x128xi32, #tpu.memory_space<vmem>>
      %dma_start3A_180 = tpu.memref_squeeze %dma_start3A_179 : memref<1x1x128xi32, #tpu.memory_space<vmem>> -> memref<128xi32, #tpu.memory_space<vmem>>
      %dma_start3A_181 = arith.constant 0 : i32
      %dma_start3A_182 = tpu.memref_slice %arg15[%dma_start3A_181] : memref<100096xf32, #tpu.memory_space<vmem_shared>> -> memref<100096xf32, #tpu.memory_space<vmem_shared>>
      tpu.enqueue_indirect_dma source(%dma_start3A_177 : memref<128xf32, #tpu.memory_space<vmem>>) target(%dma_start3A_182 : memref<100096xf32, #tpu.memory_space<vmem_shared>>) offsets(%dma_start3A_180 : memref<128xi32, #tpu.memory_space<vmem>>) semaphore(%arg18 : memref<!tpu.dma_semaphore, #tpu.memory_space<semaphore_mem>>) {add = true}
      %dma_start3A_183 = arith.constant 0 : i32
      %dma_start3A_184 = arith.constant 3 : i32
      %dma_start3A_185 = arith.constant 0 : i32
      %dma_start3A_186 = tpu.memref_slice %arg10[%dma_start3A_183, %dma_start3A_184, %dma_start3A_185] : memref<2x16x128xi32, #tpu.memory_space<vmem>> -> memref<1x1x128xi32, #tpu.memory_space<vmem>>
      %dma_start3A_187 = tpu.memref_squeeze %dma_start3A_186 : memref<1x1x128xi32, #tpu.memory_space<vmem>> -> memref<128xi32, #tpu.memory_space<vmem>>
      %dma_start3A_188 = arith.constant 0 : i32
      %dma_start3A_189 = tpu.memref_slice %arg16[%dma_start3A_188] : memref<100096xf32, #tpu.memory_space<vmem_shared>> -> memref<100096xf32, #tpu.memory_space<vmem_shared>>
      tpu.enqueue_indirect_dma source(%arg13 : memref<128xf32, #tpu.memory_space<vmem>>) target(%dma_start3A_189 : memref<100096xf32, #tpu.memory_space<vmem_shared>>) offsets(%dma_start3A_187 : memref<128xi32, #tpu.memory_space<vmem>>) semaphore(%arg18 : memref<!tpu.dma_semaphore, #tpu.memory_space<semaphore_mem>>) {add = true}
      %dma_start3A_190 = arith.constant 0 : i32
      %dma_start3A_191 = arith.constant 0 : i32
      %dma_start3A_192 = arith.constant 4 : i32
      %dma_start3A_193 = arith.constant 512 : i32
      %dma_start3A_194 = arith.constant 0 : i32
      %dma_start3A_195 = tpu.memref_slice %arg11[%dma_start3A_190, %dma_start3A_193, %dma_start3A_194] : memref<2x2048x8xf32, #tpu.memory_space<vmem>> -> memref<1x128x8xf32, #tpu.memory_space<vmem>>
      %dma_start3A_196 = tpu.memref_squeeze %dma_start3A_195 : memref<1x128x8xf32, #tpu.memory_space<vmem>> -> memref<128x8xf32, #tpu.memory_space<vmem>>
      %dma_start3A_197 = arith.constant 0 : i32
      %dma_start3A_198 = tpu.memref_slice %arg10[%dma_start3A_191, %dma_start3A_192, %dma_start3A_197] : memref<2x16x128xi32, #tpu.memory_space<vmem>> -> memref<1x1x128xi32, #tpu.memory_space<vmem>>
      %dma_start3A_199 = tpu.memref_squeeze %dma_start3A_198 : memref<1x1x128xi32, #tpu.memory_space<vmem>> -> memref<128xi32, #tpu.memory_space<vmem>>
      %dma_start3A_200 = arith.constant 0 : i32
      %dma_start3A_201 = arith.constant 0 : i32
      %dma_start3A_202 = tpu.memref_slice %arg14[%dma_start3A_200, %dma_start3A_201] : memref<100096x8xf32, #tpu.memory_space<vmem_shared>> -> memref<100096x8xf32, #tpu.memory_space<vmem_shared>>
      tpu.enqueue_indirect_dma source(%dma_start3A_196 : memref<128x8xf32, #tpu.memory_space<vmem>>) target(%dma_start3A_202 : memref<100096x8xf32, #tpu.memory_space<vmem_shared>>) offsets(%dma_start3A_199 : memref<128xi32, #tpu.memory_space<vmem>>) semaphore(%arg18 : memref<!tpu.dma_semaphore, #tpu.memory_space<semaphore_mem>>) {add = true}
      %dma_start3A_203 = arith.constant 0 : i32
      %dma_start3A_204 = arith.constant 0 : i32
      %dma_start3A_205 = arith.constant 4 : i32
      %dma_start3A_206 = arith.constant 512 : i32
      %dma_start3A_207 = tpu.memref_slice %arg12[%dma_start3A_203, %dma_start3A_206] : memref<2x2048xf32, #tpu.memory_space<vmem>> -> memref<1x128xf32, #tpu.memory_space<vmem>>
      %dma_start3A_208 = tpu.memref_squeeze %dma_start3A_207 : memref<1x128xf32, #tpu.memory_space<vmem>> -> memref<128xf32, #tpu.memory_space<vmem>>
      %dma_start3A_209 = arith.constant 0 : i32
      %dma_start3A_210 = tpu.memref_slice %arg10[%dma_start3A_204, %dma_start3A_205, %dma_start3A_209] : memref<2x16x128xi32, #tpu.memory_space<vmem>> -> memref<1x1x128xi32, #tpu.memory_space<vmem>>
      %dma_start3A_211 = tpu.memref_squeeze %dma_start3A_210 : memref<1x1x128xi32, #tpu.memory_space<vmem>> -> memref<128xi32, #tpu.memory_space<vmem>>
      %dma_start3A_212 = arith.constant 0 : i32
      %dma_start3A_213 = tpu.memref_slice %arg15[%dma_start3A_212] : memref<100096xf32, #tpu.memory_space<vmem_shared>> -> memref<100096xf32, #tpu.memory_space<vmem_shared>>
      tpu.enqueue_indirect_dma source(%dma_start3A_208 : memref<128xf32, #tpu.memory_space<vmem>>) target(%dma_start3A_213 : memref<100096xf32, #tpu.memory_space<vmem_shared>>) offsets(%dma_start3A_211 : memref<128xi32, #tpu.memory_space<vmem>>) semaphore(%arg18 : memref<!tpu.dma_semaphore, #tpu.memory_space<semaphore_mem>>) {add = true}
      %dma_start3A_214 = arith.constant 0 : i32
      %dma_start3A_215 = arith.constant 4 : i32
      %dma_start3A_216 = arith.constant 0 : i32
      %dma_start3A_217 = tpu.memref_slice %arg10[%dma_start3A_214, %dma_start3A_215, %dma_start3A_216] : memref<2x16x128xi32, #tpu.memory_space<vmem>> -> memref<1x1x128xi32, #tpu.memory_space<vmem>>
      %dma_start3A_218 = tpu.memref_squeeze %dma_start3A_217 : memref<1x1x128xi32, #tpu.memory_space<vmem>> -> memref<128xi32, #tpu.memory_space<vmem>>
      %dma_start3A_219 = arith.constant 0 : i32
      %dma_start3A_220 = tpu.memref_slice %arg16[%dma_start3A_219] : memref<100096xf32, #tpu.memory_space<vmem_shared>> -> memref<100096xf32, #tpu.memory_space<vmem_shared>>
      tpu.enqueue_indirect_dma source(%arg13 : memref<128xf32, #tpu.memory_space<vmem>>) target(%dma_start3A_220 : memref<100096xf32, #tpu.memory_space<vmem_shared>>) offsets(%dma_start3A_218 : memref<128xi32, #tpu.memory_space<vmem>>) semaphore(%arg18 : memref<!tpu.dma_semaphore, #tpu.memory_space<semaphore_mem>>) {add = true}
      %dma_start3A_221 = arith.constant 0 : i32
      %dma_start3A_222 = arith.constant 0 : i32
      %dma_start3A_223 = arith.constant 5 : i32
      %dma_start3A_224 = arith.constant 640 : i32
      %dma_start3A_225 = arith.constant 0 : i32
      %dma_start3A_226 = tpu.memref_slice %arg11[%dma_start3A_221, %dma_start3A_224, %dma_start3A_225] : memref<2x2048x8xf32, #tpu.memory_space<vmem>> -> memref<1x128x8xf32, #tpu.memory_space<vmem>>
      %dma_start3A_227 = tpu.memref_squeeze %dma_start3A_226 : memref<1x128x8xf32, #tpu.memory_space<vmem>> -> memref<128x8xf32, #tpu.memory_space<vmem>>
      %dma_start3A_228 = arith.constant 0 : i32
      %dma_start3A_229 = tpu.memref_slice %arg10[%dma_start3A_222, %dma_start3A_223, %dma_start3A_228] : memref<2x16x128xi32, #tpu.memory_space<vmem>> -> memref<1x1x128xi32, #tpu.memory_space<vmem>>
      %dma_start3A_230 = tpu.memref_squeeze %dma_start3A_229 : memref<1x1x128xi32, #tpu.memory_space<vmem>> -> memref<128xi32, #tpu.memory_space<vmem>>
      %dma_start3A_231 = arith.constant 0 : i32
      %dma_start3A_232 = arith.constant 0 : i32
      %dma_start3A_233 = tpu.memref_slice %arg14[%dma_start3A_231, %dma_start3A_232] : memref<100096x8xf32, #tpu.memory_space<vmem_shared>> -> memref<100096x8xf32, #tpu.memory_space<vmem_shared>>
      tpu.enqueue_indirect_dma source(%dma_start3A_227 : memref<128x8xf32, #tpu.memory_space<vmem>>) target(%dma_start3A_233 : memref<100096x8xf32, #tpu.memory_space<vmem_shared>>) offsets(%dma_start3A_230 : memref<128xi32, #tpu.memory_space<vmem>>) semaphore(%arg18 : memref<!tpu.dma_semaphore, #tpu.memory_space<semaphore_mem>>) {add = true}
      %dma_start3A_234 = arith.constant 0 : i32
      %dma_start3A_235 = arith.constant 0 : i32
      %dma_start3A_236 = arith.constant 5 : i32
      %dma_start3A_237 = arith.constant 640 : i32
      %dma_start3A_238 = tpu.memref_slice %arg12[%dma_start3A_234, %dma_start3A_237] : memref<2x2048xf32, #tpu.memory_space<vmem>> -> memref<1x128xf32, #tpu.memory_space<vmem>>
      %dma_start3A_239 = tpu.memref_squeeze %dma_start3A_238 : memref<1x128xf32, #tpu.memory_space<vmem>> -> memref<128xf32, #tpu.memory_space<vmem>>
      %dma_start3A_240 = arith.constant 0 : i32
      %dma_start3A_241 = tpu.memref_slice %arg10[%dma_start3A_235, %dma_start3A_236, %dma_start3A_240] : memref<2x16x128xi32, #tpu.memory_space<vmem>> -> memref<1x1x128xi32, #tpu.memory_space<vmem>>
      %dma_start3A_242 = tpu.memref_squeeze %dma_start3A_241 : memref<1x1x128xi32, #tpu.memory_space<vmem>> -> memref<128xi32, #tpu.memory_space<vmem>>
      %dma_start3A_243 = arith.constant 0 : i32
      %dma_start3A_244 = tpu.memref_slice %arg15[%dma_start3A_243] : memref<100096xf32, #tpu.memory_space<vmem_shared>> -> memref<100096xf32, #tpu.memory_space<vmem_shared>>
      tpu.enqueue_indirect_dma source(%dma_start3A_239 : memref<128xf32, #tpu.memory_space<vmem>>) target(%dma_start3A_244 : memref<100096xf32, #tpu.memory_space<vmem_shared>>) offsets(%dma_start3A_242 : memref<128xi32, #tpu.memory_space<vmem>>) semaphore(%arg18 : memref<!tpu.dma_semaphore, #tpu.memory_space<semaphore_mem>>) {add = true}
      %dma_start3A_245 = arith.constant 0 : i32
      %dma_start3A_246 = arith.constant 5 : i32
      %dma_start3A_247 = arith.constant 0 : i32
      %dma_start3A_248 = tpu.memref_slice %arg10[%dma_start3A_245, %dma_start3A_246, %dma_start3A_247] : memref<2x16x128xi32, #tpu.memory_space<vmem>> -> memref<1x1x128xi32, #tpu.memory_space<vmem>>
      %dma_start3A_249 = tpu.memref_squeeze %dma_start3A_248 : memref<1x1x128xi32, #tpu.memory_space<vmem>> -> memref<128xi32, #tpu.memory_space<vmem>>
      %dma_start3A_250 = arith.constant 0 : i32
      %dma_start3A_251 = tpu.memref_slice %arg16[%dma_start3A_250] : memref<100096xf32, #tpu.memory_space<vmem_shared>> -> memref<100096xf32, #tpu.memory_space<vmem_shared>>
      tpu.enqueue_indirect_dma source(%arg13 : memref<128xf32, #tpu.memory_space<vmem>>) target(%dma_start3A_251 : memref<100096xf32, #tpu.memory_space<vmem_shared>>) offsets(%dma_start3A_249 : memref<128xi32, #tpu.memory_space<vmem>>) semaphore(%arg18 : memref<!tpu.dma_semaphore, #tpu.memory_space<semaphore_mem>>) {add = true}
      %dma_start3A_252 = arith.constant 0 : i32
      %dma_start3A_253 = arith.constant 0 : i32
      %dma_start3A_254 = arith.constant 6 : i32
      %dma_start3A_255 = arith.constant 768 : i32
      %dma_start3A_256 = arith.constant 0 : i32
      %dma_start3A_257 = tpu.memref_slice %arg11[%dma_start3A_252, %dma_start3A_255, %dma_start3A_256] : memref<2x2048x8xf32, #tpu.memory_space<vmem>> -> memref<1x128x8xf32, #tpu.memory_space<vmem>>
      %dma_start3A_258 = tpu.memref_squeeze %dma_start3A_257 : memref<1x128x8xf32, #tpu.memory_space<vmem>> -> memref<128x8xf32, #tpu.memory_space<vmem>>
      %dma_start3A_259 = arith.constant 0 : i32
      %dma_start3A_260 = tpu.memref_slice %arg10[%dma_start3A_253, %dma_start3A_254, %dma_start3A_259] : memref<2x16x128xi32, #tpu.memory_space<vmem>> -> memref<1x1x128xi32, #tpu.memory_space<vmem>>
      %dma_start3A_261 = tpu.memref_squeeze %dma_start3A_260 : memref<1x1x128xi32, #tpu.memory_space<vmem>> -> memref<128xi32, #tpu.memory_space<vmem>>
      %dma_start3A_262 = arith.constant 0 : i32
      %dma_start3A_263 = arith.constant 0 : i32
      %dma_start3A_264 = tpu.memref_slice %arg14[%dma_start3A_262, %dma_start3A_263] : memref<100096x8xf32, #tpu.memory_space<vmem_shared>> -> memref<100096x8xf32, #tpu.memory_space<vmem_shared>>
      tpu.enqueue_indirect_dma source(%dma_start3A_258 : memref<128x8xf32, #tpu.memory_space<vmem>>) target(%dma_start3A_264 : memref<100096x8xf32, #tpu.memory_space<vmem_shared>>) offsets(%dma_start3A_261 : memref<128xi32, #tpu.memory_space<vmem>>) semaphore(%arg18 : memref<!tpu.dma_semaphore, #tpu.memory_space<semaphore_mem>>) {add = true}
      %dma_start3A_265 = arith.constant 0 : i32
      %dma_start3A_266 = arith.constant 0 : i32
      %dma_start3A_267 = arith.constant 6 : i32
      %dma_start3A_268 = arith.constant 768 : i32
      %dma_start3A_269 = tpu.memref_slice %arg12[%dma_start3A_265, %dma_start3A_268] : memref<2x2048xf32, #tpu.memory_space<vmem>> -> memref<1x128xf32, #tpu.memory_space<vmem>>
      %dma_start3A_270 = tpu.memref_squeeze %dma_start3A_269 : memref<1x128xf32, #tpu.memory_space<vmem>> -> memref<128xf32, #tpu.memory_space<vmem>>
      %dma_start3A_271 = arith.constant 0 : i32
      %dma_start3A_272 = tpu.memref_slice %arg10[%dma_start3A_266, %dma_start3A_267, %dma_start3A_271] : memref<2x16x128xi32, #tpu.memory_space<vmem>> -> memref<1x1x128xi32, #tpu.memory_space<vmem>>
      %dma_start3A_273 = tpu.memref_squeeze %dma_start3A_272 : memref<1x1x128xi32, #tpu.memory_space<vmem>> -> memref<128xi32, #tpu.memory_space<vmem>>
      %dma_start3A_274 = arith.constant 0 : i32
      %dma_start3A_275 = tpu.memref_slice %arg15[%dma_start3A_274] : memref<100096xf32, #tpu.memory_space<vmem_shared>> -> memref<100096xf32, #tpu.memory_space<vmem_shared>>
      tpu.enqueue_indirect_dma source(%dma_start3A_270 : memref<128xf32, #tpu.memory_space<vmem>>) target(%dma_start3A_275 : memref<100096xf32, #tpu.memory_space<vmem_shared>>) offsets(%dma_start3A_273 : memref<128xi32, #tpu.memory_space<vmem>>) semaphore(%arg18 : memref<!tpu.dma_semaphore, #tpu.memory_space<semaphore_mem>>) {add = true}
      %dma_start3A_276 = arith.constant 0 : i32
      %dma_start3A_277 = arith.constant 6 : i32
      %dma_start3A_278 = arith.constant 0 : i32
      %dma_start3A_279 = tpu.memref_slice %arg10[%dma_start3A_276, %dma_start3A_277, %dma_start3A_278] : memref<2x16x128xi32, #tpu.memory_space<vmem>> -> memref<1x1x128xi32, #tpu.memory_space<vmem>>
      %dma_start3A_280 = tpu.memref_squeeze %dma_start3A_279 : memref<1x1x128xi32, #tpu.memory_space<vmem>> -> memref<128xi32, #tpu.memory_space<vmem>>
      %dma_start3A_281 = arith.constant 0 : i32
      %dma_start3A_282 = tpu.memref_slice %arg16[%dma_start3A_281] : memref<100096xf32, #tpu.memory_space<vmem_shared>> -> memref<100096xf32, #tpu.memory_space<vmem_shared>>
      tpu.enqueue_indirect_dma source(%arg13 : memref<128xf32, #tpu.memory_space<vmem>>) target(%dma_start3A_282 : memref<100096xf32, #tpu.memory_space<vmem_shared>>) offsets(%dma_start3A_280 : memref<128xi32, #tpu.memory_space<vmem>>) semaphore(%arg18 : memref<!tpu.dma_semaphore, #tpu.memory_space<semaphore_mem>>) {add = true}
      %dma_start3A_283 = arith.constant 0 : i32
      %dma_start3A_284 = arith.constant 0 : i32
      %dma_start3A_285 = arith.constant 7 : i32
      %dma_start3A_286 = arith.constant 896 : i32
      %dma_start3A_287 = arith.constant 0 : i32
      %dma_start3A_288 = tpu.memref_slice %arg11[%dma_start3A_283, %dma_start3A_286, %dma_start3A_287] : memref<2x2048x8xf32, #tpu.memory_space<vmem>> -> memref<1x128x8xf32, #tpu.memory_space<vmem>>
      %dma_start3A_289 = tpu.memref_squeeze %dma_start3A_288 : memref<1x128x8xf32, #tpu.memory_space<vmem>> -> memref<128x8xf32, #tpu.memory_space<vmem>>
      %dma_start3A_290 = arith.constant 0 : i32
      %dma_start3A_291 = tpu.memref_slice %arg10[%dma_start3A_284, %dma_start3A_285, %dma_start3A_290] : memref<2x16x128xi32, #tpu.memory_space<vmem>> -> memref<1x1x128xi32, #tpu.memory_space<vmem>>
      %dma_start3A_292 = tpu.memref_squeeze %dma_start3A_291 : memref<1x1x128xi32, #tpu.memory_space<vmem>> -> memref<128xi32, #tpu.memory_space<vmem>>
      %dma_start3A_293 = arith.constant 0 : i32
      %dma_start3A_294 = arith.constant 0 : i32
      %dma_start3A_295 = tpu.memref_slice %arg14[%dma_start3A_293, %dma_start3A_294] : memref<100096x8xf32, #tpu.memory_space<vmem_shared>> -> memref<100096x8xf32, #tpu.memory_space<vmem_shared>>
      tpu.enqueue_indirect_dma source(%dma_start3A_289 : memref<128x8xf32, #tpu.memory_space<vmem>>) target(%dma_start3A_295 : memref<100096x8xf32, #tpu.memory_space<vmem_shared>>) offsets(%dma_start3A_292 : memref<128xi32, #tpu.memory_space<vmem>>) semaphore(%arg18 : memref<!tpu.dma_semaphore, #tpu.memory_space<semaphore_mem>>) {add = true}
      %dma_start3A_296 = arith.constant 0 : i32
      %dma_start3A_297 = arith.constant 0 : i32
      %dma_start3A_298 = arith.constant 7 : i32
      %dma_start3A_299 = arith.constant 896 : i32
      %dma_start3A_300 = tpu.memref_slice %arg12[%dma_start3A_296, %dma_start3A_299] : memref<2x2048xf32, #tpu.memory_space<vmem>> -> memref<1x128xf32, #tpu.memory_space<vmem>>
      %dma_start3A_301 = tpu.memref_squeeze %dma_start3A_300 : memref<1x128xf32, #tpu.memory_space<vmem>> -> memref<128xf32, #tpu.memory_space<vmem>>
      %dma_start3A_302 = arith.constant 0 : i32
      %dma_start3A_303 = tpu.memref_slice %arg10[%dma_start3A_297, %dma_start3A_298, %dma_start3A_302] : memref<2x16x128xi32, #tpu.memory_space<vmem>> -> memref<1x1x128xi32, #tpu.memory_space<vmem>>
      %dma_start3A_304 = tpu.memref_squeeze %dma_start3A_303 : memref<1x1x128xi32, #tpu.memory_space<vmem>> -> memref<128xi32, #tpu.memory_space<vmem>>
      %dma_start3A_305 = arith.constant 0 : i32
      %dma_start3A_306 = tpu.memref_slice %arg15[%dma_start3A_305] : memref<100096xf32, #tpu.memory_space<vmem_shared>> -> memref<100096xf32, #tpu.memory_space<vmem_shared>>
      tpu.enqueue_indirect_dma source(%dma_start3A_301 : memref<128xf32, #tpu.memory_space<vmem>>) target(%dma_start3A_306 : memref<100096xf32, #tpu.memory_space<vmem_shared>>) offsets(%dma_start3A_304 : memref<128xi32, #tpu.memory_space<vmem>>) semaphore(%arg18 : memref<!tpu.dma_semaphore, #tpu.memory_space<semaphore_mem>>) {add = true}
      %dma_start3A_307 = arith.constant 0 : i32
      %dma_start3A_308 = arith.constant 7 : i32
      %dma_start3A_309 = arith.constant 0 : i32
      %dma_start3A_310 = tpu.memref_slice %arg10[%dma_start3A_307, %dma_start3A_308, %dma_start3A_309] : memref<2x16x128xi32, #tpu.memory_space<vmem>> -> memref<1x1x128xi32, #tpu.memory_space<vmem>>
      %dma_start3A_311 = tpu.memref_squeeze %dma_start3A_310 : memref<1x1x128xi32, #tpu.memory_space<vmem>> -> memref<128xi32, #tpu.memory_space<vmem>>
      %dma_start3A_312 = arith.constant 0 : i32
      %dma_start3A_313 = tpu.memref_slice %arg16[%dma_start3A_312] : memref<100096xf32, #tpu.memory_space<vmem_shared>> -> memref<100096xf32, #tpu.memory_space<vmem_shared>>
      tpu.enqueue_indirect_dma source(%arg13 : memref<128xf32, #tpu.memory_space<vmem>>) target(%dma_start3A_313 : memref<100096xf32, #tpu.memory_space<vmem_shared>>) offsets(%dma_start3A_311 : memref<128xi32, #tpu.memory_space<vmem>>) semaphore(%arg18 : memref<!tpu.dma_semaphore, #tpu.memory_space<semaphore_mem>>) {add = true}
      %dma_wait3A = arith.constant 0 : i32
      %dma_wait3A_314 = arith.constant 0 : i32
      %dma_wait3A_315 = arith.constant 0 : i32
      %dma_wait3A_316 = arith.constant 0 : i32
      %dma_wait3A_317 = arith.constant 0 : i32
      %dma_wait3A_318 = tpu.memref_slice %arg11[%dma_wait3A, %dma_wait3A_316, %dma_wait3A_317] : memref<2x2048x8xf32, #tpu.memory_space<vmem>> -> memref<1x128x8xf32, #tpu.memory_space<vmem>>
      %dma_wait3A_319 = tpu.memref_squeeze %dma_wait3A_318 : memref<1x128x8xf32, #tpu.memory_space<vmem>> -> memref<128x8xf32, #tpu.memory_space<vmem>>
      %dma_wait3A_320 = arith.constant 0 : i32
      %dma_wait3A_321 = tpu.memref_slice %arg10[%dma_wait3A_314, %dma_wait3A_315, %dma_wait3A_320] : memref<2x16x128xi32, #tpu.memory_space<vmem>> -> memref<1x1x128xi32, #tpu.memory_space<vmem>>
      %dma_wait3A_322 = tpu.memref_squeeze %dma_wait3A_321 : memref<1x1x128xi32, #tpu.memory_space<vmem>> -> memref<128xi32, #tpu.memory_space<vmem>>
      %dma_wait3A_323 = arith.constant 0 : i32
      %dma_wait3A_324 = arith.constant 0 : i32
      %dma_wait3A_325 = tpu.memref_slice %arg14[%dma_wait3A_323, %dma_wait3A_324] : memref<100096x8xf32, #tpu.memory_space<vmem_shared>> -> memref<100096x8xf32, #tpu.memory_space<vmem_shared>>
      tpu.wait_indirect_dma semaphore(%arg18 : memref<!tpu.dma_semaphore, #tpu.memory_space<semaphore_mem>>) src(%dma_wait3A_319 : memref<128x8xf32, #tpu.memory_space<vmem>>) dst(%dma_wait3A_325 : memref<100096x8xf32, #tpu.memory_space<vmem_shared>>)
      %dma_wait3A_326 = arith.constant 0 : i32
      %dma_wait3A_327 = arith.constant 0 : i32
      %dma_wait3A_328 = arith.constant 0 : i32
      %dma_wait3A_329 = arith.constant 0 : i32
      %dma_wait3A_330 = tpu.memref_slice %arg12[%dma_wait3A_326, %dma_wait3A_329] : memref<2x2048xf32, #tpu.memory_space<vmem>> -> memref<1x128xf32, #tpu.memory_space<vmem>>
      %dma_wait3A_331 = tpu.memref_squeeze %dma_wait3A_330 : memref<1x128xf32, #tpu.memory_space<vmem>> -> memref<128xf32, #tpu.memory_space<vmem>>
      %dma_wait3A_332 = arith.constant 0 : i32
      %dma_wait3A_333 = tpu.memref_slice %arg10[%dma_wait3A_327, %dma_wait3A_328, %dma_wait3A_332] : memref<2x16x128xi32, #tpu.memory_space<vmem>> -> memref<1x1x128xi32, #tpu.memory_space<vmem>>
      %dma_wait3A_334 = tpu.memref_squeeze %dma_wait3A_333 : memref<1x1x128xi32, #tpu.memory_space<vmem>> -> memref<128xi32, #tpu.memory_space<vmem>>
      %dma_wait3A_335 = arith.constant 0 : i32
      %dma_wait3A_336 = tpu.memref_slice %arg15[%dma_wait3A_335] : memref<100096xf32, #tpu.memory_space<vmem_shared>> -> memref<100096xf32, #tpu.memory_space<vmem_shared>>
      tpu.wait_indirect_dma semaphore(%arg18 : memref<!tpu.dma_semaphore, #tpu.memory_space<semaphore_mem>>) src(%dma_wait3A_331 : memref<128xf32, #tpu.memory_space<vmem>>) dst(%dma_wait3A_336 : memref<100096xf32, #tpu.memory_space<vmem_shared>>)
      %dma_wait3A_337 = arith.constant 0 : i32
      %dma_wait3A_338 = arith.constant 0 : i32
      %dma_wait3A_339 = arith.constant 0 : i32
      %dma_wait3A_340 = tpu.memref_slice %arg10[%dma_wait3A_337, %dma_wait3A_338, %dma_wait3A_339] : memref<2x16x128xi32, #tpu.memory_space<vmem>> -> memref<1x1x128xi32, #tpu.memory_space<vmem>>
      %dma_wait3A_341 = tpu.memref_squeeze %dma_wait3A_340 : memref<1x1x128xi32, #tpu.memory_space<vmem>> -> memref<128xi32, #tpu.memory_space<vmem>>
      %dma_wait3A_342 = arith.constant 0 : i32
      %dma_wait3A_343 = tpu.memref_slice %arg16[%dma_wait3A_342] : memref<100096xf32, #tpu.memory_space<vmem_shared>> -> memref<100096xf32, #tpu.memory_space<vmem_shared>>
      tpu.wait_indirect_dma semaphore(%arg18 : memref<!tpu.dma_semaphore, #tpu.memory_space<semaphore_mem>>) src(%arg13 : memref<128xf32, #tpu.memory_space<vmem>>) dst(%dma_wait3A_343 : memref<100096xf32, #tpu.memory_space<vmem_shared>>)
      %dma_wait3A_344 = arith.constant 0 : i32
      %dma_wait3A_345 = arith.constant 0 : i32
      %dma_wait3A_346 = arith.constant 1 : i32
      %dma_wait3A_347 = arith.constant 128 : i32
      %dma_wait3A_348 = arith.constant 0 : i32
      %dma_wait3A_349 = tpu.memref_slice %arg11[%dma_wait3A_344, %dma_wait3A_347, %dma_wait3A_348] : memref<2x2048x8xf32, #tpu.memory_space<vmem>> -> memref<1x128x8xf32, #tpu.memory_space<vmem>>
      %dma_wait3A_350 = tpu.memref_squeeze %dma_wait3A_349 : memref<1x128x8xf32, #tpu.memory_space<vmem>> -> memref<128x8xf32, #tpu.memory_space<vmem>>
      %dma_wait3A_351 = arith.constant 0 : i32
      %dma_wait3A_352 = tpu.memref_slice %arg10[%dma_wait3A_345, %dma_wait3A_346, %dma_wait3A_351] : memref<2x16x128xi32, #tpu.memory_space<vmem>> -> memref<1x1x128xi32, #tpu.memory_space<vmem>>
      %dma_wait3A_353 = tpu.memref_squeeze %dma_wait3A_352 : memref<1x1x128xi32, #tpu.memory_space<vmem>> -> memref<128xi32, #tpu.memory_space<vmem>>
      %dma_wait3A_354 = arith.constant 0 : i32
      %dma_wait3A_355 = arith.constant 0 : i32
      %dma_wait3A_356 = tpu.memref_slice %arg14[%dma_wait3A_354, %dma_wait3A_355] : memref<100096x8xf32, #tpu.memory_space<vmem_shared>> -> memref<100096x8xf32, #tpu.memory_space<vmem_shared>>
      tpu.wait_indirect_dma semaphore(%arg18 : memref<!tpu.dma_semaphore, #tpu.memory_space<semaphore_mem>>) src(%dma_wait3A_350 : memref<128x8xf32, #tpu.memory_space<vmem>>) dst(%dma_wait3A_356 : memref<100096x8xf32, #tpu.memory_space<vmem_shared>>)
      %dma_wait3A_357 = arith.constant 0 : i32
      %dma_wait3A_358 = arith.constant 0 : i32
      %dma_wait3A_359 = arith.constant 1 : i32
      %dma_wait3A_360 = arith.constant 128 : i32
      %dma_wait3A_361 = tpu.memref_slice %arg12[%dma_wait3A_357, %dma_wait3A_360] : memref<2x2048xf32, #tpu.memory_space<vmem>> -> memref<1x128xf32, #tpu.memory_space<vmem>>
      %dma_wait3A_362 = tpu.memref_squeeze %dma_wait3A_361 : memref<1x128xf32, #tpu.memory_space<vmem>> -> memref<128xf32, #tpu.memory_space<vmem>>
      %dma_wait3A_363 = arith.constant 0 : i32
      %dma_wait3A_364 = tpu.memref_slice %arg10[%dma_wait3A_358, %dma_wait3A_359, %dma_wait3A_363] : memref<2x16x128xi32, #tpu.memory_space<vmem>> -> memref<1x1x128xi32, #tpu.memory_space<vmem>>
      %dma_wait3A_365 = tpu.memref_squeeze %dma_wait3A_364 : memref<1x1x128xi32, #tpu.memory_space<vmem>> -> memref<128xi32, #tpu.memory_space<vmem>>
      %dma_wait3A_366 = arith.constant 0 : i32
      %dma_wait3A_367 = tpu.memref_slice %arg15[%dma_wait3A_366] : memref<100096xf32, #tpu.memory_space<vmem_shared>> -> memref<100096xf32, #tpu.memory_space<vmem_shared>>
      tpu.wait_indirect_dma semaphore(%arg18 : memref<!tpu.dma_semaphore, #tpu.memory_space<semaphore_mem>>) src(%dma_wait3A_362 : memref<128xf32, #tpu.memory_space<vmem>>) dst(%dma_wait3A_367 : memref<100096xf32, #tpu.memory_space<vmem_shared>>)
      %dma_wait3A_368 = arith.constant 0 : i32
      %dma_wait3A_369 = arith.constant 1 : i32
      %dma_wait3A_370 = arith.constant 0 : i32
      %dma_wait3A_371 = tpu.memref_slice %arg10[%dma_wait3A_368, %dma_wait3A_369, %dma_wait3A_370] : memref<2x16x128xi32, #tpu.memory_space<vmem>> -> memref<1x1x128xi32, #tpu.memory_space<vmem>>
      %dma_wait3A_372 = tpu.memref_squeeze %dma_wait3A_371 : memref<1x1x128xi32, #tpu.memory_space<vmem>> -> memref<128xi32, #tpu.memory_space<vmem>>
      %dma_wait3A_373 = arith.constant 0 : i32
      %dma_wait3A_374 = tpu.memref_slice %arg16[%dma_wait3A_373] : memref<100096xf32, #tpu.memory_space<vmem_shared>> -> memref<100096xf32, #tpu.memory_space<vmem_shared>>
      tpu.wait_indirect_dma semaphore(%arg18 : memref<!tpu.dma_semaphore, #tpu.memory_space<semaphore_mem>>) src(%arg13 : memref<128xf32, #tpu.memory_space<vmem>>) dst(%dma_wait3A_374 : memref<100096xf32, #tpu.memory_space<vmem_shared>>)
      %dma_wait3A_375 = arith.constant 0 : i32
      %dma_wait3A_376 = arith.constant 0 : i32
      %dma_wait3A_377 = arith.constant 2 : i32
      %dma_wait3A_378 = arith.constant 256 : i32
      %dma_wait3A_379 = arith.constant 0 : i32
      %dma_wait3A_380 = tpu.memref_slice %arg11[%dma_wait3A_375, %dma_wait3A_378, %dma_wait3A_379] : memref<2x2048x8xf32, #tpu.memory_space<vmem>> -> memref<1x128x8xf32, #tpu.memory_space<vmem>>
      %dma_wait3A_381 = tpu.memref_squeeze %dma_wait3A_380 : memref<1x128x8xf32, #tpu.memory_space<vmem>> -> memref<128x8xf32, #tpu.memory_space<vmem>>
      %dma_wait3A_382 = arith.constant 0 : i32
      %dma_wait3A_383 = tpu.memref_slice %arg10[%dma_wait3A_376, %dma_wait3A_377, %dma_wait3A_382] : memref<2x16x128xi32, #tpu.memory_space<vmem>> -> memref<1x1x128xi32, #tpu.memory_space<vmem>>
      %dma_wait3A_384 = tpu.memref_squeeze %dma_wait3A_383 : memref<1x1x128xi32, #tpu.memory_space<vmem>> -> memref<128xi32, #tpu.memory_space<vmem>>
      %dma_wait3A_385 = arith.constant 0 : i32
      %dma_wait3A_386 = arith.constant 0 : i32
      %dma_wait3A_387 = tpu.memref_slice %arg14[%dma_wait3A_385, %dma_wait3A_386] : memref<100096x8xf32, #tpu.memory_space<vmem_shared>> -> memref<100096x8xf32, #tpu.memory_space<vmem_shared>>
      tpu.wait_indirect_dma semaphore(%arg18 : memref<!tpu.dma_semaphore, #tpu.memory_space<semaphore_mem>>) src(%dma_wait3A_381 : memref<128x8xf32, #tpu.memory_space<vmem>>) dst(%dma_wait3A_387 : memref<100096x8xf32, #tpu.memory_space<vmem_shared>>)
      %dma_wait3A_388 = arith.constant 0 : i32
      %dma_wait3A_389 = arith.constant 0 : i32
      %dma_wait3A_390 = arith.constant 2 : i32
      %dma_wait3A_391 = arith.constant 256 : i32
      %dma_wait3A_392 = tpu.memref_slice %arg12[%dma_wait3A_388, %dma_wait3A_391] : memref<2x2048xf32, #tpu.memory_space<vmem>> -> memref<1x128xf32, #tpu.memory_space<vmem>>
      %dma_wait3A_393 = tpu.memref_squeeze %dma_wait3A_392 : memref<1x128xf32, #tpu.memory_space<vmem>> -> memref<128xf32, #tpu.memory_space<vmem>>
      %dma_wait3A_394 = arith.constant 0 : i32
      %dma_wait3A_395 = tpu.memref_slice %arg10[%dma_wait3A_389, %dma_wait3A_390, %dma_wait3A_394] : memref<2x16x128xi32, #tpu.memory_space<vmem>> -> memref<1x1x128xi32, #tpu.memory_space<vmem>>
      %dma_wait3A_396 = tpu.memref_squeeze %dma_wait3A_395 : memref<1x1x128xi32, #tpu.memory_space<vmem>> -> memref<128xi32, #tpu.memory_space<vmem>>
      %dma_wait3A_397 = arith.constant 0 : i32
      %dma_wait3A_398 = tpu.memref_slice %arg15[%dma_wait3A_397] : memref<100096xf32, #tpu.memory_space<vmem_shared>> -> memref<100096xf32, #tpu.memory_space<vmem_shared>>
      tpu.wait_indirect_dma semaphore(%arg18 : memref<!tpu.dma_semaphore, #tpu.memory_space<semaphore_mem>>) src(%dma_wait3A_393 : memref<128xf32, #tpu.memory_space<vmem>>) dst(%dma_wait3A_398 : memref<100096xf32, #tpu.memory_space<vmem_shared>>)
      %dma_wait3A_399 = arith.constant 0 : i32
      %dma_wait3A_400 = arith.constant 2 : i32
      %dma_wait3A_401 = arith.constant 0 : i32
      %dma_wait3A_402 = tpu.memref_slice %arg10[%dma_wait3A_399, %dma_wait3A_400, %dma_wait3A_401] : memref<2x16x128xi32, #tpu.memory_space<vmem>> -> memref<1x1x128xi32, #tpu.memory_space<vmem>>
      %dma_wait3A_403 = tpu.memref_squeeze %dma_wait3A_402 : memref<1x1x128xi32, #tpu.memory_space<vmem>> -> memref<128xi32, #tpu.memory_space<vmem>>
      %dma_wait3A_404 = arith.constant 0 : i32
      %dma_wait3A_405 = tpu.memref_slice %arg16[%dma_wait3A_404] : memref<100096xf32, #tpu.memory_space<vmem_shared>> -> memref<100096xf32, #tpu.memory_space<vmem_shared>>
      tpu.wait_indirect_dma semaphore(%arg18 : memref<!tpu.dma_semaphore, #tpu.memory_space<semaphore_mem>>) src(%arg13 : memref<128xf32, #tpu.memory_space<vmem>>) dst(%dma_wait3A_405 : memref<100096xf32, #tpu.memory_space<vmem_shared>>)
      %dma_wait3A_406 = arith.constant 0 : i32
      %dma_wait3A_407 = arith.constant 0 : i32
      %dma_wait3A_408 = arith.constant 3 : i32
      %dma_wait3A_409 = arith.constant 384 : i32
      %dma_wait3A_410 = arith.constant 0 : i32
      %dma_wait3A_411 = tpu.memref_slice %arg11[%dma_wait3A_406, %dma_wait3A_409, %dma_wait3A_410] : memref<2x2048x8xf32, #tpu.memory_space<vmem>> -> memref<1x128x8xf32, #tpu.memory_space<vmem>>
      %dma_wait3A_412 = tpu.memref_squeeze %dma_wait3A_411 : memref<1x128x8xf32, #tpu.memory_space<vmem>> -> memref<128x8xf32, #tpu.memory_space<vmem>>
      %dma_wait3A_413 = arith.constant 0 : i32
      %dma_wait3A_414 = tpu.memref_slice %arg10[%dma_wait3A_407, %dma_wait3A_408, %dma_wait3A_413] : memref<2x16x128xi32, #tpu.memory_space<vmem>> -> memref<1x1x128xi32, #tpu.memory_space<vmem>>
      %dma_wait3A_415 = tpu.memref_squeeze %dma_wait3A_414 : memref<1x1x128xi32, #tpu.memory_space<vmem>> -> memref<128xi32, #tpu.memory_space<vmem>>
      %dma_wait3A_416 = arith.constant 0 : i32
      %dma_wait3A_417 = arith.constant 0 : i32
      %dma_wait3A_418 = tpu.memref_slice %arg14[%dma_wait3A_416, %dma_wait3A_417] : memref<100096x8xf32, #tpu.memory_space<vmem_shared>> -> memref<100096x8xf32, #tpu.memory_space<vmem_shared>>
      tpu.wait_indirect_dma semaphore(%arg18 : memref<!tpu.dma_semaphore, #tpu.memory_space<semaphore_mem>>) src(%dma_wait3A_412 : memref<128x8xf32, #tpu.memory_space<vmem>>) dst(%dma_wait3A_418 : memref<100096x8xf32, #tpu.memory_space<vmem_shared>>)
      %dma_wait3A_419 = arith.constant 0 : i32
      %dma_wait3A_420 = arith.constant 0 : i32
      %dma_wait3A_421 = arith.constant 3 : i32
      %dma_wait3A_422 = arith.constant 384 : i32
      %dma_wait3A_423 = tpu.memref_slice %arg12[%dma_wait3A_419, %dma_wait3A_422] : memref<2x2048xf32, #tpu.memory_space<vmem>> -> memref<1x128xf32, #tpu.memory_space<vmem>>
      %dma_wait3A_424 = tpu.memref_squeeze %dma_wait3A_423 : memref<1x128xf32, #tpu.memory_space<vmem>> -> memref<128xf32, #tpu.memory_space<vmem>>
      %dma_wait3A_425 = arith.constant 0 : i32
      %dma_wait3A_426 = tpu.memref_slice %arg10[%dma_wait3A_420, %dma_wait3A_421, %dma_wait3A_425] : memref<2x16x128xi32, #tpu.memory_space<vmem>> -> memref<1x1x128xi32, #tpu.memory_space<vmem>>
      %dma_wait3A_427 = tpu.memref_squeeze %dma_wait3A_426 : memref<1x1x128xi32, #tpu.memory_space<vmem>> -> memref<128xi32, #tpu.memory_space<vmem>>
      %dma_wait3A_428 = arith.constant 0 : i32
      %dma_wait3A_429 = tpu.memref_slice %arg15[%dma_wait3A_428] : memref<100096xf32, #tpu.memory_space<vmem_shared>> -> memref<100096xf32, #tpu.memory_space<vmem_shared>>
      tpu.wait_indirect_dma semaphore(%arg18 : memref<!tpu.dma_semaphore, #tpu.memory_space<semaphore_mem>>) src(%dma_wait3A_424 : memref<128xf32, #tpu.memory_space<vmem>>) dst(%dma_wait3A_429 : memref<100096xf32, #tpu.memory_space<vmem_shared>>)
      %dma_wait3A_430 = arith.constant 0 : i32
      %dma_wait3A_431 = arith.constant 3 : i32
      %dma_wait3A_432 = arith.constant 0 : i32
      %dma_wait3A_433 = tpu.memref_slice %arg10[%dma_wait3A_430, %dma_wait3A_431, %dma_wait3A_432] : memref<2x16x128xi32, #tpu.memory_space<vmem>> -> memref<1x1x128xi32, #tpu.memory_space<vmem>>
      %dma_wait3A_434 = tpu.memref_squeeze %dma_wait3A_433 : memref<1x1x128xi32, #tpu.memory_space<vmem>> -> memref<128xi32, #tpu.memory_space<vmem>>
      %dma_wait3A_435 = arith.constant 0 : i32
      %dma_wait3A_436 = tpu.memref_slice %arg16[%dma_wait3A_435] : memref<100096xf32, #tpu.memory_space<vmem_shared>> -> memref<100096xf32, #tpu.memory_space<vmem_shared>>
      tpu.wait_indirect_dma semaphore(%arg18 : memref<!tpu.dma_semaphore, #tpu.memory_space<semaphore_mem>>) src(%arg13 : memref<128xf32, #tpu.memory_space<vmem>>) dst(%dma_wait3A_436 : memref<100096xf32, #tpu.memory_space<vmem_shared>>)
      %dma_wait3A_437 = arith.constant 0 : i32
      %dma_wait3A_438 = arith.constant 0 : i32
      %dma_wait3A_439 = arith.constant 4 : i32
      %dma_wait3A_440 = arith.constant 512 : i32
      %dma_wait3A_441 = arith.constant 0 : i32
      %dma_wait3A_442 = tpu.memref_slice %arg11[%dma_wait3A_437, %dma_wait3A_440, %dma_wait3A_441] : memref<2x2048x8xf32, #tpu.memory_space<vmem>> -> memref<1x128x8xf32, #tpu.memory_space<vmem>>
      %dma_wait3A_443 = tpu.memref_squeeze %dma_wait3A_442 : memref<1x128x8xf32, #tpu.memory_space<vmem>> -> memref<128x8xf32, #tpu.memory_space<vmem>>
      %dma_wait3A_444 = arith.constant 0 : i32
      %dma_wait3A_445 = tpu.memref_slice %arg10[%dma_wait3A_438, %dma_wait3A_439, %dma_wait3A_444] : memref<2x16x128xi32, #tpu.memory_space<vmem>> -> memref<1x1x128xi32, #tpu.memory_space<vmem>>
      %dma_wait3A_446 = tpu.memref_squeeze %dma_wait3A_445 : memref<1x1x128xi32, #tpu.memory_space<vmem>> -> memref<128xi32, #tpu.memory_space<vmem>>
      %dma_wait3A_447 = arith.constant 0 : i32
      %dma_wait3A_448 = arith.constant 0 : i32
      %dma_wait3A_449 = tpu.memref_slice %arg14[%dma_wait3A_447, %dma_wait3A_448] : memref<100096x8xf32, #tpu.memory_space<vmem_shared>> -> memref<100096x8xf32, #tpu.memory_space<vmem_shared>>
      tpu.wait_indirect_dma semaphore(%arg18 : memref<!tpu.dma_semaphore, #tpu.memory_space<semaphore_mem>>) src(%dma_wait3A_443 : memref<128x8xf32, #tpu.memory_space<vmem>>) dst(%dma_wait3A_449 : memref<100096x8xf32, #tpu.memory_space<vmem_shared>>)
      %dma_wait3A_450 = arith.constant 0 : i32
      %dma_wait3A_451 = arith.constant 0 : i32
      %dma_wait3A_452 = arith.constant 4 : i32
      %dma_wait3A_453 = arith.constant 512 : i32
      %dma_wait3A_454 = tpu.memref_slice %arg12[%dma_wait3A_450, %dma_wait3A_453] : memref<2x2048xf32, #tpu.memory_space<vmem>> -> memref<1x128xf32, #tpu.memory_space<vmem>>
      %dma_wait3A_455 = tpu.memref_squeeze %dma_wait3A_454 : memref<1x128xf32, #tpu.memory_space<vmem>> -> memref<128xf32, #tpu.memory_space<vmem>>
      %dma_wait3A_456 = arith.constant 0 : i32
      %dma_wait3A_457 = tpu.memref_slice %arg10[%dma_wait3A_451, %dma_wait3A_452, %dma_wait3A_456] : memref<2x16x128xi32, #tpu.memory_space<vmem>> -> memref<1x1x128xi32, #tpu.memory_space<vmem>>
      %dma_wait3A_458 = tpu.memref_squeeze %dma_wait3A_457 : memref<1x1x128xi32, #tpu.memory_space<vmem>> -> memref<128xi32, #tpu.memory_space<vmem>>
      %dma_wait3A_459 = arith.constant 0 : i32
      %dma_wait3A_460 = tpu.memref_slice %arg15[%dma_wait3A_459] : memref<100096xf32, #tpu.memory_space<vmem_shared>> -> memref<100096xf32, #tpu.memory_space<vmem_shared>>
      tpu.wait_indirect_dma semaphore(%arg18 : memref<!tpu.dma_semaphore, #tpu.memory_space<semaphore_mem>>) src(%dma_wait3A_455 : memref<128xf32, #tpu.memory_space<vmem>>) dst(%dma_wait3A_460 : memref<100096xf32, #tpu.memory_space<vmem_shared>>)
      %dma_wait3A_461 = arith.constant 0 : i32
      %dma_wait3A_462 = arith.constant 4 : i32
      %dma_wait3A_463 = arith.constant 0 : i32
      %dma_wait3A_464 = tpu.memref_slice %arg10[%dma_wait3A_461, %dma_wait3A_462, %dma_wait3A_463] : memref<2x16x128xi32, #tpu.memory_space<vmem>> -> memref<1x1x128xi32, #tpu.memory_space<vmem>>
      %dma_wait3A_465 = tpu.memref_squeeze %dma_wait3A_464 : memref<1x1x128xi32, #tpu.memory_space<vmem>> -> memref<128xi32, #tpu.memory_space<vmem>>
      %dma_wait3A_466 = arith.constant 0 : i32
      %dma_wait3A_467 = tpu.memref_slice %arg16[%dma_wait3A_466] : memref<100096xf32, #tpu.memory_space<vmem_shared>> -> memref<100096xf32, #tpu.memory_space<vmem_shared>>
      tpu.wait_indirect_dma semaphore(%arg18 : memref<!tpu.dma_semaphore, #tpu.memory_space<semaphore_mem>>) src(%arg13 : memref<128xf32, #tpu.memory_space<vmem>>) dst(%dma_wait3A_467 : memref<100096xf32, #tpu.memory_space<vmem_shared>>)
      %dma_wait3A_468 = arith.constant 0 : i32
      %dma_wait3A_469 = arith.constant 0 : i32
      %dma_wait3A_470 = arith.constant 5 : i32
      %dma_wait3A_471 = arith.constant 640 : i32
      %dma_wait3A_472 = arith.constant 0 : i32
      %dma_wait3A_473 = tpu.memref_slice %arg11[%dma_wait3A_468, %dma_wait3A_471, %dma_wait3A_472] : memref<2x2048x8xf32, #tpu.memory_space<vmem>> -> memref<1x128x8xf32, #tpu.memory_space<vmem>>
      %dma_wait3A_474 = tpu.memref_squeeze %dma_wait3A_473 : memref<1x128x8xf32, #tpu.memory_space<vmem>> -> memref<128x8xf32, #tpu.memory_space<vmem>>
      %dma_wait3A_475 = arith.constant 0 : i32
      %dma_wait3A_476 = tpu.memref_slice %arg10[%dma_wait3A_469, %dma_wait3A_470, %dma_wait3A_475] : memref<2x16x128xi32, #tpu.memory_space<vmem>> -> memref<1x1x128xi32, #tpu.memory_space<vmem>>
      %dma_wait3A_477 = tpu.memref_squeeze %dma_wait3A_476 : memref<1x1x128xi32, #tpu.memory_space<vmem>> -> memref<128xi32, #tpu.memory_space<vmem>>
      %dma_wait3A_478 = arith.constant 0 : i32
      %dma_wait3A_479 = arith.constant 0 : i32
      %dma_wait3A_480 = tpu.memref_slice %arg14[%dma_wait3A_478, %dma_wait3A_479] : memref<100096x8xf32, #tpu.memory_space<vmem_shared>> -> memref<100096x8xf32, #tpu.memory_space<vmem_shared>>
      tpu.wait_indirect_dma semaphore(%arg18 : memref<!tpu.dma_semaphore, #tpu.memory_space<semaphore_mem>>) src(%dma_wait3A_474 : memref<128x8xf32, #tpu.memory_space<vmem>>) dst(%dma_wait3A_480 : memref<100096x8xf32, #tpu.memory_space<vmem_shared>>)
      %dma_wait3A_481 = arith.constant 0 : i32
      %dma_wait3A_482 = arith.constant 0 : i32
      %dma_wait3A_483 = arith.constant 5 : i32
      %dma_wait3A_484 = arith.constant 640 : i32
      %dma_wait3A_485 = tpu.memref_slice %arg12[%dma_wait3A_481, %dma_wait3A_484] : memref<2x2048xf32, #tpu.memory_space<vmem>> -> memref<1x128xf32, #tpu.memory_space<vmem>>
      %dma_wait3A_486 = tpu.memref_squeeze %dma_wait3A_485 : memref<1x128xf32, #tpu.memory_space<vmem>> -> memref<128xf32, #tpu.memory_space<vmem>>
      %dma_wait3A_487 = arith.constant 0 : i32
      %dma_wait3A_488 = tpu.memref_slice %arg10[%dma_wait3A_482, %dma_wait3A_483, %dma_wait3A_487] : memref<2x16x128xi32, #tpu.memory_space<vmem>> -> memref<1x1x128xi32, #tpu.memory_space<vmem>>
      %dma_wait3A_489 = tpu.memref_squeeze %dma_wait3A_488 : memref<1x1x128xi32, #tpu.memory_space<vmem>> -> memref<128xi32, #tpu.memory_space<vmem>>
      %dma_wait3A_490 = arith.constant 0 : i32
      %dma_wait3A_491 = tpu.memref_slice %arg15[%dma_wait3A_490] : memref<100096xf32, #tpu.memory_space<vmem_shared>> -> memref<100096xf32, #tpu.memory_space<vmem_shared>>
      tpu.wait_indirect_dma semaphore(%arg18 : memref<!tpu.dma_semaphore, #tpu.memory_space<semaphore_mem>>) src(%dma_wait3A_486 : memref<128xf32, #tpu.memory_space<vmem>>) dst(%dma_wait3A_491 : memref<100096xf32, #tpu.memory_space<vmem_shared>>)
      %dma_wait3A_492 = arith.constant 0 : i32
      %dma_wait3A_493 = arith.constant 5 : i32
      %dma_wait3A_494 = arith.constant 0 : i32
      %dma_wait3A_495 = tpu.memref_slice %arg10[%dma_wait3A_492, %dma_wait3A_493, %dma_wait3A_494] : memref<2x16x128xi32, #tpu.memory_space<vmem>> -> memref<1x1x128xi32, #tpu.memory_space<vmem>>
      %dma_wait3A_496 = tpu.memref_squeeze %dma_wait3A_495 : memref<1x1x128xi32, #tpu.memory_space<vmem>> -> memref<128xi32, #tpu.memory_space<vmem>>
      %dma_wait3A_497 = arith.constant 0 : i32
      %dma_wait3A_498 = tpu.memref_slice %arg16[%dma_wait3A_497] : memref<100096xf32, #tpu.memory_space<vmem_shared>> -> memref<100096xf32, #tpu.memory_space<vmem_shared>>
      tpu.wait_indirect_dma semaphore(%arg18 : memref<!tpu.dma_semaphore, #tpu.memory_space<semaphore_mem>>) src(%arg13 : memref<128xf32, #tpu.memory_space<vmem>>) dst(%dma_wait3A_498 : memref<100096xf32, #tpu.memory_space<vmem_shared>>)
      %dma_wait3A_499 = arith.constant 0 : i32
      %dma_wait3A_500 = arith.constant 0 : i32
      %dma_wait3A_501 = arith.constant 6 : i32
      %dma_wait3A_502 = arith.constant 768 : i32
      %dma_wait3A_503 = arith.constant 0 : i32
      %dma_wait3A_504 = tpu.memref_slice %arg11[%dma_wait3A_499, %dma_wait3A_502, %dma_wait3A_503] : memref<2x2048x8xf32, #tpu.memory_space<vmem>> -> memref<1x128x8xf32, #tpu.memory_space<vmem>>
      %dma_wait3A_505 = tpu.memref_squeeze %dma_wait3A_504 : memref<1x128x8xf32, #tpu.memory_space<vmem>> -> memref<128x8xf32, #tpu.memory_space<vmem>>
      %dma_wait3A_506 = arith.constant 0 : i32
      %dma_wait3A_507 = tpu.memref_slice %arg10[%dma_wait3A_500, %dma_wait3A_501, %dma_wait3A_506] : memref<2x16x128xi32, #tpu.memory_space<vmem>> -> memref<1x1x128xi32, #tpu.memory_space<vmem>>
      %dma_wait3A_508 = tpu.memref_squeeze %dma_wait3A_507 : memref<1x1x128xi32, #tpu.memory_space<vmem>> -> memref<128xi32, #tpu.memory_space<vmem>>
      %dma_wait3A_509 = arith.constant 0 : i32
      %dma_wait3A_510 = arith.constant 0 : i32
      %dma_wait3A_511 = tpu.memref_slice %arg14[%dma_wait3A_509, %dma_wait3A_510] : memref<100096x8xf32, #tpu.memory_space<vmem_shared>> -> memref<100096x8xf32, #tpu.memory_space<vmem_shared>>
      tpu.wait_indirect_dma semaphore(%arg18 : memref<!tpu.dma_semaphore, #tpu.memory_space<semaphore_mem>>) src(%dma_wait3A_505 : memref<128x8xf32, #tpu.memory_space<vmem>>) dst(%dma_wait3A_511 : memref<100096x8xf32, #tpu.memory_space<vmem_shared>>)
      %dma_wait3A_512 = arith.constant 0 : i32
      %dma_wait3A_513 = arith.constant 0 : i32
      %dma_wait3A_514 = arith.constant 6 : i32
      %dma_wait3A_515 = arith.constant 768 : i32
      %dma_wait3A_516 = tpu.memref_slice %arg12[%dma_wait3A_512, %dma_wait3A_515] : memref<2x2048xf32, #tpu.memory_space<vmem>> -> memref<1x128xf32, #tpu.memory_space<vmem>>
      %dma_wait3A_517 = tpu.memref_squeeze %dma_wait3A_516 : memref<1x128xf32, #tpu.memory_space<vmem>> -> memref<128xf32, #tpu.memory_space<vmem>>
      %dma_wait3A_518 = arith.constant 0 : i32
      %dma_wait3A_519 = tpu.memref_slice %arg10[%dma_wait3A_513, %dma_wait3A_514, %dma_wait3A_518] : memref<2x16x128xi32, #tpu.memory_space<vmem>> -> memref<1x1x128xi32, #tpu.memory_space<vmem>>
      %dma_wait3A_520 = tpu.memref_squeeze %dma_wait3A_519 : memref<1x1x128xi32, #tpu.memory_space<vmem>> -> memref<128xi32, #tpu.memory_space<vmem>>
      %dma_wait3A_521 = arith.constant 0 : i32
      %dma_wait3A_522 = tpu.memref_slice %arg15[%dma_wait3A_521] : memref<100096xf32, #tpu.memory_space<vmem_shared>> -> memref<100096xf32, #tpu.memory_space<vmem_shared>>
      tpu.wait_indirect_dma semaphore(%arg18 : memref<!tpu.dma_semaphore, #tpu.memory_space<semaphore_mem>>) src(%dma_wait3A_517 : memref<128xf32, #tpu.memory_space<vmem>>) dst(%dma_wait3A_522 : memref<100096xf32, #tpu.memory_space<vmem_shared>>)
      %dma_wait3A_523 = arith.constant 0 : i32
      %dma_wait3A_524 = arith.constant 6 : i32
      %dma_wait3A_525 = arith.constant 0 : i32
      %dma_wait3A_526 = tpu.memref_slice %arg10[%dma_wait3A_523, %dma_wait3A_524, %dma_wait3A_525] : memref<2x16x128xi32, #tpu.memory_space<vmem>> -> memref<1x1x128xi32, #tpu.memory_space<vmem>>
      %dma_wait3A_527 = tpu.memref_squeeze %dma_wait3A_526 : memref<1x1x128xi32, #tpu.memory_space<vmem>> -> memref<128xi32, #tpu.memory_space<vmem>>
      %dma_wait3A_528 = arith.constant 0 : i32
      %dma_wait3A_529 = tpu.memref_slice %arg16[%dma_wait3A_528] : memref<100096xf32, #tpu.memory_space<vmem_shared>> -> memref<100096xf32, #tpu.memory_space<vmem_shared>>
      tpu.wait_indirect_dma semaphore(%arg18 : memref<!tpu.dma_semaphore, #tpu.memory_space<semaphore_mem>>) src(%arg13 : memref<128xf32, #tpu.memory_space<vmem>>) dst(%dma_wait3A_529 : memref<100096xf32, #tpu.memory_space<vmem_shared>>)
      %dma_wait3A_530 = arith.constant 0 : i32
      %dma_wait3A_531 = arith.constant 0 : i32
      %dma_wait3A_532 = arith.constant 7 : i32
      %dma_wait3A_533 = arith.constant 896 : i32
      %dma_wait3A_534 = arith.constant 0 : i32
      %dma_wait3A_535 = tpu.memref_slice %arg11[%dma_wait3A_530, %dma_wait3A_533, %dma_wait3A_534] : memref<2x2048x8xf32, #tpu.memory_space<vmem>> -> memref<1x128x8xf32, #tpu.memory_space<vmem>>
      %dma_wait3A_536 = tpu.memref_squeeze %dma_wait3A_535 : memref<1x128x8xf32, #tpu.memory_space<vmem>> -> memref<128x8xf32, #tpu.memory_space<vmem>>
      %dma_wait3A_537 = arith.constant 0 : i32
      %dma_wait3A_538 = tpu.memref_slice %arg10[%dma_wait3A_531, %dma_wait3A_532, %dma_wait3A_537] : memref<2x16x128xi32, #tpu.memory_space<vmem>> -> memref<1x1x128xi32, #tpu.memory_space<vmem>>
      %dma_wait3A_539 = tpu.memref_squeeze %dma_wait3A_538 : memref<1x1x128xi32, #tpu.memory_space<vmem>> -> memref<128xi32, #tpu.memory_space<vmem>>
      %dma_wait3A_540 = arith.constant 0 : i32
      %dma_wait3A_541 = arith.constant 0 : i32
      %dma_wait3A_542 = tpu.memref_slice %arg14[%dma_wait3A_540, %dma_wait3A_541] : memref<100096x8xf32, #tpu.memory_space<vmem_shared>> -> memref<100096x8xf32, #tpu.memory_space<vmem_shared>>
      tpu.wait_indirect_dma semaphore(%arg18 : memref<!tpu.dma_semaphore, #tpu.memory_space<semaphore_mem>>) src(%dma_wait3A_536 : memref<128x8xf32, #tpu.memory_space<vmem>>) dst(%dma_wait3A_542 : memref<100096x8xf32, #tpu.memory_space<vmem_shared>>)
      %dma_wait3A_543 = arith.constant 0 : i32
      %dma_wait3A_544 = arith.constant 0 : i32
      %dma_wait3A_545 = arith.constant 7 : i32
      %dma_wait3A_546 = arith.constant 896 : i32
      %dma_wait3A_547 = tpu.memref_slice %arg12[%dma_wait3A_543, %dma_wait3A_546] : memref<2x2048xf32, #tpu.memory_space<vmem>> -> memref<1x128xf32, #tpu.memory_space<vmem>>
      %dma_wait3A_548 = tpu.memref_squeeze %dma_wait3A_547 : memref<1x128xf32, #tpu.memory_space<vmem>> -> memref<128xf32, #tpu.memory_space<vmem>>
      %dma_wait3A_549 = arith.constant 0 : i32
      %dma_wait3A_550 = tpu.memref_slice %arg10[%dma_wait3A_544, %dma_wait3A_545, %dma_wait3A_549] : memref<2x16x128xi32, #tpu.memory_space<vmem>> -> memref<1x1x128xi32, #tpu.memory_space<vmem>>
      %dma_wait3A_551 = tpu.memref_squeeze %dma_wait3A_550 : memref<1x1x128xi32, #tpu.memory_space<vmem>> -> memref<128xi32, #tpu.memory_space<vmem>>
      %dma_wait3A_552 = arith.constant 0 : i32
      %dma_wait3A_553 = tpu.memref_slice %arg15[%dma_wait3A_552] : memref<100096xf32, #tpu.memory_space<vmem_shared>> -> memref<100096xf32, #tpu.memory_space<vmem_shared>>
      tpu.wait_indirect_dma semaphore(%arg18 : memref<!tpu.dma_semaphore, #tpu.memory_space<semaphore_mem>>) src(%dma_wait3A_548 : memref<128xf32, #tpu.memory_space<vmem>>) dst(%dma_wait3A_553 : memref<100096xf32, #tpu.memory_space<vmem_shared>>)
      %dma_wait3A_554 = arith.constant 0 : i32
      %dma_wait3A_555 = arith.constant 7 : i32
      %dma_wait3A_556 = arith.constant 0 : i32
      %dma_wait3A_557 = tpu.memref_slice %arg10[%dma_wait3A_554, %dma_wait3A_555, %dma_wait3A_556] : memref<2x16x128xi32, #tpu.memory_space<vmem>> -> memref<1x1x128xi32, #tpu.memory_space<vmem>>
      %dma_wait3A_558 = tpu.memref_squeeze %dma_wait3A_557 : memref<1x1x128xi32, #tpu.memory_space<vmem>> -> memref<128xi32, #tpu.memory_space<vmem>>
      %dma_wait3A_559 = arith.constant 0 : i32
      %dma_wait3A_560 = tpu.memref_slice %arg16[%dma_wait3A_559] : memref<100096xf32, #tpu.memory_space<vmem_shared>> -> memref<100096xf32, #tpu.memory_space<vmem_shared>>
      tpu.wait_indirect_dma semaphore(%arg18 : memref<!tpu.dma_semaphore, #tpu.memory_space<semaphore_mem>>) src(%arg13 : memref<128xf32, #tpu.memory_space<vmem>>) dst(%dma_wait3A_560 : memref<100096xf32, #tpu.memory_space<vmem_shared>>)
    } else {
    }
    %barrier3A_63 = arith.constant 0 : index
    tpu.barrier barrier_id(%barrier3A_63)
    "tpu.region"() ({
      %run_scoped3A = tpu.sem_alloc : memref<!tpu.dma_semaphore, #tpu.memory_space<semaphore_mem>>
      %dma_start3A_64 = arith.constant 0 : i32
      %dma_start3A_65 = tpu.memref_slice %arg7[%arg0, %mul3A_2, %dma_start3A_64] : memref<2x100096x8xf32, #tpu.memory_space<hbm>> -> memref<1x6256x8xf32, #tpu.memory_space<hbm>>
      %dma_start3A_66 = tpu.memref_squeeze %dma_start3A_65 : memref<1x6256x8xf32, #tpu.memory_space<hbm>> -> memref<6256x8xf32, #tpu.memory_space<hbm>>
      %dma_start3A_67 = arith.constant 0 : i32
      %dma_start3A_68 = tpu.memref_slice %arg14[%mul3A_2, %dma_start3A_67] : memref<100096x8xf32, #tpu.memory_space<vmem_shared>> -> memref<6256x8xf32, #tpu.memory_space<vmem_shared>>
      tpu.enqueue_dma source(%dma_start3A_68 : memref<6256x8xf32, #tpu.memory_space<vmem_shared>>) target(%dma_start3A_66 : memref<6256x8xf32, #tpu.memory_space<hbm>>) target_semaphore(%run_scoped3A : memref<!tpu.dma_semaphore, #tpu.memory_space<semaphore_mem>>)
      %dma_wait3A = arith.constant 0 : i32
      %dma_wait3A_69 = tpu.memref_slice %arg7[%arg0, %mul3A_2, %dma_wait3A] : memref<2x100096x8xf32, #tpu.memory_space<hbm>> -> memref<1x6256x8xf32, #tpu.memory_space<hbm>>
      %dma_wait3A_70 = tpu.memref_squeeze %dma_wait3A_69 : memref<1x6256x8xf32, #tpu.memory_space<hbm>> -> memref<6256x8xf32, #tpu.memory_space<hbm>>
      %dma_wait3A_71 = arith.constant 0 : i32
      %dma_wait3A_72 = tpu.memref_slice %arg14[%mul3A_2, %dma_wait3A_71] : memref<100096x8xf32, #tpu.memory_space<vmem_shared>> -> memref<6256x8xf32, #tpu.memory_space<vmem_shared>>
      tpu.wait_dma2 semaphore(%run_scoped3A : memref<!tpu.dma_semaphore, #tpu.memory_space<semaphore_mem>>) src(%dma_wait3A_72 : memref<6256x8xf32, #tpu.memory_space<vmem_shared>>) dst(%dma_wait3A_70 : memref<6256x8xf32, #tpu.memory_space<hbm>>)
      tpu.yield
    }) : () -> ()
    "tpu.region"() ({
      %run_scoped3A = tpu.sem_alloc : memref<!tpu.dma_semaphore, #tpu.memory_space<semaphore_mem>>
      %dma_start3A_64 = tpu.memref_slice %arg8[%arg0, %mul3A_2] : memref<2x100096xf32, #tpu.memory_space<hbm>> -> memref<1x6256xf32, #tpu.memory_space<hbm>>
      %dma_start3A_65 = tpu.memref_squeeze %dma_start3A_64 : memref<1x6256xf32, #tpu.memory_space<hbm>> -> memref<6256xf32, #tpu.memory_space<hbm>>
      %dma_start3A_66 = tpu.memref_slice %arg15[%mul3A_2] : memref<100096xf32, #tpu.memory_space<vmem_shared>> -> memref<6256xf32, #tpu.memory_space<vmem_shared>>
      tpu.enqueue_dma source(%dma_start3A_66 : memref<6256xf32, #tpu.memory_space<vmem_shared>>) target(%dma_start3A_65 : memref<6256xf32, #tpu.memory_space<hbm>>) target_semaphore(%run_scoped3A : memref<!tpu.dma_semaphore, #tpu.memory_space<semaphore_mem>>)
      %dma_wait3A = tpu.memref_slice %arg8[%arg0, %mul3A_2] : memref<2x100096xf32, #tpu.memory_space<hbm>> -> memref<1x6256xf32, #tpu.memory_space<hbm>>
      %dma_wait3A_67 = tpu.memref_squeeze %dma_wait3A : memref<1x6256xf32, #tpu.memory_space<hbm>> -> memref<6256xf32, #tpu.memory_space<hbm>>
      %dma_wait3A_68 = tpu.memref_slice %arg15[%mul3A_2] : memref<100096xf32, #tpu.memory_space<vmem_shared>> -> memref<6256xf32, #tpu.memory_space<vmem_shared>>
      tpu.wait_dma2 semaphore(%run_scoped3A : memref<!tpu.dma_semaphore, #tpu.memory_space<semaphore_mem>>) src(%dma_wait3A_68 : memref<6256xf32, #tpu.memory_space<vmem_shared>>) dst(%dma_wait3A_67 : memref<6256xf32, #tpu.memory_space<hbm>>)
      tpu.yield
    }) : () -> ()
    "tpu.region"() ({
      %run_scoped3A = tpu.sem_alloc : memref<!tpu.dma_semaphore, #tpu.memory_space<semaphore_mem>>
      %dma_start3A_64 = tpu.memref_slice %arg9[%arg0, %mul3A_2] : memref<2x100096xf32, #tpu.memory_space<hbm>> -> memref<1x6256xf32, #tpu.memory_space<hbm>>
      %dma_start3A_65 = tpu.memref_squeeze %dma_start3A_64 : memref<1x6256xf32, #tpu.memory_space<hbm>> -> memref<6256xf32, #tpu.memory_space<hbm>>
      %dma_start3A_66 = tpu.memref_slice %arg16[%mul3A_2] : memref<100096xf32, #tpu.memory_space<vmem_shared>> -> memref<6256xf32, #tpu.memory_space<vmem_shared>>
      tpu.enqueue_dma source(%dma_start3A_66 : memref<6256xf32, #tpu.memory_space<vmem_shared>>) target(%dma_start3A_65 : memref<6256xf32, #tpu.memory_space<hbm>>) target_semaphore(%run_scoped3A : memref<!tpu.dma_semaphore, #tpu.memory_space<semaphore_mem>>)
      %dma_wait3A = tpu.memref_slice %arg9[%arg0, %mul3A_2] : memref<2x100096xf32, #tpu.memory_space<hbm>> -> memref<1x6256xf32, #tpu.memory_space<hbm>>
      %dma_wait3A_67 = tpu.memref_squeeze %dma_wait3A : memref<1x6256xf32, #tpu.memory_space<hbm>> -> memref<6256xf32, #tpu.memory_space<hbm>>
      %dma_wait3A_68 = tpu.memref_slice %arg16[%mul3A_2] : memref<100096xf32, #tpu.memory_space<vmem_shared>> -> memref<6256xf32, #tpu.memory_space<vmem_shared>>
      tpu.wait_dma2 semaphore(%run_scoped3A : memref<!tpu.dma_semaphore, #tpu.memory_space<semaphore_mem>>) src(%dma_wait3A_68 : memref<6256xf32, #tpu.memory_space<vmem_shared>>) dst(%dma_wait3A_67 : memref<6256xf32, #tpu.memory_space<hbm>>)
      tpu.yield
    }) : () -> ()
    return
  }
}

module attributes {stable_mosaic.version = 14 : i64} {
  func.func @_tc_repack_body(%arg0: i32, %arg1: memref<200x128xf32, #tpu.memory_space<vmem>>, %arg2: memref<200x128xf32, #tpu.memory_space<vmem>>, %arg3: memref<200x128xf32, #tpu.memory_space<vmem>>, %arg4: memref<200x128xf32, #tpu.memory_space<vmem>>, %arg5: memref<200x128xf32, #tpu.memory_space<vmem>>, %arg6: memref<200x128xf32, #tpu.memory_space<vmem>>, %arg7: memref<200x128xf32, #tpu.memory_space<vmem>>, %arg8: memref<200x128xf32, #tpu.memory_space<vmem>>, %arg9: memref<128x128xf32, #tpu.memory_space<vmem>>, %arg10: memref<1600x128xf32, #tpu.memory_space<vmem>>) attributes {dimension_semantics = [#tpu.dimension_semantics<arbitrary>], iteration_bounds = array<i64: 125>, scalar_prefetch = 0 : i64, scratch_operands = 0 : i64, tpu.core_type = #tpu.core_type<tc>, window_params = [{transform_indices = @transform_0, window_bounds = array<i64: 200, 128>}, {transform_indices = @transform_1, window_bounds = array<i64: 200, 128>}, {transform_indices = @transform_2, window_bounds = array<i64: 200, 128>}, {transform_indices = @transform_3, window_bounds = array<i64: 200, 128>}, {transform_indices = @transform_4, window_bounds = array<i64: 200, 128>}, {transform_indices = @transform_5, window_bounds = array<i64: 200, 128>}, {transform_indices = @transform_6, window_bounds = array<i64: 200, 128>}, {transform_indices = @transform_7, window_bounds = array<i64: 200, 128>}, {pipeline_mode = #tpu.pipeline_mode<synchronous>, transform_indices = @transform_8, window_bounds = array<i64: 128, 128>}, {transform_indices = @transform_9, window_bounds = array<i64: 1600, 128>}]} {
    %get3A = arith.constant 0 : index
    %get3A_0 = arith.constant 0 : index
    %get3A_1 = vector.load %arg9[%get3A, %get3A_0] : memref<128x128xf32, #tpu.memory_space<vmem>>, vector<128x128xf32>
    %get3A_2 = arith.constant 0 : index
    %get3A_3 = arith.constant 0 : index
    %get3A_4 = vector.load %arg1[%get3A_2, %get3A_3] : memref<200x128xf32, #tpu.memory_space<vmem>>, vector<200x16xf32>
    %get3A_5 = arith.constant 0 : index
    %get3A_6 = arith.constant 0 : index
    %get3A_7 = vector.load %arg2[%get3A_5, %get3A_6] : memref<200x128xf32, #tpu.memory_space<vmem>>, vector<200x16xf32>
    %get3A_8 = arith.constant 0 : index
    %get3A_9 = arith.constant 0 : index
    %get3A_10 = vector.load %arg3[%get3A_8, %get3A_9] : memref<200x128xf32, #tpu.memory_space<vmem>>, vector<200x16xf32>
    %get3A_11 = arith.constant 0 : index
    %get3A_12 = arith.constant 0 : index
    %get3A_13 = vector.load %arg4[%get3A_11, %get3A_12] : memref<200x128xf32, #tpu.memory_space<vmem>>, vector<200x16xf32>
    %get3A_14 = arith.constant 0 : index
    %get3A_15 = arith.constant 0 : index
    %get3A_16 = vector.load %arg5[%get3A_14, %get3A_15] : memref<200x128xf32, #tpu.memory_space<vmem>>, vector<200x16xf32>
    %get3A_17 = arith.constant 0 : index
    %get3A_18 = arith.constant 0 : index
    %get3A_19 = vector.load %arg6[%get3A_17, %get3A_18] : memref<200x128xf32, #tpu.memory_space<vmem>>, vector<200x16xf32>
    %get3A_20 = arith.constant 0 : index
    %get3A_21 = arith.constant 0 : index
    %get3A_22 = vector.load %arg7[%get3A_20, %get3A_21] : memref<200x128xf32, #tpu.memory_space<vmem>>, vector<200x16xf32>
    %get3A_23 = arith.constant 0 : index
    %get3A_24 = arith.constant 0 : index
    %get3A_25 = vector.load %arg8[%get3A_23, %get3A_24] : memref<200x128xf32, #tpu.memory_space<vmem>>, vector<200x16xf32>
    %concatenate3A = tpu.concatenate %get3A_4, %get3A_7, %get3A_10, %get3A_13, %get3A_16, %get3A_19, %get3A_22, %get3A_25 in 1 : vector<200x16xf32>, vector<200x16xf32>, vector<200x16xf32>, vector<200x16xf32>, vector<200x16xf32>, vector<200x16xf32>, vector<200x16xf32>, vector<200x16xf32> -> vector<200x128xf32>
    %dot_general3A = arith.constant dense<0.000000e+00> : vector<200x128xf32>
    %dot_general3A_26 = tpu.matmul %concatenate3A, %get3A_1, %dot_general3A {dimension_numbers = #tpu.dot_dimension_numbers<[1], [0], [0], [1], [0, 0, 1, 1], [], []>, transpose_lhs_hint = false} : vector<200x128xf32>, vector<128x128xf32>, vector<200x128xf32> -> vector<200x128xf32>
    %get3A_27 = arith.constant 0 : index
    %get3A_28 = arith.constant 16 : index
    %get3A_29 = vector.load %arg1[%get3A_27, %get3A_28] : memref<200x128xf32, #tpu.memory_space<vmem>>, vector<200x16xf32>
    %get3A_30 = arith.constant 0 : index
    %get3A_31 = arith.constant 16 : index
    %get3A_32 = vector.load %arg2[%get3A_30, %get3A_31] : memref<200x128xf32, #tpu.memory_space<vmem>>, vector<200x16xf32>
    %get3A_33 = arith.constant 0 : index
    %get3A_34 = arith.constant 16 : index
    %get3A_35 = vector.load %arg3[%get3A_33, %get3A_34] : memref<200x128xf32, #tpu.memory_space<vmem>>, vector<200x16xf32>
    %get3A_36 = arith.constant 0 : index
    %get3A_37 = arith.constant 16 : index
    %get3A_38 = vector.load %arg4[%get3A_36, %get3A_37] : memref<200x128xf32, #tpu.memory_space<vmem>>, vector<200x16xf32>
    %get3A_39 = arith.constant 0 : index
    %get3A_40 = arith.constant 16 : index
    %get3A_41 = vector.load %arg5[%get3A_39, %get3A_40] : memref<200x128xf32, #tpu.memory_space<vmem>>, vector<200x16xf32>
    %get3A_42 = arith.constant 0 : index
    %get3A_43 = arith.constant 16 : index
    %get3A_44 = vector.load %arg6[%get3A_42, %get3A_43] : memref<200x128xf32, #tpu.memory_space<vmem>>, vector<200x16xf32>
    %get3A_45 = arith.constant 0 : index
    %get3A_46 = arith.constant 16 : index
    %get3A_47 = vector.load %arg7[%get3A_45, %get3A_46] : memref<200x128xf32, #tpu.memory_space<vmem>>, vector<200x16xf32>
    %get3A_48 = arith.constant 0 : index
    %get3A_49 = arith.constant 16 : index
    %get3A_50 = vector.load %arg8[%get3A_48, %get3A_49] : memref<200x128xf32, #tpu.memory_space<vmem>>, vector<200x16xf32>
    %concatenate3A_51 = tpu.concatenate %get3A_29, %get3A_32, %get3A_35, %get3A_38, %get3A_41, %get3A_44, %get3A_47, %get3A_50 in 1 : vector<200x16xf32>, vector<200x16xf32>, vector<200x16xf32>, vector<200x16xf32>, vector<200x16xf32>, vector<200x16xf32>, vector<200x16xf32>, vector<200x16xf32> -> vector<200x128xf32>
    %dot_general3A_52 = arith.constant dense<0.000000e+00> : vector<200x128xf32>
    %dot_general3A_53 = tpu.matmul %concatenate3A_51, %get3A_1, %dot_general3A_52 {dimension_numbers = #tpu.dot_dimension_numbers<[1], [0], [0], [1], [0, 0, 1, 1], [], []>, transpose_lhs_hint = false} : vector<200x128xf32>, vector<128x128xf32>, vector<200x128xf32> -> vector<200x128xf32>
    %get3A_54 = arith.constant 0 : index
    %get3A_55 = arith.constant 32 : index
    %get3A_56 = vector.load %arg1[%get3A_54, %get3A_55] : memref<200x128xf32, #tpu.memory_space<vmem>>, vector<200x16xf32>
    %get3A_57 = arith.constant 0 : index
    %get3A_58 = arith.constant 32 : index
    %get3A_59 = vector.load %arg2[%get3A_57, %get3A_58] : memref<200x128xf32, #tpu.memory_space<vmem>>, vector<200x16xf32>
    %get3A_60 = arith.constant 0 : index
    %get3A_61 = arith.constant 32 : index
    %get3A_62 = vector.load %arg3[%get3A_60, %get3A_61] : memref<200x128xf32, #tpu.memory_space<vmem>>, vector<200x16xf32>
    %get3A_63 = arith.constant 0 : index
    %get3A_64 = arith.constant 32 : index
    %get3A_65 = vector.load %arg4[%get3A_63, %get3A_64] : memref<200x128xf32, #tpu.memory_space<vmem>>, vector<200x16xf32>
    %get3A_66 = arith.constant 0 : index
    %get3A_67 = arith.constant 32 : index
    %get3A_68 = vector.load %arg5[%get3A_66, %get3A_67] : memref<200x128xf32, #tpu.memory_space<vmem>>, vector<200x16xf32>
    %get3A_69 = arith.constant 0 : index
    %get3A_70 = arith.constant 32 : index
    %get3A_71 = vector.load %arg6[%get3A_69, %get3A_70] : memref<200x128xf32, #tpu.memory_space<vmem>>, vector<200x16xf32>
    %get3A_72 = arith.constant 0 : index
    %get3A_73 = arith.constant 32 : index
    %get3A_74 = vector.load %arg7[%get3A_72, %get3A_73] : memref<200x128xf32, #tpu.memory_space<vmem>>, vector<200x16xf32>
    %get3A_75 = arith.constant 0 : index
    %get3A_76 = arith.constant 32 : index
    %get3A_77 = vector.load %arg8[%get3A_75, %get3A_76] : memref<200x128xf32, #tpu.memory_space<vmem>>, vector<200x16xf32>
    %concatenate3A_78 = tpu.concatenate %get3A_56, %get3A_59, %get3A_62, %get3A_65, %get3A_68, %get3A_71, %get3A_74, %get3A_77 in 1 : vector<200x16xf32>, vector<200x16xf32>, vector<200x16xf32>, vector<200x16xf32>, vector<200x16xf32>, vector<200x16xf32>, vector<200x16xf32>, vector<200x16xf32> -> vector<200x128xf32>
    %dot_general3A_79 = arith.constant dense<0.000000e+00> : vector<200x128xf32>
    %dot_general3A_80 = tpu.matmul %concatenate3A_78, %get3A_1, %dot_general3A_79 {dimension_numbers = #tpu.dot_dimension_numbers<[1], [0], [0], [1], [0, 0, 1, 1], [], []>, transpose_lhs_hint = false} : vector<200x128xf32>, vector<128x128xf32>, vector<200x128xf32> -> vector<200x128xf32>
    %get3A_81 = arith.constant 0 : index
    %get3A_82 = arith.constant 48 : index
    %get3A_83 = vector.load %arg1[%get3A_81, %get3A_82] : memref<200x128xf32, #tpu.memory_space<vmem>>, vector<200x16xf32>
    %get3A_84 = arith.constant 0 : index
    %get3A_85 = arith.constant 48 : index
    %get3A_86 = vector.load %arg2[%get3A_84, %get3A_85] : memref<200x128xf32, #tpu.memory_space<vmem>>, vector<200x16xf32>
    %get3A_87 = arith.constant 0 : index
    %get3A_88 = arith.constant 48 : index
    %get3A_89 = vector.load %arg3[%get3A_87, %get3A_88] : memref<200x128xf32, #tpu.memory_space<vmem>>, vector<200x16xf32>
    %get3A_90 = arith.constant 0 : index
    %get3A_91 = arith.constant 48 : index
    %get3A_92 = vector.load %arg4[%get3A_90, %get3A_91] : memref<200x128xf32, #tpu.memory_space<vmem>>, vector<200x16xf32>
    %get3A_93 = arith.constant 0 : index
    %get3A_94 = arith.constant 48 : index
    %get3A_95 = vector.load %arg5[%get3A_93, %get3A_94] : memref<200x128xf32, #tpu.memory_space<vmem>>, vector<200x16xf32>
    %get3A_96 = arith.constant 0 : index
    %get3A_97 = arith.constant 48 : index
    %get3A_98 = vector.load %arg6[%get3A_96, %get3A_97] : memref<200x128xf32, #tpu.memory_space<vmem>>, vector<200x16xf32>
    %get3A_99 = arith.constant 0 : index
    %get3A_100 = arith.constant 48 : index
    %get3A_101 = vector.load %arg7[%get3A_99, %get3A_100] : memref<200x128xf32, #tpu.memory_space<vmem>>, vector<200x16xf32>
    %get3A_102 = arith.constant 0 : index
    %get3A_103 = arith.constant 48 : index
    %get3A_104 = vector.load %arg8[%get3A_102, %get3A_103] : memref<200x128xf32, #tpu.memory_space<vmem>>, vector<200x16xf32>
    %concatenate3A_105 = tpu.concatenate %get3A_83, %get3A_86, %get3A_89, %get3A_92, %get3A_95, %get3A_98, %get3A_101, %get3A_104 in 1 : vector<200x16xf32>, vector<200x16xf32>, vector<200x16xf32>, vector<200x16xf32>, vector<200x16xf32>, vector<200x16xf32>, vector<200x16xf32>, vector<200x16xf32> -> vector<200x128xf32>
    %dot_general3A_106 = arith.constant dense<0.000000e+00> : vector<200x128xf32>
    %dot_general3A_107 = tpu.matmul %concatenate3A_105, %get3A_1, %dot_general3A_106 {dimension_numbers = #tpu.dot_dimension_numbers<[1], [0], [0], [1], [0, 0, 1, 1], [], []>, transpose_lhs_hint = false} : vector<200x128xf32>, vector<128x128xf32>, vector<200x128xf32> -> vector<200x128xf32>
    %get3A_108 = arith.constant 0 : index
    %get3A_109 = arith.constant 64 : index
    %get3A_110 = vector.load %arg1[%get3A_108, %get3A_109] : memref<200x128xf32, #tpu.memory_space<vmem>>, vector<200x16xf32>
    %get3A_111 = arith.constant 0 : index
    %get3A_112 = arith.constant 64 : index
    %get3A_113 = vector.load %arg2[%get3A_111, %get3A_112] : memref<200x128xf32, #tpu.memory_space<vmem>>, vector<200x16xf32>
    %get3A_114 = arith.constant 0 : index
    %get3A_115 = arith.constant 64 : index
    %get3A_116 = vector.load %arg3[%get3A_114, %get3A_115] : memref<200x128xf32, #tpu.memory_space<vmem>>, vector<200x16xf32>
    %get3A_117 = arith.constant 0 : index
    %get3A_118 = arith.constant 64 : index
    %get3A_119 = vector.load %arg4[%get3A_117, %get3A_118] : memref<200x128xf32, #tpu.memory_space<vmem>>, vector<200x16xf32>
    %get3A_120 = arith.constant 0 : index
    %get3A_121 = arith.constant 64 : index
    %get3A_122 = vector.load %arg5[%get3A_120, %get3A_121] : memref<200x128xf32, #tpu.memory_space<vmem>>, vector<200x16xf32>
    %get3A_123 = arith.constant 0 : index
    %get3A_124 = arith.constant 64 : index
    %get3A_125 = vector.load %arg6[%get3A_123, %get3A_124] : memref<200x128xf32, #tpu.memory_space<vmem>>, vector<200x16xf32>
    %get3A_126 = arith.constant 0 : index
    %get3A_127 = arith.constant 64 : index
    %get3A_128 = vector.load %arg7[%get3A_126, %get3A_127] : memref<200x128xf32, #tpu.memory_space<vmem>>, vector<200x16xf32>
    %get3A_129 = arith.constant 0 : index
    %get3A_130 = arith.constant 64 : index
    %get3A_131 = vector.load %arg8[%get3A_129, %get3A_130] : memref<200x128xf32, #tpu.memory_space<vmem>>, vector<200x16xf32>
    %concatenate3A_132 = tpu.concatenate %get3A_110, %get3A_113, %get3A_116, %get3A_119, %get3A_122, %get3A_125, %get3A_128, %get3A_131 in 1 : vector<200x16xf32>, vector<200x16xf32>, vector<200x16xf32>, vector<200x16xf32>, vector<200x16xf32>, vector<200x16xf32>, vector<200x16xf32>, vector<200x16xf32> -> vector<200x128xf32>
    %dot_general3A_133 = arith.constant dense<0.000000e+00> : vector<200x128xf32>
    %dot_general3A_134 = tpu.matmul %concatenate3A_132, %get3A_1, %dot_general3A_133 {dimension_numbers = #tpu.dot_dimension_numbers<[1], [0], [0], [1], [0, 0, 1, 1], [], []>, transpose_lhs_hint = false} : vector<200x128xf32>, vector<128x128xf32>, vector<200x128xf32> -> vector<200x128xf32>
    %get3A_135 = arith.constant 0 : index
    %get3A_136 = arith.constant 80 : index
    %get3A_137 = vector.load %arg1[%get3A_135, %get3A_136] : memref<200x128xf32, #tpu.memory_space<vmem>>, vector<200x16xf32>
    %get3A_138 = arith.constant 0 : index
    %get3A_139 = arith.constant 80 : index
    %get3A_140 = vector.load %arg2[%get3A_138, %get3A_139] : memref<200x128xf32, #tpu.memory_space<vmem>>, vector<200x16xf32>
    %get3A_141 = arith.constant 0 : index
    %get3A_142 = arith.constant 80 : index
    %get3A_143 = vector.load %arg3[%get3A_141, %get3A_142] : memref<200x128xf32, #tpu.memory_space<vmem>>, vector<200x16xf32>
    %get3A_144 = arith.constant 0 : index
    %get3A_145 = arith.constant 80 : index
    %get3A_146 = vector.load %arg4[%get3A_144, %get3A_145] : memref<200x128xf32, #tpu.memory_space<vmem>>, vector<200x16xf32>
    %get3A_147 = arith.constant 0 : index
    %get3A_148 = arith.constant 80 : index
    %get3A_149 = vector.load %arg5[%get3A_147, %get3A_148] : memref<200x128xf32, #tpu.memory_space<vmem>>, vector<200x16xf32>
    %get3A_150 = arith.constant 0 : index
    %get3A_151 = arith.constant 80 : index
    %get3A_152 = vector.load %arg6[%get3A_150, %get3A_151] : memref<200x128xf32, #tpu.memory_space<vmem>>, vector<200x16xf32>
    %get3A_153 = arith.constant 0 : index
    %get3A_154 = arith.constant 80 : index
    %get3A_155 = vector.load %arg7[%get3A_153, %get3A_154] : memref<200x128xf32, #tpu.memory_space<vmem>>, vector<200x16xf32>
    %get3A_156 = arith.constant 0 : index
    %get3A_157 = arith.constant 80 : index
    %get3A_158 = vector.load %arg8[%get3A_156, %get3A_157] : memref<200x128xf32, #tpu.memory_space<vmem>>, vector<200x16xf32>
    %concatenate3A_159 = tpu.concatenate %get3A_137, %get3A_140, %get3A_143, %get3A_146, %get3A_149, %get3A_152, %get3A_155, %get3A_158 in 1 : vector<200x16xf32>, vector<200x16xf32>, vector<200x16xf32>, vector<200x16xf32>, vector<200x16xf32>, vector<200x16xf32>, vector<200x16xf32>, vector<200x16xf32> -> vector<200x128xf32>
    %dot_general3A_160 = arith.constant dense<0.000000e+00> : vector<200x128xf32>
    %dot_general3A_161 = tpu.matmul %concatenate3A_159, %get3A_1, %dot_general3A_160 {dimension_numbers = #tpu.dot_dimension_numbers<[1], [0], [0], [1], [0, 0, 1, 1], [], []>, transpose_lhs_hint = false} : vector<200x128xf32>, vector<128x128xf32>, vector<200x128xf32> -> vector<200x128xf32>
    %get3A_162 = arith.constant 0 : index
    %get3A_163 = arith.constant 96 : index
    %get3A_164 = vector.load %arg1[%get3A_162, %get3A_163] : memref<200x128xf32, #tpu.memory_space<vmem>>, vector<200x16xf32>
    %get3A_165 = arith.constant 0 : index
    %get3A_166 = arith.constant 96 : index
    %get3A_167 = vector.load %arg2[%get3A_165, %get3A_166] : memref<200x128xf32, #tpu.memory_space<vmem>>, vector<200x16xf32>
    %get3A_168 = arith.constant 0 : index
    %get3A_169 = arith.constant 96 : index
    %get3A_170 = vector.load %arg3[%get3A_168, %get3A_169] : memref<200x128xf32, #tpu.memory_space<vmem>>, vector<200x16xf32>
    %get3A_171 = arith.constant 0 : index
    %get3A_172 = arith.constant 96 : index
    %get3A_173 = vector.load %arg4[%get3A_171, %get3A_172] : memref<200x128xf32, #tpu.memory_space<vmem>>, vector<200x16xf32>
    %get3A_174 = arith.constant 0 : index
    %get3A_175 = arith.constant 96 : index
    %get3A_176 = vector.load %arg5[%get3A_174, %get3A_175] : memref<200x128xf32, #tpu.memory_space<vmem>>, vector<200x16xf32>
    %get3A_177 = arith.constant 0 : index
    %get3A_178 = arith.constant 96 : index
    %get3A_179 = vector.load %arg6[%get3A_177, %get3A_178] : memref<200x128xf32, #tpu.memory_space<vmem>>, vector<200x16xf32>
    %get3A_180 = arith.constant 0 : index
    %get3A_181 = arith.constant 96 : index
    %get3A_182 = vector.load %arg7[%get3A_180, %get3A_181] : memref<200x128xf32, #tpu.memory_space<vmem>>, vector<200x16xf32>
    %get3A_183 = arith.constant 0 : index
    %get3A_184 = arith.constant 96 : index
    %get3A_185 = vector.load %arg8[%get3A_183, %get3A_184] : memref<200x128xf32, #tpu.memory_space<vmem>>, vector<200x16xf32>
    %concatenate3A_186 = tpu.concatenate %get3A_164, %get3A_167, %get3A_170, %get3A_173, %get3A_176, %get3A_179, %get3A_182, %get3A_185 in 1 : vector<200x16xf32>, vector<200x16xf32>, vector<200x16xf32>, vector<200x16xf32>, vector<200x16xf32>, vector<200x16xf32>, vector<200x16xf32>, vector<200x16xf32> -> vector<200x128xf32>
    %dot_general3A_187 = arith.constant dense<0.000000e+00> : vector<200x128xf32>
    %dot_general3A_188 = tpu.matmul %concatenate3A_186, %get3A_1, %dot_general3A_187 {dimension_numbers = #tpu.dot_dimension_numbers<[1], [0], [0], [1], [0, 0, 1, 1], [], []>, transpose_lhs_hint = false} : vector<200x128xf32>, vector<128x128xf32>, vector<200x128xf32> -> vector<200x128xf32>
    %get3A_189 = arith.constant 0 : index
    %get3A_190 = arith.constant 112 : index
    %get3A_191 = vector.load %arg1[%get3A_189, %get3A_190] : memref<200x128xf32, #tpu.memory_space<vmem>>, vector<200x16xf32>
    %get3A_192 = arith.constant 0 : index
    %get3A_193 = arith.constant 112 : index
    %get3A_194 = vector.load %arg2[%get3A_192, %get3A_193] : memref<200x128xf32, #tpu.memory_space<vmem>>, vector<200x16xf32>
    %get3A_195 = arith.constant 0 : index
    %get3A_196 = arith.constant 112 : index
    %get3A_197 = vector.load %arg3[%get3A_195, %get3A_196] : memref<200x128xf32, #tpu.memory_space<vmem>>, vector<200x16xf32>
    %get3A_198 = arith.constant 0 : index
    %get3A_199 = arith.constant 112 : index
    %get3A_200 = vector.load %arg4[%get3A_198, %get3A_199] : memref<200x128xf32, #tpu.memory_space<vmem>>, vector<200x16xf32>
    %get3A_201 = arith.constant 0 : index
    %get3A_202 = arith.constant 112 : index
    %get3A_203 = vector.load %arg5[%get3A_201, %get3A_202] : memref<200x128xf32, #tpu.memory_space<vmem>>, vector<200x16xf32>
    %get3A_204 = arith.constant 0 : index
    %get3A_205 = arith.constant 112 : index
    %get3A_206 = vector.load %arg6[%get3A_204, %get3A_205] : memref<200x128xf32, #tpu.memory_space<vmem>>, vector<200x16xf32>
    %get3A_207 = arith.constant 0 : index
    %get3A_208 = arith.constant 112 : index
    %get3A_209 = vector.load %arg7[%get3A_207, %get3A_208] : memref<200x128xf32, #tpu.memory_space<vmem>>, vector<200x16xf32>
    %get3A_210 = arith.constant 0 : index
    %get3A_211 = arith.constant 112 : index
    %get3A_212 = vector.load %arg8[%get3A_210, %get3A_211] : memref<200x128xf32, #tpu.memory_space<vmem>>, vector<200x16xf32>
    %concatenate3A_213 = tpu.concatenate %get3A_191, %get3A_194, %get3A_197, %get3A_200, %get3A_203, %get3A_206, %get3A_209, %get3A_212 in 1 : vector<200x16xf32>, vector<200x16xf32>, vector<200x16xf32>, vector<200x16xf32>, vector<200x16xf32>, vector<200x16xf32>, vector<200x16xf32>, vector<200x16xf32> -> vector<200x128xf32>
    %dot_general3A_214 = arith.constant dense<0.000000e+00> : vector<200x128xf32>
    %dot_general3A_215 = tpu.matmul %concatenate3A_213, %get3A_1, %dot_general3A_214 {dimension_numbers = #tpu.dot_dimension_numbers<[1], [0], [0], [1], [0, 0, 1, 1], [], []>, transpose_lhs_hint = false} : vector<200x128xf32>, vector<128x128xf32>, vector<200x128xf32> -> vector<200x128xf32>
    %stack3A = vector.shape_cast %dot_general3A_26 : vector<200x128xf32> to vector<200x1x128xf32>
    %stack3A_216 = vector.shape_cast %dot_general3A_53 : vector<200x128xf32> to vector<200x1x128xf32>
    %stack3A_217 = vector.shape_cast %dot_general3A_80 : vector<200x128xf32> to vector<200x1x128xf32>
    %stack3A_218 = vector.shape_cast %dot_general3A_107 : vector<200x128xf32> to vector<200x1x128xf32>
    %stack3A_219 = vector.shape_cast %dot_general3A_134 : vector<200x128xf32> to vector<200x1x128xf32>
    %stack3A_220 = vector.shape_cast %dot_general3A_161 : vector<200x128xf32> to vector<200x1x128xf32>
    %stack3A_221 = vector.shape_cast %dot_general3A_188 : vector<200x128xf32> to vector<200x1x128xf32>
    %stack3A_222 = vector.shape_cast %dot_general3A_215 : vector<200x128xf32> to vector<200x1x128xf32>
    %stack3A_223 = tpu.concatenate %stack3A, %stack3A_216, %stack3A_217, %stack3A_218, %stack3A_219, %stack3A_220, %stack3A_221, %stack3A_222 in 1 : vector<200x1x128xf32>, vector<200x1x128xf32>, vector<200x1x128xf32>, vector<200x1x128xf32>, vector<200x1x128xf32>, vector<200x1x128xf32>, vector<200x1x128xf32>, vector<200x1x128xf32> -> vector<200x8x128xf32>
    %reshape3A = vector.shape_cast %stack3A_223 : vector<200x8x128xf32> to vector<1600x128xf32>
    %swap3A = arith.constant 0 : index
    %swap3A_224 = arith.constant 0 : index
    %swap3A_225 = vector.load %arg10[%swap3A, %swap3A_224] : memref<1600x128xf32, #tpu.memory_space<vmem>>, vector<1600x128xf32>
    tpu.vector_store %arg10[%swap3A, %swap3A_224], %reshape3A {strides = array<i32>} : memref<1600x128xf32, #tpu.memory_space<vmem>>, vector<1600x128xf32>,
    return
  }
  func.func @transform_0(%arg0: i32) -> (i32, i32) {
    %c0_i32 = arith.constant 0 : i32
    %c0_i32_0 = arith.constant 0 : i32
    return %arg0, %c0_i32 : i32, i32
  }
  func.func @transform_1(%arg0: i32) -> (i32, i32) {
    %c0_i32 = arith.constant 0 : i32
    %c0_i32_0 = arith.constant 0 : i32
    return %arg0, %c0_i32 : i32, i32
  }
  func.func @transform_2(%arg0: i32) -> (i32, i32) {
    %c0_i32 = arith.constant 0 : i32
    %c0_i32_0 = arith.constant 0 : i32
    return %arg0, %c0_i32 : i32, i32
  }
  func.func @transform_3(%arg0: i32) -> (i32, i32) {
    %c0_i32 = arith.constant 0 : i32
    %c0_i32_0 = arith.constant 0 : i32
    return %arg0, %c0_i32 : i32, i32
  }
  func.func @transform_4(%arg0: i32) -> (i32, i32) {
    %c0_i32 = arith.constant 0 : i32
    %c0_i32_0 = arith.constant 0 : i32
    return %arg0, %c0_i32 : i32, i32
  }
  func.func @transform_5(%arg0: i32) -> (i32, i32) {
    %c0_i32 = arith.constant 0 : i32
    %c0_i32_0 = arith.constant 0 : i32
    return %arg0, %c0_i32 : i32, i32
  }
  func.func @transform_6(%arg0: i32) -> (i32, i32) {
    %c0_i32 = arith.constant 0 : i32
    %c0_i32_0 = arith.constant 0 : i32
    return %arg0, %c0_i32 : i32, i32
  }
  func.func @transform_7(%arg0: i32) -> (i32, i32) {
    %c0_i32 = arith.constant 0 : i32
    %c0_i32_0 = arith.constant 0 : i32
    return %arg0, %c0_i32 : i32, i32
  }
  func.func @transform_8(%arg0: i32) -> (i32, i32) {
    %c0_i32 = arith.constant 0 : i32
    %c0_i32_0 = arith.constant 0 : i32
    %c0_i32_1 = arith.constant 0 : i32
    return %c0_i32, %c0_i32_0 : i32, i32
  }
  func.func @transform_9(%arg0: i32) -> (i32, i32) {
    %c0_i32 = arith.constant 0 : i32
    %c0_i32_0 = arith.constant 0 : i32
    return %arg0, %c0_i32 : i32, i32
  }
}

module attributes {stable_mosaic.version = 14 : i64} {
  func.func @_tc_body(%arg0: i32, %arg1: memref<1000x128xf32, #tpu.memory_space<vmem>>, %arg2: memref<1000x48xf32, #tpu.memory_space<vmem>>, %arg3: memref<1000x8xf32, #tpu.memory_space<vmem>>, %arg4: memref<1000x8xf32, #tpu.memory_space<vmem>>, %arg5: memref<1000x1xf32, #tpu.memory_space<vmem>>, %arg6: memref<1000x1xf32, #tpu.memory_space<vmem>>, %arg7: memref<1000x1xf32, #tpu.memory_space<vmem>>, %arg8: memref<1000x1xf32, #tpu.memory_space<vmem>>, %arg9: memref<48x48xf32, #tpu.memory_space<vmem>>, %arg10: memref<48x16xf32, #tpu.memory_space<vmem>>, %arg11: memref<48x27xf32, #tpu.memory_space<vmem>>, %arg12: memref<8x27xf32, #tpu.memory_space<vmem>>, %arg13: memref<1x27xf32, #tpu.memory_space<vmem>>, %arg14: memref<128x128xf32, #tpu.memory_space<vmem>>, %arg15: memref<16x128xf32, #tpu.memory_space<vmem>>, %arg16: memref<27x128xf32, #tpu.memory_space<vmem>>, %arg17: memref<1x128xf32, #tpu.memory_space<vmem>>, %arg18: memref<128x16xf32, #tpu.memory_space<vmem>>, %arg19: memref<1x16xf32, #tpu.memory_space<vmem>>, %arg20: memref<48x48xf32, #tpu.memory_space<vmem>>, %arg21: memref<16x48xf32, #tpu.memory_space<vmem>>, %arg22: memref<1000x128xf32, #tpu.memory_space<vmem>>, %arg23: memref<1000x48xf32, #tpu.memory_space<vmem>>) attributes {dimension_semantics = [#tpu.dimension_semantics<arbitrary>], iteration_bounds = array<i64: 100>, scalar_prefetch = 0 : i64, scratch_operands = 0 : i64, tpu.core_type = #tpu.core_type<tc>, window_params = [{transform_indices = @transform_0, window_bounds = array<i64: 1000, 128>}, {transform_indices = @transform_1, window_bounds = array<i64: 1000, 48>}, {transform_indices = @transform_2, window_bounds = array<i64: 1000, 8>}, {transform_indices = @transform_3, window_bounds = array<i64: 1000, 8>}, {transform_indices = @transform_4, window_bounds = array<i64: 1000, 1>}, {transform_indices = @transform_5, window_bounds = array<i64: 1000, 1>}, {transform_indices = @transform_6, window_bounds = array<i64: 1000, 1>}, {transform_indices = @transform_7, window_bounds = array<i64: 1000, 1>}, {pipeline_mode = #tpu.pipeline_mode<synchronous>, transform_indices = @transform_8, window_bounds = array<i64: 48, 48>}, {pipeline_mode = #tpu.pipeline_mode<synchronous>, transform_indices = @transform_9, window_bounds = array<i64: 48, 16>}, {pipeline_mode = #tpu.pipeline_mode<synchronous>, transform_indices = @transform_10, window_bounds = array<i64: 48, 27>}, {pipeline_mode = #tpu.pipeline_mode<synchronous>, transform_indices = @transform_11, window_bounds = array<i64: 8, 27>}, {pipeline_mode = #tpu.pipeline_mode<synchronous>, transform_indices = @transform_12, window_bounds = array<i64: 1, 27>}, {pipeline_mode = #tpu.pipeline_mode<synchronous>, transform_indices = @transform_13, window_bounds = array<i64: 128, 128>}, {pipeline_mode = #tpu.pipeline_mode<synchronous>, transform_indices = @transform_14, window_bounds = array<i64: 16, 128>}, {pipeline_mode = #tpu.pipeline_mode<synchronous>, transform_indices = @transform_15, window_bounds = array<i64: 27, 128>}, {pipeline_mode = #tpu.pipeline_mode<synchronous>, transform_indices = @transform_16, window_bounds = array<i64: 1, 128>}, {pipeline_mode = #tpu.pipeline_mode<synchronous>, transform_indices = @transform_17, window_bounds = array<i64: 128, 16>}, {pipeline_mode = #tpu.pipeline_mode<synchronous>, transform_indices = @transform_18, window_bounds = array<i64: 1, 16>}, {pipeline_mode = #tpu.pipeline_mode<synchronous>, transform_indices = @transform_19, window_bounds = array<i64: 48, 48>}, {pipeline_mode = #tpu.pipeline_mode<synchronous>, transform_indices = @transform_20, window_bounds = array<i64: 16, 48>}, {transform_indices = @transform_21, window_bounds = array<i64: 1000, 128>}, {transform_indices = @transform_22, window_bounds = array<i64: 1000, 48>}]} {
    %get3A = arith.constant 0 : index
    %get3A_0 = arith.constant 0 : index
    %get3A_1 = vector.load %arg2[%get3A, %get3A_0] : memref<1000x48xf32, #tpu.memory_space<vmem>>, vector<1000x48xf32>
    %get3A_2 = arith.constant 0 : index
    %get3A_3 = arith.constant 0 : index
    %get3A_4 = vector.load %arg9[%get3A_2, %get3A_3] : memref<48x48xf32, #tpu.memory_space<vmem>>, vector<48x48xf32>
    %dot_general3A = arith.constant dense<0.000000e+00> : vector<1000x48xf32>
    %dot_general3A_5 = tpu.matmul %get3A_1, %get3A_4, %dot_general3A {dimension_numbers = #tpu.dot_dimension_numbers<[1], [0], [0], [1], [0, 0, 1, 1], [], []>, transpose_lhs_hint = false} : vector<1000x48xf32>, vector<48x48xf32>, vector<1000x48xf32> -> vector<1000x48xf32>
    %mul3A = arith.mulf %dot_general3A_5, %dot_general3A_5 : vector<1000x48xf32>
    %get3A_6 = arith.constant 0 : index
    %get3A_7 = arith.constant 0 : index
    %get3A_8 = vector.load %arg10[%get3A_6, %get3A_7] : memref<48x16xf32, #tpu.memory_space<vmem>>, vector<48x16xf32>
    %dot_general3A_9 = arith.constant dense<0.000000e+00> : vector<1000x16xf32>
    %dot_general3A_10 = tpu.matmul %mul3A, %get3A_8, %dot_general3A_9 {dimension_numbers = #tpu.dot_dimension_numbers<[1], [0], [0], [1], [0, 0, 1, 1], [], []>, transpose_lhs_hint = false} : vector<1000x48xf32>, vector<48x16xf32>, vector<1000x16xf32> -> vector<1000x16xf32>
    %add3A = arith.constant 9.99999993E-9 : f32
    %add3A_11 = vector.broadcast %add3A : f32 to vector<1000x16xf32>
    %add3A_12 = arith.addf %dot_general3A_10, %add3A_11 : vector<1000x16xf32>
    %sqrt3A = math.sqrt %add3A_12 : vector<1000x16xf32>
    %get3A_13 = arith.constant 0 : index
    %get3A_14 = arith.constant 0 : index
    %get3A_15 = vector.load %arg11[%get3A_13, %get3A_14] : memref<48x27xf32, #tpu.memory_space<vmem>>, vector<48x27xf32>
    %dot_general3A_16 = arith.constant dense<0.000000e+00> : vector<1000x27xf32>
    %dot_general3A_17 = tpu.matmul %get3A_1, %get3A_15, %dot_general3A_16 {dimension_numbers = #tpu.dot_dimension_numbers<[1], [0], [0], [1], [0, 0, 1, 1], [], []>, transpose_lhs_hint = false} : vector<1000x48xf32>, vector<48x27xf32>, vector<1000x27xf32> -> vector<1000x27xf32>
    %get3A_18 = arith.constant 0 : index
    %get3A_19 = arith.constant 0 : index
    %get3A_20 = vector.load %arg3[%get3A_18, %get3A_19] : memref<1000x8xf32, #tpu.memory_space<vmem>>, vector<1000x8xf32>
    %get3A_21 = arith.constant 0 : index
    %get3A_22 = arith.constant 0 : index
    %get3A_23 = vector.load %arg4[%get3A_21, %get3A_22] : memref<1000x8xf32, #tpu.memory_space<vmem>>, vector<1000x8xf32>
    %add3A_24 = arith.addf %get3A_20, %get3A_23 : vector<1000x8xf32>
    %get3A_25 = arith.constant 0 : index
    %get3A_26 = arith.constant 0 : index
    %get3A_27 = vector.load %arg5[%get3A_25, %get3A_26] : memref<1000x1xf32, #tpu.memory_space<vmem>>, vector<1000x1xf32>
    %get3A_28 = arith.constant 0 : index
    %get3A_29 = arith.constant 0 : index
    %get3A_30 = vector.load %arg6[%get3A_28, %get3A_29] : memref<1000x1xf32, #tpu.memory_space<vmem>>, vector<1000x1xf32>
    %add3A_31 = arith.addf %get3A_27, %get3A_30 : vector<1000x1xf32>
    %get3A_32 = arith.constant 0 : index
    %get3A_33 = arith.constant 0 : index
    %get3A_34 = vector.load %arg7[%get3A_32, %get3A_33] : memref<1000x1xf32, #tpu.memory_space<vmem>>, vector<1000x1xf32>
    %get3A_35 = arith.constant 0 : index
    %get3A_36 = arith.constant 0 : index
    %get3A_37 = vector.load %arg8[%get3A_35, %get3A_36] : memref<1000x1xf32, #tpu.memory_space<vmem>>, vector<1000x1xf32>
    %add3A_38 = arith.addf %get3A_34, %get3A_37 : vector<1000x1xf32>
    %max3A = arith.constant 1.000000e+00 : f32
    %max3A_39 = vector.broadcast %max3A : f32 to vector<1000x1xf32>
    %max3A_40 = arith.maximumf %add3A_38, %max3A_39 : vector<1000x1xf32>
    %div3A = arith.constant 1.000000e+00 : f32
    %div3A_41 = vector.broadcast %div3A : f32 to vector<1000x1xf32>
    %div3A_42 = arith.divf %div3A_41, %max3A_40 : vector<1000x1xf32>
    %get3A_43 = arith.constant 0 : index
    %get3A_44 = arith.constant 0 : index
    %get3A_45 = vector.load %arg12[%get3A_43, %get3A_44] : memref<8x27xf32, #tpu.memory_space<vmem>>, vector<8x27xf32>
    %dot_general3A_46 = arith.constant dense<0.000000e+00> : vector<1000x27xf32>
    %dot_general3A_47 = tpu.matmul %add3A_24, %get3A_45, %dot_general3A_46 {dimension_numbers = #tpu.dot_dimension_numbers<[1], [0], [0], [1], [0, 0, 1, 1], [], []>, transpose_lhs_hint = false} : vector<1000x8xf32>, vector<8x27xf32>, vector<1000x27xf32> -> vector<1000x27xf32>
    %get3A_48 = arith.constant 0 : index
    %get3A_49 = arith.constant 0 : index
    %get3A_50 = vector.load %arg13[%get3A_48, %get3A_49] : memref<1x27xf32, #tpu.memory_space<vmem>>, vector<1x27xf32>
    %dot_general3A_51 = arith.constant dense<0.000000e+00> : vector<1000x27xf32>
    %dot_general3A_52 = tpu.matmul %add3A_31, %get3A_50, %dot_general3A_51 {dimension_numbers = #tpu.dot_dimension_numbers<[1], [0], [0], [1], [0, 0, 1, 1], [], []>, transpose_lhs_hint = false} : vector<1000x1xf32>, vector<1x27xf32>, vector<1000x27xf32> -> vector<1000x27xf32>
    %add3A_53 = arith.addf %dot_general3A_47, %dot_general3A_52 : vector<1000x27xf32>
    %mul3A_54 = vector.broadcast %div3A_42 : vector<1000x1xf32> to vector<1000x27xf32>
    %mul3A_55 = arith.mulf %add3A_53, %mul3A_54 : vector<1000x27xf32>
    %mul3A_56 = arith.mulf %mul3A_55, %dot_general3A_17 : vector<1000x27xf32>
    %get3A_57 = arith.constant 0 : index
    %get3A_58 = arith.constant 0 : index
    %get3A_59 = vector.load %arg1[%get3A_57, %get3A_58] : memref<1000x128xf32, #tpu.memory_space<vmem>>, vector<1000x128xf32>
    %get3A_60 = arith.constant 0 : index
    %get3A_61 = arith.constant 0 : index
    %get3A_62 = vector.load %arg14[%get3A_60, %get3A_61] : memref<128x128xf32, #tpu.memory_space<vmem>>, vector<128x128xf32>
    %dot_general3A_63 = arith.constant dense<0.000000e+00> : vector<1000x128xf32>
    %dot_general3A_64 = tpu.matmul %get3A_59, %get3A_62, %dot_general3A_63 {dimension_numbers = #tpu.dot_dimension_numbers<[1], [0], [0], [1], [0, 0, 1, 1], [], []>, transpose_lhs_hint = false} : vector<1000x128xf32>, vector<128x128xf32>, vector<1000x128xf32> -> vector<1000x128xf32>
    %get3A_65 = arith.constant 0 : index
    %get3A_66 = arith.constant 0 : index
    %get3A_67 = vector.load %arg15[%get3A_65, %get3A_66] : memref<16x128xf32, #tpu.memory_space<vmem>>, vector<16x128xf32>
    %dot_general3A_68 = arith.constant dense<0.000000e+00> : vector<1000x128xf32>
    %dot_general3A_69 = tpu.matmul %sqrt3A, %get3A_67, %dot_general3A_68 {dimension_numbers = #tpu.dot_dimension_numbers<[1], [0], [0], [1], [0, 0, 1, 1], [], []>, transpose_lhs_hint = false} : vector<1000x16xf32>, vector<16x128xf32>, vector<1000x128xf32> -> vector<1000x128xf32>
    %add3A_70 = arith.addf %dot_general3A_64, %dot_general3A_69 : vector<1000x128xf32>
    %get3A_71 = arith.constant 0 : index
    %get3A_72 = arith.constant 0 : index
    %get3A_73 = vector.load %arg16[%get3A_71, %get3A_72] : memref<27x128xf32, #tpu.memory_space<vmem>>, vector<27x128xf32>
    %dot_general3A_74 = arith.constant dense<0.000000e+00> : vector<1000x128xf32>
    %dot_general3A_75 = tpu.matmul %mul3A_56, %get3A_73, %dot_general3A_74 {dimension_numbers = #tpu.dot_dimension_numbers<[1], [0], [0], [1], [0, 0, 1, 1], [], []>, transpose_lhs_hint = false} : vector<1000x27xf32>, vector<27x128xf32>, vector<1000x128xf32> -> vector<1000x128xf32>
    %add3A_76 = arith.addf %add3A_70, %dot_general3A_75 : vector<1000x128xf32>
    %get3A_77 = arith.constant 0 : index
    %get3A_78 = arith.constant 0 : index
    %get3A_79 = vector.load %arg17[%get3A_77, %get3A_78] : memref<1x128xf32, #tpu.memory_space<vmem>>, vector<1x128xf32>
    %add3A_80 = vector.broadcast %get3A_79 : vector<1x128xf32> to vector<1000x128xf32>
    %add3A_81 = arith.addf %add3A_76, %add3A_80 : vector<1000x128xf32>
    %logistic3A = arith.negf %add3A_81 : vector<1000x128xf32>
    %logistic3A_82 = math.exp %logistic3A : vector<1000x128xf32>
    %logistic3A_83 = arith.constant 1.000000e+00 : f32
    %logistic3A_84 = vector.broadcast %logistic3A_83 : f32 to vector<1000x128xf32>
    %logistic3A_85 = arith.addf %logistic3A_84, %logistic3A_82 : vector<1000x128xf32>
    %logistic3A_86 = arith.divf %logistic3A_84, %logistic3A_85 : vector<1000x128xf32>
    %mul3A_87 = arith.mulf %add3A_81, %logistic3A_86 : vector<1000x128xf32>
    %get3A_88 = arith.constant 0 : index
    %get3A_89 = arith.constant 0 : index
    %get3A_90 = vector.load %arg18[%get3A_88, %get3A_89] : memref<128x16xf32, #tpu.memory_space<vmem>>, vector<128x16xf32>
    %dot_general3A_91 = arith.constant dense<0.000000e+00> : vector<1000x16xf32>
    %dot_general3A_92 = tpu.matmul %mul3A_87, %get3A_90, %dot_general3A_91 {dimension_numbers = #tpu.dot_dimension_numbers<[1], [0], [0], [1], [0, 0, 1, 1], [], []>, transpose_lhs_hint = false} : vector<1000x128xf32>, vector<128x16xf32>, vector<1000x16xf32> -> vector<1000x16xf32>
    %get3A_93 = arith.constant 0 : index
    %get3A_94 = arith.constant 0 : index
    %get3A_95 = vector.load %arg19[%get3A_93, %get3A_94] : memref<1x16xf32, #tpu.memory_space<vmem>>, vector<1x16xf32>
    %add3A_96 = vector.broadcast %get3A_95 : vector<1x16xf32> to vector<1000x16xf32>
    %add3A_97 = arith.addf %dot_general3A_92, %add3A_96 : vector<1000x16xf32>
    %logistic3A_98 = arith.negf %add3A_97 : vector<1000x16xf32>
    %logistic3A_99 = math.exp %logistic3A_98 : vector<1000x16xf32>
    %logistic3A_100 = arith.constant 1.000000e+00 : f32
    %logistic3A_101 = vector.broadcast %logistic3A_100 : f32 to vector<1000x16xf32>
    %logistic3A_102 = arith.addf %logistic3A_101, %logistic3A_99 : vector<1000x16xf32>
    %logistic3A_103 = arith.divf %logistic3A_101, %logistic3A_102 : vector<1000x16xf32>
    %get3A_104 = arith.constant 0 : index
    %get3A_105 = arith.constant 0 : index
    %get3A_106 = vector.load %arg21[%get3A_104, %get3A_105] : memref<16x48xf32, #tpu.memory_space<vmem>>, vector<16x48xf32>
    %dot_general3A_107 = arith.constant dense<0.000000e+00> : vector<1000x48xf32>
    %dot_general3A_108 = tpu.matmul %logistic3A_103, %get3A_106, %dot_general3A_107 {dimension_numbers = #tpu.dot_dimension_numbers<[1], [0], [0], [1], [0, 0, 1, 1], [], []>, transpose_lhs_hint = false} : vector<1000x16xf32>, vector<16x48xf32>, vector<1000x48xf32> -> vector<1000x48xf32>
    %get3A_109 = arith.constant 0 : index
    %get3A_110 = arith.constant 0 : index
    %get3A_111 = vector.load %arg20[%get3A_109, %get3A_110] : memref<48x48xf32, #tpu.memory_space<vmem>>, vector<48x48xf32>
    %dot_general3A_112 = arith.constant dense<0.000000e+00> : vector<1000x48xf32>
    %dot_general3A_113 = tpu.matmul %dot_general3A_5, %get3A_111, %dot_general3A_112 {dimension_numbers = #tpu.dot_dimension_numbers<[1], [0], [0], [1], [0, 0, 1, 1], [], []>, transpose_lhs_hint = false} : vector<1000x48xf32>, vector<48x48xf32>, vector<1000x48xf32> -> vector<1000x48xf32>
    %mul3A_114 = arith.mulf %dot_general3A_113, %dot_general3A_108 : vector<1000x48xf32>
    %swap3A = arith.constant 0 : index
    %swap3A_115 = arith.constant 0 : index
    %swap3A_116 = vector.load %arg22[%swap3A, %swap3A_115] : memref<1000x128xf32, #tpu.memory_space<vmem>>, vector<1000x128xf32>
    tpu.vector_store %arg22[%swap3A, %swap3A_115], %mul3A_87 {strides = array<i32>} : memref<1000x128xf32, #tpu.memory_space<vmem>>, vector<1000x128xf32>,
    %swap3A_117 = arith.constant 0 : index
    %swap3A_118 = arith.constant 0 : index
    %swap3A_119 = vector.load %arg23[%swap3A_117, %swap3A_118] : memref<1000x48xf32, #tpu.memory_space<vmem>>, vector<1000x48xf32>
    tpu.vector_store %arg23[%swap3A_117, %swap3A_118], %mul3A_114 {strides = array<i32>} : memref<1000x48xf32, #tpu.memory_space<vmem>>, vector<1000x48xf32>,
    return
  }
  func.func @transform_0(%arg0: i32) -> (i32, i32) {
    %c0_i32 = arith.constant 0 : i32
    %c0_i32_0 = arith.constant 0 : i32
    return %arg0, %c0_i32 : i32, i32
  }
  func.func @transform_1(%arg0: i32) -> (i32, i32) {
    %c0_i32 = arith.constant 0 : i32
    %c0_i32_0 = arith.constant 0 : i32
    return %arg0, %c0_i32 : i32, i32
  }
  func.func @transform_2(%arg0: i32) -> (i32, i32) {
    %c0_i32 = arith.constant 0 : i32
    %c0_i32_0 = arith.constant 0 : i32
    return %arg0, %c0_i32 : i32, i32
  }
  func.func @transform_3(%arg0: i32) -> (i32, i32) {
    %c0_i32 = arith.constant 0 : i32
    %c0_i32_0 = arith.constant 0 : i32
    return %arg0, %c0_i32 : i32, i32
  }
  func.func @transform_4(%arg0: i32) -> (i32, i32) {
    %c0_i32 = arith.constant 0 : i32
    %c0_i32_0 = arith.constant 0 : i32
    return %arg0, %c0_i32 : i32, i32
  }
  func.func @transform_5(%arg0: i32) -> (i32, i32) {
    %c0_i32 = arith.constant 0 : i32
    %c0_i32_0 = arith.constant 0 : i32
    return %arg0, %c0_i32 : i32, i32
  }
  func.func @transform_6(%arg0: i32) -> (i32, i32) {
    %c0_i32 = arith.constant 0 : i32
    %c0_i32_0 = arith.constant 0 : i32
    return %arg0, %c0_i32 : i32, i32
  }
  func.func @transform_7(%arg0: i32) -> (i32, i32) {
    %c0_i32 = arith.constant 0 : i32
    %c0_i32_0 = arith.constant 0 : i32
    return %arg0, %c0_i32 : i32, i32
  }
  func.func @transform_8(%arg0: i32) -> (i32, i32) {
    %c0_i32 = arith.constant 0 : i32
    %c0_i32_0 = arith.constant 0 : i32
    %c0_i32_1 = arith.constant 0 : i32
    return %c0_i32, %c0_i32_0 : i32, i32
  }
  func.func @transform_9(%arg0: i32) -> (i32, i32) {
    %c0_i32 = arith.constant 0 : i32
    %c0_i32_0 = arith.constant 0 : i32
    %c0_i32_1 = arith.constant 0 : i32
    return %c0_i32, %c0_i32_0 : i32, i32
  }
  func.func @transform_10(%arg0: i32) -> (i32, i32) {
    %c0_i32 = arith.constant 0 : i32
    %c0_i32_0 = arith.constant 0 : i32
    %c0_i32_1 = arith.constant 0 : i32
    return %c0_i32, %c0_i32_0 : i32, i32
  }
  func.func @transform_11(%arg0: i32) -> (i32, i32) {
    %c0_i32 = arith.constant 0 : i32
    %c0_i32_0 = arith.constant 0 : i32
    %c0_i32_1 = arith.constant 0 : i32
    return %c0_i32, %c0_i32_0 : i32, i32
  }
  func.func @transform_12(%arg0: i32) -> (i32, i32) {
    %c0_i32 = arith.constant 0 : i32
    %c0_i32_0 = arith.constant 0 : i32
    %c0_i32_1 = arith.constant 0 : i32
    return %c0_i32, %c0_i32_0 : i32, i32
  }
  func.func @transform_13(%arg0: i32) -> (i32, i32) {
    %c0_i32 = arith.constant 0 : i32
    %c0_i32_0 = arith.constant 0 : i32
    %c0_i32_1 = arith.constant 0 : i32
    return %c0_i32, %c0_i32_0 : i32, i32
  }
  func.func @transform_14(%arg0: i32) -> (i32, i32) {
    %c0_i32 = arith.constant 0 : i32
    %c0_i32_0 = arith.constant 0 : i32
    %c0_i32_1 = arith.constant 0 : i32
    return %c0_i32, %c0_i32_0 : i32, i32
  }
  func.func @transform_15(%arg0: i32) -> (i32, i32) {
    %c0_i32 = arith.constant 0 : i32
    %c0_i32_0 = arith.constant 0 : i32
    %c0_i32_1 = arith.constant 0 : i32
    return %c0_i32, %c0_i32_0 : i32, i32
  }
  func.func @transform_16(%arg0: i32) -> (i32, i32) {
    %c0_i32 = arith.constant 0 : i32
    %c0_i32_0 = arith.constant 0 : i32
    %c0_i32_1 = arith.constant 0 : i32
    return %c0_i32, %c0_i32_0 : i32, i32
  }
  func.func @transform_17(%arg0: i32) -> (i32, i32) {
    %c0_i32 = arith.constant 0 : i32
    %c0_i32_0 = arith.constant 0 : i32
    %c0_i32_1 = arith.constant 0 : i32
    return %c0_i32, %c0_i32_0 : i32, i32
  }
  func.func @transform_18(%arg0: i32) -> (i32, i32) {
    %c0_i32 = arith.constant 0 : i32
    %c0_i32_0 = arith.constant 0 : i32
    %c0_i32_1 = arith.constant 0 : i32
    return %c0_i32, %c0_i32_0 : i32, i32
  }
  func.func @transform_19(%arg0: i32) -> (i32, i32) {
    %c0_i32 = arith.constant 0 : i32
    %c0_i32_0 = arith.constant 0 : i32
    %c0_i32_1 = arith.constant 0 : i32
    return %c0_i32, %c0_i32_0 : i32, i32
  }
  func.func @transform_20(%arg0: i32) -> (i32, i32) {
    %c0_i32 = arith.constant 0 : i32
    %c0_i32_0 = arith.constant 0 : i32
    %c0_i32_1 = arith.constant 0 : i32
    return %c0_i32, %c0_i32_0 : i32, i32
  }
  func.func @transform_21(%arg0: i32) -> (i32, i32) {
    %c0_i32 = arith.constant 0 : i32
    %c0_i32_0 = arith.constant 0 : i32
    return %arg0, %c0_i32 : i32, i32
  }
  func.func @transform_22(%arg0: i32) -> (i32, i32) {
    %c0_i32 = arith.constant 0 : i32
    %c0_i32_0 = arith.constant 0 : i32
    return %arg0, %c0_i32 : i32, i32
  }
}

</mosaic_0001>

<sc_bundles>
// kernel: kernel.5.cloned.1.call-start
scs
__scs_entry_jumppad:
0x0: {  	(pc) =	sbr.rel $0x88, $3  }
0x1: {  	(tag) =	ssettag $0x0;
	lr =	simm.s32 $0x1  }
0x2: {  	[smem:$0x3F96] =	sst lr;
	_ =	strace $0xD0000000  }
0x3: {  	_ = 	snop  }
0x4: {  	_ = 	snop  }
0x5: {  	_ = 	snop  }
0x6: {  	_ = 	snop  }
0x7: {  	_ = 	snop  }
__scs_overlays_trampoline_lowered:
0x8: {  	[smem:$0x3FA5] =	sst s0  }
0x9: {  	[smem:$0x3FA6] =	sst s1  }
0xa: {  	[smem:$0x3FA7] =	sst s2  }
0xb: {  	[smem:$0x3FA8] =	sst s3  }
0xc: {  	[smem:$0x3FA9] =	sst s4  }
0xd: {  	[smem:$0x3FAA] =	sst s5  }
0xe: {  	[smem:$0x3FAB] =	sst s6  }
0xf: {  	[smem:$0x3FAC] =	sst s7  }
0x10: {  	[smem:$0x3FAD] =	sst s8  }
0x11: {  	[smem:$0x3FAE] =	sst s9;
	s0 =	simm.s32 @!p0 $0x0  }
0x12: {  	s1 =	sld [smem:$0x3F94];
	s0 =	simm.s32 @p0 $0x1  }
0x13: {  	[smem:$0x3FAF] =	sst s0;
	s0 =	simm.s32 @!p1 $0x0  }
0x14: {  	s2 =	sld [smem:$0x3F93];
	s0 =	simm.s32 @p1 $0x1  }
0x15: {  	[smem:$0x3FB0] =	sst s0;
	s0 =	simm.s32 @!p2 $0x0  }
0x16: {  	s3 =	sld [smem:$0x3FDB];
	s0 =	simm.s32 @p2 $0x1  }
0x17: {  	s4 =	simm.s32 $0x1BF5;
	[smem:$0x3FB2] =	sst s0  }
0x18: {  	s0 =	sld [smem:$0x3F95];
	_ =	swait.ge [sflag:s4], $0x0  }
0x19: {  	s7 =	sld [smem:$0x3F96]  }
0x1a: {  	s8 =	sadd.s32 $0xFFFFE003, lr  }
0x1b: {  	s9 =	sadd.s32 $0xFFFFFEF7, lr;
	s5 =	simm.s32 $0xFFFFFFFF;
	p2 =	slt.u32 s8, $0xFFFFF086  }
0x1c: {  	p1 =	slt.u32 s9, $0xF7A;
	s5 =	simm.s32 @!p2 $0x0  }
0x1d: {  	s5 =	simm.s32 @p1 $0x1;
	p0 =	seq.s32 s7, s2  }
0x1e: {  	s7 =	smul.u32 @!p0 $0xF7A, s2;
	p2 =	seq.s32 @!p0 s5, $0x0  }
0x1f: {  	s9 =	smul.u32 $0xF7A, s1;
	s8 =	simm.s32 @!p0 $0x1BF5;
	p2 =	por !p2, p0  }
0x20: {  	[sflag:s8] =	ssyncset.s32 @!p0 $0xFFFFF086;
	s6 =	sadd.s32 @!p0 s3, s7;
	s7 =	simm.s32 @!p0 $0x108  }
0x21: {  	s3 =	sadd.s32 s3, s9;
	s6 =	sadd.s32 @!p0 $0x88, s6;
	s7 =	simm.s32 @p2 $0x1082  }
0x22: {  	[simem:s7], [sflag:s8] =	dma.local @!p0 [hbm:s6], $0xF7A  }
0x23: {  	s9 =	sor.u32 $0xD0000000, s2;
	s6 =	simm.s32 $0x108;
	_ =	swait.ge @!p0 [sflag:s8], $0x0  }
0x24: {  	s3 =	sadd.s32 $0x88, s3;
	s6 =	simm.s32 @!p1 $0x1082;
	[sflag:s4] =	ssyncset.s32 $0xFFFFF086  }
0x25: {  	[simem:s6], [sflag:s4] =	dma.local [hbm:s3], $0xF7A  }
0x26: {  	[smem:$0x3F96] =	sst s1;
	(tag) =	ssettag s2;
	_ =	strace s9  }
0x27: {  	s1 =	sld [smem:$0x3FA6]  }
0x28: {  	s2 =	sld [smem:$0x3FA7]  }
0x29: {  	s4 =	sld [smem:$0x3FA9]  }
0x2a: {  	p0 =	seq.s32 s5, $0x0;
	s5 =	sld [smem:$0x3FAA]  }
0x2b: {  	s6 =	sld [smem:$0x3FAB]  }
0x2c: {  	s7 =	sld [smem:$0x3FAC]  }
0x2d: {  	s3 =	simm.s32 $0x108;
	s8 =	sld [smem:$0x3FAD]  }
0x2e: {  	s3 =	simm.s32 @!p0 $0x1082;
	s9 =	sld [smem:$0x3FAE]  }
0x2f: {  	lr =	sadd.s32 s0, s3;
	s0 =	sld [smem:$0x3FA5]  }
0x30: {  	s3 =	sld [smem:$0x3FA8]  }
0x31: {  	[smem:$0x3FB1] =	sst s10  }
0x32: {  	s10 =	sld [smem:$0x3FAF];
	_ =	sdelay $0x3  }
0x33: {  	p0 =	seq.s32 s10, $0x1;
	s10 =	sld [smem:$0x3FB1];
	_ =	sdelay $0x3  }
0x34: {  	[smem:$0x3FB1] =	sst s10  }
0x35: {  	s10 =	sld [smem:$0x3FB0];
	_ =	sdelay $0x3  }
0x36: {  	p1 =	seq.s32 s10, $0x1;
	s10 =	sld [smem:$0x3FB1];
	_ =	sdelay $0x3  }
0x37: {  	[smem:$0x3FB1] =	sst s10  }
0x38: {  	s10 =	sld [smem:$0x3FB2]  }
0x39: {  	_ = 	snop;
	(pc) =	sbr.ind lr, $3  }
0x3a: {  	_ = 	snop  }
0x3b: {  	_ = 	snop  }
0x3c: {  	p2 =	seq.s32 s10, $0x1;
	s10 =	sld [smem:$0x3FB1]  }
0x3d: {  	_ =	shalt  }
0x3e: {  	_ =	shalt  }
0x3f: {  	_ =	shalt  }
0x40: {  	_ =	shalt  }
0x41: {  	_ =	shalt  }
0x42: {  	_ =	shalt  }
0x43: {  	_ =	shalt  }
0x44: {  	_ =	shalt  }
0x45: {  	_ =	shalt  }
0x46: {  	_ =	shalt  }
0x47: {  	_ =	shalt  }
0x48: {  	_ =	shalt  }
0x49: {  	_ =	shalt  }
0x4a: {  	_ =	shalt  }
0x4b: {  	_ =	shalt  }
0x4c: {  	_ =	shalt  }
0x4d: {  	_ =	shalt  }
0x4e: {  	_ =	shalt  }
0x4f: {  	_ =	shalt  }
0x50: {  	_ =	shalt  }
0x51: {  	_ =	shalt  }
0x52: {  	_ =	shalt  }
0x53: {  	_ =	shalt  }
0x54: {  	_ =	shalt  }
0x55: {  	_ =	shalt  }
0x56: {  	_ =	shalt  }
0x57: {  	_ =	shalt  }
0x58: {  	_ =	shalt  }
0x59: {  	_ =	shalt  }
0x5a: {  	_ =	shalt  }
0x5b: {  	_ =	shalt  }
0x5c: {  	_ =	shalt  }
0x5d: {  	_ =	shalt  }
0x5e: {  	_ =	shalt  }
0x5f: {  	_ =	shalt  }
0x60: {  	_ =	shalt  }
0x61: {  	_ =	shalt  }
0x62: {  	_ =	shalt  }
0x63: {  	_ =	shalt  }
0x64: {  	_ =	shalt  }
0x65: {  	_ =	shalt  }
0x66: {  	_ =	shalt  }
0x67: {  	_ =	shalt  }
0x68: {  	_ =	shalt  }
0x69: {  	_ =	shalt  }
0x6a: {  	_ =	shalt  }
0x6b: {  	_ =	shalt  }
0x6c: {  	_ =	shalt  }
0x6d: {  	_ =	shalt  }
0x6e: {  	_ =	shalt  }
0x6f: {  	_ =	shalt  }
0x70: {  	_ =	shalt  }
0x71: {  	_ =	shalt  }
0x72: {  	_ =	shalt  }
0x73: {  	_ =	shalt  }
0x74: {  	_ =	shalt  }
0x75: {  	_ =	shalt  }
0x76: {  	_ =	shalt  }
0x77: {  	_ =	shalt  }
0x78: {  	_ =	shalt  }
0x79: {  	_ =	shalt  }
0x7a: {  	_ =	shalt  }
0x7b: {  	_ =	shalt  }
0x7c: {  	_ =	shalt  }
0x7d: {  	_ =	shalt  }
0x7e: {  	_ =	shalt  }
0x7f: {  	_ =	shalt  }
0x80: {  	_ =	shalt  }
0x81: {  	_ =	shalt  }
0x82: {  	_ =	shalt  }
0x83: {  	_ =	shalt  }
0x84: {  	_ =	shalt  }
0x85: {  	_ =	shalt  }
0x86: {  	_ =	shalt  }
0x87: {  	_ =	shalt  }
.Lfunc_end0:
.L_simem_size_0:
called_computation_lowered:
.L_overlay_start_0:
0x88: {  	s2 =	sld [smem:$0x3FD9]  }
0x89: {  	s3 =	sld [smem:$0x3FFE];
	_ =	sdelay $0x1  }
0x8a: {  	s1 =	srdreg.scid  }
0x8b: {  	s0 =	sand.u32 $0x1, s1  }
0x8c: {  	s14 =	sshll.u32 s0, $0xA;
	s2 =	sadd.s32 s3, s2  }
0x8d: {  	s2 =	sadd.s32 s2, s14  }
0x8e: {  	[smem:$0x3FBD] =	sst s2  }
0x8f: {  	_ = 	snop  }
0x90: {  	s2 =	sld [smem:$0x3FD0];
	_ =	sdelay $0x2  }
0x91: {  	s15 =	simm.s32 $0xA;
	s4 =	simm.s32 $0x10  }
0x92: {  	[smem:s4], [sflag:s15] =	dma.local [hbm:s2], $0x1  }
0x93: {  	_ =	swait.eq [sflag:s15], $0x1  }
0x94: {  	[sflag:s15] =	ssyncset.done $0x0  }
0x95: {  	[sflag:s15] =	ssyncadd.s32 $0xFFFFFFFF  }
0x96: {  	s16 =	sld [smem:$0x10];
	(tm) =	ssettm $0x1  }
0x97: {  	s17 =	sld [smem:$0x3FFB];
	_ =	sdelay $0x3  }
0x98: {  	_ =	strace s17  }
0x99: {  	s3 =	sld [smem:$0x3FFC];
	_ =	sdelay $0x3  }
0x9a: {  	_ =	strace s3  }
0x9b: {  	s3 =	sld [smem:$0x3FFD];
	_ =	sdelay $0x3  }
0x9c: {  	_ =	strace s3  }
0x9d: {  	_ =	strace $0x8FFFFFFF  }
0x9e: {  	s18 =	sld [smem:$0x3FDB];
	_ =	sdelay $0x1  }
0x9f: {  	s19 =	simm.s32 $_scs_section_size  }
0xa0: {  	s5 =	simm.s32 $_size__tile_overlayer_lowered;
	s6 =	simm.s32 $_tile_overlayer_lowered  }
0xa1: {  	s22 =	simm.s32 $0x1BFF;
	s21 =	sshll.u32 s6, $0x1;
	s3 =	sadd.s32 s19, s18  }
0xa2: {  	s7 =	simm.s32 $0x0;
	s20 =	sshll.u32 s5, $0x1;
	s5 =	sadd.s32 s21, s3  }
0xa3: {  	[timem:s7], [sflag:s22] =	dma.local [hbm:s5], s20  }
0xa4: {  	_ =	swait.ge [sflag:s22], s20  }
0xa5: {  	s4 =	ssub.s32 $0x0, s20;
	[sflag:s22] =	ssyncset.done $0x0  }
0xa6: {  	[sflag:s22] =	ssyncadd.s32 s4;
	_ =	sdelay $0x1  }
0xa7: {  	s23 =	simm.s32 $0x1B8B  }
0xa8: {  	_ =	swait.ge [sflag:s23], $0x1  }
0xa9: {  	[sflag:s23] =	ssyncset.done $0x0  }
0xaa: {  	s25 =	simm.s32 $0x1B8E;
	s24 =	sld [smem:$0x3FFE];
	[sflag:s23] =	ssyncadd.s32 $0xFFFFFFFF  }
0xab: {  	s26 =	simm.s32 $execute0_lowered;
	[smem:$0x3FD2] =	sst s25  }
0xac: {  	s5 =	sshll.u32 s26, $0x1;
	_ =	strace $0x80000046;
	[dreg:$0x1] =	wrdreg $0xFFFFFFFF  }
0xad: {  	s28 =	simm.s32 $_size_execute0_lowered;
	s3 =	sadd.s32 s3, s5;
	[dreg:$0x0] =	wrdreg $0x0  }
0xae: {  	s5 =	sshll.u32 s28, $0x1;
	[dreg:$0x2] =	wrdreg s3  }
0xaf: {  	[dreg:$0x3] =	wrdreg s5  }
0xb0: {  	[dreg:$0x4] =	wrdreg $0xC0  }
0xb1: {  	_ =	task [dreg:s7], $0x5FFFF  }
0xb2: {  	[dreg:$0x1] =	wrdreg $0xFFFFFFFF  }
0xb3: {  	[dreg:$0x0] =	wrdreg $0x60  }
0xb4: {  	[dreg:$0x2] =	wrdreg s16  }
0xb5: {  	[dreg:$0x3] =	wrdreg s24  }
0xb6: {  	[dreg:$0x4] =	wrdreg $0xA0800  }
0xb7: {  	[dreg:$0x5] =	wrdreg $0x164000  }
0xb8: {  	[dreg:$0x6] =	wrdreg $0x17C700  }
0xb9: {  	[dreg:$0x7] =	wrdreg $0x9  }
0xba: {  	_ =	task.clear_ibuf [dreg:s7], $0x8FFFF;
	_ =	strace $0x90000046  }
0xbb: {  	s29 =	simm.s32 $0x9;
	_ =	strace $0x80000048  }
0xbc: {  	_ =	swait.ge [sflag:s29], $0x1  }
0xbd: {  	[sflag:s29] =	ssyncadd.s32 $0xFFFFFFFF  }
0xbe: {  	_ =	strace $0x90000048  }
0xbf: {  	_ =	sfence  }
0xc0: {  	s30 =	sld [smem:$0x0];
	_ =	sdelay $0x2  }
0xc1: {  	s31 =	sshll.u32 s1, $0xD;
	s1 =	sshrl.u32 s1, $0x2  }
0xc2: {  	s3 =	sand.u32 $0x4000, s31;
	s1 =	sadd.s32 s1, s30  }
0xc3: {  	s0 =	sor.u32 s3, s0;
	s1 =	sshll.u32 s1, $0x11  }
0xc4: {  	s0 =	sor.u32 s1, s0  }
0xc5: {  	s0 =	sadd.s32 $0x8F2B, s0  }
0xc6: {  	[sflag:s0] =	ssyncadd.remote.s32 $0x1  }
0xc7: {  	_ =	sfence.sel $0xFFFF  }
0xc8: {  	[dreg:$0x0] =	wrdreg $0xFFFFFFFF;
	(pc) =	sbr.abs _section_cstart, $3  }
0xc9: {  	[dreg:$0x1] =	wrdreg $0xFFFFFFFF  }
0xca: {  	_ =	task.clear_ibuf [dreg:s7], $0x2FFFF;
	_ =	strace $0x9FFFFFFF  }
0xcb: {  	(tm) =	ssettm $0x7FFFFFFF  }
tec
execute0_lowered:
.L_overlay_start_1:
0x0: {  	(tag) =	ssettag $0x1  }
0x1: {  	s0 =	rddreg [dreg:$0x0]  }
0x2: {  	s2 =	rddreg [dreg:$0x1]  }
0x3: {  	s1 =	rddreg [dreg:$0x2]  }
0x4: {  	s3 =	rddreg [dreg:$0x3]  }
0x5: {  	s4 =	rddreg [dreg:$0x4];
	s5 =	simm.s32 $0x0;
	s20 =	stileid.u32  }
0x6: {  	s6 =	srdreg.scid;
	s30 =	simm.s32 $0x1;
	s31 =	simm.s32 $0x80  }
0x7: {  	[smem:$0x7FF] =	sst s5;
	s7 =	smul.u32 $0xC380, s20;
	s6 =	sand.u32 $0x1, s6  }
0x8: {  	s9 =	sadd.s32 $0x2B0000, s2;
	s12 =	sadd.s32 $0x24E400, s2;
	s13 =	smul.u32 $0x1870, s20  }
0x9: {  	s23 =	sadd.s32 $0x61A00, s0;
	_ =	strace $0x80000047;
	s8 =	smul.u32 $0xC3800, s6  }
0xa: {  	s11 =	smul.u32 $0x18700, s6;
	s25 =	ssub.s32 $0x2, s6;
	s16 =	sshll.u32 s6, $0x4  }
0xb: {  	s6 =	smul.u32 $0x310, s6;
	[dreg:$0xd] =	wrdreg s23;
	s10 =	sshrl.u32 s7, $0x3  }
0xc: {  	s14 =	sshrl.u32 s13, $0x3;
	s26 =	sshrl.u32 s25, $0x1;
	s16 =	sor.u32 s20, s16  }
0xd: {  	s8 =	sadd.s32 s7, s8;
	s10 =	sadd.s32 s10, s2;
	s14 =	sadd.s32 s14, s2  }
0xe: {  	s24 =	sadd.s32 s13, s11;
	s18 =	ssub.s32 s25, s26;
	s28 =	smul.u32 $0x3100, s16  }
0xf: {  	s7 =	sadd.s32 s7, s1;
	s19 =	smul.u32 $0x18800, s16;
	s11 =	sadd.s32 s13, s3  }
0x10: {  	p0 =	seq.s32 s16, $0x1F;
	s13 =	sadd.s32 s13, s4;
	[dreg:$0x6] =	wrdreg s7  }
0x11: {  	s25 =	sadd.s32 $0x5BD000, s2;
	s8 =	sshrl.u32 s8, $0x3;
	[dreg:$0x8] =	wrdreg s11  }
0x12: {  	s29 =	sadd.s32 $0x3C00, s10;
	s10 =	sshll.u32 s20, $0x6;
	[dreg:$0x9] =	wrdreg s13  }
0x13: {  	s20 =	smul.u32 $0x31, s20;
	s11 =	sadd.s32 $0x1C400, s14;
	[dreg:$0xe] =	wrdreg s25  }
0x14: {  	s15 =	sadd.s32 s8, s2;
	s8 =	sshrl.u32 s24, $0x3;
	[dreg:$0x7] =	wrdreg s29  }
0x15: {  	s14 =	sadd.s32 s0, s28;
	s21 =	sadd.s32 s9, s19;
	s7 =	sadd.s32 s12, s28  }
0x16: {  	s17 =	sadd.s32 s8, s2;
	s8 =	sor.u32 $0x1C03, s10;
	[dreg:$0xa] =	wrdreg s14  }
0x17: {  	s10 =	simm.s32 $0x2B;
	[dreg:$0xb] =	wrdreg s21;
	s6 =	sadd.s32 s20, s6  }
0x18: {  	[dreg:$0xc] =	wrdreg s7;
	s2 =	sadd.s32 $0x2AFE00, s2;
	s26 =	sadd.s32 $0x1F600, s15  }
0x19: {  	s20 =	simm.s32 $0x1000;
	s21 =	simm.s32 $0x9000;
	s10 =	simm.s32 @!p0 $0x31  }
0x1a: {  	s22 =	sshll.u32 s6, $0xB;
	s6 =	sshll.u32 s6, $0x8;
	[dreg:$0xf] =	wrdreg s2  }
0x1b: {  	[dreg:$0x10] =	wrdreg s26;
	p0 =	sne.s32 s16, $0x1F;
	s28 =	sadd.s32 $0x50400, s17  }
.Ltmp0:
0x1c: {  	s29 =	sadd.s32 $0x56600, s17;
	s26 =	simm.s32 $0x3;
	(pc) =	sbr.rel .LBB2_1-.Ltmp0, $4  }
0x1d: {  	s2 =	simm.s32 $0x2;
	s16 =	simm.s32 $0x0;
	s7 =	sadd.s32 s22, s9  }
0x1e: {  	s24 =	sadd.s32 s6, s12;
	s0 =	sadd.s32 s6, s0;
	[dreg:$0x11] =	wrdreg s28  }
0x1f: {  	[dreg:$0x12] =	wrdreg s29;
	s22 =	smax.u32 s18, $0x1;
	s13 =	sadd.s32 $0x800, s7  }
0x20: {  	v0 =	vimm.f32 $1.000000000e+00;
	s24 =	sadd.s32 $0x100, s24;
	s25 =	sadd.s32 $0x100, s0;
	s0 =	simm.s32 $0xA000  }
.LBB2_5:
0x21: {  	[bflag:$0x0] =	sbarrier.arrive $0xFFFF  }
0x22: {  	s7 =	rddreg [dreg:$0x10]  }
0x23: {  	[hbm:s7], [sflag:s8] =	dma.local [spmem:s17], $0x1870  }
0x24: {  	_ =	swait.ge [sflag:s26], $0x1870  }
0x25: {  	[sflag:s26] =	ssyncset.done $0x0  }
0x26: {  	s28 =	rddreg [dreg:$0x11];
	[sflag:s26] =	ssyncadd.s32 $0xFFFFE790  }
0x27: {  	[hbm:s28], [sflag:s8] =	dma.local [spmem:s18], $0x30E  }
0x28: {  	s16 =	sadd.s32 $0x1, s16;
	_ =	swait.ge [sflag:s26], $0x30E  }
0x29: {  	p1 =	sne.s32 s16, s22;
	[sflag:s26] =	ssyncset.done $0x0  }
.Ltmp1:
0x2a: {  	s29 =	rddreg [dreg:$0x12];
	[sflag:s26] =	ssyncadd.s32 $0xFFFFFCF2;
	(pc) =	sbr.rel @!p1 .LBB2_6-.Ltmp1, $4  }
0x2b: {  	[hbm:s29], [sflag:s8] =	dma.local [spmem:s6], $0x30E  }
0x2c: {  	_ =	swait.ge [sflag:s26], $0x30E  }
0x2d: {  	[sflag:s26] =	ssyncset.done $0x0  }
0x2e: {  	[sflag:s26] =	ssyncadd.s32 $0xFFFFFCF2  }
.LBB2_1:
0x2f: {  	s6 =	rddreg [dreg:$0x6]  }
0x30: {  	s29 =	rddreg [dreg:$0x7];
	s17 =	sshrl.u32 s6, $0x3  }
0x31: {  	[spmem:s17], [sflag:s8] =	dma.local [hbm:s29], $0x1870  }
0x32: {  	_ =	swait.ge [sflag:s26], $0x1870  }
0x33: {  	[sflag:s26] =	ssyncset.done $0x0;
	s7 =	rddreg [dreg:$0x8]  }
0x34: {  	[sflag:s26] =	ssyncadd.s32 $0xFFFFE790;
	s18 =	sshrl.u32 s7, $0x3  }
0x35: {  	[spmem:s18], [sflag:s8] =	dma.local [hbm:s11], $0x30E  }
0x36: {  	_ =	swait.ge [sflag:s26], $0x30E  }
0x37: {  	[sflag:s26] =	ssyncset.done $0x0;
	s9 =	rddreg [dreg:$0x9]  }
0x38: {  	[sflag:s26] =	ssyncadd.s32 $0xFFFFFCF2;
	s6 =	sshrl.u32 s9, $0x3  }
0x39: {  	[spmem:s6], [sflag:s8] =	dma.local [hbm:s11], $0x30E  }
0x3a: {  	_ =	swait.ge [sflag:s26], $0x30E  }
0x3b: {  	[sflag:s26] =	ssyncset.done $0x0  }
0x3c: {  	[sflag:s26] =	ssyncadd.s32 $0xFFFFFCF2  }
0x3d: {  	[tilespmem:$0xA000] =	vst v0  }
0x3e: {  	[tilespmem:$0xA010] =	vst v0  }
0x3f: {  	[tilespmem:$0xA020] =	vst v0  }
0x40: {  	[tilespmem:$0xA030] =	vst v0  }
0x41: {  	[tilespmem:$0xA040] =	vst v0  }
0x42: {  	[tilespmem:$0xA050] =	vst v0  }
0x43: {  	[tilespmem:$0xA060] =	vst v0  }
0x44: {  	[tilespmem:$0xA070] =	vst v0  }
0x45: {  	[bflag:$0x0] =	sbarrier.arrive $0xFFFF  }
0x46: {  	s7 =	rddreg [dreg:$0xa]  }
0x47: {  	[tilespmem:s5], [sflag:$0x1] =	stream.linear.gather [hbm4b:s7+s5], $0x800, $0x38;
	[tilespmem:$0x194E0] =	vst v63  }
0x48: {  	s12 =	rddreg [dreg:$0xb]  }
0x49: {  	[tilespmem:s20], [sflag:$0x1] =	stream.linear.gather [hbm4b:s12+s5], $0x4000, $0x38;
	[tilespmem:$0x194E0] =	vst v63  }
0x4a: {  	s14 =	rddreg [dreg:$0xc]  }
0x4b: {  	[tilespmem:s21], [sflag:$0x1] =	stream.linear.gather [hbm4b:s14+s5], $0x800, $0x38;
	[tilespmem:$0x194E0] =	vst v63  }
0x4c: {  	_ =	swait.ge [sflag:s30], $0x800  }
0x4d: {  	[sflag:s30] =	ssyncset.done $0x0  }
0x4e: {  	[sflag:s30] =	ssyncadd.s32 $0xFFFFF800  }
0x4f: {  	_ =	swait.ge [sflag:s30], $0x4000  }
0x50: {  	[sflag:s30] =	ssyncset.done $0x0  }
0x51: {  	[sflag:s30] =	ssyncadd.s32 $0xFFFFC000  }
0x52: {  	p1 =	sle.u32 s10, $0x1;
	s9 =	sand.u32 $0x1, s5;
	_ =	swait.ge [sflag:s30], $0x800  }
0x53: {  	s7 =	sxor.u32 @!p1 $0x1, s9;
	s12 =	simm.s32 @!p1 $0x0;
	[sflag:s30] =	ssyncset.done $0x0  }
0x54: {  	s14 =	sshll.u32 @!p1 s7, $0xB;
	s7 =	sshll.u32 @!p1 s7, $0xE;
	[sflag:s30] =	ssyncadd.s32 $0xFFFFF800  }
0x55: {  	[tilespmem:s14], [sflag:$0x1] =	stream.linear.gather @!p1 [hbm4b:s25+s12], $0x800, $0x38;
	[tilespmem:$0x194E0] =	vst v63  }
0x56: {  	s7 =	sor.u32 @!p1 $0x1000, s7  }
0x57: {  	[tilespmem:s7], [sflag:$0x1] =	stream.linear.gather @!p1 [hbm4b:s13+s12], $0x4000, $0x38;
	[tilespmem:$0x194E0] =	vst v63  }
0x58: {  	s14 =	sor.u32 @!p1 $0x9000, s14;
	s7 =	sshll.u32 s9, $0xE  }
0x59: {  	[tilespmem:s14], [sflag:$0x1] =	stream.linear.gather @!p1 [hbm4b:s24+s12], $0x800, $0x38;
	[tilespmem:$0x194E0] =	vst v63  }
0x5a: {  	s9 =	sshll.u32 s9, $0xB;
	s15 =	sor.u32 $0x1000, s7  }
0x5b: {  	[spmem:s1] =	stream.indirect.scatter.add.f32 [tilespmem:s15], [sflag:$0x2], $0x8, s9, s31, $0xb8;
	[tilespmem:$0x194E0] =	vst v63  }
0x5c: {  	s19 =	sor.u32 $0x9000, s9  }
0x5d: {  	[spmem:s3] =	stream.indirect.scatter.add.f32 [tilespmem:s19], [sflag:$0x2], $0x1, s9, s31, $0xb8;
	[tilespmem:$0x194E0] =	vst v63  }
0x5e: {  	_ = 	snop  }
0x5f: {  	[spmem:s4] =	stream.indirect.scatter.add.f32 [tilespmem:s0], [sflag:$0x2], $0x1, s9, s31, $0xb8;
	[tilespmem:$0x194E0] =	vst v63  }
0x60: {  	s23 =	sor.u32 $0x1400, s7;
	s28 =	sor.u32 $0x80, s9  }
0x61: {  	[spmem:s1] =	stream.indirect.scatter.add.f32 [tilespmem:s23], [sflag:$0x2], $0x8, s28, s31, $0xb8;
	[tilespmem:$0x194E0] =	vst v63  }
0x62: {  	s29 =	sor.u32 $0x9080, s9  }
0x63: {  	[spmem:s3] =	stream.indirect.scatter.add.f32 [tilespmem:s29], [sflag:$0x2], $0x1, s28, s31, $0xb8;
	[tilespmem:$0x194E0] =	vst v63  }
0x64: {  	_ = 	snop  }
0x65: {  	[spmem:s4] =	stream.indirect.scatter.add.f32 [tilespmem:s0], [sflag:$0x2], $0x1, s28, s31, $0xb8;
	[tilespmem:$0x194E0] =	vst v63  }
0x66: {  	s14 =	sor.u32 $0x1800, s7;
	s15 =	sor.u32 $0x100, s9  }
0x67: {  	[spmem:s1] =	stream.indirect.scatter.add.f32 [tilespmem:s14], [sflag:$0x2], $0x8, s15, s31, $0xb8;
	[tilespmem:$0x194E0] =	vst v63  }
0x68: {  	s19 =	sor.u32 $0x9100, s9  }
0x69: {  	[spmem:s3] =	stream.indirect.scatter.add.f32 [tilespmem:s19], [sflag:$0x2], $0x1, s15, s31, $0xb8;
	[tilespmem:$0x194E0] =	vst v63  }
0x6a: {  	_ = 	snop  }
0x6b: {  	[spmem:s4] =	stream.indirect.scatter.add.f32 [tilespmem:s0], [sflag:$0x2], $0x1, s15, s31, $0xb8;
	[tilespmem:$0x194E0] =	vst v63  }
0x6c: {  	s23 =	sor.u32 $0x1C00, s7;
	s28 =	sor.u32 $0x180, s9  }
0x6d: {  	[spmem:s1] =	stream.indirect.scatter.add.f32 [tilespmem:s23], [sflag:$0x2], $0x8, s28, s31, $0xb8;
	[tilespmem:$0x194E0] =	vst v63  }
0x6e: {  	s29 =	sor.u32 $0x9180, s9  }
0x6f: {  	[spmem:s3] =	stream.indirect.scatter.add.f32 [tilespmem:s29], [sflag:$0x2], $0x1, s28, s31, $0xb8;
	[tilespmem:$0x194E0] =	vst v63  }
0x70: {  	_ = 	snop  }
0x71: {  	[spmem:s4] =	stream.indirect.scatter.add.f32 [tilespmem:s0], [sflag:$0x2], $0x1, s28, s31, $0xb8;
	[tilespmem:$0x194E0] =	vst v63  }
0x72: {  	s14 =	sor.u32 $0x2000, s7;
	s15 =	sor.u32 $0x200, s9  }
0x73: {  	[spmem:s1] =	stream.indirect.scatter.add.f32 [tilespmem:s14], [sflag:$0x2], $0x8, s15, s31, $0xb8;
	[tilespmem:$0x194E0] =	vst v63  }
0x74: {  	s19 =	sor.u32 $0x9200, s9  }
0x75: {  	[spmem:s3] =	stream.indirect.scatter.add.f32 [tilespmem:s19], [sflag:$0x2], $0x1, s15, s31, $0xb8;
	[tilespmem:$0x194E0] =	vst v63  }
0x76: {  	_ = 	snop  }
0x77: {  	[spmem:s4] =	stream.indirect.scatter.add.f32 [tilespmem:s0], [sflag:$0x2], $0x1, s15, s31, $0xb8;
	[tilespmem:$0x194E0] =	vst v63  }
0x78: {  	s23 =	sor.u32 $0x2400, s7;
	s28 =	sor.u32 $0x280, s9  }
0x79: {  	[spmem:s1] =	stream.indirect.scatter.add.f32 [tilespmem:s23], [sflag:$0x2], $0x8, s28, s31, $0xb8;
	[tilespmem:$0x194E0] =	vst v63  }
0x7a: {  	s29 =	sor.u32 $0x9280, s9  }
0x7b: {  	[spmem:s3] =	stream.indirect.scatter.add.f32 [tilespmem:s29], [sflag:$0x2], $0x1, s28, s31, $0xb8;
	[tilespmem:$0x194E0] =	vst v63  }
0x7c: {  	_ = 	snop  }
0x7d: {  	[spmem:s4] =	stream.indirect.scatter.add.f32 [tilespmem:s0], [sflag:$0x2], $0x1, s28, s31, $0xb8;
	[tilespmem:$0x194E0] =	vst v63  }
0x7e: {  	s14 =	sor.u32 $0x2800, s7;
	s15 =	sor.u32 $0x300, s9  }
0x7f: {  	[spmem:s1] =	stream.indirect.scatter.add.f32 [tilespmem:s14], [sflag:$0x2], $0x8, s15, s31, $0xb8;
	[tilespmem:$0x194E0] =	vst v63  }
0x80: {  	s19 =	sor.u32 $0x9300, s9  }
0x81: {  	[spmem:s3] =	stream.indirect.scatter.add.f32 [tilespmem:s19], [sflag:$0x2], $0x1, s15, s31, $0xb8;
	[tilespmem:$0x194E0] =	vst v63  }
0x82: {  	_ = 	snop  }
0x83: {  	[spmem:s4] =	stream.indirect.scatter.add.f32 [tilespmem:s0], [sflag:$0x2], $0x1, s15, s31, $0xb8;
	[tilespmem:$0x194E0] =	vst v63  }
0x84: {  	s23 =	sor.u32 $0x2C00, s7;
	s28 =	sor.u32 $0x380, s9  }
0x85: {  	[spmem:s1] =	stream.indirect.scatter.add.f32 [tilespmem:s23], [sflag:$0x2], $0x8, s28, s31, $0xb8;
	[tilespmem:$0x194E0] =	vst v63  }
0x86: {  	s29 =	sor.u32 $0x9380, s9  }
0x87: {  	[spmem:s3] =	stream.indirect.scatter.add.f32 [tilespmem:s29], [sflag:$0x2], $0x1, s28, s31, $0xb8;
	[tilespmem:$0x194E0] =	vst v63  }
0x88: {  	_ = 	snop  }
0x89: {  	[spmem:s4] =	stream.indirect.scatter.add.f32 [tilespmem:s0], [sflag:$0x2], $0x1, s28, s31, $0xb8;
	[tilespmem:$0x194E0] =	vst v63  }
0x8a: {  	s14 =	sor.u32 $0x3000, s7;
	s15 =	sor.u32 $0x400, s9  }
0x8b: {  	[spmem:s1] =	stream.indirect.scatter.add.f32 [tilespmem:s14], [sflag:$0x2], $0x8, s15, s31, $0xb8;
	[tilespmem:$0x194E0] =	vst v63  }
0x8c: {  	s19 =	sor.u32 $0x9400, s9  }
0x8d: {  	[spmem:s3] =	stream.indirect.scatter.add.f32 [tilespmem:s19], [sflag:$0x2], $0x1, s15, s31, $0xb8;
	[tilespmem:$0x194E0] =	vst v63  }
0x8e: {  	_ = 	snop  }
0x8f: {  	[spmem:s4] =	stream.indirect.scatter.add.f32 [tilespmem:s0], [sflag:$0x2], $0x1, s15, s31, $0xb8;
	[tilespmem:$0x194E0] =	vst v63  }
0x90: {  	s23 =	sor.u32 $0x3400, s7;
	s28 =	sor.u32 $0x480, s9  }
0x91: {  	[spmem:s1] =	stream.indirect.scatter.add.f32 [tilespmem:s23], [sflag:$0x2], $0x8, s28, s31, $0xb8;
	[tilespmem:$0x194E0] =	vst v63  }
0x92: {  	s29 =	sor.u32 $0x9480, s9  }
0x93: {  	[spmem:s3] =	stream.indirect.scatter.add.f32 [tilespmem:s29], [sflag:$0x2], $0x1, s28, s31, $0xb8;
	[tilespmem:$0x194E0] =	vst v63  }
0x94: {  	_ = 	snop  }
0x95: {  	[spmem:s4] =	stream.indirect.scatter.add.f32 [tilespmem:s0], [sflag:$0x2], $0x1, s28, s31, $0xb8;
	[tilespmem:$0x194E0] =	vst v63  }
0x96: {  	s14 =	sor.u32 $0x3800, s7;
	s15 =	sor.u32 $0x500, s9  }
0x97: {  	[spmem:s1] =	stream.indirect.scatter.add.f32 [tilespmem:s14], [sflag:$0x2], $0x8, s15, s31, $0xb8;
	[tilespmem:$0x194E0] =	vst v63  }
0x98: {  	s19 =	sor.u32 $0x9500, s9  }
0x99: {  	[spmem:s3] =	stream.indirect.scatter.add.f32 [tilespmem:s19], [sflag:$0x2], $0x1, s15, s31, $0xb8;
	[tilespmem:$0x194E0] =	vst v63  }
0x9a: {  	_ = 	snop  }
0x9b: {  	[spmem:s4] =	stream.indirect.scatter.add.f32 [tilespmem:s0], [sflag:$0x2], $0x1, s15, s31, $0xb8;
	[tilespmem:$0x194E0] =	vst v63  }
0x9c: {  	s23 =	sor.u32 $0x3C00, s7;
	s28 =	sor.u32 $0x580, s9  }
0x9d: {  	[spmem:s1] =	stream.indirect.scatter.add.f32 [tilespmem:s23], [sflag:$0x2], $0x8, s28, s31, $0xb8;
	[tilespmem:$0x194E0] =	vst v63  }
0x9e: {  	s29 =	sor.u32 $0x9580, s9  }
0x9f: {  	[spmem:s3] =	stream.indirect.scatter.add.f32 [tilespmem:s29], [sflag:$0x2], $0x1, s28, s31, $0xb8;
	[tilespmem:$0x194E0] =	vst v63  }
0xa0: {  	_ = 	snop  }
0xa1: {  	[spmem:s4] =	stream.indirect.scatter.add.f32 [tilespmem:s0], [sflag:$0x2], $0x1, s28, s31, $0xb8;
	[tilespmem:$0x194E0] =	vst v63  }
0xa2: {  	s14 =	sadd.s32 $0x4000, s7;
	s15 =	sor.u32 $0x600, s9  }
0xa3: {  	[spmem:s1] =	stream.indirect.scatter.add.f32 [tilespmem:s14], [sflag:$0x2], $0x8, s15, s31, $0xb8;
	[tilespmem:$0x194E0] =	vst v63  }
0xa4: {  	s19 =	sor.u32 $0x9600, s9  }
0xa5: {  	[spmem:s3] =	stream.indirect.scatter.add.f32 [tilespmem:s19], [sflag:$0x2], $0x1, s15, s31, $0xb8;
	[tilespmem:$0x194E0] =	vst v63  }
0xa6: {  	_ = 	snop  }
0xa7: {  	[spmem:s4] =	stream.indirect.scatter.add.f32 [tilespmem:s0], [sflag:$0x2], $0x1, s15, s31, $0xb8;
	[tilespmem:$0x194E0] =	vst v63  }
0xa8: {  	s23 =	sadd.s32 $0x4400, s7;
	s28 =	sor.u32 $0x680, s9  }
0xa9: {  	[spmem:s1] =	stream.indirect.scatter.add.f32 [tilespmem:s23], [sflag:$0x2], $0x8, s28, s31, $0xb8;
	[tilespmem:$0x194E0] =	vst v63  }
0xaa: {  	s29 =	sor.u32 $0x9680, s9  }
0xab: {  	[spmem:s3] =	stream.indirect.scatter.add.f32 [tilespmem:s29], [sflag:$0x2], $0x1, s28, s31, $0xb8;
	[tilespmem:$0x194E0] =	vst v63  }
0xac: {  	_ = 	snop  }
0xad: {  	[spmem:s4] =	stream.indirect.scatter.add.f32 [tilespmem:s0], [sflag:$0x2], $0x1, s28, s31, $0xb8;
	[tilespmem:$0x194E0] =	vst v63  }
0xae: {  	s19 =	sor.u32 $0x700, s9;
	s15 =	sadd.s32 $0x4800, s7  }
0xaf: {  	[spmem:s1] =	stream.indirect.scatter.add.f32 [tilespmem:s15], [sflag:$0x2], $0x8, s19, s31, $0xb8;
	[tilespmem:$0x194E0] =	vst v63  }
0xb0: {  	s23 =	sor.u32 $0x9700, s9  }
0xb1: {  	[spmem:s3] =	stream.indirect.scatter.add.f32 [tilespmem:s23], [sflag:$0x2], $0x1, s19, s31, $0xb8;
	[tilespmem:$0x194E0] =	vst v63  }
0xb2: {  	_ = 	snop  }
0xb3: {  	[spmem:s4] =	stream.indirect.scatter.add.f32 [tilespmem:s0], [sflag:$0x2], $0x1, s19, s31, $0xb8;
	[tilespmem:$0x194E0] =	vst v63  }
0xb4: {  	s7 =	sadd.s32 $0x4C00, s7;
	s28 =	sor.u32 $0x780, s9  }
0xb5: {  	[spmem:s1] =	stream.indirect.scatter.add.f32 [tilespmem:s7], [sflag:$0x2], $0x8, s28, s31, $0xb8;
	[tilespmem:$0x194E0] =	vst v63  }
0xb6: {  	s29 =	sor.u32 $0x9780, s9  }
0xb7: {  	[spmem:s3] =	stream.indirect.scatter.add.f32 [tilespmem:s29], [sflag:$0x2], $0x1, s28, s31, $0xb8;
	[tilespmem:$0x194E0] =	vst v63  }
0xb8: {  	_ = 	snop  }
0xb9: {  	[spmem:s4] =	stream.indirect.scatter.add.f32 [tilespmem:s0], [sflag:$0x2], $0x1, s28, s31, $0xb8;
	[tilespmem:$0x194E0] =	vst v63  }
0xba: {  	_ =	swait.ge [sflag:s2], $0x400  }
0xbb: {  	[sflag:s2] =	ssyncset.done $0x0  }
0xbc: {  	[sflag:s2] =	ssyncadd.s32 $0xFFFFFC00  }
0xbd: {  	_ =	swait.ge [sflag:s2], $0x80  }
0xbe: {  	[sflag:s2] =	ssyncset.done $0x0  }
0xbf: {  	[sflag:s2] =	ssyncadd.s32 $0xFFFFFF80  }
0xc0: {  	_ =	swait.ge [sflag:s2], $0x80  }
0xc1: {  	[sflag:s2] =	ssyncset.done $0x0  }
0xc2: {  	[sflag:s2] =	ssyncadd.s32 $0xFFFFFF80  }
0xc3: {  	_ =	swait.ge [sflag:s2], $0x400  }
0xc4: {  	[sflag:s2] =	ssyncset.done $0x0  }
0xc5: {  	[sflag:s2] =	ssyncadd.s32 $0xFFFFFC00  }
0xc6: {  	_ =	swait.ge [sflag:s2], $0x80  }
0xc7: {  	[sflag:s2] =	ssyncset.done $0x0  }
0xc8: {  	[sflag:s2] =	ssyncadd.s32 $0xFFFFFF80  }
0xc9: {  	_ =	swait.ge [sflag:s2], $0x80  }
0xca: {  	[sflag:s2] =	ssyncset.done $0x0  }
0xcb: {  	[sflag:s2] =	ssyncadd.s32 $0xFFFFFF80  }
0xcc: {  	_ =	swait.ge [sflag:s2], $0x400  }
0xcd: {  	[sflag:s2] =	ssyncset.done $0x0  }
0xce: {  	[sflag:s2] =	ssyncadd.s32 $0xFFFFFC00  }
0xcf: {  	_ =	swait.ge [sflag:s2], $0x80  }
0xd0: {  	[sflag:s2] =	ssyncset.done $0x0  }
0xd1: {  	[sflag:s2] =	ssyncadd.s32 $0xFFFFFF80  }
0xd2: {  	_ =	swait.ge [sflag:s2], $0x80  }
0xd3: {  	[sflag:s2] =	ssyncset.done $0x0  }
0xd4: {  	[sflag:s2] =	ssyncadd.s32 $0xFFFFFF80  }
0xd5: {  	_ =	swait.ge [sflag:s2], $0x400  }
0xd6: {  	[sflag:s2] =	ssyncset.done $0x0  }
0xd7: {  	[sflag:s2] =	ssyncadd.s32 $0xFFFFFC00  }
0xd8: {  	_ =	swait.ge [sflag:s2], $0x80  }
0xd9: {  	[sflag:s2] =	ssyncset.done $0x0  }
0xda: {  	[sflag:s2] =	ssyncadd.s32 $0xFFFFFF80  }
0xdb: {  	_ =	swait.ge [sflag:s2], $0x80  }
0xdc: {  	[sflag:s2] =	ssyncset.done $0x0  }
0xdd: {  	[sflag:s2] =	ssyncadd.s32 $0xFFFFFF80  }
0xde: {  	_ =	swait.ge [sflag:s2], $0x400  }
0xdf: {  	[sflag:s2] =	ssyncset.done $0x0  }
0xe0: {  	[sflag:s2] =	ssyncadd.s32 $0xFFFFFC00  }
0xe1: {  	_ =	swait.ge [sflag:s2], $0x80  }
0xe2: {  	[sflag:s2] =	ssyncset.done $0x0  }
0xe3: {  	[sflag:s2] =	ssyncadd.s32 $0xFFFFFF80  }
0xe4: {  	_ =	swait.ge [sflag:s2], $0x80  }
0xe5: {  	[sflag:s2] =	ssyncset.done $0x0  }
0xe6: {  	[sflag:s2] =	ssyncadd.s32 $0xFFFFFF80  }
0xe7: {  	_ =	swait.ge [sflag:s2], $0x400  }
0xe8: {  	[sflag:s2] =	ssyncset.done $0x0  }
0xe9: {  	[sflag:s2] =	ssyncadd.s32 $0xFFFFFC00  }
0xea: {  	_ =	swait.ge [sflag:s2], $0x80  }
0xeb: {  	[sflag:s2] =	ssyncset.done $0x0  }
0xec: {  	[sflag:s2] =	ssyncadd.s32 $0xFFFFFF80  }
0xed: {  	_ =	swait.ge [sflag:s2], $0x80  }
0xee: {  	[sflag:s2] =	ssyncset.done $0x0  }
0xef: {  	[sflag:s2] =	ssyncadd.s32 $0xFFFFFF80  }
0xf0: {  	_ =	swait.ge [sflag:s2], $0x400  }
0xf1: {  	[sflag:s2] =	ssyncset.done $0x0  }
0xf2: {  	[sflag:s2] =	ssyncadd.s32 $0xFFFFFC00  }
0xf3: {  	_ =	swait.ge [sflag:s2], $0x80  }
0xf4: {  	[sflag:s2] =	ssyncset.done $0x0  }
0xf5: {  	[sflag:s2] =	ssyncadd.s32 $0xFFFFFF80  }
0xf6: {  	_ =	swait.ge [sflag:s2], $0x80  }
0xf7: {  	[sflag:s2] =	ssyncset.done $0x0  }
0xf8: {  	[sflag:s2] =	ssyncadd.s32 $0xFFFFFF80  }
0xf9: {  	_ =	swait.ge [sflag:s2], $0x400  }
0xfa: {  	[sflag:s2] =	ssyncset.done $0x0  }
0xfb: {  	[sflag:s2] =	ssyncadd.s32 $0xFFFFFC00  }
0xfc: {  	_ =	swait.ge [sflag:s2], $0x80  }
0xfd: {  	[sflag:s2] =	ssyncset.done $0x0  }
0xfe: {  	[sflag:s2] =	ssyncadd.s32 $0xFFFFFF80  }
0xff: {  	_ =	swait.ge [sflag:s2], $0x80  }
0x100: {  	[sflag:s2] =	ssyncset.done $0x0  }
0x101: {  	[sflag:s2] =	ssyncadd.s32 $0xFFFFFF80  }
0x102: {  	_ =	swait.ge [sflag:s2], $0x400  }
0x103: {  	[sflag:s2] =	ssyncset.done $0x0  }
0x104: {  	[sflag:s2] =	ssyncadd.s32 $0xFFFFFC00  }
0x105: {  	_ =	swait.ge [sflag:s2], $0x80  }
0x106: {  	[sflag:s2] =	ssyncset.done $0x0  }
0x107: {  	[sflag:s2] =	ssyncadd.s32 $0xFFFFFF80  }
0x108: {  	_ =	swait.ge [sflag:s2], $0x80  }
0x109: {  	[sflag:s2] =	ssyncset.done $0x0  }
0x10a: {  	[sflag:s2] =	ssyncadd.s32 $0xFFFFFF80  }
0x10b: {  	_ =	swait.ge [sflag:s2], $0x400  }
0x10c: {  	[sflag:s2] =	ssyncset.done $0x0  }
0x10d: {  	[sflag:s2] =	ssyncadd.s32 $0xFFFFFC00  }
0x10e: {  	_ =	swait.ge [sflag:s2], $0x80  }
0x10f: {  	[sflag:s2] =	ssyncset.done $0x0  }
0x110: {  	[sflag:s2] =	ssyncadd.s32 $0xFFFFFF80  }
0x111: {  	_ =	swait.ge [sflag:s2], $0x80  }
0x112: {  	[sflag:s2] =	ssyncset.done $0x0  }
0x113: {  	[sflag:s2] =	ssyncadd.s32 $0xFFFFFF80  }
0x114: {  	_ =	swait.ge [sflag:s2], $0x400  }
0x115: {  	[sflag:s2] =	ssyncset.done $0x0  }
0x116: {  	[sflag:s2] =	ssyncadd.s32 $0xFFFFFC00  }
0x117: {  	_ =	swait.ge [sflag:s2], $0x80  }
0x118: {  	[sflag:s2] =	ssyncset.done $0x0  }
0x119: {  	[sflag:s2] =	ssyncadd.s32 $0xFFFFFF80  }
0x11a: {  	_ =	swait.ge [sflag:s2], $0x80  }
0x11b: {  	[sflag:s2] =	ssyncset.done $0x0  }
0x11c: {  	[sflag:s2] =	ssyncadd.s32 $0xFFFFFF80  }
0x11d: {  	_ =	swait.ge [sflag:s2], $0x400  }
0x11e: {  	[sflag:s2] =	ssyncset.done $0x0  }
0x11f: {  	[sflag:s2] =	ssyncadd.s32 $0xFFFFFC00  }
0x120: {  	_ =	swait.ge [sflag:s2], $0x80  }
0x121: {  	[sflag:s2] =	ssyncset.done $0x0  }
0x122: {  	[sflag:s2] =	ssyncadd.s32 $0xFFFFFF80  }
0x123: {  	_ =	swait.ge [sflag:s2], $0x80  }
0x124: {  	[sflag:s2] =	ssyncset.done $0x0  }
0x125: {  	[sflag:s2] =	ssyncadd.s32 $0xFFFFFF80  }
0x126: {  	_ =	swait.ge [sflag:s2], $0x400  }
0x127: {  	[sflag:s2] =	ssyncset.done $0x0  }
0x128: {  	[sflag:s2] =	ssyncadd.s32 $0xFFFFFC00  }
0x129: {  	_ =	swait.ge [sflag:s2], $0x80  }
0x12a: {  	[sflag:s2] =	ssyncset.done $0x0  }
0x12b: {  	[sflag:s2] =	ssyncadd.s32 $0xFFFFFF80  }
0x12c: {  	_ =	swait.ge [sflag:s2], $0x80  }
0x12d: {  	[sflag:s2] =	ssyncset.done $0x0  }
0x12e: {  	[sflag:s2] =	ssyncadd.s32 $0xFFFFFF80  }
0x12f: {  	_ =	swait.ge [sflag:s2], $0x400  }
0x130: {  	[sflag:s2] =	ssyncset.done $0x0  }
0x131: {  	[sflag:s2] =	ssyncadd.s32 $0xFFFFFC00  }
0x132: {  	_ =	swait.ge [sflag:s2], $0x80  }
0x133: {  	[sflag:s2] =	ssyncset.done $0x0  }
0x134: {  	[sflag:s2] =	ssyncadd.s32 $0xFFFFFF80  }
0x135: {  	_ =	swait.ge [sflag:s2], $0x80  }
0x136: {  	[sflag:s2] =	ssyncset.done $0x0  }
0x137: {  	[sflag:s2] =	ssyncadd.s32 $0xFFFFFF80  }
0x138: {  	_ =	swait.ge [sflag:s2], $0x400  }
0x139: {  	[sflag:s2] =	ssyncset.done $0x0  }
0x13a: {  	[sflag:s2] =	ssyncadd.s32 $0xFFFFFC00  }
0x13b: {  	_ =	swait.ge [sflag:s2], $0x80  }
0x13c: {  	[sflag:s2] =	ssyncset.done $0x0  }
0x13d: {  	[sflag:s2] =	ssyncadd.s32 $0xFFFFFF80  }
0x13e: {  	_ =	swait.ge [sflag:s2], $0x80  }
0x13f: {  	[sflag:s2] =	ssyncset.done $0x0  }
0x140: {  	[sflag:s2] =	ssyncadd.s32 $0xFFFFFF80  }
0x141: {  	_ =	swait.ge [sflag:s2], $0x400  }
0x142: {  	[sflag:s2] =	ssyncset.done $0x0  }
0x143: {  	p1 =	sne.s32 s10, $0x1;
	[sflag:s2] =	ssyncadd.s32 $0xFFFFFC00  }
.Ltmp2:
0x144: {  	_ =	swait.ge [sflag:s2], $0x80;
	(pc) =	sbr.rel @!p1 .LBB2_3-.Ltmp2, $4  }
0x145: {  	[sflag:s2] =	ssyncset.done $0x0  }
0x146: {  	[sflag:s2] =	ssyncadd.s32 $0xFFFFFF80  }
0x147: {  	s12 =	sadd.s32 $0x100, s25;
	s9 =	sadd.s32 $0x100, s24;
	_ =	swait.ge [sflag:s2], $0x80  }
0x148: {  	s23 =	smov.u32 s13;
	s7 =	simm.s32 $0x1;
	[sflag:s2] =	ssyncset.done $0x0  }
.LBB2_2:
0x149: {  	[sflag:s2] =	ssyncadd.s32 $0xFFFFFF80  }
0x14a: {  	s23 =	sadd.s32 $0x800, s23;
	s14 =	smov.u32 s7;
	s7 =	sadd.s32 $0x1, s7  }
0x14b: {  	_ =	swait.ge [sflag:s30], $0x800;
	p1 =	sne.s32 s10, s7  }
0x14c: {  	[sflag:s30] =	ssyncset.done $0x0  }
0x14d: {  	[sflag:s30] =	ssyncadd.s32 $0xFFFFF800  }
0x14e: {  	_ =	swait.ge [sflag:s30], $0x4000  }
0x14f: {  	[sflag:s30] =	ssyncset.done $0x0  }
0x150: {  	[sflag:s30] =	ssyncadd.s32 $0xFFFFC000  }
0x151: {  	s15 =	sand.u32 $0x1, s14;
	p2 =	sge.u32 s7, s10;
	_ =	swait.ge [sflag:s30], $0x800  }
0x152: {  	s14 =	sxor.u32 @!p2 $0x1, s15;
	s28 =	simm.s32 @!p2 $0x0;
	[sflag:s30] =	ssyncset.done $0x0  }
0x153: {  	s29 =	sshll.u32 @!p2 s14, $0xB;
	s14 =	sshll.u32 @!p2 s14, $0xE;
	[sflag:s30] =	ssyncadd.s32 $0xFFFFF800  }
0x154: {  	[tilespmem:s29], [sflag:$0x1] =	stream.linear.gather @!p2 [hbm4b:s12+s28], $0x800, $0x38;
	[tilespmem:$0x194E0] =	vst v63  }
0x155: {  	s19 =	sor.u32 @!p2 $0x1000, s14;
	s14 =	sshll.u32 s15, $0xE;
	s29 =	sor.u32 @!p2 $0x9000, s29  }
0x156: {  	[tilespmem:s19], [sflag:$0x1] =	stream.linear.gather @!p2 [hbm4b:s23+s28], $0x4000, $0x38;
	[tilespmem:$0x194E0] =	vst v63  }
0x157: {  	_ = 	snop  }
0x158: {  	[tilespmem:s29], [sflag:$0x1] =	stream.linear.gather @!p2 [hbm4b:s9+s28], $0x800, $0x38;
	[tilespmem:$0x194E0] =	vst v63  }
0x159: {  	s15 =	sshll.u32 s15, $0xB;
	s19 =	sor.u32 $0x1000, s14  }
0x15a: {  	[spmem:s1] =	stream.indirect.scatter.add.f32 [tilespmem:s19], [sflag:$0x2], $0x8, s15, s31, $0xb8;
	[tilespmem:$0x194E0] =	vst v63  }
0x15b: {  	s19 =	sor.u32 $0x9000, s15  }
0x15c: {  	[spmem:s3] =	stream.indirect.scatter.add.f32 [tilespmem:s19], [sflag:$0x2], $0x1, s15, s31, $0xb8;
	[tilespmem:$0x194E0] =	vst v63  }
0x15d: {  	_ = 	snop  }
0x15e: {  	[spmem:s4] =	stream.indirect.scatter.add.f32 [tilespmem:s0], [sflag:$0x2], $0x1, s15, s31, $0xb8;
	[tilespmem:$0x194E0] =	vst v63  }
0x15f: {  	s28 =	sor.u32 $0x80, s15;
	s19 =	sor.u32 $0x1400, s14  }
0x160: {  	[spmem:s1] =	stream.indirect.scatter.add.f32 [tilespmem:s19], [sflag:$0x2], $0x8, s28, s31, $0xb8;
	[tilespmem:$0x194E0] =	vst v63  }
0x161: {  	s19 =	sor.u32 $0x9080, s15  }
0x162: {  	[spmem:s3] =	stream.indirect.scatter.add.f32 [tilespmem:s19], [sflag:$0x2], $0x1, s28, s31, $0xb8;
	[tilespmem:$0x194E0] =	vst v63  }
0x163: {  	_ = 	snop  }
0x164: {  	[spmem:s4] =	stream.indirect.scatter.add.f32 [tilespmem:s0], [sflag:$0x2], $0x1, s28, s31, $0xb8;
	[tilespmem:$0x194E0] =	vst v63  }
0x165: {  	s19 =	sor.u32 $0x1800, s14;
	s28 =	sor.u32 $0x100, s15  }
0x166: {  	[spmem:s1] =	stream.indirect.scatter.add.f32 [tilespmem:s19], [sflag:$0x2], $0x8, s28, s31, $0xb8;
	[tilespmem:$0x194E0] =	vst v63  }
0x167: {  	s19 =	sor.u32 $0x9100, s15  }
0x168: {  	[spmem:s3] =	stream.indirect.scatter.add.f32 [tilespmem:s19], [sflag:$0x2], $0x1, s28, s31, $0xb8;
	[tilespmem:$0x194E0] =	vst v63  }
0x169: {  	_ = 	snop  }
0x16a: {  	[spmem:s4] =	stream.indirect.scatter.add.f32 [tilespmem:s0], [sflag:$0x2], $0x1, s28, s31, $0xb8;
	[tilespmem:$0x194E0] =	vst v63  }
0x16b: {  	s19 =	sor.u32 $0x1C00, s14;
	s28 =	sor.u32 $0x180, s15  }
0x16c: {  	[spmem:s1] =	stream.indirect.scatter.add.f32 [tilespmem:s19], [sflag:$0x2], $0x8, s28, s31, $0xb8;
	[tilespmem:$0x194E0] =	vst v63  }
0x16d: {  	s19 =	sor.u32 $0x9180, s15  }
0x16e: {  	[spmem:s3] =	stream.indirect.scatter.add.f32 [tilespmem:s19], [sflag:$0x2], $0x1, s28, s31, $0xb8;
	[tilespmem:$0x194E0] =	vst v63  }
0x16f: {  	_ = 	snop  }
0x170: {  	[spmem:s4] =	stream.indirect.scatter.add.f32 [tilespmem:s0], [sflag:$0x2], $0x1, s28, s31, $0xb8;
	[tilespmem:$0x194E0] =	vst v63  }
0x171: {  	s19 =	sor.u32 $0x2000, s14;
	s28 =	sor.u32 $0x200, s15  }
0x172: {  	[spmem:s1] =	stream.indirect.scatter.add.f32 [tilespmem:s19], [sflag:$0x2], $0x8, s28, s31, $0xb8;
	[tilespmem:$0x194E0] =	vst v63  }
0x173: {  	s19 =	sor.u32 $0x9200, s15  }
0x174: {  	[spmem:s3] =	stream.indirect.scatter.add.f32 [tilespmem:s19], [sflag:$0x2], $0x1, s28, s31, $0xb8;
	[tilespmem:$0x194E0] =	vst v63  }
0x175: {  	_ = 	snop  }
0x176: {  	[spmem:s4] =	stream.indirect.scatter.add.f32 [tilespmem:s0], [sflag:$0x2], $0x1, s28, s31, $0xb8;
	[tilespmem:$0x194E0] =	vst v63  }
0x177: {  	s19 =	sor.u32 $0x2400, s14;
	s28 =	sor.u32 $0x280, s15  }
0x178: {  	[spmem:s1] =	stream.indirect.scatter.add.f32 [tilespmem:s19], [sflag:$0x2], $0x8, s28, s31, $0xb8;
	[tilespmem:$0x194E0] =	vst v63  }
0x179: {  	s19 =	sor.u32 $0x9280, s15  }
0x17a: {  	[spmem:s3] =	stream.indirect.scatter.add.f32 [tilespmem:s19], [sflag:$0x2], $0x1, s28, s31, $0xb8;
	[tilespmem:$0x194E0] =	vst v63  }
0x17b: {  	_ = 	snop  }
0x17c: {  	[spmem:s4] =	stream.indirect.scatter.add.f32 [tilespmem:s0], [sflag:$0x2], $0x1, s28, s31, $0xb8;
	[tilespmem:$0x194E0] =	vst v63  }
0x17d: {  	s19 =	sor.u32 $0x2800, s14;
	s28 =	sor.u32 $0x300, s15  }
0x17e: {  	[spmem:s1] =	stream.indirect.scatter.add.f32 [tilespmem:s19], [sflag:$0x2], $0x8, s28, s31, $0xb8;
	[tilespmem:$0x194E0] =	vst v63  }
0x17f: {  	s19 =	sor.u32 $0x9300, s15  }
0x180: {  	[spmem:s3] =	stream.indirect.scatter.add.f32 [tilespmem:s19], [sflag:$0x2], $0x1, s28, s31, $0xb8;
	[tilespmem:$0x194E0] =	vst v63  }
0x181: {  	_ = 	snop  }
0x182: {  	[spmem:s4] =	stream.indirect.scatter.add.f32 [tilespmem:s0], [sflag:$0x2], $0x1, s28, s31, $0xb8;
	[tilespmem:$0x194E0] =	vst v63  }
0x183: {  	s19 =	sor.u32 $0x2C00, s14;
	s28 =	sor.u32 $0x380, s15  }
0x184: {  	[spmem:s1] =	stream.indirect.scatter.add.f32 [tilespmem:s19], [sflag:$0x2], $0x8, s28, s31, $0xb8;
	[tilespmem:$0x194E0] =	vst v63  }
0x185: {  	s19 =	sor.u32 $0x9380, s15  }
0x186: {  	[spmem:s3] =	stream.indirect.scatter.add.f32 [tilespmem:s19], [sflag:$0x2], $0x1, s28, s31, $0xb8;
	[tilespmem:$0x194E0] =	vst v63  }
0x187: {  	_ = 	snop  }
0x188: {  	[spmem:s4] =	stream.indirect.scatter.add.f32 [tilespmem:s0], [sflag:$0x2], $0x1, s28, s31, $0xb8;
	[tilespmem:$0x194E0] =	vst v63  }
0x189: {  	s19 =	sor.u32 $0x3000, s14;
	s28 =	sor.u32 $0x400, s15  }
0x18a: {  	[spmem:s1] =	stream.indirect.scatter.add.f32 [tilespmem:s19], [sflag:$0x2], $0x8, s28, s31, $0xb8;
	[tilespmem:$0x194E0] =	vst v63  }
0x18b: {  	s19 =	sor.u32 $0x9400, s15  }
0x18c: {  	[spmem:s3] =	stream.indirect.scatter.add.f32 [tilespmem:s19], [sflag:$0x2], $0x1, s28, s31, $0xb8;
	[tilespmem:$0x194E0] =	vst v63  }
0x18d: {  	_ = 	snop  }
0x18e: {  	[spmem:s4] =	stream.indirect.scatter.add.f32 [tilespmem:s0], [sflag:$0x2], $0x1, s28, s31, $0xb8;
	[tilespmem:$0x194E0] =	vst v63  }
0x18f: {  	s19 =	sor.u32 $0x3400, s14;
	s28 =	sor.u32 $0x480, s15  }
0x190: {  	[spmem:s1] =	stream.indirect.scatter.add.f32 [tilespmem:s19], [sflag:$0x2], $0x8, s28, s31, $0xb8;
	[tilespmem:$0x194E0] =	vst v63  }
0x191: {  	s19 =	sor.u32 $0x9480, s15  }
0x192: {  	[spmem:s3] =	stream.indirect.scatter.add.f32 [tilespmem:s19], [sflag:$0x2], $0x1, s28, s31, $0xb8;
	[tilespmem:$0x194E0] =	vst v63  }
0x193: {  	_ = 	snop  }
0x194: {  	[spmem:s4] =	stream.indirect.scatter.add.f32 [tilespmem:s0], [sflag:$0x2], $0x1, s28, s31, $0xb8;
	[tilespmem:$0x194E0] =	vst v63  }
0x195: {  	s19 =	sor.u32 $0x3800, s14;
	s28 =	sor.u32 $0x500, s15  }
0x196: {  	[spmem:s1] =	stream.indirect.scatter.add.f32 [tilespmem:s19], [sflag:$0x2], $0x8, s28, s31, $0xb8;
	[tilespmem:$0x194E0] =	vst v63  }
0x197: {  	s19 =	sor.u32 $0x9500, s15  }
0x198: {  	[spmem:s3] =	stream.indirect.scatter.add.f32 [tilespmem:s19], [sflag:$0x2], $0x1, s28, s31, $0xb8;
	[tilespmem:$0x194E0] =	vst v63  }
0x199: {  	_ = 	snop  }
0x19a: {  	[spmem:s4] =	stream.indirect.scatter.add.f32 [tilespmem:s0], [sflag:$0x2], $0x1, s28, s31, $0xb8;
	[tilespmem:$0x194E0] =	vst v63  }
0x19b: {  	s19 =	sor.u32 $0x3C00, s14;
	s28 =	sor.u32 $0x580, s15  }
0x19c: {  	[spmem:s1] =	stream.indirect.scatter.add.f32 [tilespmem:s19], [sflag:$0x2], $0x8, s28, s31, $0xb8;
	[tilespmem:$0x194E0] =	vst v63  }
0x19d: {  	s19 =	sor.u32 $0x9580, s15  }
0x19e: {  	[spmem:s3] =	stream.indirect.scatter.add.f32 [tilespmem:s19], [sflag:$0x2], $0x1, s28, s31, $0xb8;
	[tilespmem:$0x194E0] =	vst v63  }
0x19f: {  	_ = 	snop  }
0x1a0: {  	[spmem:s4] =	stream.indirect.scatter.add.f32 [tilespmem:s0], [sflag:$0x2], $0x1, s28, s31, $0xb8;
	[tilespmem:$0x194E0] =	vst v63  }
0x1a1: {  	s19 =	sadd.s32 $0x4000, s14;
	s28 =	sor.u32 $0x600, s15  }
0x1a2: {  	[spmem:s1] =	stream.indirect.scatter.add.f32 [tilespmem:s19], [sflag:$0x2], $0x8, s28, s31, $0xb8;
	[tilespmem:$0x194E0] =	vst v63  }
0x1a3: {  	s19 =	sor.u32 $0x9600, s15  }
0x1a4: {  	[spmem:s3] =	stream.indirect.scatter.add.f32 [tilespmem:s19], [sflag:$0x2], $0x1, s28, s31, $0xb8;
	[tilespmem:$0x194E0] =	vst v63  }
0x1a5: {  	_ = 	snop  }
0x1a6: {  	[spmem:s4] =	stream.indirect.scatter.add.f32 [tilespmem:s0], [sflag:$0x2], $0x1, s28, s31, $0xb8;
	[tilespmem:$0x194E0] =	vst v63  }
0x1a7: {  	s19 =	sadd.s32 $0x4400, s14;
	s28 =	sor.u32 $0x680, s15  }
0x1a8: {  	[spmem:s1] =	stream.indirect.scatter.add.f32 [tilespmem:s19], [sflag:$0x2], $0x8, s28, s31, $0xb8;
	[tilespmem:$0x194E0] =	vst v63  }
0x1a9: {  	s19 =	sor.u32 $0x9680, s15  }
0x1aa: {  	[spmem:s3] =	stream.indirect.scatter.add.f32 [tilespmem:s19], [sflag:$0x2], $0x1, s28, s31, $0xb8;
	[tilespmem:$0x194E0] =	vst v63  }
0x1ab: {  	_ = 	snop  }
0x1ac: {  	[spmem:s4] =	stream.indirect.scatter.add.f32 [tilespmem:s0], [sflag:$0x2], $0x1, s28, s31, $0xb8;
	[tilespmem:$0x194E0] =	vst v63  }
0x1ad: {  	s19 =	sadd.s32 $0x4800, s14;
	s28 =	sor.u32 $0x700, s15  }
0x1ae: {  	[spmem:s1] =	stream.indirect.scatter.add.f32 [tilespmem:s19], [sflag:$0x2], $0x8, s28, s31, $0xb8;
	[tilespmem:$0x194E0] =	vst v63  }
0x1af: {  	s19 =	sor.u32 $0x9700, s15  }
0x1b0: {  	[spmem:s3] =	stream.indirect.scatter.add.f32 [tilespmem:s19], [sflag:$0x2], $0x1, s28, s31, $0xb8;
	[tilespmem:$0x194E0] =	vst v63  }
0x1b1: {  	_ = 	snop  }
0x1b2: {  	[spmem:s4] =	stream.indirect.scatter.add.f32 [tilespmem:s0], [sflag:$0x2], $0x1, s28, s31, $0xb8;
	[tilespmem:$0x194E0] =	vst v63  }
0x1b3: {  	s14 =	sadd.s32 $0x4C00, s14;
	s19 =	sor.u32 $0x780, s15  }
0x1b4: {  	[spmem:s1] =	stream.indirect.scatter.add.f32 [tilespmem:s14], [sflag:$0x2], $0x8, s19, s31, $0xb8;
	[tilespmem:$0x194E0] =	vst v63  }
0x1b5: {  	s14 =	sor.u32 $0x9780, s15  }
0x1b6: {  	[spmem:s3] =	stream.indirect.scatter.add.f32 [tilespmem:s14], [sflag:$0x2], $0x1, s19, s31, $0xb8;
	[tilespmem:$0x194E0] =	vst v63  }
0x1b7: {  	_ = 	snop  }
0x1b8: {  	[spmem:s4] =	stream.indirect.scatter.add.f32 [tilespmem:s0], [sflag:$0x2], $0x1, s19, s31, $0xb8;
	[tilespmem:$0x194E0] =	vst v63  }
0x1b9: {  	_ =	swait.ge [sflag:s2], $0x400  }
0x1ba: {  	[sflag:s2] =	ssyncset.done $0x0  }
0x1bb: {  	[sflag:s2] =	ssyncadd.s32 $0xFFFFFC00  }
0x1bc: {  	_ =	swait.ge [sflag:s2], $0x80  }
0x1bd: {  	[sflag:s2] =	ssyncset.done $0x0  }
0x1be: {  	[sflag:s2] =	ssyncadd.s32 $0xFFFFFF80  }
0x1bf: {  	_ =	swait.ge [sflag:s2], $0x80  }
0x1c0: {  	[sflag:s2] =	ssyncset.done $0x0  }
0x1c1: {  	[sflag:s2] =	ssyncadd.s32 $0xFFFFFF80  }
0x1c2: {  	_ =	swait.ge [sflag:s2], $0x400  }
0x1c3: {  	[sflag:s2] =	ssyncset.done $0x0  }
0x1c4: {  	[sflag:s2] =	ssyncadd.s32 $0xFFFFFC00  }
0x1c5: {  	_ =	swait.ge [sflag:s2], $0x80  }
0x1c6: {  	[sflag:s2] =	ssyncset.done $0x0  }
0x1c7: {  	[sflag:s2] =	ssyncadd.s32 $0xFFFFFF80  }
0x1c8: {  	_ =	swait.ge [sflag:s2], $0x80  }
0x1c9: {  	[sflag:s2] =	ssyncset.done $0x0  }
0x1ca: {  	[sflag:s2] =	ssyncadd.s32 $0xFFFFFF80  }
0x1cb: {  	_ =	swait.ge [sflag:s2], $0x400  }
0x1cc: {  	[sflag:s2] =	ssyncset.done $0x0  }
0x1cd: {  	[sflag:s2] =	ssyncadd.s32 $0xFFFFFC00  }
0x1ce: {  	_ =	swait.ge [sflag:s2], $0x80  }
0x1cf: {  	[sflag:s2] =	ssyncset.done $0x0  }
0x1d0: {  	[sflag:s2] =	ssyncadd.s32 $0xFFFFFF80  }
0x1d1: {  	_ =	swait.ge [sflag:s2], $0x80  }
0x1d2: {  	[sflag:s2] =	ssyncset.done $0x0  }
0x1d3: {  	[sflag:s2] =	ssyncadd.s32 $0xFFFFFF80  }
0x1d4: {  	_ =	swait.ge [sflag:s2], $0x400  }
0x1d5: {  	[sflag:s2] =	ssyncset.done $0x0  }
0x1d6: {  	[sflag:s2] =	ssyncadd.s32 $0xFFFFFC00  }
0x1d7: {  	_ =	swait.ge [sflag:s2], $0x80  }
0x1d8: {  	[sflag:s2] =	ssyncset.done $0x0  }
0x1d9: {  	[sflag:s2] =	ssyncadd.s32 $0xFFFFFF80  }
0x1da: {  	_ =	swait.ge [sflag:s2], $0x80  }
0x1db: {  	[sflag:s2] =	ssyncset.done $0x0  }
0x1dc: {  	[sflag:s2] =	ssyncadd.s32 $0xFFFFFF80  }
0x1dd: {  	_ =	swait.ge [sflag:s2], $0x400  }
0x1de: {  	[sflag:s2] =	ssyncset.done $0x0  }
0x1df: {  	[sflag:s2] =	ssyncadd.s32 $0xFFFFFC00  }
0x1e0: {  	_ =	swait.ge [sflag:s2], $0x80  }
0x1e1: {  	[sflag:s2] =	ssyncset.done $0x0  }
0x1e2: {  	[sflag:s2] =	ssyncadd.s32 $0xFFFFFF80  }
0x1e3: {  	_ =	swait.ge [sflag:s2], $0x80  }
0x1e4: {  	[sflag:s2] =	ssyncset.done $0x0  }
0x1e5: {  	[sflag:s2] =	ssyncadd.s32 $0xFFFFFF80  }
0x1e6: {  	_ =	swait.ge [sflag:s2], $0x400  }
0x1e7: {  	[sflag:s2] =	ssyncset.done $0x0  }
0x1e8: {  	[sflag:s2] =	ssyncadd.s32 $0xFFFFFC00  }
0x1e9: {  	_ =	swait.ge [sflag:s2], $0x80  }
0x1ea: {  	[sflag:s2] =	ssyncset.done $0x0  }
0x1eb: {  	[sflag:s2] =	ssyncadd.s32 $0xFFFFFF80  }
0x1ec: {  	_ =	swait.ge [sflag:s2], $0x80  }
0x1ed: {  	[sflag:s2] =	ssyncset.done $0x0  }
0x1ee: {  	[sflag:s2] =	ssyncadd.s32 $0xFFFFFF80  }
0x1ef: {  	_ =	swait.ge [sflag:s2], $0x400  }
0x1f0: {  	[sflag:s2] =	ssyncset.done $0x0  }
0x1f1: {  	[sflag:s2] =	ssyncadd.s32 $0xFFFFFC00  }
0x1f2: {  	_ =	swait.ge [sflag:s2], $0x80  }
0x1f3: {  	[sflag:s2] =	ssyncset.done $0x0  }
0x1f4: {  	[sflag:s2] =	ssyncadd.s32 $0xFFFFFF80  }
0x1f5: {  	_ =	swait.ge [sflag:s2], $0x80  }
0x1f6: {  	[sflag:s2] =	ssyncset.done $0x0  }
0x1f7: {  	[sflag:s2] =	ssyncadd.s32 $0xFFFFFF80  }
0x1f8: {  	_ =	swait.ge [sflag:s2], $0x400  }
0x1f9: {  	[sflag:s2] =	ssyncset.done $0x0  }
0x1fa: {  	[sflag:s2] =	ssyncadd.s32 $0xFFFFFC00  }
0x1fb: {  	_ =	swait.ge [sflag:s2], $0x80  }
0x1fc: {  	[sflag:s2] =	ssyncset.done $0x0  }
0x1fd: {  	[sflag:s2] =	ssyncadd.s32 $0xFFFFFF80  }
0x1fe: {  	_ =	swait.ge [sflag:s2], $0x80  }
0x1ff: {  	[sflag:s2] =	ssyncset.done $0x0  }
0x200: {  	[sflag:s2] =	ssyncadd.s32 $0xFFFFFF80  }
0x201: {  	_ =	swait.ge [sflag:s2], $0x400  }
0x202: {  	[sflag:s2] =	ssyncset.done $0x0  }
0x203: {  	[sflag:s2] =	ssyncadd.s32 $0xFFFFFC00  }
0x204: {  	_ =	swait.ge [sflag:s2], $0x80  }
0x205: {  	[sflag:s2] =	ssyncset.done $0x0  }
0x206: {  	[sflag:s2] =	ssyncadd.s32 $0xFFFFFF80  }
0x207: {  	_ =	swait.ge [sflag:s2], $0x80  }
0x208: {  	[sflag:s2] =	ssyncset.done $0x0  }
0x209: {  	[sflag:s2] =	ssyncadd.s32 $0xFFFFFF80  }
0x20a: {  	_ =	swait.ge [sflag:s2], $0x400  }
0x20b: {  	[sflag:s2] =	ssyncset.done $0x0  }
0x20c: {  	[sflag:s2] =	ssyncadd.s32 $0xFFFFFC00  }
0x20d: {  	_ =	swait.ge [sflag:s2], $0x80  }
0x20e: {  	[sflag:s2] =	ssyncset.done $0x0  }
0x20f: {  	[sflag:s2] =	ssyncadd.s32 $0xFFFFFF80  }
0x210: {  	_ =	swait.ge [sflag:s2], $0x80  }
0x211: {  	[sflag:s2] =	ssyncset.done $0x0  }
0x212: {  	[sflag:s2] =	ssyncadd.s32 $0xFFFFFF80  }
0x213: {  	_ =	swait.ge [sflag:s2], $0x400  }
0x214: {  	[sflag:s2] =	ssyncset.done $0x0  }
0x215: {  	[sflag:s2] =	ssyncadd.s32 $0xFFFFFC00  }
0x216: {  	_ =	swait.ge [sflag:s2], $0x80  }
0x217: {  	[sflag:s2] =	ssyncset.done $0x0  }
0x218: {  	[sflag:s2] =	ssyncadd.s32 $0xFFFFFF80  }
0x219: {  	_ =	swait.ge [sflag:s2], $0x80  }
0x21a: {  	[sflag:s2] =	ssyncset.done $0x0  }
0x21b: {  	[sflag:s2] =	ssyncadd.s32 $0xFFFFFF80  }
0x21c: {  	_ =	swait.ge [sflag:s2], $0x400  }
0x21d: {  	[sflag:s2] =	ssyncset.done $0x0  }
0x21e: {  	[sflag:s2] =	ssyncadd.s32 $0xFFFFFC00  }
0x21f: {  	_ =	swait.ge [sflag:s2], $0x80  }
0x220: {  	[sflag:s2] =	ssyncset.done $0x0  }
0x221: {  	[sflag:s2] =	ssyncadd.s32 $0xFFFFFF80  }
0x222: {  	_ =	swait.ge [sflag:s2], $0x80  }
0x223: {  	[sflag:s2] =	ssyncset.done $0x0  }
0x224: {  	[sflag:s2] =	ssyncadd.s32 $0xFFFFFF80  }
0x225: {  	_ =	swait.ge [sflag:s2], $0x400  }
0x226: {  	[sflag:s2] =	ssyncset.done $0x0  }
0x227: {  	[sflag:s2] =	ssyncadd.s32 $0xFFFFFC00  }
0x228: {  	_ =	swait.ge [sflag:s2], $0x80  }
0x229: {  	[sflag:s2] =	ssyncset.done $0x0  }
0x22a: {  	[sflag:s2] =	ssyncadd.s32 $0xFFFFFF80  }
0x22b: {  	_ =	swait.ge [sflag:s2], $0x80  }
0x22c: {  	[sflag:s2] =	ssyncset.done $0x0  }
0x22d: {  	[sflag:s2] =	ssyncadd.s32 $0xFFFFFF80  }
0x22e: {  	_ =	swait.ge [sflag:s2], $0x400  }
0x22f: {  	[sflag:s2] =	ssyncset.done $0x0  }
0x230: {  	[sflag:s2] =	ssyncadd.s32 $0xFFFFFC00  }
0x231: {  	_ =	swait.ge [sflag:s2], $0x80  }
0x232: {  	[sflag:s2] =	ssyncset.done $0x0  }
0x233: {  	[sflag:s2] =	ssyncadd.s32 $0xFFFFFF80  }
0x234: {  	_ =	swait.ge [sflag:s2], $0x80  }
0x235: {  	[sflag:s2] =	ssyncset.done $0x0  }
0x236: {  	[sflag:s2] =	ssyncadd.s32 $0xFFFFFF80  }
0x237: {  	_ =	swait.ge [sflag:s2], $0x400  }
0x238: {  	[sflag:s2] =	ssyncset.done $0x0  }
0x239: {  	[sflag:s2] =	ssyncadd.s32 $0xFFFFFC00  }
0x23a: {  	_ =	swait.ge [sflag:s2], $0x80  }
0x23b: {  	[sflag:s2] =	ssyncset.done $0x0  }
0x23c: {  	[sflag:s2] =	ssyncadd.s32 $0xFFFFFF80  }
0x23d: {  	_ =	swait.ge [sflag:s2], $0x80  }
0x23e: {  	[sflag:s2] =	ssyncset.done $0x0  }
0x23f: {  	[sflag:s2] =	ssyncadd.s32 $0xFFFFFF80  }
0x240: {  	_ =	swait.ge [sflag:s2], $0x400  }
0x241: {  	[sflag:s2] =	ssyncset.done $0x0  }
0x242: {  	[sflag:s2] =	ssyncadd.s32 $0xFFFFFC00  }
.Ltmp3:
0x243: {  	_ =	swait.ge [sflag:s2], $0x80;
	(pc) =	sbr.rel @p1 .LBB2_2-.Ltmp3, $4  }
0x244: {  	[sflag:s2] =	ssyncset.done $0x0  }
0x245: {  	[sflag:s2] =	ssyncadd.s32 $0xFFFFFF80  }
0x246: {  	_ =	swait.ge [sflag:s2], $0x80  }
0x247: {  	s12 =	sadd.s32 $0x100, s12;
	s9 =	sadd.s32 $0x100, s9;
	[sflag:s2] =	ssyncset.done $0x0  }
.LBB2_3:
.Ltmp4:
0x248: {  	(pc) =	sbr.rel @p0 .LBB2_5-.Ltmp4, $2  }
0x249: {  	_ =	sdelay $0x2  }
0x24a: {  	[sflag:s2] =	ssyncadd.s32 $0xFFFFFF80  }
0x24b: {  	s7 =	rddreg [dreg:$0xd]  }
0x24c: {  	[tilespmem:s5], [sflag:$0x3] =	stream.linear.gather [hbm4b:s7+s5], $0x400, $0x38;
	[tilespmem:$0x194E0] =	vst v63  }
0x24d: {  	_ =	swait.ge [sflag:s26], $0x400  }
0x24e: {  	[sflag:s26] =	ssyncset.done $0x0  }
0x24f: {  	s9 =	simm.s32 $0x1000;
	s28 =	rddreg [dreg:$0xe];
	[sflag:s26] =	ssyncadd.s32 $0xFFFFFC00  }
0x250: {  	[tilespmem:s9], [sflag:$0x3] =	stream.linear.gather [hbm4b:s28+s5], $0x2000, $0x38;
	[tilespmem:$0x194E0] =	vst v63  }
0x251: {  	_ =	swait.ge [sflag:s26], $0x2000  }
0x252: {  	[sflag:s26] =	ssyncset.done $0x0  }
0x253: {  	s12 =	simm.s32 $0x9000;
	s29 =	rddreg [dreg:$0xf];
	[sflag:s26] =	ssyncadd.s32 $0xFFFFE000  }
0x254: {  	[tilespmem:s12], [sflag:$0x3] =	stream.linear.gather [hbm4b:s29+s5], $0x400, $0x38;
	[tilespmem:$0x194E0] =	vst v63  }
0x255: {  	_ =	swait.ge [sflag:s26], $0x400  }
0x256: {  	[sflag:s26] =	ssyncset.done $0x0  }
0x257: {  	[sflag:s26] =	ssyncadd.s32 $0xFFFFFC00  }
0x258: {  	[spmem:s1] =	stream.indirect.scatter.add.f32 [tilespmem:s9], [sflag:$0x2], $0x8, s5, s31, $0xb8;
	[tilespmem:$0x194E0] =	vst v63  }
0x259: {  	_ = 	snop  }
0x25a: {  	[spmem:s3] =	stream.indirect.scatter.add.f32 [tilespmem:s12], [sflag:$0x2], $0x1, s5, s31, $0xb8;
	[tilespmem:$0x194E0] =	vst v63  }
0x25b: {  	_ = 	snop  }
0x25c: {  	[spmem:s4] =	stream.indirect.scatter.add.f32 [tilespmem:s0], [sflag:$0x2], $0x1, s5, s31, $0xb8;
	[tilespmem:$0x194E0] =	vst v63  }
0x25d: {  	s14 =	simm.s32 $0x1400  }
0x25e: {  	[spmem:s1] =	stream.indirect.scatter.add.f32 [tilespmem:s14], [sflag:$0x2], $0x8, s31, s31, $0xb8;
	[tilespmem:$0x194E0] =	vst v63  }
0x25f: {  	s15 =	simm.s32 $0x9080  }
0x260: {  	[spmem:s3] =	stream.indirect.scatter.add.f32 [tilespmem:s15], [sflag:$0x2], $0x1, s31, s31, $0xb8;
	[tilespmem:$0x194E0] =	vst v63  }
0x261: {  	_ = 	snop  }
0x262: {  	[spmem:s4] =	stream.indirect.scatter.add.f32 [tilespmem:s0], [sflag:$0x2], $0x1, s31, s31, $0xb8;
	[tilespmem:$0x194E0] =	vst v63  }
0x263: {  	s19 =	simm.s32 $0x100;
	s23 =	simm.s32 $0x1800  }
0x264: {  	[spmem:s1] =	stream.indirect.scatter.add.f32 [tilespmem:s23], [sflag:$0x2], $0x8, s19, s31, $0xb8;
	[tilespmem:$0x194E0] =	vst v63  }
0x265: {  	s28 =	simm.s32 $0x9100  }
0x266: {  	[spmem:s3] =	stream.indirect.scatter.add.f32 [tilespmem:s28], [sflag:$0x2], $0x1, s19, s31, $0xb8;
	[tilespmem:$0x194E0] =	vst v63  }
0x267: {  	_ = 	snop  }
0x268: {  	[spmem:s4] =	stream.indirect.scatter.add.f32 [tilespmem:s0], [sflag:$0x2], $0x1, s19, s31, $0xb8;
	[tilespmem:$0x194E0] =	vst v63  }
0x269: {  	s29 =	simm.s32 $0x180;
	s12 =	simm.s32 $0x1C00  }
0x26a: {  	[spmem:s1] =	stream.indirect.scatter.add.f32 [tilespmem:s12], [sflag:$0x2], $0x8, s29, s31, $0xb8;
	[tilespmem:$0x194E0] =	vst v63  }
0x26b: {  	s14 =	simm.s32 $0x9180  }
0x26c: {  	[spmem:s3] =	stream.indirect.scatter.add.f32 [tilespmem:s14], [sflag:$0x2], $0x1, s29, s31, $0xb8;
	[tilespmem:$0x194E0] =	vst v63  }
0x26d: {  	_ = 	snop  }
0x26e: {  	[spmem:s4] =	stream.indirect.scatter.add.f32 [tilespmem:s0], [sflag:$0x2], $0x1, s29, s31, $0xb8;
	[tilespmem:$0x194E0] =	vst v63  }
0x26f: {  	s15 =	simm.s32 $0x200;
	s19 =	simm.s32 $0x2000  }
0x270: {  	[spmem:s1] =	stream.indirect.scatter.add.f32 [tilespmem:s19], [sflag:$0x2], $0x8, s15, s31, $0xb8;
	[tilespmem:$0x194E0] =	vst v63  }
0x271: {  	s23 =	simm.s32 $0x9200  }
0x272: {  	[spmem:s3] =	stream.indirect.scatter.add.f32 [tilespmem:s23], [sflag:$0x2], $0x1, s15, s31, $0xb8;
	[tilespmem:$0x194E0] =	vst v63  }
0x273: {  	_ = 	snop  }
0x274: {  	[spmem:s4] =	stream.indirect.scatter.add.f32 [tilespmem:s0], [sflag:$0x2], $0x1, s15, s31, $0xb8;
	[tilespmem:$0x194E0] =	vst v63  }
0x275: {  	s28 =	simm.s32 $0x280;
	s29 =	simm.s32 $0x2400  }
0x276: {  	[spmem:s1] =	stream.indirect.scatter.add.f32 [tilespmem:s29], [sflag:$0x2], $0x8, s28, s31, $0xb8;
	[tilespmem:$0x194E0] =	vst v63  }
0x277: {  	s12 =	simm.s32 $0x9280  }
0x278: {  	[spmem:s3] =	stream.indirect.scatter.add.f32 [tilespmem:s12], [sflag:$0x2], $0x1, s28, s31, $0xb8;
	[tilespmem:$0x194E0] =	vst v63  }
0x279: {  	_ = 	snop  }
0x27a: {  	[spmem:s4] =	stream.indirect.scatter.add.f32 [tilespmem:s0], [sflag:$0x2], $0x1, s28, s31, $0xb8;
	[tilespmem:$0x194E0] =	vst v63  }
0x27b: {  	s14 =	simm.s32 $0x300;
	s15 =	simm.s32 $0x2800  }
0x27c: {  	[spmem:s1] =	stream.indirect.scatter.add.f32 [tilespmem:s15], [sflag:$0x2], $0x8, s14, s31, $0xb8;
	[tilespmem:$0x194E0] =	vst v63  }
0x27d: {  	s19 =	simm.s32 $0x9300  }
0x27e: {  	[spmem:s3] =	stream.indirect.scatter.add.f32 [tilespmem:s19], [sflag:$0x2], $0x1, s14, s31, $0xb8;
	[tilespmem:$0x194E0] =	vst v63  }
0x27f: {  	_ = 	snop  }
0x280: {  	[spmem:s4] =	stream.indirect.scatter.add.f32 [tilespmem:s0], [sflag:$0x2], $0x1, s14, s31, $0xb8;
	[tilespmem:$0x194E0] =	vst v63  }
0x281: {  	s23 =	simm.s32 $0x380;
	s28 =	simm.s32 $0x2C00  }
0x282: {  	[spmem:s1] =	stream.indirect.scatter.add.f32 [tilespmem:s28], [sflag:$0x2], $0x8, s23, s31, $0xb8;
	[tilespmem:$0x194E0] =	vst v63  }
0x283: {  	s29 =	simm.s32 $0x9380  }
0x284: {  	[spmem:s3] =	stream.indirect.scatter.add.f32 [tilespmem:s29], [sflag:$0x2], $0x1, s23, s31, $0xb8;
	[tilespmem:$0x194E0] =	vst v63  }
0x285: {  	_ = 	snop  }
0x286: {  	[spmem:s4] =	stream.indirect.scatter.add.f32 [tilespmem:s0], [sflag:$0x2], $0x1, s23, s31, $0xb8;
	[tilespmem:$0x194E0] =	vst v63  }
0x287: {  	_ =	swait.ge [sflag:s2], $0x400  }
0x288: {  	[sflag:s2] =	ssyncset.done $0x0  }
0x289: {  	[sflag:s2] =	ssyncadd.s32 $0xFFFFFC00  }
0x28a: {  	_ =	swait.ge [sflag:s2], $0x80  }
0x28b: {  	[sflag:s2] =	ssyncset.done $0x0  }
0x28c: {  	[sflag:s2] =	ssyncadd.s32 $0xFFFFFF80  }
0x28d: {  	_ =	swait.ge [sflag:s2], $0x80  }
0x28e: {  	[sflag:s2] =	ssyncset.done $0x0  }
0x28f: {  	[sflag:s2] =	ssyncadd.s32 $0xFFFFFF80  }
0x290: {  	_ =	swait.ge [sflag:s2], $0x400  }
0x291: {  	[sflag:s2] =	ssyncset.done $0x0  }
0x292: {  	[sflag:s2] =	ssyncadd.s32 $0xFFFFFC00  }
0x293: {  	_ =	swait.ge [sflag:s2], $0x80  }
0x294: {  	[sflag:s2] =	ssyncset.done $0x0  }
0x295: {  	[sflag:s2] =	ssyncadd.s32 $0xFFFFFF80  }
0x296: {  	_ =	swait.ge [sflag:s2], $0x80  }
0x297: {  	[sflag:s2] =	ssyncset.done $0x0  }
0x298: {  	[sflag:s2] =	ssyncadd.s32 $0xFFFFFF80  }
0x299: {  	_ =	swait.ge [sflag:s2], $0x400  }
0x29a: {  	[sflag:s2] =	ssyncset.done $0x0  }
0x29b: {  	[sflag:s2] =	ssyncadd.s32 $0xFFFFFC00  }
0x29c: {  	_ =	swait.ge [sflag:s2], $0x80  }
0x29d: {  	[sflag:s2] =	ssyncset.done $0x0  }
0x29e: {  	[sflag:s2] =	ssyncadd.s32 $0xFFFFFF80  }
0x29f: {  	_ =	swait.ge [sflag:s2], $0x80  }
0x2a0: {  	[sflag:s2] =	ssyncset.done $0x0  }
0x2a1: {  	[sflag:s2] =	ssyncadd.s32 $0xFFFFFF80  }
0x2a2: {  	_ =	swait.ge [sflag:s2], $0x400  }
0x2a3: {  	[sflag:s2] =	ssyncset.done $0x0  }
0x2a4: {  	[sflag:s2] =	ssyncadd.s32 $0xFFFFFC00  }
0x2a5: {  	_ =	swait.ge [sflag:s2], $0x80  }
0x2a6: {  	[sflag:s2] =	ssyncset.done $0x0  }
0x2a7: {  	[sflag:s2] =	ssyncadd.s32 $0xFFFFFF80  }
0x2a8: {  	_ =	swait.ge [sflag:s2], $0x80  }
0x2a9: {  	[sflag:s2] =	ssyncset.done $0x0  }
0x2aa: {  	[sflag:s2] =	ssyncadd.s32 $0xFFFFFF80  }
0x2ab: {  	_ =	swait.ge [sflag:s2], $0x400  }
0x2ac: {  	[sflag:s2] =	ssyncset.done $0x0  }
0x2ad: {  	[sflag:s2] =	ssyncadd.s32 $0xFFFFFC00  }
0x2ae: {  	_ =	swait.ge [sflag:s2], $0x80  }
0x2af: {  	[sflag:s2] =	ssyncset.done $0x0  }
0x2b0: {  	[sflag:s2] =	ssyncadd.s32 $0xFFFFFF80  }
0x2b1: {  	_ =	swait.ge [sflag:s2], $0x80  }
0x2b2: {  	[sflag:s2] =	ssyncset.done $0x0  }
0x2b3: {  	[sflag:s2] =	ssyncadd.s32 $0xFFFFFF80  }
0x2b4: {  	_ =	swait.ge [sflag:s2], $0x400  }
0x2b5: {  	[sflag:s2] =	ssyncset.done $0x0  }
0x2b6: {  	[sflag:s2] =	ssyncadd.s32 $0xFFFFFC00  }
0x2b7: {  	_ =	swait.ge [sflag:s2], $0x80  }
0x2b8: {  	[sflag:s2] =	ssyncset.done $0x0  }
0x2b9: {  	[sflag:s2] =	ssyncadd.s32 $0xFFFFFF80  }
0x2ba: {  	_ =	swait.ge [sflag:s2], $0x80  }
0x2bb: {  	[sflag:s2] =	ssyncset.done $0x0  }
0x2bc: {  	[sflag:s2] =	ssyncadd.s32 $0xFFFFFF80  }
0x2bd: {  	_ =	swait.ge [sflag:s2], $0x400  }
0x2be: {  	[sflag:s2] =	ssyncset.done $0x0  }
0x2bf: {  	[sflag:s2] =	ssyncadd.s32 $0xFFFFFC00  }
0x2c0: {  	_ =	swait.ge [sflag:s2], $0x80  }
0x2c1: {  	[sflag:s2] =	ssyncset.done $0x0  }
0x2c2: {  	[sflag:s2] =	ssyncadd.s32 $0xFFFFFF80  }
0x2c3: {  	_ =	swait.ge [sflag:s2], $0x80  }
0x2c4: {  	[sflag:s2] =	ssyncset.done $0x0  }
0x2c5: {  	[sflag:s2] =	ssyncadd.s32 $0xFFFFFF80  }
0x2c6: {  	_ =	swait.ge [sflag:s2], $0x400  }
0x2c7: {  	[sflag:s2] =	ssyncset.done $0x0  }
0x2c8: {  	[sflag:s2] =	ssyncadd.s32 $0xFFFFFC00  }
0x2c9: {  	_ =	swait.ge [sflag:s2], $0x80  }
.Ltmp5:
0x2ca: {  	[sflag:s2] =	ssyncset.done $0x0;
	(pc) =	sbr.rel .LBB2_5-.Ltmp5, $4  }
0x2cb: {  	[sflag:s2] =	ssyncadd.s32 $0xFFFFFF80  }
0x2cc: {  	_ =	swait.ge [sflag:s2], $0x80  }
0x2cd: {  	[sflag:s2] =	ssyncset.done $0x0  }
0x2ce: {  	s20 =	simm.s32 $0x1000;
	s21 =	simm.s32 $0x9000;
	[sflag:s2] =	ssyncadd.s32 $0xFFFFFF80  }
.LBB2_6:
0x2cf: {  	_ =	sfence.sel $0x180000  }
0x2d0: {  	[bflag:$0x0] =	sbarrier.arrive $0xFFFF  }
0x2d1: {  	_ =	strace $0x90000047  }
0x2d2: {  	s0 =	stileid.u32;
	[bflag:$0x2] =	sbarrier.arrive $0xFFFF  }
0x2d3: {  	p0 =	sne.s32 s0, $0x0;
	s0 =	rddreg [dreg:$0x5]  }
0x2d4: {  	s0 =	sadd.s32 @!p0 $0x100000, s0  }
0x2d5: {  	[sflag:s0] =	ssyncadd.tile.s32 @!p0 $0x1;
	_ =	shalt  }
.Lfunc_end2:
_tile_overlayer_lowered:
.L_overlay_start_2:
0x2d6: {  	(tag) =	ssettag $0x2  }
0x2d7: {  	s0 =	rddreg [dreg:$0x0];
	s2 =	stileid.u32  }
0x2d8: {  	s1 =	rddreg [dreg:$0x1];
	p0 =	sne.s32 s2, $0x0  }
0x2d9: {  	s3 =	rddreg [dreg:$0x2];
	[bflag:$0x3] =	sbarrier.arrive $0xFFFF;
	s2 =	simm.s32 @!p0 $0x1C03  }
0x2da: {  	[timem:s3], [sflag:s2] =	dma.local @!p0 [hbm:s0], s1  }
0x2db: {  	s0 =	simm.s32 @!p0 $0x3  }
0x2dc: {  	_ =	swait.ge @!p0 [sflag:s0], s1  }
0x2dd: {  	s1 =	ssub.s32 @!p0 $0x0, s1;
	[sflag:s0] =	ssyncset.done @!p0 $0x0  }
0x2de: {  	[sflag:s0] =	ssyncadd.s32 @!p0 s1  }
0x2df: {  	[bflag:$0x3] =	sbarrier.arrive $0xFFFF  }
0x2e0: {  	_ =	shalt  }

</sc_bundles>
